<compile_context>
chip_gen: v7x
topology: tpu7x:2x2x1
jax: 0.10.2.dev20260603
libtpu: 0.0.44.dev20260713+nightly
codegen_flags: <defaults>
</compile_context>

<pallas_src>
import functools
import math

import jax
import jax.numpy as jnp
from jax import lax
from jax.experimental import pallas as pl
from jax.experimental.pallas import tpu as pltpu
from jax.experimental.pallas import tpu_sc as plsc

N = 10000
E = 320000
D = 128
R = 16
H = 8
AVG_NUM_NEIGHBORS = 32.0

NCORES = 2
NSUB = 16
NW = NCORES * NSUB
CH = 64
NPAD = 10112
ROWS_PT = NPAD // NSUB
LANES = 16

EPW_A = 5000
S_A = EPW_A * NW
EPW_B = E // NW - EPW_A
S_B = E - S_A
WBLK = 6400

_INV_SQRT_D = 1.0 / math.sqrt(float(D))
_INV_SQRT_R = 1.0 / math.sqrt(float(R))
_INV_SQRT_H = 1.0 / math.sqrt(float(H))
_INV_SQRT_AVG = 1.0 / math.sqrt(AVG_NUM_NEIGHBORS)
_LOG2 = math.log(2.0)


def _x_body(nf_ref, w1_ref, o_ref):
    o_ref[...] = jnp.dot(nf_ref[...], w1_ref[...],
                         preferred_element_type=jnp.float32) * _INV_SQRT_D


def _compute_x(nf, W1):
    blk = 1000
    return pl.pallas_call(
        _x_body,
        grid=(N // blk,),
        in_specs=[pl.BlockSpec((blk, D), lambda i: (i, 0)),
                  pl.BlockSpec((D, D), lambda i: (0, 0))],
        out_specs=pl.BlockSpec((blk, D), lambda i: (i, 0)),
        out_shape=jax.ShapeDtypeStruct((N, D), jnp.float32),
    )(nf, W1)


def _w_body(eet_ref, wfc1_ref, wfc2_ref, o_ref):
    t = lax.dot_general(wfc1_ref[...], eet_ref[...], (((0,), (0,)), ((), ())),
                        preferred_element_type=jnp.float32) * _INV_SQRT_R
    h = jnp.logaddexp(t, 0.0) - _LOG2
    o_ref[...] = lax.dot_general(h, wfc2_ref[...], (((0,), (0,)), ((), ())),
                                 preferred_element_type=jnp.float32) * _INV_SQRT_H


def _compute_w(eet, Wfc1, Wfc2, start, size):
    nblk = -(-size // WBLK)
    return pl.pallas_call(
        _w_body,
        grid=(nblk,),
        in_specs=[pl.BlockSpec((R, WBLK),
                               lambda i, s=start // WBLK: (0, i + s)),
                  pl.BlockSpec((R, H), lambda i: (0, 0)),
                  pl.BlockSpec((H, D), lambda i: (0, 0))],
        out_specs=pl.BlockSpec((WBLK, D), lambda i: (i, 0)),
        out_shape=jax.ShapeDtypeStruct((size, D), jnp.float32),
    )(eet, Wfc1, Wfc2)


def _sc_scatter(x, w, src, dst, start, epw):
    nfull = epw // CH
    rem = epw - nfull * CH
    mesh = plsc.VectorSubcoreMesh(core_axis_name="c", subcore_axis_name="s")

    @functools.partial(
        pl.kernel,
        mesh=mesh,
        out_type=jax.ShapeDtypeStruct((2 * NPAD, D), jnp.float32),
        scratch_types=[
            pltpu.VMEM((epw,), jnp.int32),
            pltpu.VMEM((2, CH), jnp.int32),
            pltpu.VMEM((2, CH, D), jnp.float32),
            pltpu.VMEM((2, CH, D), jnp.float32),
            pltpu.VMEM((max(rem, 8),), jnp.int32),
            pltpu.VMEM((max(rem, 8), D), jnp.float32),
            pltpu.VMEM((max(rem, 8), D), jnp.float32),
            pltpu.VMEM_SHARED((NPAD, D), jnp.float32),
            pltpu.SemaphoreType.DMA,
            pltpu.SemaphoreType.DMA,
            pltpu.SemaphoreType.DMA,
            pltpu.SemaphoreType.DMA,
        ],
    )
    def k(x_hbm, w_hbm, src_hbm, dst_hbm, out_hbm,
          src_all, dst_v, xr_v, wr_v, dstr_v, xrr_v, wrr_v, acc_sh,
          gsem0, gsem1, ssem0, ssem1):
        gsem = (gsem0, gsem1)
        ssem = (ssem0, ssem1)
        cid = lax.axis_index("c")
        sid = lax.axis_index("s")
        wid = cid * NSUB + sid
        ebase = start + wid * epw
        wbase = wid * epw

        pltpu.sync_copy(src_hbm.at[pl.ds(ebase, epw)], src_all)

        def _zi(i, carry):
            for j in range(D // LANES):
                xr_v[0, i, pl.ds(j * LANES, LANES)] = jnp.zeros((LANES,),
                                                                jnp.float32)
            return carry
        lax.fori_loop(0, CH, _zi, 0)
        r0 = sid * ROWS_PT
        for t in range(ROWS_PT // CH):
            pltpu.sync_copy(xr_v.at[0], acc_sh.at[pl.ds(r0 + t * CH, CH)])
        rem_rows = ROWS_PT - (ROWS_PT // CH) * CH
        pltpu.sync_copy(xr_v.at[0, pl.ds(0, rem_rows)],
                        acc_sh.at[pl.ds(r0 + (ROWS_PT // CH) * CH, rem_rows)])
        plsc.subcore_barrier()

        def _issue(t, b):
            base = ebase + t * CH
            wb = wbase + t * CH
            pltpu.async_copy(dst_hbm.at[pl.ds(base, CH)], dst_v.at[b], gsem[b])
            pltpu.async_copy(x_hbm.at[src_all.at[pl.ds(t * CH, CH)]],
                             xr_v.at[b], gsem[b])
            pltpu.async_copy(w_hbm.at[pl.ds(wb, CH)], wr_v.at[b], gsem[b])

        def _wait_g(t, b):
            base = ebase + t * CH
            wb = wbase + t * CH
            pltpu.make_async_copy(dst_hbm.at[pl.ds(base, CH)], dst_v.at[b],
                                  gsem[b]).wait()
            pltpu.make_async_copy(x_hbm.at[src_all.at[pl.ds(t * CH, CH)]],
                                  xr_v.at[b], gsem[b]).wait()
            pltpu.make_async_copy(w_hbm.at[pl.ds(wb, CH)], wr_v.at[b],
                                  gsem[b]).wait()

        def _drain_s(b):
            pltpu.make_async_copy(x_hbm.at[pl.ds(0, CH)], xr_v.at[b],
                                  ssem[b]).wait()

        def _mul3(b):
            def body(ii, carry):
                i0 = ii * 2
                for e in range(2):
                    i = i0 + e
                    for j in range(D // LANES):
                        sl = pl.ds(j * LANES, LANES)
                        xr_v[b, i, sl] = xr_v[b, i, sl] * wr_v[b, i, sl]
                return carry
            lax.fori_loop(0, CH // 2, body, 0)

        _issue(0, 0)

        def _outer(o, carry):
            t0 = 2 * o

            @pl.when(o > 0)
            def _():
                _drain_s(1)
            _issue(t0 + 1, 1)
            _wait_g(t0, 0)
            _mul3(0)
            pltpu.async_copy(xr_v.at[0], acc_sh.at[dst_v.at[0]], ssem[0],
                             add=True)

            @pl.when(o < nfull // 2 - 1)
            def _():
                _drain_s(0)
                _issue(t0 + 2, 0)
            _wait_g(t0 + 1, 1)
            _mul3(1)
            pltpu.async_copy(xr_v.at[1], acc_sh.at[dst_v.at[1]], ssem[1],
                             add=True)
            return carry
        lax.fori_loop(0, nfull // 2, _outer, 0)
        _drain_s(0)
        _drain_s(1)

        if rem:
            base = ebase + nfull * CH
            pltpu.sync_copy(dst_hbm.at[pl.ds(base, rem)], dstr_v)
            pltpu.sync_copy(x_hbm.at[src_all.at[pl.ds(nfull * CH, rem)]],
                            xrr_v)
            pltpu.sync_copy(w_hbm.at[pl.ds(wbase + nfull * CH, rem)], wrr_v)

            def _remmul(i, carry):
                for j in range(D // LANES):
                    sl = pl.ds(j * LANES, LANES)
                    xrr_v[i, sl] = xrr_v[i, sl] * wrr_v[i, sl]
                return carry
            lax.fori_loop(0, rem, _remmul, 0)
            pltpu.sync_copy(xrr_v, acc_sh.at[dstr_v], add=True)

        plsc.subcore_barrier()
        pltpu.sync_copy(acc_sh.at[pl.ds(r0, ROWS_PT)],
                        out_hbm.at[pl.ds(cid * NPAD + r0, ROWS_PT)])

    return k(x, w, src, dst)


def _fin_body(acc0_ref, acc1_ref, nf_ref, na_ref, w2_ref, wsc_ref, o_ref):
    s = (acc0_ref[0] + acc0_ref[1] + acc1_ref[0] + acc1_ref[1]) * _INV_SQRT_AVG
    a = jnp.dot(s, w2_ref[...], preferred_element_type=jnp.float32)
    b = jnp.dot(nf_ref[...] * na_ref[...], wsc_ref[...],
                preferred_element_type=jnp.float32)
    o_ref[...] = (a + b) * _INV_SQRT_D


def _finalize(acc0, acc1, nf, na, W2, Wsc):
    blk = 1000
    return pl.pallas_call(
        _fin_body,
        grid=(N // blk,),
        in_specs=[pl.BlockSpec((2, blk, D), lambda i: (0, i, 0)),
                  pl.BlockSpec((2, blk, D), lambda i: (0, i, 0)),
                  pl.BlockSpec((blk, D), lambda i: (i, 0)),
                  pl.BlockSpec((blk, 1), lambda i: (i, 0)),
                  pl.BlockSpec((D, D), lambda i: (0, 0)),
                  pl.BlockSpec((D, D), lambda i: (0, 0))],
        out_specs=pl.BlockSpec((blk, D), lambda i: (i, 0)),
        out_shape=jax.ShapeDtypeStruct((N, D), jnp.float32),
    )(acc0, acc1, nf, na, W2, Wsc)


def kernel(node_features, node_attrs, edge_embedding, edge_attrs, edge_index,
           W1, W_fc1, W_fc2, W2, W_sc):
    x = _compute_x(node_features, W1)
    src = edge_index[0]
    dst = edge_index[1]
    eet = edge_embedding.T
    w0 = _compute_w(eet, W_fc1, W_fc2, 0, S_A)
    acc0 = _sc_scatter(x, w0, src, dst, 0, EPW_A).reshape(2, NPAD, D)
    w1 = _compute_w(eet, W_fc1, W_fc2, S_A, S_B)
    acc1 = _sc_scatter(x, w1, src, dst, S_A, EPW_B).reshape(2, NPAD, D)
    return _finalize(acc0, acc1, node_features, node_attrs, W2, W_sc)

# --- scband reference (transcript-rebuilt; emitter-appended) ---
"""Pipeline reference for scband-tfnconv-26079041421317 (READ-ONLY COPY).

The authoritative reference and input builder live on the scoring server;
editing this copy changes nothing except your own understanding.
"""

import jax, jax.numpy as jnp
import numpy as np
import math

AVG_NUM_NEIGHBORS = 32.0

def ssp(x):
    # ShiftedSoftPlus
    return jax.nn.softplus(x) - jnp.log(2.0)

def setup_inputs(seed: int = 0) -> dict:
    key = jax.random.key(seed)
    ks = jax.random.split(key, 10)
    N, E, D, R, H = 10000, 320000, 128, 16, 8
    inp = {}
    inp['node_features'] = jax.random.normal(ks[0], (N, D), dtype=jnp.float32)
    inp['node_attrs'] = jax.random.uniform(ks[1], (N, 1), dtype=jnp.float32)
    inp['edge_embedding'] = jax.random.uniform(ks[2], (E, R), dtype=jnp.float32)
    inp['edge_attrs'] = jnp.ones((E, 1), dtype=jnp.float32)
    inp['edge_index'] = jax.random.randint(ks[3], (2, E), 0, N, dtype=jnp.int32)
    # learned parameters (scalar irreps -> plain matrices)
    inp['W1'] = jax.random.normal(ks[4], (D, D), dtype=jnp.float32)      # linear_1 (128x0e -> 128x0e)
    inp['W_fc1'] = jax.random.normal(ks[5], (R, H), dtype=jnp.float32)   # radial_nn layer 1 (16 -> 8)
    inp['W_fc2'] = jax.random.normal(ks[6], (H, D), dtype=jnp.float32)   # radial_nn layer 2 (8 -> tp.weight_numel=128)
    inp['W2'] = jax.random.normal(ks[7], (D, D), dtype=jnp.float32)      # linear_2 (128x0e -> 128x0e)
    inp['W_sc'] = jax.random.normal(ks[8], (D, D), dtype=jnp.float32)    # self_connection FullyConnectedTensorProduct
    return inp

def reference(node_features, node_attrs, edge_embedding, edge_attrs, edge_index, W1, W_fc1, W_fc2, W2, W_sc):
    N, D = node_features.shape
    R = edge_embedding.shape[1]
    H = W_fc1.shape[1]
    edge_src = edge_index[0]
    edge_dst = edge_index[1]
    # linear_1 (e3nn Linear with path normalization 1/sqrt(fan_in))
    x = node_features @ W1 / jnp.sqrt(float(D))
    # radial MLP: FullyConnectedNet([16, 8, 128], act=ssp), per-layer 1/sqrt(fan_in)
    h = ssp(edge_embedding @ W_fc1 / jnp.sqrt(float(R)))
    w = h @ W_fc2 / jnp.sqrt(float(H))  # [E, 128] per-edge tp weights (shared_weights=False)
    # TensorProduct 128x0e (x) 1x0e -> 128x0e, single 'uvu' trainable instruction:
    # out[e,u] = x_src[e,u] * edge_attrs[e,0] * w[e,u]
    edge_feats = x[edge_src] * edge_attrs * w
    # scatter-sum over destination nodes
    node_feats = jax.ops.segment_sum(edge_feats, edge_dst, num_segments=N)
    node_feats = node_feats / jnp.sqrt(AVG_NUM_NEIGHBORS)
    # linear_2
    node_feats = node_feats @ W2 / jnp.sqrt(float(D))
    # self connection: FullyConnectedTensorProduct(128x0e, 1x0e, 128x0e)
    sc = (node_features * node_attrs) @ W_sc / jnp.sqrt(float(D))
    return node_feats + sc

if __name__ == "__main__":
    import jax
    _d = setup_inputs()
    print(jax.jit(kernel)(*tuple(_d.values())))

</pallas_src>

<mosaic_0001>
#map = affine_map<(d0, d1) -> (0, 0)>
#map1 = affine_map<(d0, d1) -> (0)>
module attributes {stable_mosaic.version = 14 : i64} {
  func.func @k(%arg0: i32, %arg1: i32, %arg2: memref<10000x128xf32, #tpu.memory_space<hbm>>, %arg3: memref<160000x128xf32, #tpu.memory_space<hbm>>, %arg4: memref<320000xi32, #tpu.memory_space<hbm>>, %arg5: memref<320000xi32, #tpu.memory_space<hbm>>, %arg6: memref<20224x128xf32, #tpu.memory_space<hbm>>, %arg7: memref<5000xi32, #tpu.memory_space<vmem>>, %arg8: memref<2x64xi32, #tpu.memory_space<vmem>>, %arg9: memref<2x64x128xf32, #tpu.memory_space<vmem>>, %arg10: memref<2x64x128xf32, #tpu.memory_space<vmem>>, %arg11: memref<8xi32, #tpu.memory_space<vmem>>, %arg12: memref<8x128xf32, #tpu.memory_space<vmem>>, %arg13: memref<8x128xf32, #tpu.memory_space<vmem>>, %arg14: memref<10112x128xf32, #tpu.memory_space<vmem_shared>>, %arg15: memref<!tpu.dma_semaphore, #tpu.memory_space<semaphore_mem>>, %arg16: memref<!tpu.dma_semaphore, #tpu.memory_space<semaphore_mem>>, %arg17: memref<!tpu.dma_semaphore, #tpu.memory_space<semaphore_mem>>, %arg18: memref<!tpu.dma_semaphore, #tpu.memory_space<semaphore_mem>>) attributes {dimension_semantics = [#tpu.dimension_semantics<core_parallel>, #tpu.dimension_semantics<subcore_parallel>], iteration_bounds = array<i64: 2, 16>, scalar_prefetch = 0 : i64, scratch_operands = 12 : i64, tpu.core_type = #tpu.core_type<sc_vector_subcore>, window_params = [{transform_indices = #map}, {transform_indices = #map}, {transform_indices = #map1}, {transform_indices = #map1}, {transform_indices = #map}]} {
    %mul3A = arith.constant 16 : i32
    %mul3A_0 = arith.muli %arg0, %mul3A : i32
    %add3A = arith.addi %mul3A_0, %arg1 : i32
    %mul3A_1 = arith.constant 5000 : i32
    %mul3A_2 = arith.muli %add3A, %mul3A_1 : i32
    %add3A_3 = arith.constant 160000 : i32
    %add3A_4 = arith.addi %add3A_3, %mul3A_2 : i32
    %mul3A_5 = arith.constant 5000 : i32
    %mul3A_6 = arith.muli %add3A, %mul3A_5 : i32
    "tpu.region"() ({
      %run_scoped3A_127 = tpu.sem_alloc : memref<!tpu.dma_semaphore, #tpu.memory_space<semaphore_mem>>
      %dma_start3A_128 = tpu.memref_slice %arg4[%add3A_4] : memref<320000xi32, #tpu.memory_space<hbm>> -> memref<5000xi32, #tpu.memory_space<hbm>>
      %dma_start3A_129 = tpu.memref_slice %arg4[%add3A_4] : memref<320000xi32, #tpu.memory_space<hbm>> -> memref<5000xi32, #tpu.memory_space<hbm>>
      tpu.enqueue_dma source(%dma_start3A_129 : memref<5000xi32, #tpu.memory_space<hbm>>) target(%arg7 : memref<5000xi32, #tpu.memory_space<vmem>>) target_semaphore(%run_scoped3A_127 : memref<!tpu.dma_semaphore, #tpu.memory_space<semaphore_mem>>)
      %dma_wait3A_130 = tpu.memref_slice %arg4[%add3A_4] : memref<320000xi32, #tpu.memory_space<hbm>> -> memref<5000xi32, #tpu.memory_space<hbm>>
      %dma_wait3A_131 = tpu.memref_slice %arg4[%add3A_4] : memref<320000xi32, #tpu.memory_space<hbm>> -> memref<5000xi32, #tpu.memory_space<hbm>>
      tpu.wait_dma2 semaphore(%run_scoped3A_127 : memref<!tpu.dma_semaphore, #tpu.memory_space<semaphore_mem>>) src(%dma_wait3A_131 : memref<5000xi32, #tpu.memory_space<hbm>>) dst(%arg7 : memref<5000xi32, #tpu.memory_space<vmem>>)
      tpu.yield
    }) : () -> ()
    %scan3A = arith.constant 0 : i32
    %scan3A_7 = arith.constant 0 : i32
    %scan3A_8 = arith.constant 64 : i32
    %scan3A_9 = arith.addi %scan3A_7, %scan3A_8 : i32
    %scan3A_10 = arith.constant 1 : i32
    scf.for %scan3A_127 = %scan3A_7 to %scan3A_9 step %scan3A_10  : i32 {
      %broadcast_in_dim3A = arith.constant 0.000000e+00 : f32
      %broadcast_in_dim3A_128 = vector.broadcast %broadcast_in_dim3A : f32 to vector<16xf32>
      %swap3A = arith.constant 0 : i32
      %swap3A_129 = arith.index_cast %swap3A : i32 to index
      %swap3A_130 = arith.index_cast %scan3A_127 : i32 to index
      %swap3A_131 = arith.constant 0 : index
      %swap3A_132 = tpu.vector_load %arg9[%swap3A_129, %swap3A_130, %swap3A_131] {strides = array<i32>} : memref<2x64x128xf32, #tpu.memory_space<vmem>>, vector<1x1x16xf32>,
      %swap3A_133 = vector.shape_cast %swap3A_132 : vector<1x1x16xf32> to vector<16xf32>
      %swap3A_134 = vector.shape_cast %broadcast_in_dim3A_128 : vector<16xf32> to vector<1x1x16xf32>
      tpu.vector_store %arg9[%swap3A_129, %swap3A_130, %swap3A_131], %swap3A_134 {strides = array<i32>} : memref<2x64x128xf32, #tpu.memory_space<vmem>>, vector<1x1x16xf32>,
      %broadcast_in_dim3A_135 = arith.constant 0.000000e+00 : f32
      %broadcast_in_dim3A_136 = vector.broadcast %broadcast_in_dim3A_135 : f32 to vector<16xf32>
      %swap3A_137 = arith.constant 0 : i32
      %swap3A_138 = arith.index_cast %swap3A_137 : i32 to index
      %swap3A_139 = arith.index_cast %scan3A_127 : i32 to index
      %swap3A_140 = arith.constant 16 : index
      %swap3A_141 = tpu.vector_load %arg9[%swap3A_138, %swap3A_139, %swap3A_140] {strides = array<i32>} : memref<2x64x128xf32, #tpu.memory_space<vmem>>, vector<1x1x16xf32>,
      %swap3A_142 = vector.shape_cast %swap3A_141 : vector<1x1x16xf32> to vector<16xf32>
      %swap3A_143 = vector.shape_cast %broadcast_in_dim3A_136 : vector<16xf32> to vector<1x1x16xf32>
      tpu.vector_store %arg9[%swap3A_138, %swap3A_139, %swap3A_140], %swap3A_143 {strides = array<i32>} : memref<2x64x128xf32, #tpu.memory_space<vmem>>, vector<1x1x16xf32>,
      %broadcast_in_dim3A_144 = arith.constant 0.000000e+00 : f32
      %broadcast_in_dim3A_145 = vector.broadcast %broadcast_in_dim3A_144 : f32 to vector<16xf32>
      %swap3A_146 = arith.constant 0 : i32
      %swap3A_147 = arith.index_cast %swap3A_146 : i32 to index
      %swap3A_148 = arith.index_cast %scan3A_127 : i32 to index
      %swap3A_149 = arith.constant 32 : index
      %swap3A_150 = tpu.vector_load %arg9[%swap3A_147, %swap3A_148, %swap3A_149] {strides = array<i32>} : memref<2x64x128xf32, #tpu.memory_space<vmem>>, vector<1x1x16xf32>,
      %swap3A_151 = vector.shape_cast %swap3A_150 : vector<1x1x16xf32> to vector<16xf32>
      %swap3A_152 = vector.shape_cast %broadcast_in_dim3A_145 : vector<16xf32> to vector<1x1x16xf32>
      tpu.vector_store %arg9[%swap3A_147, %swap3A_148, %swap3A_149], %swap3A_152 {strides = array<i32>} : memref<2x64x128xf32, #tpu.memory_space<vmem>>, vector<1x1x16xf32>,
      %broadcast_in_dim3A_153 = arith.constant 0.000000e+00 : f32
      %broadcast_in_dim3A_154 = vector.broadcast %broadcast_in_dim3A_153 : f32 to vector<16xf32>
      %swap3A_155 = arith.constant 0 : i32
      %swap3A_156 = arith.index_cast %swap3A_155 : i32 to index
      %swap3A_157 = arith.index_cast %scan3A_127 : i32 to index
      %swap3A_158 = arith.constant 48 : index
      %swap3A_159 = tpu.vector_load %arg9[%swap3A_156, %swap3A_157, %swap3A_158] {strides = array<i32>} : memref<2x64x128xf32, #tpu.memory_space<vmem>>, vector<1x1x16xf32>,
      %swap3A_160 = vector.shape_cast %swap3A_159 : vector<1x1x16xf32> to vector<16xf32>
      %swap3A_161 = vector.shape_cast %broadcast_in_dim3A_154 : vector<16xf32> to vector<1x1x16xf32>
      tpu.vector_store %arg9[%swap3A_156, %swap3A_157, %swap3A_158], %swap3A_161 {strides = array<i32>} : memref<2x64x128xf32, #tpu.memory_space<vmem>>, vector<1x1x16xf32>,
      %broadcast_in_dim3A_162 = arith.constant 0.000000e+00 : f32
      %broadcast_in_dim3A_163 = vector.broadcast %broadcast_in_dim3A_162 : f32 to vector<16xf32>
      %swap3A_164 = arith.constant 0 : i32
      %swap3A_165 = arith.index_cast %swap3A_164 : i32 to index
      %swap3A_166 = arith.index_cast %scan3A_127 : i32 to index
      %swap3A_167 = arith.constant 64 : index
      %swap3A_168 = tpu.vector_load %arg9[%swap3A_165, %swap3A_166, %swap3A_167] {strides = array<i32>} : memref<2x64x128xf32, #tpu.memory_space<vmem>>, vector<1x1x16xf32>,
      %swap3A_169 = vector.shape_cast %swap3A_168 : vector<1x1x16xf32> to vector<16xf32>
      %swap3A_170 = vector.shape_cast %broadcast_in_dim3A_163 : vector<16xf32> to vector<1x1x16xf32>
      tpu.vector_store %arg9[%swap3A_165, %swap3A_166, %swap3A_167], %swap3A_170 {strides = array<i32>} : memref<2x64x128xf32, #tpu.memory_space<vmem>>, vector<1x1x16xf32>,
      %broadcast_in_dim3A_171 = arith.constant 0.000000e+00 : f32
      %broadcast_in_dim3A_172 = vector.broadcast %broadcast_in_dim3A_171 : f32 to vector<16xf32>
      %swap3A_173 = arith.constant 0 : i32
      %swap3A_174 = arith.index_cast %swap3A_173 : i32 to index
      %swap3A_175 = arith.index_cast %scan3A_127 : i32 to index
      %swap3A_176 = arith.constant 80 : index
      %swap3A_177 = tpu.vector_load %arg9[%swap3A_174, %swap3A_175, %swap3A_176] {strides = array<i32>} : memref<2x64x128xf32, #tpu.memory_space<vmem>>, vector<1x1x16xf32>,
      %swap3A_178 = vector.shape_cast %swap3A_177 : vector<1x1x16xf32> to vector<16xf32>
      %swap3A_179 = vector.shape_cast %broadcast_in_dim3A_172 : vector<16xf32> to vector<1x1x16xf32>
      tpu.vector_store %arg9[%swap3A_174, %swap3A_175, %swap3A_176], %swap3A_179 {strides = array<i32>} : memref<2x64x128xf32, #tpu.memory_space<vmem>>, vector<1x1x16xf32>,
      %broadcast_in_dim3A_180 = arith.constant 0.000000e+00 : f32
      %broadcast_in_dim3A_181 = vector.broadcast %broadcast_in_dim3A_180 : f32 to vector<16xf32>
      %swap3A_182 = arith.constant 0 : i32
      %swap3A_183 = arith.index_cast %swap3A_182 : i32 to index
      %swap3A_184 = arith.index_cast %scan3A_127 : i32 to index
      %swap3A_185 = arith.constant 96 : index
      %swap3A_186 = tpu.vector_load %arg9[%swap3A_183, %swap3A_184, %swap3A_185] {strides = array<i32>} : memref<2x64x128xf32, #tpu.memory_space<vmem>>, vector<1x1x16xf32>,
      %swap3A_187 = vector.shape_cast %swap3A_186 : vector<1x1x16xf32> to vector<16xf32>
      %swap3A_188 = vector.shape_cast %broadcast_in_dim3A_181 : vector<16xf32> to vector<1x1x16xf32>
      tpu.vector_store %arg9[%swap3A_183, %swap3A_184, %swap3A_185], %swap3A_188 {strides = array<i32>} : memref<2x64x128xf32, #tpu.memory_space<vmem>>, vector<1x1x16xf32>,
      %broadcast_in_dim3A_189 = arith.constant 0.000000e+00 : f32
      %broadcast_in_dim3A_190 = vector.broadcast %broadcast_in_dim3A_189 : f32 to vector<16xf32>
      %swap3A_191 = arith.constant 0 : i32
      %swap3A_192 = arith.index_cast %swap3A_191 : i32 to index
      %swap3A_193 = arith.index_cast %scan3A_127 : i32 to index
      %swap3A_194 = arith.constant 112 : index
      %swap3A_195 = tpu.vector_load %arg9[%swap3A_192, %swap3A_193, %swap3A_194] {strides = array<i32>} : memref<2x64x128xf32, #tpu.memory_space<vmem>>, vector<1x1x16xf32>,
      %swap3A_196 = vector.shape_cast %swap3A_195 : vector<1x1x16xf32> to vector<16xf32>
      %swap3A_197 = vector.shape_cast %broadcast_in_dim3A_190 : vector<16xf32> to vector<1x1x16xf32>
      tpu.vector_store %arg9[%swap3A_192, %swap3A_193, %swap3A_194], %swap3A_197 {strides = array<i32>} : memref<2x64x128xf32, #tpu.memory_space<vmem>>, vector<1x1x16xf32>,
    }
    %scan3A_11 = arith.constant 64 : i32
    %mul3A_12 = arith.constant 632 : i32
    %mul3A_13 = arith.muli %arg1, %mul3A_12 : i32
    %add3A_14 = arith.constant 0 : i32
    %add3A_15 = arith.addi %mul3A_13, %add3A_14 : i32
    %run_scoped3A = arith.constant 0 : i32
    "tpu.region"() ({
      %run_scoped3A_127 = tpu.sem_alloc : memref<!tpu.dma_semaphore, #tpu.memory_space<semaphore_mem>>
      %dma_start3A_128 = arith.constant 0 : i32
      %dma_start3A_129 = arith.constant 0 : i32
      %dma_start3A_130 = tpu.memref_slice %arg9[%run_scoped3A, %dma_start3A_128, %dma_start3A_129] : memref<2x64x128xf32, #tpu.memory_space<vmem>> -> memref<1x64x128xf32, #tpu.memory_space<vmem>>
      %dma_start3A_131 = tpu.memref_squeeze %dma_start3A_130 : memref<1x64x128xf32, #tpu.memory_space<vmem>> -> memref<64x128xf32, #tpu.memory_space<vmem>>
      %dma_start3A_132 = arith.constant 0 : i32
      %dma_start3A_133 = tpu.memref_slice %arg14[%add3A_15, %dma_start3A_132] : memref<10112x128xf32, #tpu.memory_space<vmem_shared>> -> memref<64x128xf32, #tpu.memory_space<vmem_shared>>
      %dma_start3A_134 = arith.constant 0 : i32
      %dma_start3A_135 = tpu.memref_slice %arg14[%add3A_15, %dma_start3A_134] : memref<10112x128xf32, #tpu.memory_space<vmem_shared>> -> memref<64x128xf32, #tpu.memory_space<vmem_shared>>
      %dma_start3A_136 = arith.constant 0 : i32
      %dma_start3A_137 = arith.constant 0 : i32
      %dma_start3A_138 = tpu.memref_slice %arg9[%run_scoped3A, %dma_start3A_136, %dma_start3A_137] : memref<2x64x128xf32, #tpu.memory_space<vmem>> -> memref<1x64x128xf32, #tpu.memory_space<vmem>>
      %dma_start3A_139 = tpu.memref_squeeze %dma_start3A_138 : memref<1x64x128xf32, #tpu.memory_space<vmem>> -> memref<64x128xf32, #tpu.memory_space<vmem>>
      tpu.enqueue_dma source(%dma_start3A_139 : memref<64x128xf32, #tpu.memory_space<vmem>>) target(%dma_start3A_135 : memref<64x128xf32, #tpu.memory_space<vmem_shared>>) target_semaphore(%run_scoped3A_127 : memref<!tpu.dma_semaphore, #tpu.memory_space<semaphore_mem>>)
      %dma_wait3A_140 = arith.constant 0 : i32
      %dma_wait3A_141 = arith.constant 0 : i32
      %dma_wait3A_142 = tpu.memref_slice %arg9[%run_scoped3A, %dma_wait3A_140, %dma_wait3A_141] : memref<2x64x128xf32, #tpu.memory_space<vmem>> -> memref<1x64x128xf32, #tpu.memory_space<vmem>>
      %dma_wait3A_143 = tpu.memref_squeeze %dma_wait3A_142 : memref<1x64x128xf32, #tpu.memory_space<vmem>> -> memref<64x128xf32, #tpu.memory_space<vmem>>
      %dma_wait3A_144 = arith.constant 0 : i32
      %dma_wait3A_145 = tpu.memref_slice %arg14[%add3A_15, %dma_wait3A_144] : memref<10112x128xf32, #tpu.memory_space<vmem_shared>> -> memref<64x128xf32, #tpu.memory_space<vmem_shared>>
      %dma_wait3A_146 = arith.constant 0 : i32
      %dma_wait3A_147 = tpu.memref_slice %arg14[%add3A_15, %dma_wait3A_146] : memref<10112x128xf32, #tpu.memory_space<vmem_shared>> -> memref<64x128xf32, #tpu.memory_space<vmem_shared>>
      %dma_wait3A_148 = arith.constant 0 : i32
      %dma_wait3A_149 = arith.constant 0 : i32
      %dma_wait3A_150 = tpu.memref_slice %arg9[%run_scoped3A, %dma_wait3A_148, %dma_wait3A_149] : memref<2x64x128xf32, #tpu.memory_space<vmem>> -> memref<1x64x128xf32, #tpu.memory_space<vmem>>
      %dma_wait3A_151 = tpu.memref_squeeze %dma_wait3A_150 : memref<1x64x128xf32, #tpu.memory_space<vmem>> -> memref<64x128xf32, #tpu.memory_space<vmem>>
      tpu.wait_dma2 semaphore(%run_scoped3A_127 : memref<!tpu.dma_semaphore, #tpu.memory_space<semaphore_mem>>) src(%dma_wait3A_151 : memref<64x128xf32, #tpu.memory_space<vmem>>) dst(%dma_wait3A_147 : memref<64x128xf32, #tpu.memory_space<vmem_shared>>)
      tpu.yield
    }) : () -> ()
    %add3A_16 = arith.constant 64 : i32
    %add3A_17 = arith.addi %mul3A_13, %add3A_16 : i32
    %run_scoped3A_18 = arith.constant 0 : i32
    "tpu.region"() ({
      %run_scoped3A_127 = tpu.sem_alloc : memref<!tpu.dma_semaphore, #tpu.memory_space<semaphore_mem>>
      %dma_start3A_128 = arith.constant 0 : i32
      %dma_start3A_129 = arith.constant 0 : i32
      %dma_start3A_130 = tpu.memref_slice %arg9[%run_scoped3A_18, %dma_start3A_128, %dma_start3A_129] : memref<2x64x128xf32, #tpu.memory_space<vmem>> -> memref<1x64x128xf32, #tpu.memory_space<vmem>>
      %dma_start3A_131 = tpu.memref_squeeze %dma_start3A_130 : memref<1x64x128xf32, #tpu.memory_space<vmem>> -> memref<64x128xf32, #tpu.memory_space<vmem>>
      %dma_start3A_132 = arith.constant 0 : i32
      %dma_start3A_133 = tpu.memref_slice %arg14[%add3A_17, %dma_start3A_132] : memref<10112x128xf32, #tpu.memory_space<vmem_shared>> -> memref<64x128xf32, #tpu.memory_space<vmem_shared>>
      %dma_start3A_134 = arith.constant 0 : i32
      %dma_start3A_135 = tpu.memref_slice %arg14[%add3A_17, %dma_start3A_134] : memref<10112x128xf32, #tpu.memory_space<vmem_shared>> -> memref<64x128xf32, #tpu.memory_space<vmem_shared>>
      %dma_start3A_136 = arith.constant 0 : i32
      %dma_start3A_137 = arith.constant 0 : i32
      %dma_start3A_138 = tpu.memref_slice %arg9[%run_scoped3A_18, %dma_start3A_136, %dma_start3A_137] : memref<2x64x128xf32, #tpu.memory_space<vmem>> -> memref<1x64x128xf32, #tpu.memory_space<vmem>>
      %dma_start3A_139 = tpu.memref_squeeze %dma_start3A_138 : memref<1x64x128xf32, #tpu.memory_space<vmem>> -> memref<64x128xf32, #tpu.memory_space<vmem>>
      tpu.enqueue_dma source(%dma_start3A_139 : memref<64x128xf32, #tpu.memory_space<vmem>>) target(%dma_start3A_135 : memref<64x128xf32, #tpu.memory_space<vmem_shared>>) target_semaphore(%run_scoped3A_127 : memref<!tpu.dma_semaphore, #tpu.memory_space<semaphore_mem>>)
      %dma_wait3A_140 = arith.constant 0 : i32
      %dma_wait3A_141 = arith.constant 0 : i32
      %dma_wait3A_142 = tpu.memref_slice %arg9[%run_scoped3A_18, %dma_wait3A_140, %dma_wait3A_141] : memref<2x64x128xf32, #tpu.memory_space<vmem>> -> memref<1x64x128xf32, #tpu.memory_space<vmem>>
      %dma_wait3A_143 = tpu.memref_squeeze %dma_wait3A_142 : memref<1x64x128xf32, #tpu.memory_space<vmem>> -> memref<64x128xf32, #tpu.memory_space<vmem>>
      %dma_wait3A_144 = arith.constant 0 : i32
      %dma_wait3A_145 = tpu.memref_slice %arg14[%add3A_17, %dma_wait3A_144] : memref<10112x128xf32, #tpu.memory_space<vmem_shared>> -> memref<64x128xf32, #tpu.memory_space<vmem_shared>>
      %dma_wait3A_146 = arith.constant 0 : i32
      %dma_wait3A_147 = tpu.memref_slice %arg14[%add3A_17, %dma_wait3A_146] : memref<10112x128xf32, #tpu.memory_space<vmem_shared>> -> memref<64x128xf32, #tpu.memory_space<vmem_shared>>
      %dma_wait3A_148 = arith.constant 0 : i32
      %dma_wait3A_149 = arith.constant 0 : i32
      %dma_wait3A_150 = tpu.memref_slice %arg9[%run_scoped3A_18, %dma_wait3A_148, %dma_wait3A_149] : memref<2x64x128xf32, #tpu.memory_space<vmem>> -> memref<1x64x128xf32, #tpu.memory_space<vmem>>
      %dma_wait3A_151 = tpu.memref_squeeze %dma_wait3A_150 : memref<1x64x128xf32, #tpu.memory_space<vmem>> -> memref<64x128xf32, #tpu.memory_space<vmem>>
      tpu.wait_dma2 semaphore(%run_scoped3A_127 : memref<!tpu.dma_semaphore, #tpu.memory_space<semaphore_mem>>) src(%dma_wait3A_151 : memref<64x128xf32, #tpu.memory_space<vmem>>) dst(%dma_wait3A_147 : memref<64x128xf32, #tpu.memory_space<vmem_shared>>)
      tpu.yield
    }) : () -> ()
    %add3A_19 = arith.constant 128 : i32
    %add3A_20 = arith.addi %mul3A_13, %add3A_19 : i32
    %run_scoped3A_21 = arith.constant 0 : i32
    "tpu.region"() ({
      %run_scoped3A_127 = tpu.sem_alloc : memref<!tpu.dma_semaphore, #tpu.memory_space<semaphore_mem>>
      %dma_start3A_128 = arith.constant 0 : i32
      %dma_start3A_129 = arith.constant 0 : i32
      %dma_start3A_130 = tpu.memref_slice %arg9[%run_scoped3A_21, %dma_start3A_128, %dma_start3A_129] : memref<2x64x128xf32, #tpu.memory_space<vmem>> -> memref<1x64x128xf32, #tpu.memory_space<vmem>>
      %dma_start3A_131 = tpu.memref_squeeze %dma_start3A_130 : memref<1x64x128xf32, #tpu.memory_space<vmem>> -> memref<64x128xf32, #tpu.memory_space<vmem>>
      %dma_start3A_132 = arith.constant 0 : i32
      %dma_start3A_133 = tpu.memref_slice %arg14[%add3A_20, %dma_start3A_132] : memref<10112x128xf32, #tpu.memory_space<vmem_shared>> -> memref<64x128xf32, #tpu.memory_space<vmem_shared>>
      %dma_start3A_134 = arith.constant 0 : i32
      %dma_start3A_135 = tpu.memref_slice %arg14[%add3A_20, %dma_start3A_134] : memref<10112x128xf32, #tpu.memory_space<vmem_shared>> -> memref<64x128xf32, #tpu.memory_space<vmem_shared>>
      %dma_start3A_136 = arith.constant 0 : i32
      %dma_start3A_137 = arith.constant 0 : i32
      %dma_start3A_138 = tpu.memref_slice %arg9[%run_scoped3A_21, %dma_start3A_136, %dma_start3A_137] : memref<2x64x128xf32, #tpu.memory_space<vmem>> -> memref<1x64x128xf32, #tpu.memory_space<vmem>>
      %dma_start3A_139 = tpu.memref_squeeze %dma_start3A_138 : memref<1x64x128xf32, #tpu.memory_space<vmem>> -> memref<64x128xf32, #tpu.memory_space<vmem>>
      tpu.enqueue_dma source(%dma_start3A_139 : memref<64x128xf32, #tpu.memory_space<vmem>>) target(%dma_start3A_135 : memref<64x128xf32, #tpu.memory_space<vmem_shared>>) target_semaphore(%run_scoped3A_127 : memref<!tpu.dma_semaphore, #tpu.memory_space<semaphore_mem>>)
      %dma_wait3A_140 = arith.constant 0 : i32
      %dma_wait3A_141 = arith.constant 0 : i32
      %dma_wait3A_142 = tpu.memref_slice %arg9[%run_scoped3A_21, %dma_wait3A_140, %dma_wait3A_141] : memref<2x64x128xf32, #tpu.memory_space<vmem>> -> memref<1x64x128xf32, #tpu.memory_space<vmem>>
      %dma_wait3A_143 = tpu.memref_squeeze %dma_wait3A_142 : memref<1x64x128xf32, #tpu.memory_space<vmem>> -> memref<64x128xf32, #tpu.memory_space<vmem>>
      %dma_wait3A_144 = arith.constant 0 : i32
      %dma_wait3A_145 = tpu.memref_slice %arg14[%add3A_20, %dma_wait3A_144] : memref<10112x128xf32, #tpu.memory_space<vmem_shared>> -> memref<64x128xf32, #tpu.memory_space<vmem_shared>>
      %dma_wait3A_146 = arith.constant 0 : i32
      %dma_wait3A_147 = tpu.memref_slice %arg14[%add3A_20, %dma_wait3A_146] : memref<10112x128xf32, #tpu.memory_space<vmem_shared>> -> memref<64x128xf32, #tpu.memory_space<vmem_shared>>
      %dma_wait3A_148 = arith.constant 0 : i32
      %dma_wait3A_149 = arith.constant 0 : i32
      %dma_wait3A_150 = tpu.memref_slice %arg9[%run_scoped3A_21, %dma_wait3A_148, %dma_wait3A_149] : memref<2x64x128xf32, #tpu.memory_space<vmem>> -> memref<1x64x128xf32, #tpu.memory_space<vmem>>
      %dma_wait3A_151 = tpu.memref_squeeze %dma_wait3A_150 : memref<1x64x128xf32, #tpu.memory_space<vmem>> -> memref<64x128xf32, #tpu.memory_space<vmem>>
      tpu.wait_dma2 semaphore(%run_scoped3A_127 : memref<!tpu.dma_semaphore, #tpu.memory_space<semaphore_mem>>) src(%dma_wait3A_151 : memref<64x128xf32, #tpu.memory_space<vmem>>) dst(%dma_wait3A_147 : memref<64x128xf32, #tpu.memory_space<vmem_shared>>)
      tpu.yield
    }) : () -> ()
    %add3A_22 = arith.constant 192 : i32
    %add3A_23 = arith.addi %mul3A_13, %add3A_22 : i32
    %run_scoped3A_24 = arith.constant 0 : i32
    "tpu.region"() ({
      %run_scoped3A_127 = tpu.sem_alloc : memref<!tpu.dma_semaphore, #tpu.memory_space<semaphore_mem>>
      %dma_start3A_128 = arith.constant 0 : i32
      %dma_start3A_129 = arith.constant 0 : i32
      %dma_start3A_130 = tpu.memref_slice %arg9[%run_scoped3A_24, %dma_start3A_128, %dma_start3A_129] : memref<2x64x128xf32, #tpu.memory_space<vmem>> -> memref<1x64x128xf32, #tpu.memory_space<vmem>>
      %dma_start3A_131 = tpu.memref_squeeze %dma_start3A_130 : memref<1x64x128xf32, #tpu.memory_space<vmem>> -> memref<64x128xf32, #tpu.memory_space<vmem>>
      %dma_start3A_132 = arith.constant 0 : i32
      %dma_start3A_133 = tpu.memref_slice %arg14[%add3A_23, %dma_start3A_132] : memref<10112x128xf32, #tpu.memory_space<vmem_shared>> -> memref<64x128xf32, #tpu.memory_space<vmem_shared>>
      %dma_start3A_134 = arith.constant 0 : i32
      %dma_start3A_135 = tpu.memref_slice %arg14[%add3A_23, %dma_start3A_134] : memref<10112x128xf32, #tpu.memory_space<vmem_shared>> -> memref<64x128xf32, #tpu.memory_space<vmem_shared>>
      %dma_start3A_136 = arith.constant 0 : i32
      %dma_start3A_137 = arith.constant 0 : i32
      %dma_start3A_138 = tpu.memref_slice %arg9[%run_scoped3A_24, %dma_start3A_136, %dma_start3A_137] : memref<2x64x128xf32, #tpu.memory_space<vmem>> -> memref<1x64x128xf32, #tpu.memory_space<vmem>>
      %dma_start3A_139 = tpu.memref_squeeze %dma_start3A_138 : memref<1x64x128xf32, #tpu.memory_space<vmem>> -> memref<64x128xf32, #tpu.memory_space<vmem>>
      tpu.enqueue_dma source(%dma_start3A_139 : memref<64x128xf32, #tpu.memory_space<vmem>>) target(%dma_start3A_135 : memref<64x128xf32, #tpu.memory_space<vmem_shared>>) target_semaphore(%run_scoped3A_127 : memref<!tpu.dma_semaphore, #tpu.memory_space<semaphore_mem>>)
      %dma_wait3A_140 = arith.constant 0 : i32
      %dma_wait3A_141 = arith.constant 0 : i32
      %dma_wait3A_142 = tpu.memref_slice %arg9[%run_scoped3A_24, %dma_wait3A_140, %dma_wait3A_141] : memref<2x64x128xf32, #tpu.memory_space<vmem>> -> memref<1x64x128xf32, #tpu.memory_space<vmem>>
      %dma_wait3A_143 = tpu.memref_squeeze %dma_wait3A_142 : memref<1x64x128xf32, #tpu.memory_space<vmem>> -> memref<64x128xf32, #tpu.memory_space<vmem>>
      %dma_wait3A_144 = arith.constant 0 : i32
      %dma_wait3A_145 = tpu.memref_slice %arg14[%add3A_23, %dma_wait3A_144] : memref<10112x128xf32, #tpu.memory_space<vmem_shared>> -> memref<64x128xf32, #tpu.memory_space<vmem_shared>>
      %dma_wait3A_146 = arith.constant 0 : i32
      %dma_wait3A_147 = tpu.memref_slice %arg14[%add3A_23, %dma_wait3A_146] : memref<10112x128xf32, #tpu.memory_space<vmem_shared>> -> memref<64x128xf32, #tpu.memory_space<vmem_shared>>
      %dma_wait3A_148 = arith.constant 0 : i32
      %dma_wait3A_149 = arith.constant 0 : i32
      %dma_wait3A_150 = tpu.memref_slice %arg9[%run_scoped3A_24, %dma_wait3A_148, %dma_wait3A_149] : memref<2x64x128xf32, #tpu.memory_space<vmem>> -> memref<1x64x128xf32, #tpu.memory_space<vmem>>
      %dma_wait3A_151 = tpu.memref_squeeze %dma_wait3A_150 : memref<1x64x128xf32, #tpu.memory_space<vmem>> -> memref<64x128xf32, #tpu.memory_space<vmem>>
      tpu.wait_dma2 semaphore(%run_scoped3A_127 : memref<!tpu.dma_semaphore, #tpu.memory_space<semaphore_mem>>) src(%dma_wait3A_151 : memref<64x128xf32, #tpu.memory_space<vmem>>) dst(%dma_wait3A_147 : memref<64x128xf32, #tpu.memory_space<vmem_shared>>)
      tpu.yield
    }) : () -> ()
    %add3A_25 = arith.constant 256 : i32
    %add3A_26 = arith.addi %mul3A_13, %add3A_25 : i32
    %run_scoped3A_27 = arith.constant 0 : i32
    "tpu.region"() ({
      %run_scoped3A_127 = tpu.sem_alloc : memref<!tpu.dma_semaphore, #tpu.memory_space<semaphore_mem>>
      %dma_start3A_128 = arith.constant 0 : i32
      %dma_start3A_129 = arith.constant 0 : i32
      %dma_start3A_130 = tpu.memref_slice %arg9[%run_scoped3A_27, %dma_start3A_128, %dma_start3A_129] : memref<2x64x128xf32, #tpu.memory_space<vmem>> -> memref<1x64x128xf32, #tpu.memory_space<vmem>>
      %dma_start3A_131 = tpu.memref_squeeze %dma_start3A_130 : memref<1x64x128xf32, #tpu.memory_space<vmem>> -> memref<64x128xf32, #tpu.memory_space<vmem>>
      %dma_start3A_132 = arith.constant 0 : i32
      %dma_start3A_133 = tpu.memref_slice %arg14[%add3A_26, %dma_start3A_132] : memref<10112x128xf32, #tpu.memory_space<vmem_shared>> -> memref<64x128xf32, #tpu.memory_space<vmem_shared>>
      %dma_start3A_134 = arith.constant 0 : i32
      %dma_start3A_135 = tpu.memref_slice %arg14[%add3A_26, %dma_start3A_134] : memref<10112x128xf32, #tpu.memory_space<vmem_shared>> -> memref<64x128xf32, #tpu.memory_space<vmem_shared>>
      %dma_start3A_136 = arith.constant 0 : i32
      %dma_start3A_137 = arith.constant 0 : i32
      %dma_start3A_138 = tpu.memref_slice %arg9[%run_scoped3A_27, %dma_start3A_136, %dma_start3A_137] : memref<2x64x128xf32, #tpu.memory_space<vmem>> -> memref<1x64x128xf32, #tpu.memory_space<vmem>>
      %dma_start3A_139 = tpu.memref_squeeze %dma_start3A_138 : memref<1x64x128xf32, #tpu.memory_space<vmem>> -> memref<64x128xf32, #tpu.memory_space<vmem>>
      tpu.enqueue_dma source(%dma_start3A_139 : memref<64x128xf32, #tpu.memory_space<vmem>>) target(%dma_start3A_135 : memref<64x128xf32, #tpu.memory_space<vmem_shared>>) target_semaphore(%run_scoped3A_127 : memref<!tpu.dma_semaphore, #tpu.memory_space<semaphore_mem>>)
      %dma_wait3A_140 = arith.constant 0 : i32
      %dma_wait3A_141 = arith.constant 0 : i32
      %dma_wait3A_142 = tpu.memref_slice %arg9[%run_scoped3A_27, %dma_wait3A_140, %dma_wait3A_141] : memref<2x64x128xf32, #tpu.memory_space<vmem>> -> memref<1x64x128xf32, #tpu.memory_space<vmem>>
      %dma_wait3A_143 = tpu.memref_squeeze %dma_wait3A_142 : memref<1x64x128xf32, #tpu.memory_space<vmem>> -> memref<64x128xf32, #tpu.memory_space<vmem>>
      %dma_wait3A_144 = arith.constant 0 : i32
      %dma_wait3A_145 = tpu.memref_slice %arg14[%add3A_26, %dma_wait3A_144] : memref<10112x128xf32, #tpu.memory_space<vmem_shared>> -> memref<64x128xf32, #tpu.memory_space<vmem_shared>>
      %dma_wait3A_146 = arith.constant 0 : i32
      %dma_wait3A_147 = tpu.memref_slice %arg14[%add3A_26, %dma_wait3A_146] : memref<10112x128xf32, #tpu.memory_space<vmem_shared>> -> memref<64x128xf32, #tpu.memory_space<vmem_shared>>
      %dma_wait3A_148 = arith.constant 0 : i32
      %dma_wait3A_149 = arith.constant 0 : i32
      %dma_wait3A_150 = tpu.memref_slice %arg9[%run_scoped3A_27, %dma_wait3A_148, %dma_wait3A_149] : memref<2x64x128xf32, #tpu.memory_space<vmem>> -> memref<1x64x128xf32, #tpu.memory_space<vmem>>
      %dma_wait3A_151 = tpu.memref_squeeze %dma_wait3A_150 : memref<1x64x128xf32, #tpu.memory_space<vmem>> -> memref<64x128xf32, #tpu.memory_space<vmem>>
      tpu.wait_dma2 semaphore(%run_scoped3A_127 : memref<!tpu.dma_semaphore, #tpu.memory_space<semaphore_mem>>) src(%dma_wait3A_151 : memref<64x128xf32, #tpu.memory_space<vmem>>) dst(%dma_wait3A_147 : memref<64x128xf32, #tpu.memory_space<vmem_shared>>)
      tpu.yield
    }) : () -> ()
    %add3A_28 = arith.constant 320 : i32
    %add3A_29 = arith.addi %mul3A_13, %add3A_28 : i32
    %run_scoped3A_30 = arith.constant 0 : i32
    "tpu.region"() ({
      %run_scoped3A_127 = tpu.sem_alloc : memref<!tpu.dma_semaphore, #tpu.memory_space<semaphore_mem>>
      %dma_start3A_128 = arith.constant 0 : i32
      %dma_start3A_129 = arith.constant 0 : i32
      %dma_start3A_130 = tpu.memref_slice %arg9[%run_scoped3A_30, %dma_start3A_128, %dma_start3A_129] : memref<2x64x128xf32, #tpu.memory_space<vmem>> -> memref<1x64x128xf32, #tpu.memory_space<vmem>>
      %dma_start3A_131 = tpu.memref_squeeze %dma_start3A_130 : memref<1x64x128xf32, #tpu.memory_space<vmem>> -> memref<64x128xf32, #tpu.memory_space<vmem>>
      %dma_start3A_132 = arith.constant 0 : i32
      %dma_start3A_133 = tpu.memref_slice %arg14[%add3A_29, %dma_start3A_132] : memref<10112x128xf32, #tpu.memory_space<vmem_shared>> -> memref<64x128xf32, #tpu.memory_space<vmem_shared>>
      %dma_start3A_134 = arith.constant 0 : i32
      %dma_start3A_135 = tpu.memref_slice %arg14[%add3A_29, %dma_start3A_134] : memref<10112x128xf32, #tpu.memory_space<vmem_shared>> -> memref<64x128xf32, #tpu.memory_space<vmem_shared>>
      %dma_start3A_136 = arith.constant 0 : i32
      %dma_start3A_137 = arith.constant 0 : i32
      %dma_start3A_138 = tpu.memref_slice %arg9[%run_scoped3A_30, %dma_start3A_136, %dma_start3A_137] : memref<2x64x128xf32, #tpu.memory_space<vmem>> -> memref<1x64x128xf32, #tpu.memory_space<vmem>>
      %dma_start3A_139 = tpu.memref_squeeze %dma_start3A_138 : memref<1x64x128xf32, #tpu.memory_space<vmem>> -> memref<64x128xf32, #tpu.memory_space<vmem>>
      tpu.enqueue_dma source(%dma_start3A_139 : memref<64x128xf32, #tpu.memory_space<vmem>>) target(%dma_start3A_135 : memref<64x128xf32, #tpu.memory_space<vmem_shared>>) target_semaphore(%run_scoped3A_127 : memref<!tpu.dma_semaphore, #tpu.memory_space<semaphore_mem>>)
      %dma_wait3A_140 = arith.constant 0 : i32
      %dma_wait3A_141 = arith.constant 0 : i32
      %dma_wait3A_142 = tpu.memref_slice %arg9[%run_scoped3A_30, %dma_wait3A_140, %dma_wait3A_141] : memref<2x64x128xf32, #tpu.memory_space<vmem>> -> memref<1x64x128xf32, #tpu.memory_space<vmem>>
      %dma_wait3A_143 = tpu.memref_squeeze %dma_wait3A_142 : memref<1x64x128xf32, #tpu.memory_space<vmem>> -> memref<64x128xf32, #tpu.memory_space<vmem>>
      %dma_wait3A_144 = arith.constant 0 : i32
      %dma_wait3A_145 = tpu.memref_slice %arg14[%add3A_29, %dma_wait3A_144] : memref<10112x128xf32, #tpu.memory_space<vmem_shared>> -> memref<64x128xf32, #tpu.memory_space<vmem_shared>>
      %dma_wait3A_146 = arith.constant 0 : i32
      %dma_wait3A_147 = tpu.memref_slice %arg14[%add3A_29, %dma_wait3A_146] : memref<10112x128xf32, #tpu.memory_space<vmem_shared>> -> memref<64x128xf32, #tpu.memory_space<vmem_shared>>
      %dma_wait3A_148 = arith.constant 0 : i32
      %dma_wait3A_149 = arith.constant 0 : i32
      %dma_wait3A_150 = tpu.memref_slice %arg9[%run_scoped3A_30, %dma_wait3A_148, %dma_wait3A_149] : memref<2x64x128xf32, #tpu.memory_space<vmem>> -> memref<1x64x128xf32, #tpu.memory_space<vmem>>
      %dma_wait3A_151 = tpu.memref_squeeze %dma_wait3A_150 : memref<1x64x128xf32, #tpu.memory_space<vmem>> -> memref<64x128xf32, #tpu.memory_space<vmem>>
      tpu.wait_dma2 semaphore(%run_scoped3A_127 : memref<!tpu.dma_semaphore, #tpu.memory_space<semaphore_mem>>) src(%dma_wait3A_151 : memref<64x128xf32, #tpu.memory_space<vmem>>) dst(%dma_wait3A_147 : memref<64x128xf32, #tpu.memory_space<vmem_shared>>)
      tpu.yield
    }) : () -> ()
    %add3A_31 = arith.constant 384 : i32
    %add3A_32 = arith.addi %mul3A_13, %add3A_31 : i32
    %run_scoped3A_33 = arith.constant 0 : i32
    "tpu.region"() ({
      %run_scoped3A_127 = tpu.sem_alloc : memref<!tpu.dma_semaphore, #tpu.memory_space<semaphore_mem>>
      %dma_start3A_128 = arith.constant 0 : i32
      %dma_start3A_129 = arith.constant 0 : i32
      %dma_start3A_130 = tpu.memref_slice %arg9[%run_scoped3A_33, %dma_start3A_128, %dma_start3A_129] : memref<2x64x128xf32, #tpu.memory_space<vmem>> -> memref<1x64x128xf32, #tpu.memory_space<vmem>>
      %dma_start3A_131 = tpu.memref_squeeze %dma_start3A_130 : memref<1x64x128xf32, #tpu.memory_space<vmem>> -> memref<64x128xf32, #tpu.memory_space<vmem>>
      %dma_start3A_132 = arith.constant 0 : i32
      %dma_start3A_133 = tpu.memref_slice %arg14[%add3A_32, %dma_start3A_132] : memref<10112x128xf32, #tpu.memory_space<vmem_shared>> -> memref<64x128xf32, #tpu.memory_space<vmem_shared>>
      %dma_start3A_134 = arith.constant 0 : i32
      %dma_start3A_135 = tpu.memref_slice %arg14[%add3A_32, %dma_start3A_134] : memref<10112x128xf32, #tpu.memory_space<vmem_shared>> -> memref<64x128xf32, #tpu.memory_space<vmem_shared>>
      %dma_start3A_136 = arith.constant 0 : i32
      %dma_start3A_137 = arith.constant 0 : i32
      %dma_start3A_138 = tpu.memref_slice %arg9[%run_scoped3A_33, %dma_start3A_136, %dma_start3A_137] : memref<2x64x128xf32, #tpu.memory_space<vmem>> -> memref<1x64x128xf32, #tpu.memory_space<vmem>>
      %dma_start3A_139 = tpu.memref_squeeze %dma_start3A_138 : memref<1x64x128xf32, #tpu.memory_space<vmem>> -> memref<64x128xf32, #tpu.memory_space<vmem>>
      tpu.enqueue_dma source(%dma_start3A_139 : memref<64x128xf32, #tpu.memory_space<vmem>>) target(%dma_start3A_135 : memref<64x128xf32, #tpu.memory_space<vmem_shared>>) target_semaphore(%run_scoped3A_127 : memref<!tpu.dma_semaphore, #tpu.memory_space<semaphore_mem>>)
      %dma_wait3A_140 = arith.constant 0 : i32
      %dma_wait3A_141 = arith.constant 0 : i32
      %dma_wait3A_142 = tpu.memref_slice %arg9[%run_scoped3A_33, %dma_wait3A_140, %dma_wait3A_141] : memref<2x64x128xf32, #tpu.memory_space<vmem>> -> memref<1x64x128xf32, #tpu.memory_space<vmem>>
      %dma_wait3A_143 = tpu.memref_squeeze %dma_wait3A_142 : memref<1x64x128xf32, #tpu.memory_space<vmem>> -> memref<64x128xf32, #tpu.memory_space<vmem>>
      %dma_wait3A_144 = arith.constant 0 : i32
      %dma_wait3A_145 = tpu.memref_slice %arg14[%add3A_32, %dma_wait3A_144] : memref<10112x128xf32, #tpu.memory_space<vmem_shared>> -> memref<64x128xf32, #tpu.memory_space<vmem_shared>>
      %dma_wait3A_146 = arith.constant 0 : i32
      %dma_wait3A_147 = tpu.memref_slice %arg14[%add3A_32, %dma_wait3A_146] : memref<10112x128xf32, #tpu.memory_space<vmem_shared>> -> memref<64x128xf32, #tpu.memory_space<vmem_shared>>
      %dma_wait3A_148 = arith.constant 0 : i32
      %dma_wait3A_149 = arith.constant 0 : i32
      %dma_wait3A_150 = tpu.memref_slice %arg9[%run_scoped3A_33, %dma_wait3A_148, %dma_wait3A_149] : memref<2x64x128xf32, #tpu.memory_space<vmem>> -> memref<1x64x128xf32, #tpu.memory_space<vmem>>
      %dma_wait3A_151 = tpu.memref_squeeze %dma_wait3A_150 : memref<1x64x128xf32, #tpu.memory_space<vmem>> -> memref<64x128xf32, #tpu.memory_space<vmem>>
      tpu.wait_dma2 semaphore(%run_scoped3A_127 : memref<!tpu.dma_semaphore, #tpu.memory_space<semaphore_mem>>) src(%dma_wait3A_151 : memref<64x128xf32, #tpu.memory_space<vmem>>) dst(%dma_wait3A_147 : memref<64x128xf32, #tpu.memory_space<vmem_shared>>)
      tpu.yield
    }) : () -> ()
    %add3A_34 = arith.constant 448 : i32
    %add3A_35 = arith.addi %mul3A_13, %add3A_34 : i32
    %run_scoped3A_36 = arith.constant 0 : i32
    "tpu.region"() ({
      %run_scoped3A_127 = tpu.sem_alloc : memref<!tpu.dma_semaphore, #tpu.memory_space<semaphore_mem>>
      %dma_start3A_128 = arith.constant 0 : i32
      %dma_start3A_129 = arith.constant 0 : i32
      %dma_start3A_130 = tpu.memref_slice %arg9[%run_scoped3A_36, %dma_start3A_128, %dma_start3A_129] : memref<2x64x128xf32, #tpu.memory_space<vmem>> -> memref<1x64x128xf32, #tpu.memory_space<vmem>>
      %dma_start3A_131 = tpu.memref_squeeze %dma_start3A_130 : memref<1x64x128xf32, #tpu.memory_space<vmem>> -> memref<64x128xf32, #tpu.memory_space<vmem>>
      %dma_start3A_132 = arith.constant 0 : i32
      %dma_start3A_133 = tpu.memref_slice %arg14[%add3A_35, %dma_start3A_132] : memref<10112x128xf32, #tpu.memory_space<vmem_shared>> -> memref<64x128xf32, #tpu.memory_space<vmem_shared>>
      %dma_start3A_134 = arith.constant 0 : i32
      %dma_start3A_135 = tpu.memref_slice %arg14[%add3A_35, %dma_start3A_134] : memref<10112x128xf32, #tpu.memory_space<vmem_shared>> -> memref<64x128xf32, #tpu.memory_space<vmem_shared>>
      %dma_start3A_136 = arith.constant 0 : i32
      %dma_start3A_137 = arith.constant 0 : i32
      %dma_start3A_138 = tpu.memref_slice %arg9[%run_scoped3A_36, %dma_start3A_136, %dma_start3A_137] : memref<2x64x128xf32, #tpu.memory_space<vmem>> -> memref<1x64x128xf32, #tpu.memory_space<vmem>>
      %dma_start3A_139 = tpu.memref_squeeze %dma_start3A_138 : memref<1x64x128xf32, #tpu.memory_space<vmem>> -> memref<64x128xf32, #tpu.memory_space<vmem>>
      tpu.enqueue_dma source(%dma_start3A_139 : memref<64x128xf32, #tpu.memory_space<vmem>>) target(%dma_start3A_135 : memref<64x128xf32, #tpu.memory_space<vmem_shared>>) target_semaphore(%run_scoped3A_127 : memref<!tpu.dma_semaphore, #tpu.memory_space<semaphore_mem>>)
      %dma_wait3A_140 = arith.constant 0 : i32
      %dma_wait3A_141 = arith.constant 0 : i32
      %dma_wait3A_142 = tpu.memref_slice %arg9[%run_scoped3A_36, %dma_wait3A_140, %dma_wait3A_141] : memref<2x64x128xf32, #tpu.memory_space<vmem>> -> memref<1x64x128xf32, #tpu.memory_space<vmem>>
      %dma_wait3A_143 = tpu.memref_squeeze %dma_wait3A_142 : memref<1x64x128xf32, #tpu.memory_space<vmem>> -> memref<64x128xf32, #tpu.memory_space<vmem>>
      %dma_wait3A_144 = arith.constant 0 : i32
      %dma_wait3A_145 = tpu.memref_slice %arg14[%add3A_35, %dma_wait3A_144] : memref<10112x128xf32, #tpu.memory_space<vmem_shared>> -> memref<64x128xf32, #tpu.memory_space<vmem_shared>>
      %dma_wait3A_146 = arith.constant 0 : i32
      %dma_wait3A_147 = tpu.memref_slice %arg14[%add3A_35, %dma_wait3A_146] : memref<10112x128xf32, #tpu.memory_space<vmem_shared>> -> memref<64x128xf32, #tpu.memory_space<vmem_shared>>
      %dma_wait3A_148 = arith.constant 0 : i32
      %dma_wait3A_149 = arith.constant 0 : i32
      %dma_wait3A_150 = tpu.memref_slice %arg9[%run_scoped3A_36, %dma_wait3A_148, %dma_wait3A_149] : memref<2x64x128xf32, #tpu.memory_space<vmem>> -> memref<1x64x128xf32, #tpu.memory_space<vmem>>
      %dma_wait3A_151 = tpu.memref_squeeze %dma_wait3A_150 : memref<1x64x128xf32, #tpu.memory_space<vmem>> -> memref<64x128xf32, #tpu.memory_space<vmem>>
      tpu.wait_dma2 semaphore(%run_scoped3A_127 : memref<!tpu.dma_semaphore, #tpu.memory_space<semaphore_mem>>) src(%dma_wait3A_151 : memref<64x128xf32, #tpu.memory_space<vmem>>) dst(%dma_wait3A_147 : memref<64x128xf32, #tpu.memory_space<vmem_shared>>)
      tpu.yield
    }) : () -> ()
    %add3A_37 = arith.constant 512 : i32
    %add3A_38 = arith.addi %mul3A_13, %add3A_37 : i32
    %run_scoped3A_39 = arith.constant 0 : i32
    "tpu.region"() ({
      %run_scoped3A_127 = tpu.sem_alloc : memref<!tpu.dma_semaphore, #tpu.memory_space<semaphore_mem>>
      %dma_start3A_128 = arith.constant 0 : i32
      %dma_start3A_129 = arith.constant 0 : i32
      %dma_start3A_130 = tpu.memref_slice %arg9[%run_scoped3A_39, %dma_start3A_128, %dma_start3A_129] : memref<2x64x128xf32, #tpu.memory_space<vmem>> -> memref<1x64x128xf32, #tpu.memory_space<vmem>>
      %dma_start3A_131 = tpu.memref_squeeze %dma_start3A_130 : memref<1x64x128xf32, #tpu.memory_space<vmem>> -> memref<64x128xf32, #tpu.memory_space<vmem>>
      %dma_start3A_132 = arith.constant 0 : i32
      %dma_start3A_133 = tpu.memref_slice %arg14[%add3A_38, %dma_start3A_132] : memref<10112x128xf32, #tpu.memory_space<vmem_shared>> -> memref<64x128xf32, #tpu.memory_space<vmem_shared>>
      %dma_start3A_134 = arith.constant 0 : i32
      %dma_start3A_135 = tpu.memref_slice %arg14[%add3A_38, %dma_start3A_134] : memref<10112x128xf32, #tpu.memory_space<vmem_shared>> -> memref<64x128xf32, #tpu.memory_space<vmem_shared>>
      %dma_start3A_136 = arith.constant 0 : i32
      %dma_start3A_137 = arith.constant 0 : i32
      %dma_start3A_138 = tpu.memref_slice %arg9[%run_scoped3A_39, %dma_start3A_136, %dma_start3A_137] : memref<2x64x128xf32, #tpu.memory_space<vmem>> -> memref<1x64x128xf32, #tpu.memory_space<vmem>>
      %dma_start3A_139 = tpu.memref_squeeze %dma_start3A_138 : memref<1x64x128xf32, #tpu.memory_space<vmem>> -> memref<64x128xf32, #tpu.memory_space<vmem>>
      tpu.enqueue_dma source(%dma_start3A_139 : memref<64x128xf32, #tpu.memory_space<vmem>>) target(%dma_start3A_135 : memref<64x128xf32, #tpu.memory_space<vmem_shared>>) target_semaphore(%run_scoped3A_127 : memref<!tpu.dma_semaphore, #tpu.memory_space<semaphore_mem>>)
      %dma_wait3A_140 = arith.constant 0 : i32
      %dma_wait3A_141 = arith.constant 0 : i32
      %dma_wait3A_142 = tpu.memref_slice %arg9[%run_scoped3A_39, %dma_wait3A_140, %dma_wait3A_141] : memref<2x64x128xf32, #tpu.memory_space<vmem>> -> memref<1x64x128xf32, #tpu.memory_space<vmem>>
      %dma_wait3A_143 = tpu.memref_squeeze %dma_wait3A_142 : memref<1x64x128xf32, #tpu.memory_space<vmem>> -> memref<64x128xf32, #tpu.memory_space<vmem>>
      %dma_wait3A_144 = arith.constant 0 : i32
      %dma_wait3A_145 = tpu.memref_slice %arg14[%add3A_38, %dma_wait3A_144] : memref<10112x128xf32, #tpu.memory_space<vmem_shared>> -> memref<64x128xf32, #tpu.memory_space<vmem_shared>>
      %dma_wait3A_146 = arith.constant 0 : i32
      %dma_wait3A_147 = tpu.memref_slice %arg14[%add3A_38, %dma_wait3A_146] : memref<10112x128xf32, #tpu.memory_space<vmem_shared>> -> memref<64x128xf32, #tpu.memory_space<vmem_shared>>
      %dma_wait3A_148 = arith.constant 0 : i32
      %dma_wait3A_149 = arith.constant 0 : i32
      %dma_wait3A_150 = tpu.memref_slice %arg9[%run_scoped3A_39, %dma_wait3A_148, %dma_wait3A_149] : memref<2x64x128xf32, #tpu.memory_space<vmem>> -> memref<1x64x128xf32, #tpu.memory_space<vmem>>
      %dma_wait3A_151 = tpu.memref_squeeze %dma_wait3A_150 : memref<1x64x128xf32, #tpu.memory_space<vmem>> -> memref<64x128xf32, #tpu.memory_space<vmem>>
      tpu.wait_dma2 semaphore(%run_scoped3A_127 : memref<!tpu.dma_semaphore, #tpu.memory_space<semaphore_mem>>) src(%dma_wait3A_151 : memref<64x128xf32, #tpu.memory_space<vmem>>) dst(%dma_wait3A_147 : memref<64x128xf32, #tpu.memory_space<vmem_shared>>)
      tpu.yield
    }) : () -> ()
    %add3A_40 = arith.constant 576 : i32
    %add3A_41 = arith.addi %mul3A_13, %add3A_40 : i32
    %run_scoped3A_42 = arith.constant 0 : i32
    "tpu.region"() ({
      %run_scoped3A_127 = tpu.sem_alloc : memref<!tpu.dma_semaphore, #tpu.memory_space<semaphore_mem>>
      %dma_start3A_128 = arith.constant 0 : i32
      %dma_start3A_129 = arith.constant 0 : i32
      %dma_start3A_130 = tpu.memref_slice %arg9[%run_scoped3A_42, %dma_start3A_128, %dma_start3A_129] : memref<2x64x128xf32, #tpu.memory_space<vmem>> -> memref<1x56x128xf32, #tpu.memory_space<vmem>>
      %dma_start3A_131 = tpu.memref_squeeze %dma_start3A_130 : memref<1x56x128xf32, #tpu.memory_space<vmem>> -> memref<56x128xf32, #tpu.memory_space<vmem>>
      %dma_start3A_132 = arith.constant 0 : i32
      %dma_start3A_133 = tpu.memref_slice %arg14[%add3A_41, %dma_start3A_132] : memref<10112x128xf32, #tpu.memory_space<vmem_shared>> -> memref<56x128xf32, #tpu.memory_space<vmem_shared>>
      %dma_start3A_134 = arith.constant 0 : i32
      %dma_start3A_135 = tpu.memref_slice %arg14[%add3A_41, %dma_start3A_134] : memref<10112x128xf32, #tpu.memory_space<vmem_shared>> -> memref<56x128xf32, #tpu.memory_space<vmem_shared>>
      %dma_start3A_136 = arith.constant 0 : i32
      %dma_start3A_137 = arith.constant 0 : i32
      %dma_start3A_138 = tpu.memref_slice %arg9[%run_scoped3A_42, %dma_start3A_136, %dma_start3A_137] : memref<2x64x128xf32, #tpu.memory_space<vmem>> -> memref<1x56x128xf32, #tpu.memory_space<vmem>>
      %dma_start3A_139 = tpu.memref_squeeze %dma_start3A_138 : memref<1x56x128xf32, #tpu.memory_space<vmem>> -> memref<56x128xf32, #tpu.memory_space<vmem>>
      tpu.enqueue_dma source(%dma_start3A_139 : memref<56x128xf32, #tpu.memory_space<vmem>>) target(%dma_start3A_135 : memref<56x128xf32, #tpu.memory_space<vmem_shared>>) target_semaphore(%run_scoped3A_127 : memref<!tpu.dma_semaphore, #tpu.memory_space<semaphore_mem>>)
      %dma_wait3A_140 = arith.constant 0 : i32
      %dma_wait3A_141 = arith.constant 0 : i32
      %dma_wait3A_142 = tpu.memref_slice %arg9[%run_scoped3A_42, %dma_wait3A_140, %dma_wait3A_141] : memref<2x64x128xf32, #tpu.memory_space<vmem>> -> memref<1x56x128xf32, #tpu.memory_space<vmem>>
      %dma_wait3A_143 = tpu.memref_squeeze %dma_wait3A_142 : memref<1x56x128xf32, #tpu.memory_space<vmem>> -> memref<56x128xf32, #tpu.memory_space<vmem>>
      %dma_wait3A_144 = arith.constant 0 : i32
      %dma_wait3A_145 = tpu.memref_slice %arg14[%add3A_41, %dma_wait3A_144] : memref<10112x128xf32, #tpu.memory_space<vmem_shared>> -> memref<56x128xf32, #tpu.memory_space<vmem_shared>>
      %dma_wait3A_146 = arith.constant 0 : i32
      %dma_wait3A_147 = tpu.memref_slice %arg14[%add3A_41, %dma_wait3A_146] : memref<10112x128xf32, #tpu.memory_space<vmem_shared>> -> memref<56x128xf32, #tpu.memory_space<vmem_shared>>
      %dma_wait3A_148 = arith.constant 0 : i32
      %dma_wait3A_149 = arith.constant 0 : i32
      %dma_wait3A_150 = tpu.memref_slice %arg9[%run_scoped3A_42, %dma_wait3A_148, %dma_wait3A_149] : memref<2x64x128xf32, #tpu.memory_space<vmem>> -> memref<1x56x128xf32, #tpu.memory_space<vmem>>
      %dma_wait3A_151 = tpu.memref_squeeze %dma_wait3A_150 : memref<1x56x128xf32, #tpu.memory_space<vmem>> -> memref<56x128xf32, #tpu.memory_space<vmem>>
      tpu.wait_dma2 semaphore(%run_scoped3A_127 : memref<!tpu.dma_semaphore, #tpu.memory_space<semaphore_mem>>) src(%dma_wait3A_151 : memref<56x128xf32, #tpu.memory_space<vmem>>) dst(%dma_wait3A_147 : memref<56x128xf32, #tpu.memory_space<vmem_shared>>)
      tpu.yield
    }) : () -> ()
    %barrier3A = arith.constant 0 : index
    tpu.barrier barrier_id(%barrier3A)
    %add3A_43 = arith.constant 0 : i32
    %add3A_44 = arith.addi %add3A_4, %add3A_43 : i32
    %add3A_45 = arith.constant 0 : i32
    %add3A_46 = arith.addi %mul3A_6, %add3A_45 : i32
    %dma_start3A = arith.constant 0 : i32
    %dma_start3A_47 = arith.constant 0 : i32
    %dma_start3A_48 = tpu.memref_slice %arg8[%dma_start3A, %dma_start3A_47] : memref<2x64xi32, #tpu.memory_space<vmem>> -> memref<1x64xi32, #tpu.memory_space<vmem>>
    %dma_start3A_49 = tpu.memref_squeeze %dma_start3A_48 : memref<1x64xi32, #tpu.memory_space<vmem>> -> memref<64xi32, #tpu.memory_space<vmem>>
    %dma_start3A_50 = tpu.memref_slice %arg5[%add3A_44] : memref<320000xi32, #tpu.memory_space<hbm>> -> memref<64xi32, #tpu.memory_space<hbm>>
    %dma_start3A_51 = arith.constant 0 : i32
    %dma_start3A_52 = tpu.memref_slice %arg8[%dma_start3A, %dma_start3A_51] : memref<2x64xi32, #tpu.memory_space<vmem>> -> memref<1x64xi32, #tpu.memory_space<vmem>>
    %dma_start3A_53 = tpu.memref_squeeze %dma_start3A_52 : memref<1x64xi32, #tpu.memory_space<vmem>> -> memref<64xi32, #tpu.memory_space<vmem>>
    %dma_start3A_54 = tpu.memref_slice %arg5[%add3A_44] : memref<320000xi32, #tpu.memory_space<hbm>> -> memref<64xi32, #tpu.memory_space<hbm>>
    tpu.enqueue_dma source(%dma_start3A_54 : memref<64xi32, #tpu.memory_space<hbm>>) target(%dma_start3A_53 : memref<64xi32, #tpu.memory_space<vmem>>) target_semaphore(%arg15 : memref<!tpu.dma_semaphore, #tpu.memory_space<semaphore_mem>>)
    %dma_start3A_55 = arith.constant 0 : i32
    %dma_start3A_56 = arith.constant 0 : i32
    %dma_start3A_57 = arith.constant 0 : i32
    %dma_start3A_58 = tpu.memref_slice %arg9[%dma_start3A_55, %dma_start3A_56, %dma_start3A_57] : memref<2x64x128xf32, #tpu.memory_space<vmem>> -> memref<1x64x128xf32, #tpu.memory_space<vmem>>
    %dma_start3A_59 = tpu.memref_squeeze %dma_start3A_58 : memref<1x64x128xf32, #tpu.memory_space<vmem>> -> memref<64x128xf32, #tpu.memory_space<vmem>>
    %dma_start3A_60 = arith.constant 0 : i32
    %dma_start3A_61 = tpu.memref_slice %arg7[%dma_start3A_60] : memref<5000xi32, #tpu.memory_space<vmem>> -> memref<64xi32, #tpu.memory_space<vmem>>
    %dma_start3A_62 = arith.constant 0 : i32
    %dma_start3A_63 = arith.constant 0 : i32
    %dma_start3A_64 = tpu.memref_slice %arg2[%dma_start3A_62, %dma_start3A_63] : memref<10000x128xf32, #tpu.memory_space<hbm>> -> memref<10000x128xf32, #tpu.memory_space<hbm>>
    tpu.enqueue_indirect_dma source(%dma_start3A_64 : memref<10000x128xf32, #tpu.memory_space<hbm>>) target(%dma_start3A_59 : memref<64x128xf32, #tpu.memory_space<vmem>>) offsets(%dma_start3A_61 : memref<64xi32, #tpu.memory_space<vmem>>) semaphore(%arg15 : memref<!tpu.dma_semaphore, #tpu.memory_space<semaphore_mem>>)
    %dma_start3A_65 = arith.constant 0 : i32
    %dma_start3A_66 = arith.constant 0 : i32
    %dma_start3A_67 = arith.constant 0 : i32
    %dma_start3A_68 = tpu.memref_slice %arg10[%dma_start3A_65, %dma_start3A_66, %dma_start3A_67] : memref<2x64x128xf32, #tpu.memory_space<vmem>> -> memref<1x64x128xf32, #tpu.memory_space<vmem>>
    %dma_start3A_69 = tpu.memref_squeeze %dma_start3A_68 : memref<1x64x128xf32, #tpu.memory_space<vmem>> -> memref<64x128xf32, #tpu.memory_space<vmem>>
    %dma_start3A_70 = arith.constant 0 : i32
    %dma_start3A_71 = tpu.memref_slice %arg3[%add3A_46, %dma_start3A_70] : memref<160000x128xf32, #tpu.memory_space<hbm>> -> memref<64x128xf32, #tpu.memory_space<hbm>>
    %dma_start3A_72 = arith.constant 0 : i32
    %dma_start3A_73 = arith.constant 0 : i32
    %dma_start3A_74 = tpu.memref_slice %arg10[%dma_start3A_65, %dma_start3A_72, %dma_start3A_73] : memref<2x64x128xf32, #tpu.memory_space<vmem>> -> memref<1x64x128xf32, #tpu.memory_space<vmem>>
    %dma_start3A_75 = tpu.memref_squeeze %dma_start3A_74 : memref<1x64x128xf32, #tpu.memory_space<vmem>> -> memref<64x128xf32, #tpu.memory_space<vmem>>
    %dma_start3A_76 = arith.constant 0 : i32
    %dma_start3A_77 = tpu.memref_slice %arg3[%add3A_46, %dma_start3A_76] : memref<160000x128xf32, #tpu.memory_space<hbm>> -> memref<64x128xf32, #tpu.memory_space<hbm>>
    tpu.enqueue_dma source(%dma_start3A_77 : memref<64x128xf32, #tpu.memory_space<hbm>>) target(%dma_start3A_75 : memref<64x128xf32, #tpu.memory_space<vmem>>) target_semaphore(%arg15 : memref<!tpu.dma_semaphore, #tpu.memory_space<semaphore_mem>>)
    %scan3A_78 = arith.constant 0 : i32
    %scan3A_79 = arith.constant 0 : i32
    %scan3A_80 = arith.constant 39 : i32
    %scan3A_81 = arith.addi %scan3A_79, %scan3A_80 : i32
    %scan3A_82 = arith.constant 1 : i32
    scf.for %scan3A_127 = %scan3A_79 to %scan3A_81 step %scan3A_82  : i32 {
      %mul3A_128 = arith.constant 2 : i32
      %mul3A_129 = arith.muli %mul3A_128, %scan3A_127 : i32
      %gt3A = arith.constant 0 : i32
      %gt3A_130 = arith.cmpi sgt, %scan3A_127, %gt3A : i32
      %convert_element_type3A = arith.extui %gt3A_130 : i1 to i32
      %cond3A = arith.constant 0 : i32
      %cond3A_131 = arith.cmpi ne, %convert_element_type3A, %cond3A : i32
      scf.if %cond3A_131 {
        %dma_wait3A_293 = arith.constant 1 : i32
        %dma_wait3A_294 = arith.constant 0 : i32
        %dma_wait3A_295 = arith.constant 0 : i32
        %dma_wait3A_296 = tpu.memref_slice %arg9[%dma_wait3A_293, %dma_wait3A_294, %dma_wait3A_295] : memref<2x64x128xf32, #tpu.memory_space<vmem>> -> memref<1x64x128xf32, #tpu.memory_space<vmem>>
        %dma_wait3A_297 = tpu.memref_squeeze %dma_wait3A_296 : memref<1x64x128xf32, #tpu.memory_space<vmem>> -> memref<64x128xf32, #tpu.memory_space<vmem>>
        %dma_wait3A_298 = arith.constant 0 : i32
        %dma_wait3A_299 = arith.constant 0 : i32
        %dma_wait3A_300 = tpu.memref_slice %arg2[%dma_wait3A_298, %dma_wait3A_299] : memref<10000x128xf32, #tpu.memory_space<hbm>> -> memref<64x128xf32, #tpu.memory_space<hbm>>
        %dma_wait3A_301 = arith.constant 0 : i32
        %dma_wait3A_302 = arith.constant 0 : i32
        %dma_wait3A_303 = tpu.memref_slice %arg9[%dma_wait3A_293, %dma_wait3A_301, %dma_wait3A_302] : memref<2x64x128xf32, #tpu.memory_space<vmem>> -> memref<1x64x128xf32, #tpu.memory_space<vmem>>
        %dma_wait3A_304 = tpu.memref_squeeze %dma_wait3A_303 : memref<1x64x128xf32, #tpu.memory_space<vmem>> -> memref<64x128xf32, #tpu.memory_space<vmem>>
        %dma_wait3A_305 = arith.constant 0 : i32
        %dma_wait3A_306 = arith.constant 0 : i32
        %dma_wait3A_307 = tpu.memref_slice %arg2[%dma_wait3A_305, %dma_wait3A_306] : memref<10000x128xf32, #tpu.memory_space<hbm>> -> memref<64x128xf32, #tpu.memory_space<hbm>>
        tpu.wait_dma2 semaphore(%arg18 : memref<!tpu.dma_semaphore, #tpu.memory_space<semaphore_mem>>) src(%dma_wait3A_307 : memref<64x128xf32, #tpu.memory_space<hbm>>) dst(%dma_wait3A_304 : memref<64x128xf32, #tpu.memory_space<vmem>>)
      } else {
      }
      %add3A_132 = arith.constant 1 : i32
      %add3A_133 = arith.addi %mul3A_129, %add3A_132 : i32
      %mul3A_134 = arith.constant 64 : i32
      %mul3A_135 = arith.muli %add3A_133, %mul3A_134 : i32
      %add3A_136 = arith.addi %add3A_4, %mul3A_135 : i32
      %mul3A_137 = arith.constant 64 : i32
      %mul3A_138 = arith.muli %add3A_133, %mul3A_137 : i32
      %add3A_139 = arith.addi %mul3A_6, %mul3A_138 : i32
      %dma_start3A_140 = arith.constant 1 : i32
      %dma_start3A_141 = arith.constant 0 : i32
      %dma_start3A_142 = tpu.memref_slice %arg8[%dma_start3A_140, %dma_start3A_141] : memref<2x64xi32, #tpu.memory_space<vmem>> -> memref<1x64xi32, #tpu.memory_space<vmem>>
      %dma_start3A_143 = tpu.memref_squeeze %dma_start3A_142 : memref<1x64xi32, #tpu.memory_space<vmem>> -> memref<64xi32, #tpu.memory_space<vmem>>
      %dma_start3A_144 = tpu.memref_slice %arg5[%add3A_136] : memref<320000xi32, #tpu.memory_space<hbm>> -> memref<64xi32, #tpu.memory_space<hbm>>
      %dma_start3A_145 = arith.constant 0 : i32
      %dma_start3A_146 = tpu.memref_slice %arg8[%dma_start3A_140, %dma_start3A_145] : memref<2x64xi32, #tpu.memory_space<vmem>> -> memref<1x64xi32, #tpu.memory_space<vmem>>
      %dma_start3A_147 = tpu.memref_squeeze %dma_start3A_146 : memref<1x64xi32, #tpu.memory_space<vmem>> -> memref<64xi32, #tpu.memory_space<vmem>>
      %dma_start3A_148 = tpu.memref_slice %arg5[%add3A_136] : memref<320000xi32, #tpu.memory_space<hbm>> -> memref<64xi32, #tpu.memory_space<hbm>>
      tpu.enqueue_dma source(%dma_start3A_148 : memref<64xi32, #tpu.memory_space<hbm>>) target(%dma_start3A_147 : memref<64xi32, #tpu.memory_space<vmem>>) target_semaphore(%arg16 : memref<!tpu.dma_semaphore, #tpu.memory_space<semaphore_mem>>)
      %mul3A_149 = arith.constant 64 : i32
      %mul3A_150 = arith.muli %add3A_133, %mul3A_149 : i32
      %dma_start3A_151 = arith.constant 1 : i32
      %dma_start3A_152 = arith.constant 0 : i32
      %dma_start3A_153 = arith.constant 0 : i32
      %dma_start3A_154 = tpu.memref_slice %arg9[%dma_start3A_151, %dma_start3A_152, %dma_start3A_153] : memref<2x64x128xf32, #tpu.memory_space<vmem>> -> memref<1x64x128xf32, #tpu.memory_space<vmem>>
      %dma_start3A_155 = tpu.memref_squeeze %dma_start3A_154 : memref<1x64x128xf32, #tpu.memory_space<vmem>> -> memref<64x128xf32, #tpu.memory_space<vmem>>
      %dma_start3A_156 = tpu.memref_slice %arg7[%mul3A_150] : memref<5000xi32, #tpu.memory_space<vmem>> -> memref<64xi32, #tpu.memory_space<vmem>>
      %dma_start3A_157 = arith.constant 0 : i32
      %dma_start3A_158 = arith.constant 0 : i32
      %dma_start3A_159 = tpu.memref_slice %arg2[%dma_start3A_157, %dma_start3A_158] : memref<10000x128xf32, #tpu.memory_space<hbm>> -> memref<10000x128xf32, #tpu.memory_space<hbm>>
      tpu.enqueue_indirect_dma source(%dma_start3A_159 : memref<10000x128xf32, #tpu.memory_space<hbm>>) target(%dma_start3A_155 : memref<64x128xf32, #tpu.memory_space<vmem>>) offsets(%dma_start3A_156 : memref<64xi32, #tpu.memory_space<vmem>>) semaphore(%arg16 : memref<!tpu.dma_semaphore, #tpu.memory_space<semaphore_mem>>)
      %dma_start3A_160 = arith.constant 1 : i32
      %dma_start3A_161 = arith.constant 0 : i32
      %dma_start3A_162 = arith.constant 0 : i32
      %dma_start3A_163 = tpu.memref_slice %arg10[%dma_start3A_160, %dma_start3A_161, %dma_start3A_162] : memref<2x64x128xf32, #tpu.memory_space<vmem>> -> memref<1x64x128xf32, #tpu.memory_space<vmem>>
      %dma_start3A_164 = tpu.memref_squeeze %dma_start3A_163 : memref<1x64x128xf32, #tpu.memory_space<vmem>> -> memref<64x128xf32, #tpu.memory_space<vmem>>
      %dma_start3A_165 = arith.constant 0 : i32
      %dma_start3A_166 = tpu.memref_slice %arg3[%add3A_139, %dma_start3A_165] : memref<160000x128xf32, #tpu.memory_space<hbm>> -> memref<64x128xf32, #tpu.memory_space<hbm>>
      %dma_start3A_167 = arith.constant 0 : i32
      %dma_start3A_168 = arith.constant 0 : i32
      %dma_start3A_169 = tpu.memref_slice %arg10[%dma_start3A_160, %dma_start3A_167, %dma_start3A_168] : memref<2x64x128xf32, #tpu.memory_space<vmem>> -> memref<1x64x128xf32, #tpu.memory_space<vmem>>
      %dma_start3A_170 = tpu.memref_squeeze %dma_start3A_169 : memref<1x64x128xf32, #tpu.memory_space<vmem>> -> memref<64x128xf32, #tpu.memory_space<vmem>>
      %dma_start3A_171 = arith.constant 0 : i32
      %dma_start3A_172 = tpu.memref_slice %arg3[%add3A_139, %dma_start3A_171] : memref<160000x128xf32, #tpu.memory_space<hbm>> -> memref<64x128xf32, #tpu.memory_space<hbm>>
      tpu.enqueue_dma source(%dma_start3A_172 : memref<64x128xf32, #tpu.memory_space<hbm>>) target(%dma_start3A_170 : memref<64x128xf32, #tpu.memory_space<vmem>>) target_semaphore(%arg16 : memref<!tpu.dma_semaphore, #tpu.memory_space<semaphore_mem>>)
      %mul3A_173 = arith.constant 64 : i32
      %mul3A_174 = arith.muli %mul3A_129, %mul3A_173 : i32
      %add3A_175 = arith.addi %add3A_4, %mul3A_174 : i32
      %mul3A_176 = arith.constant 64 : i32
      %mul3A_177 = arith.muli %mul3A_129, %mul3A_176 : i32
      %add3A_178 = arith.addi %mul3A_6, %mul3A_177 : i32
      %dma_wait3A_179 = arith.constant 0 : i32
      %dma_wait3A_180 = arith.constant 0 : i32
      %dma_wait3A_181 = tpu.memref_slice %arg8[%dma_wait3A_179, %dma_wait3A_180] : memref<2x64xi32, #tpu.memory_space<vmem>> -> memref<1x64xi32, #tpu.memory_space<vmem>>
      %dma_wait3A_182 = tpu.memref_squeeze %dma_wait3A_181 : memref<1x64xi32, #tpu.memory_space<vmem>> -> memref<64xi32, #tpu.memory_space<vmem>>
      %dma_wait3A_183 = tpu.memref_slice %arg5[%add3A_175] : memref<320000xi32, #tpu.memory_space<hbm>> -> memref<64xi32, #tpu.memory_space<hbm>>
      %dma_wait3A_184 = arith.constant 0 : i32
      %dma_wait3A_185 = tpu.memref_slice %arg8[%dma_wait3A_179, %dma_wait3A_184] : memref<2x64xi32, #tpu.memory_space<vmem>> -> memref<1x64xi32, #tpu.memory_space<vmem>>
      %dma_wait3A_186 = tpu.memref_squeeze %dma_wait3A_185 : memref<1x64xi32, #tpu.memory_space<vmem>> -> memref<64xi32, #tpu.memory_space<vmem>>
      %dma_wait3A_187 = tpu.memref_slice %arg5[%add3A_175] : memref<320000xi32, #tpu.memory_space<hbm>> -> memref<64xi32, #tpu.memory_space<hbm>>
      tpu.wait_dma2 semaphore(%arg15 : memref<!tpu.dma_semaphore, #tpu.memory_space<semaphore_mem>>) src(%dma_wait3A_187 : memref<64xi32, #tpu.memory_space<hbm>>) dst(%dma_wait3A_186 : memref<64xi32, #tpu.memory_space<vmem>>)
      %mul3A_188 = arith.constant 64 : i32
      %mul3A_189 = arith.muli %mul3A_129, %mul3A_188 : i32
      %dma_wait3A_190 = arith.constant 0 : i32
      %dma_wait3A_191 = arith.constant 0 : i32
      %dma_wait3A_192 = arith.constant 0 : i32
      %dma_wait3A_193 = tpu.memref_slice %arg9[%dma_wait3A_190, %dma_wait3A_191, %dma_wait3A_192] : memref<2x64x128xf32, #tpu.memory_space<vmem>> -> memref<1x64x128xf32, #tpu.memory_space<vmem>>
      %dma_wait3A_194 = tpu.memref_squeeze %dma_wait3A_193 : memref<1x64x128xf32, #tpu.memory_space<vmem>> -> memref<64x128xf32, #tpu.memory_space<vmem>>
      %dma_wait3A_195 = tpu.memref_slice %arg7[%mul3A_189] : memref<5000xi32, #tpu.memory_space<vmem>> -> memref<64xi32, #tpu.memory_space<vmem>>
      %dma_wait3A_196 = arith.constant 0 : i32
      %dma_wait3A_197 = arith.constant 0 : i32
      %dma_wait3A_198 = tpu.memref_slice %arg2[%dma_wait3A_196, %dma_wait3A_197] : memref<10000x128xf32, #tpu.memory_space<hbm>> -> memref<10000x128xf32, #tpu.memory_space<hbm>>
      tpu.wait_indirect_dma semaphore(%arg15 : memref<!tpu.dma_semaphore, #tpu.memory_space<semaphore_mem>>) src(%dma_wait3A_198 : memref<10000x128xf32, #tpu.memory_space<hbm>>) dst(%dma_wait3A_194 : memref<64x128xf32, #tpu.memory_space<vmem>>)
      %dma_wait3A_199 = arith.constant 0 : i32
      %dma_wait3A_200 = arith.constant 0 : i32
      %dma_wait3A_201 = arith.constant 0 : i32
      %dma_wait3A_202 = tpu.memref_slice %arg10[%dma_wait3A_199, %dma_wait3A_200, %dma_wait3A_201] : memref<2x64x128xf32, #tpu.memory_space<vmem>> -> memref<1x64x128xf32, #tpu.memory_space<vmem>>
      %dma_wait3A_203 = tpu.memref_squeeze %dma_wait3A_202 : memref<1x64x128xf32, #tpu.memory_space<vmem>> -> memref<64x128xf32, #tpu.memory_space<vmem>>
      %dma_wait3A_204 = arith.constant 0 : i32
      %dma_wait3A_205 = tpu.memref_slice %arg3[%add3A_178, %dma_wait3A_204] : memref<160000x128xf32, #tpu.memory_space<hbm>> -> memref<64x128xf32, #tpu.memory_space<hbm>>
      %dma_wait3A_206 = arith.constant 0 : i32
      %dma_wait3A_207 = arith.constant 0 : i32
      %dma_wait3A_208 = tpu.memref_slice %arg10[%dma_wait3A_199, %dma_wait3A_206, %dma_wait3A_207] : memref<2x64x128xf32, #tpu.memory_space<vmem>> -> memref<1x64x128xf32, #tpu.memory_space<vmem>>
      %dma_wait3A_209 = tpu.memref_squeeze %dma_wait3A_208 : memref<1x64x128xf32, #tpu.memory_space<vmem>> -> memref<64x128xf32, #tpu.memory_space<vmem>>
      %dma_wait3A_210 = arith.constant 0 : i32
      %dma_wait3A_211 = tpu.memref_slice %arg3[%add3A_178, %dma_wait3A_210] : memref<160000x128xf32, #tpu.memory_space<hbm>> -> memref<64x128xf32, #tpu.memory_space<hbm>>
      tpu.wait_dma2 semaphore(%arg15 : memref<!tpu.dma_semaphore, #tpu.memory_space<semaphore_mem>>) src(%dma_wait3A_211 : memref<64x128xf32, #tpu.memory_space<hbm>>) dst(%dma_wait3A_209 : memref<64x128xf32, #tpu.memory_space<vmem>>)
      %scan3A_212 = arith.constant 0 : i32
      %scan3A_213 = arith.constant 0 : i32
      %scan3A_214 = arith.constant 32 : i32
      %scan3A_215 = arith.addi %scan3A_213, %scan3A_214 : i32
      %scan3A_216 = arith.constant 1 : i32
      scf.for %scan3A_293 = %scan3A_213 to %scan3A_215 step %scan3A_216  : i32 {
        %mul3A_294 = arith.constant 2 : i32
        %mul3A_295 = arith.muli %scan3A_293, %mul3A_294 : i32
        %add3A_296 = arith.constant 0 : i32
        %add3A_297 = arith.addi %mul3A_295, %add3A_296 : i32
        %get3A = arith.constant 0 : i32
        %get3A_298 = arith.index_cast %get3A : i32 to index
        %get3A_299 = arith.index_cast %add3A_297 : i32 to index
        %get3A_300 = arith.constant 0 : index
        %get3A_301 = tpu.vector_load %arg9[%get3A_298, %get3A_299, %get3A_300] {strides = array<i32>} : memref<2x64x128xf32, #tpu.memory_space<vmem>>, vector<1x1x16xf32>,
        %get3A_302 = vector.shape_cast %get3A_301 : vector<1x1x16xf32> to vector<16xf32>
        %get3A_303 = arith.constant 0 : i32
        %get3A_304 = arith.index_cast %get3A_303 : i32 to index
        %get3A_305 = arith.index_cast %add3A_297 : i32 to index
        %get3A_306 = arith.constant 0 : index
        %get3A_307 = tpu.vector_load %arg10[%get3A_304, %get3A_305, %get3A_306] {strides = array<i32>} : memref<2x64x128xf32, #tpu.memory_space<vmem>>, vector<1x1x16xf32>,
        %get3A_308 = vector.shape_cast %get3A_307 : vector<1x1x16xf32> to vector<16xf32>
        %mul3A_309 = arith.mulf %get3A_302, %get3A_308 : vector<16xf32>
        %swap3A = arith.constant 0 : i32
        %swap3A_310 = arith.index_cast %swap3A : i32 to index
        %swap3A_311 = arith.index_cast %add3A_297 : i32 to index
        %swap3A_312 = arith.constant 0 : index
        %swap3A_313 = tpu.vector_load %arg9[%swap3A_310, %swap3A_311, %swap3A_312] {strides = array<i32>} : memref<2x64x128xf32, #tpu.memory_space<vmem>>, vector<1x1x16xf32>,
        %swap3A_314 = vector.shape_cast %swap3A_313 : vector<1x1x16xf32> to vector<16xf32>
        %swap3A_315 = vector.shape_cast %mul3A_309 : vector<16xf32> to vector<1x1x16xf32>
        tpu.vector_store %arg9[%swap3A_310, %swap3A_311, %swap3A_312], %swap3A_315 {strides = array<i32>} : memref<2x64x128xf32, #tpu.memory_space<vmem>>, vector<1x1x16xf32>,
        %get3A_316 = arith.constant 0 : i32
        %get3A_317 = arith.index_cast %get3A_316 : i32 to index
        %get3A_318 = arith.index_cast %add3A_297 : i32 to index
        %get3A_319 = arith.constant 16 : index
        %get3A_320 = tpu.vector_load %arg9[%get3A_317, %get3A_318, %get3A_319] {strides = array<i32>} : memref<2x64x128xf32, #tpu.memory_space<vmem>>, vector<1x1x16xf32>,
        %get3A_321 = vector.shape_cast %get3A_320 : vector<1x1x16xf32> to vector<16xf32>
        %get3A_322 = arith.constant 0 : i32
        %get3A_323 = arith.index_cast %get3A_322 : i32 to index
        %get3A_324 = arith.index_cast %add3A_297 : i32 to index
        %get3A_325 = arith.constant 16 : index
        %get3A_326 = tpu.vector_load %arg10[%get3A_323, %get3A_324, %get3A_325] {strides = array<i32>} : memref<2x64x128xf32, #tpu.memory_space<vmem>>, vector<1x1x16xf32>,
        %get3A_327 = vector.shape_cast %get3A_326 : vector<1x1x16xf32> to vector<16xf32>
        %mul3A_328 = arith.mulf %get3A_321, %get3A_327 : vector<16xf32>
        %swap3A_329 = arith.constant 0 : i32
        %swap3A_330 = arith.index_cast %swap3A_329 : i32 to index
        %swap3A_331 = arith.index_cast %add3A_297 : i32 to index
        %swap3A_332 = arith.constant 16 : index
        %swap3A_333 = tpu.vector_load %arg9[%swap3A_330, %swap3A_331, %swap3A_332] {strides = array<i32>} : memref<2x64x128xf32, #tpu.memory_space<vmem>>, vector<1x1x16xf32>,
        %swap3A_334 = vector.shape_cast %swap3A_333 : vector<1x1x16xf32> to vector<16xf32>
        %swap3A_335 = vector.shape_cast %mul3A_328 : vector<16xf32> to vector<1x1x16xf32>
        tpu.vector_store %arg9[%swap3A_330, %swap3A_331, %swap3A_332], %swap3A_335 {strides = array<i32>} : memref<2x64x128xf32, #tpu.memory_space<vmem>>, vector<1x1x16xf32>,
        %get3A_336 = arith.constant 0 : i32
        %get3A_337 = arith.index_cast %get3A_336 : i32 to index
        %get3A_338 = arith.index_cast %add3A_297 : i32 to index
        %get3A_339 = arith.constant 32 : index
        %get3A_340 = tpu.vector_load %arg9[%get3A_337, %get3A_338, %get3A_339] {strides = array<i32>} : memref<2x64x128xf32, #tpu.memory_space<vmem>>, vector<1x1x16xf32>,
        %get3A_341 = vector.shape_cast %get3A_340 : vector<1x1x16xf32> to vector<16xf32>
        %get3A_342 = arith.constant 0 : i32
        %get3A_343 = arith.index_cast %get3A_342 : i32 to index
        %get3A_344 = arith.index_cast %add3A_297 : i32 to index
        %get3A_345 = arith.constant 32 : index
        %get3A_346 = tpu.vector_load %arg10[%get3A_343, %get3A_344, %get3A_345] {strides = array<i32>} : memref<2x64x128xf32, #tpu.memory_space<vmem>>, vector<1x1x16xf32>,
        %get3A_347 = vector.shape_cast %get3A_346 : vector<1x1x16xf32> to vector<16xf32>
        %mul3A_348 = arith.mulf %get3A_341, %get3A_347 : vector<16xf32>
        %swap3A_349 = arith.constant 0 : i32
        %swap3A_350 = arith.index_cast %swap3A_349 : i32 to index
        %swap3A_351 = arith.index_cast %add3A_297 : i32 to index
        %swap3A_352 = arith.constant 32 : index
        %swap3A_353 = tpu.vector_load %arg9[%swap3A_350, %swap3A_351, %swap3A_352] {strides = array<i32>} : memref<2x64x128xf32, #tpu.memory_space<vmem>>, vector<1x1x16xf32>,
        %swap3A_354 = vector.shape_cast %swap3A_353 : vector<1x1x16xf32> to vector<16xf32>
        %swap3A_355 = vector.shape_cast %mul3A_348 : vector<16xf32> to vector<1x1x16xf32>
        tpu.vector_store %arg9[%swap3A_350, %swap3A_351, %swap3A_352], %swap3A_355 {strides = array<i32>} : memref<2x64x128xf32, #tpu.memory_space<vmem>>, vector<1x1x16xf32>,
        %get3A_356 = arith.constant 0 : i32
        %get3A_357 = arith.index_cast %get3A_356 : i32 to index
        %get3A_358 = arith.index_cast %add3A_297 : i32 to index
        %get3A_359 = arith.constant 48 : index
        %get3A_360 = tpu.vector_load %arg9[%get3A_357, %get3A_358, %get3A_359] {strides = array<i32>} : memref<2x64x128xf32, #tpu.memory_space<vmem>>, vector<1x1x16xf32>,
        %get3A_361 = vector.shape_cast %get3A_360 : vector<1x1x16xf32> to vector<16xf32>
        %get3A_362 = arith.constant 0 : i32
        %get3A_363 = arith.index_cast %get3A_362 : i32 to index
        %get3A_364 = arith.index_cast %add3A_297 : i32 to index
        %get3A_365 = arith.constant 48 : index
        %get3A_366 = tpu.vector_load %arg10[%get3A_363, %get3A_364, %get3A_365] {strides = array<i32>} : memref<2x64x128xf32, #tpu.memory_space<vmem>>, vector<1x1x16xf32>,
        %get3A_367 = vector.shape_cast %get3A_366 : vector<1x1x16xf32> to vector<16xf32>
        %mul3A_368 = arith.mulf %get3A_361, %get3A_367 : vector<16xf32>
        %swap3A_369 = arith.constant 0 : i32
        %swap3A_370 = arith.index_cast %swap3A_369 : i32 to index
        %swap3A_371 = arith.index_cast %add3A_297 : i32 to index
        %swap3A_372 = arith.constant 48 : index
        %swap3A_373 = tpu.vector_load %arg9[%swap3A_370, %swap3A_371, %swap3A_372] {strides = array<i32>} : memref<2x64x128xf32, #tpu.memory_space<vmem>>, vector<1x1x16xf32>,
        %swap3A_374 = vector.shape_cast %swap3A_373 : vector<1x1x16xf32> to vector<16xf32>
        %swap3A_375 = vector.shape_cast %mul3A_368 : vector<16xf32> to vector<1x1x16xf32>
        tpu.vector_store %arg9[%swap3A_370, %swap3A_371, %swap3A_372], %swap3A_375 {strides = array<i32>} : memref<2x64x128xf32, #tpu.memory_space<vmem>>, vector<1x1x16xf32>,
        %get3A_376 = arith.constant 0 : i32
        %get3A_377 = arith.index_cast %get3A_376 : i32 to index
        %get3A_378 = arith.index_cast %add3A_297 : i32 to index
        %get3A_379 = arith.constant 64 : index
        %get3A_380 = tpu.vector_load %arg9[%get3A_377, %get3A_378, %get3A_379] {strides = array<i32>} : memref<2x64x128xf32, #tpu.memory_space<vmem>>, vector<1x1x16xf32>,
        %get3A_381 = vector.shape_cast %get3A_380 : vector<1x1x16xf32> to vector<16xf32>
        %get3A_382 = arith.constant 0 : i32
        %get3A_383 = arith.index_cast %get3A_382 : i32 to index
        %get3A_384 = arith.index_cast %add3A_297 : i32 to index
        %get3A_385 = arith.constant 64 : index
        %get3A_386 = tpu.vector_load %arg10[%get3A_383, %get3A_384, %get3A_385] {strides = array<i32>} : memref<2x64x128xf32, #tpu.memory_space<vmem>>, vector<1x1x16xf32>,
        %get3A_387 = vector.shape_cast %get3A_386 : vector<1x1x16xf32> to vector<16xf32>
        %mul3A_388 = arith.mulf %get3A_381, %get3A_387 : vector<16xf32>
        %swap3A_389 = arith.constant 0 : i32
        %swap3A_390 = arith.index_cast %swap3A_389 : i32 to index
        %swap3A_391 = arith.index_cast %add3A_297 : i32 to index
        %swap3A_392 = arith.constant 64 : index
        %swap3A_393 = tpu.vector_load %arg9[%swap3A_390, %swap3A_391, %swap3A_392] {strides = array<i32>} : memref<2x64x128xf32, #tpu.memory_space<vmem>>, vector<1x1x16xf32>,
        %swap3A_394 = vector.shape_cast %swap3A_393 : vector<1x1x16xf32> to vector<16xf32>
        %swap3A_395 = vector.shape_cast %mul3A_388 : vector<16xf32> to vector<1x1x16xf32>
        tpu.vector_store %arg9[%swap3A_390, %swap3A_391, %swap3A_392], %swap3A_395 {strides = array<i32>} : memref<2x64x128xf32, #tpu.memory_space<vmem>>, vector<1x1x16xf32>,
        %get3A_396 = arith.constant 0 : i32
        %get3A_397 = arith.index_cast %get3A_396 : i32 to index
        %get3A_398 = arith.index_cast %add3A_297 : i32 to index
        %get3A_399 = arith.constant 80 : index
        %get3A_400 = tpu.vector_load %arg9[%get3A_397, %get3A_398, %get3A_399] {strides = array<i32>} : memref<2x64x128xf32, #tpu.memory_space<vmem>>, vector<1x1x16xf32>,
        %get3A_401 = vector.shape_cast %get3A_400 : vector<1x1x16xf32> to vector<16xf32>
        %get3A_402 = arith.constant 0 : i32
        %get3A_403 = arith.index_cast %get3A_402 : i32 to index
        %get3A_404 = arith.index_cast %add3A_297 : i32 to index
        %get3A_405 = arith.constant 80 : index
        %get3A_406 = tpu.vector_load %arg10[%get3A_403, %get3A_404, %get3A_405] {strides = array<i32>} : memref<2x64x128xf32, #tpu.memory_space<vmem>>, vector<1x1x16xf32>,
        %get3A_407 = vector.shape_cast %get3A_406 : vector<1x1x16xf32> to vector<16xf32>
        %mul3A_408 = arith.mulf %get3A_401, %get3A_407 : vector<16xf32>
        %swap3A_409 = arith.constant 0 : i32
        %swap3A_410 = arith.index_cast %swap3A_409 : i32 to index
        %swap3A_411 = arith.index_cast %add3A_297 : i32 to index
        %swap3A_412 = arith.constant 80 : index
        %swap3A_413 = tpu.vector_load %arg9[%swap3A_410, %swap3A_411, %swap3A_412] {strides = array<i32>} : memref<2x64x128xf32, #tpu.memory_space<vmem>>, vector<1x1x16xf32>,
        %swap3A_414 = vector.shape_cast %swap3A_413 : vector<1x1x16xf32> to vector<16xf32>
        %swap3A_415 = vector.shape_cast %mul3A_408 : vector<16xf32> to vector<1x1x16xf32>
        tpu.vector_store %arg9[%swap3A_410, %swap3A_411, %swap3A_412], %swap3A_415 {strides = array<i32>} : memref<2x64x128xf32, #tpu.memory_space<vmem>>, vector<1x1x16xf32>,
        %get3A_416 = arith.constant 0 : i32
        %get3A_417 = arith.index_cast %get3A_416 : i32 to index
        %get3A_418 = arith.index_cast %add3A_297 : i32 to index
        %get3A_419 = arith.constant 96 : index
        %get3A_420 = tpu.vector_load %arg9[%get3A_417, %get3A_418, %get3A_419] {strides = array<i32>} : memref<2x64x128xf32, #tpu.memory_space<vmem>>, vector<1x1x16xf32>,
        %get3A_421 = vector.shape_cast %get3A_420 : vector<1x1x16xf32> to vector<16xf32>
        %get3A_422 = arith.constant 0 : i32
        %get3A_423 = arith.index_cast %get3A_422 : i32 to index
        %get3A_424 = arith.index_cast %add3A_297 : i32 to index
        %get3A_425 = arith.constant 96 : index
        %get3A_426 = tpu.vector_load %arg10[%get3A_423, %get3A_424, %get3A_425] {strides = array<i32>} : memref<2x64x128xf32, #tpu.memory_space<vmem>>, vector<1x1x16xf32>,
        %get3A_427 = vector.shape_cast %get3A_426 : vector<1x1x16xf32> to vector<16xf32>
        %mul3A_428 = arith.mulf %get3A_421, %get3A_427 : vector<16xf32>
        %swap3A_429 = arith.constant 0 : i32
        %swap3A_430 = arith.index_cast %swap3A_429 : i32 to index
        %swap3A_431 = arith.index_cast %add3A_297 : i32 to index
        %swap3A_432 = arith.constant 96 : index
        %swap3A_433 = tpu.vector_load %arg9[%swap3A_430, %swap3A_431, %swap3A_432] {strides = array<i32>} : memref<2x64x128xf32, #tpu.memory_space<vmem>>, vector<1x1x16xf32>,
        %swap3A_434 = vector.shape_cast %swap3A_433 : vector<1x1x16xf32> to vector<16xf32>
        %swap3A_435 = vector.shape_cast %mul3A_428 : vector<16xf32> to vector<1x1x16xf32>
        tpu.vector_store %arg9[%swap3A_430, %swap3A_431, %swap3A_432], %swap3A_435 {strides = array<i32>} : memref<2x64x128xf32, #tpu.memory_space<vmem>>, vector<1x1x16xf32>,
        %get3A_436 = arith.constant 0 : i32
        %get3A_437 = arith.index_cast %get3A_436 : i32 to index
        %get3A_438 = arith.index_cast %add3A_297 : i32 to index
        %get3A_439 = arith.constant 112 : index
        %get3A_440 = tpu.vector_load %arg9[%get3A_437, %get3A_438, %get3A_439] {strides = array<i32>} : memref<2x64x128xf32, #tpu.memory_space<vmem>>, vector<1x1x16xf32>,
        %get3A_441 = vector.shape_cast %get3A_440 : vector<1x1x16xf32> to vector<16xf32>
        %get3A_442 = arith.constant 0 : i32
        %get3A_443 = arith.index_cast %get3A_442 : i32 to index
        %get3A_444 = arith.index_cast %add3A_297 : i32 to index
        %get3A_445 = arith.constant 112 : index
        %get3A_446 = tpu.vector_load %arg10[%get3A_443, %get3A_444, %get3A_445] {strides = array<i32>} : memref<2x64x128xf32, #tpu.memory_space<vmem>>, vector<1x1x16xf32>,
        %get3A_447 = vector.shape_cast %get3A_446 : vector<1x1x16xf32> to vector<16xf32>
        %mul3A_448 = arith.mulf %get3A_441, %get3A_447 : vector<16xf32>
        %swap3A_449 = arith.constant 0 : i32
        %swap3A_450 = arith.index_cast %swap3A_449 : i32 to index
        %swap3A_451 = arith.index_cast %add3A_297 : i32 to index
        %swap3A_452 = arith.constant 112 : index
        %swap3A_453 = tpu.vector_load %arg9[%swap3A_450, %swap3A_451, %swap3A_452] {strides = array<i32>} : memref<2x64x128xf32, #tpu.memory_space<vmem>>, vector<1x1x16xf32>,
        %swap3A_454 = vector.shape_cast %swap3A_453 : vector<1x1x16xf32> to vector<16xf32>
        %swap3A_455 = vector.shape_cast %mul3A_448 : vector<16xf32> to vector<1x1x16xf32>
        tpu.vector_store %arg9[%swap3A_450, %swap3A_451, %swap3A_452], %swap3A_455 {strides = array<i32>} : memref<2x64x128xf32, #tpu.memory_space<vmem>>, vector<1x1x16xf32>,
        %add3A_456 = arith.constant 1 : i32
        %add3A_457 = arith.addi %mul3A_295, %add3A_456 : i32
        %get3A_458 = arith.constant 0 : i32
        %get3A_459 = arith.index_cast %get3A_458 : i32 to index
        %get3A_460 = arith.index_cast %add3A_457 : i32 to index
        %get3A_461 = arith.constant 0 : index
        %get3A_462 = tpu.vector_load %arg9[%get3A_459, %get3A_460, %get3A_461] {strides = array<i32>} : memref<2x64x128xf32, #tpu.memory_space<vmem>>, vector<1x1x16xf32>,
        %get3A_463 = vector.shape_cast %get3A_462 : vector<1x1x16xf32> to vector<16xf32>
        %get3A_464 = arith.constant 0 : i32
        %get3A_465 = arith.index_cast %get3A_464 : i32 to index
        %get3A_466 = arith.index_cast %add3A_457 : i32 to index
        %get3A_467 = arith.constant 0 : index
        %get3A_468 = tpu.vector_load %arg10[%get3A_465, %get3A_466, %get3A_467] {strides = array<i32>} : memref<2x64x128xf32, #tpu.memory_space<vmem>>, vector<1x1x16xf32>,
        %get3A_469 = vector.shape_cast %get3A_468 : vector<1x1x16xf32> to vector<16xf32>
        %mul3A_470 = arith.mulf %get3A_463, %get3A_469 : vector<16xf32>
        %swap3A_471 = arith.constant 0 : i32
        %swap3A_472 = arith.index_cast %swap3A_471 : i32 to index
        %swap3A_473 = arith.index_cast %add3A_457 : i32 to index
        %swap3A_474 = arith.constant 0 : index
        %swap3A_475 = tpu.vector_load %arg9[%swap3A_472, %swap3A_473, %swap3A_474] {strides = array<i32>} : memref<2x64x128xf32, #tpu.memory_space<vmem>>, vector<1x1x16xf32>,
        %swap3A_476 = vector.shape_cast %swap3A_475 : vector<1x1x16xf32> to vector<16xf32>
        %swap3A_477 = vector.shape_cast %mul3A_470 : vector<16xf32> to vector<1x1x16xf32>
        tpu.vector_store %arg9[%swap3A_472, %swap3A_473, %swap3A_474], %swap3A_477 {strides = array<i32>} : memref<2x64x128xf32, #tpu.memory_space<vmem>>, vector<1x1x16xf32>,
        %get3A_478 = arith.constant 0 : i32
        %get3A_479 = arith.index_cast %get3A_478 : i32 to index
        %get3A_480 = arith.index_cast %add3A_457 : i32 to index
        %get3A_481 = arith.constant 16 : index
        %get3A_482 = tpu.vector_load %arg9[%get3A_479, %get3A_480, %get3A_481] {strides = array<i32>} : memref<2x64x128xf32, #tpu.memory_space<vmem>>, vector<1x1x16xf32>,
        %get3A_483 = vector.shape_cast %get3A_482 : vector<1x1x16xf32> to vector<16xf32>
        %get3A_484 = arith.constant 0 : i32
        %get3A_485 = arith.index_cast %get3A_484 : i32 to index
        %get3A_486 = arith.index_cast %add3A_457 : i32 to index
        %get3A_487 = arith.constant 16 : index
        %get3A_488 = tpu.vector_load %arg10[%get3A_485, %get3A_486, %get3A_487] {strides = array<i32>} : memref<2x64x128xf32, #tpu.memory_space<vmem>>, vector<1x1x16xf32>,
        %get3A_489 = vector.shape_cast %get3A_488 : vector<1x1x16xf32> to vector<16xf32>
        %mul3A_490 = arith.mulf %get3A_483, %get3A_489 : vector<16xf32>
        %swap3A_491 = arith.constant 0 : i32
        %swap3A_492 = arith.index_cast %swap3A_491 : i32 to index
        %swap3A_493 = arith.index_cast %add3A_457 : i32 to index
        %swap3A_494 = arith.constant 16 : index
        %swap3A_495 = tpu.vector_load %arg9[%swap3A_492, %swap3A_493, %swap3A_494] {strides = array<i32>} : memref<2x64x128xf32, #tpu.memory_space<vmem>>, vector<1x1x16xf32>,
        %swap3A_496 = vector.shape_cast %swap3A_495 : vector<1x1x16xf32> to vector<16xf32>
        %swap3A_497 = vector.shape_cast %mul3A_490 : vector<16xf32> to vector<1x1x16xf32>
        tpu.vector_store %arg9[%swap3A_492, %swap3A_493, %swap3A_494], %swap3A_497 {strides = array<i32>} : memref<2x64x128xf32, #tpu.memory_space<vmem>>, vector<1x1x16xf32>,
        %get3A_498 = arith.constant 0 : i32
        %get3A_499 = arith.index_cast %get3A_498 : i32 to index
        %get3A_500 = arith.index_cast %add3A_457 : i32 to index
        %get3A_501 = arith.constant 32 : index
        %get3A_502 = tpu.vector_load %arg9[%get3A_499, %get3A_500, %get3A_501] {strides = array<i32>} : memref<2x64x128xf32, #tpu.memory_space<vmem>>, vector<1x1x16xf32>,
        %get3A_503 = vector.shape_cast %get3A_502 : vector<1x1x16xf32> to vector<16xf32>
        %get3A_504 = arith.constant 0 : i32
        %get3A_505 = arith.index_cast %get3A_504 : i32 to index
        %get3A_506 = arith.index_cast %add3A_457 : i32 to index
        %get3A_507 = arith.constant 32 : index
        %get3A_508 = tpu.vector_load %arg10[%get3A_505, %get3A_506, %get3A_507] {strides = array<i32>} : memref<2x64x128xf32, #tpu.memory_space<vmem>>, vector<1x1x16xf32>,
        %get3A_509 = vector.shape_cast %get3A_508 : vector<1x1x16xf32> to vector<16xf32>
        %mul3A_510 = arith.mulf %get3A_503, %get3A_509 : vector<16xf32>
        %swap3A_511 = arith.constant 0 : i32
        %swap3A_512 = arith.index_cast %swap3A_511 : i32 to index
        %swap3A_513 = arith.index_cast %add3A_457 : i32 to index
        %swap3A_514 = arith.constant 32 : index
        %swap3A_515 = tpu.vector_load %arg9[%swap3A_512, %swap3A_513, %swap3A_514] {strides = array<i32>} : memref<2x64x128xf32, #tpu.memory_space<vmem>>, vector<1x1x16xf32>,
        %swap3A_516 = vector.shape_cast %swap3A_515 : vector<1x1x16xf32> to vector<16xf32>
        %swap3A_517 = vector.shape_cast %mul3A_510 : vector<16xf32> to vector<1x1x16xf32>
        tpu.vector_store %arg9[%swap3A_512, %swap3A_513, %swap3A_514], %swap3A_517 {strides = array<i32>} : memref<2x64x128xf32, #tpu.memory_space<vmem>>, vector<1x1x16xf32>,
        %get3A_518 = arith.constant 0 : i32
        %get3A_519 = arith.index_cast %get3A_518 : i32 to index
        %get3A_520 = arith.index_cast %add3A_457 : i32 to index
        %get3A_521 = arith.constant 48 : index
        %get3A_522 = tpu.vector_load %arg9[%get3A_519, %get3A_520, %get3A_521] {strides = array<i32>} : memref<2x64x128xf32, #tpu.memory_space<vmem>>, vector<1x1x16xf32>,
        %get3A_523 = vector.shape_cast %get3A_522 : vector<1x1x16xf32> to vector<16xf32>
        %get3A_524 = arith.constant 0 : i32
        %get3A_525 = arith.index_cast %get3A_524 : i32 to index
        %get3A_526 = arith.index_cast %add3A_457 : i32 to index
        %get3A_527 = arith.constant 48 : index
        %get3A_528 = tpu.vector_load %arg10[%get3A_525, %get3A_526, %get3A_527] {strides = array<i32>} : memref<2x64x128xf32, #tpu.memory_space<vmem>>, vector<1x1x16xf32>,
        %get3A_529 = vector.shape_cast %get3A_528 : vector<1x1x16xf32> to vector<16xf32>
        %mul3A_530 = arith.mulf %get3A_523, %get3A_529 : vector<16xf32>
        %swap3A_531 = arith.constant 0 : i32
        %swap3A_532 = arith.index_cast %swap3A_531 : i32 to index
        %swap3A_533 = arith.index_cast %add3A_457 : i32 to index
        %swap3A_534 = arith.constant 48 : index
        %swap3A_535 = tpu.vector_load %arg9[%swap3A_532, %swap3A_533, %swap3A_534] {strides = array<i32>} : memref<2x64x128xf32, #tpu.memory_space<vmem>>, vector<1x1x16xf32>,
        %swap3A_536 = vector.shape_cast %swap3A_535 : vector<1x1x16xf32> to vector<16xf32>
        %swap3A_537 = vector.shape_cast %mul3A_530 : vector<16xf32> to vector<1x1x16xf32>
        tpu.vector_store %arg9[%swap3A_532, %swap3A_533, %swap3A_534], %swap3A_537 {strides = array<i32>} : memref<2x64x128xf32, #tpu.memory_space<vmem>>, vector<1x1x16xf32>,
        %get3A_538 = arith.constant 0 : i32
        %get3A_539 = arith.index_cast %get3A_538 : i32 to index
        %get3A_540 = arith.index_cast %add3A_457 : i32 to index
        %get3A_541 = arith.constant 64 : index
        %get3A_542 = tpu.vector_load %arg9[%get3A_539, %get3A_540, %get3A_541] {strides = array<i32>} : memref<2x64x128xf32, #tpu.memory_space<vmem>>, vector<1x1x16xf32>,
        %get3A_543 = vector.shape_cast %get3A_542 : vector<1x1x16xf32> to vector<16xf32>
        %get3A_544 = arith.constant 0 : i32
        %get3A_545 = arith.index_cast %get3A_544 : i32 to index
        %get3A_546 = arith.index_cast %add3A_457 : i32 to index
        %get3A_547 = arith.constant 64 : index
        %get3A_548 = tpu.vector_load %arg10[%get3A_545, %get3A_546, %get3A_547] {strides = array<i32>} : memref<2x64x128xf32, #tpu.memory_space<vmem>>, vector<1x1x16xf32>,
        %get3A_549 = vector.shape_cast %get3A_548 : vector<1x1x16xf32> to vector<16xf32>
        %mul3A_550 = arith.mulf %get3A_543, %get3A_549 : vector<16xf32>
        %swap3A_551 = arith.constant 0 : i32
        %swap3A_552 = arith.index_cast %swap3A_551 : i32 to index
        %swap3A_553 = arith.index_cast %add3A_457 : i32 to index
        %swap3A_554 = arith.constant 64 : index
        %swap3A_555 = tpu.vector_load %arg9[%swap3A_552, %swap3A_553, %swap3A_554] {strides = array<i32>} : memref<2x64x128xf32, #tpu.memory_space<vmem>>, vector<1x1x16xf32>,
        %swap3A_556 = vector.shape_cast %swap3A_555 : vector<1x1x16xf32> to vector<16xf32>
        %swap3A_557 = vector.shape_cast %mul3A_550 : vector<16xf32> to vector<1x1x16xf32>
        tpu.vector_store %arg9[%swap3A_552, %swap3A_553, %swap3A_554], %swap3A_557 {strides = array<i32>} : memref<2x64x128xf32, #tpu.memory_space<vmem>>, vector<1x1x16xf32>,
        %get3A_558 = arith.constant 0 : i32
        %get3A_559 = arith.index_cast %get3A_558 : i32 to index
        %get3A_560 = arith.index_cast %add3A_457 : i32 to index
        %get3A_561 = arith.constant 80 : index
        %get3A_562 = tpu.vector_load %arg9[%get3A_559, %get3A_560, %get3A_561] {strides = array<i32>} : memref<2x64x128xf32, #tpu.memory_space<vmem>>, vector<1x1x16xf32>,
        %get3A_563 = vector.shape_cast %get3A_562 : vector<1x1x16xf32> to vector<16xf32>
        %get3A_564 = arith.constant 0 : i32
        %get3A_565 = arith.index_cast %get3A_564 : i32 to index
        %get3A_566 = arith.index_cast %add3A_457 : i32 to index
        %get3A_567 = arith.constant 80 : index
        %get3A_568 = tpu.vector_load %arg10[%get3A_565, %get3A_566, %get3A_567] {strides = array<i32>} : memref<2x64x128xf32, #tpu.memory_space<vmem>>, vector<1x1x16xf32>,
        %get3A_569 = vector.shape_cast %get3A_568 : vector<1x1x16xf32> to vector<16xf32>
        %mul3A_570 = arith.mulf %get3A_563, %get3A_569 : vector<16xf32>
        %swap3A_571 = arith.constant 0 : i32
        %swap3A_572 = arith.index_cast %swap3A_571 : i32 to index
        %swap3A_573 = arith.index_cast %add3A_457 : i32 to index
        %swap3A_574 = arith.constant 80 : index
        %swap3A_575 = tpu.vector_load %arg9[%swap3A_572, %swap3A_573, %swap3A_574] {strides = array<i32>} : memref<2x64x128xf32, #tpu.memory_space<vmem>>, vector<1x1x16xf32>,
        %swap3A_576 = vector.shape_cast %swap3A_575 : vector<1x1x16xf32> to vector<16xf32>
        %swap3A_577 = vector.shape_cast %mul3A_570 : vector<16xf32> to vector<1x1x16xf32>
        tpu.vector_store %arg9[%swap3A_572, %swap3A_573, %swap3A_574], %swap3A_577 {strides = array<i32>} : memref<2x64x128xf32, #tpu.memory_space<vmem>>, vector<1x1x16xf32>,
        %get3A_578 = arith.constant 0 : i32
        %get3A_579 = arith.index_cast %get3A_578 : i32 to index
        %get3A_580 = arith.index_cast %add3A_457 : i32 to index
        %get3A_581 = arith.constant 96 : index
        %get3A_582 = tpu.vector_load %arg9[%get3A_579, %get3A_580, %get3A_581] {strides = array<i32>} : memref<2x64x128xf32, #tpu.memory_space<vmem>>, vector<1x1x16xf32>,
        %get3A_583 = vector.shape_cast %get3A_582 : vector<1x1x16xf32> to vector<16xf32>
        %get3A_584 = arith.constant 0 : i32
        %get3A_585 = arith.index_cast %get3A_584 : i32 to index
        %get3A_586 = arith.index_cast %add3A_457 : i32 to index
        %get3A_587 = arith.constant 96 : index
        %get3A_588 = tpu.vector_load %arg10[%get3A_585, %get3A_586, %get3A_587] {strides = array<i32>} : memref<2x64x128xf32, #tpu.memory_space<vmem>>, vector<1x1x16xf32>,
        %get3A_589 = vector.shape_cast %get3A_588 : vector<1x1x16xf32> to vector<16xf32>
        %mul3A_590 = arith.mulf %get3A_583, %get3A_589 : vector<16xf32>
        %swap3A_591 = arith.constant 0 : i32
        %swap3A_592 = arith.index_cast %swap3A_591 : i32 to index
        %swap3A_593 = arith.index_cast %add3A_457 : i32 to index
        %swap3A_594 = arith.constant 96 : index
        %swap3A_595 = tpu.vector_load %arg9[%swap3A_592, %swap3A_593, %swap3A_594] {strides = array<i32>} : memref<2x64x128xf32, #tpu.memory_space<vmem>>, vector<1x1x16xf32>,
        %swap3A_596 = vector.shape_cast %swap3A_595 : vector<1x1x16xf32> to vector<16xf32>
        %swap3A_597 = vector.shape_cast %mul3A_590 : vector<16xf32> to vector<1x1x16xf32>
        tpu.vector_store %arg9[%swap3A_592, %swap3A_593, %swap3A_594], %swap3A_597 {strides = array<i32>} : memref<2x64x128xf32, #tpu.memory_space<vmem>>, vector<1x1x16xf32>,
        %get3A_598 = arith.constant 0 : i32
        %get3A_599 = arith.index_cast %get3A_598 : i32 to index
        %get3A_600 = arith.index_cast %add3A_457 : i32 to index
        %get3A_601 = arith.constant 112 : index
        %get3A_602 = tpu.vector_load %arg9[%get3A_599, %get3A_600, %get3A_601] {strides = array<i32>} : memref<2x64x128xf32, #tpu.memory_space<vmem>>, vector<1x1x16xf32>,
        %get3A_603 = vector.shape_cast %get3A_602 : vector<1x1x16xf32> to vector<16xf32>
        %get3A_604 = arith.constant 0 : i32
        %get3A_605 = arith.index_cast %get3A_604 : i32 to index
        %get3A_606 = arith.index_cast %add3A_457 : i32 to index
        %get3A_607 = arith.constant 112 : index
        %get3A_608 = tpu.vector_load %arg10[%get3A_605, %get3A_606, %get3A_607] {strides = array<i32>} : memref<2x64x128xf32, #tpu.memory_space<vmem>>, vector<1x1x16xf32>,
        %get3A_609 = vector.shape_cast %get3A_608 : vector<1x1x16xf32> to vector<16xf32>
        %mul3A_610 = arith.mulf %get3A_603, %get3A_609 : vector<16xf32>
        %swap3A_611 = arith.constant 0 : i32
        %swap3A_612 = arith.index_cast %swap3A_611 : i32 to index
        %swap3A_613 = arith.index_cast %add3A_457 : i32 to index
        %swap3A_614 = arith.constant 112 : index
        %swap3A_615 = tpu.vector_load %arg9[%swap3A_612, %swap3A_613, %swap3A_614] {strides = array<i32>} : memref<2x64x128xf32, #tpu.memory_space<vmem>>, vector<1x1x16xf32>,
        %swap3A_616 = vector.shape_cast %swap3A_615 : vector<1x1x16xf32> to vector<16xf32>
        %swap3A_617 = vector.shape_cast %mul3A_610 : vector<16xf32> to vector<1x1x16xf32>
        tpu.vector_store %arg9[%swap3A_612, %swap3A_613, %swap3A_614], %swap3A_617 {strides = array<i32>} : memref<2x64x128xf32, #tpu.memory_space<vmem>>, vector<1x1x16xf32>,
      }
      %scan3A_217 = arith.constant 32 : i32
      %dma_start3A_218 = arith.constant 0 : i32
      %dma_start3A_219 = arith.constant 0 : i32
      %dma_start3A_220 = arith.constant 0 : i32
      %dma_start3A_221 = arith.constant 0 : i32
      %dma_start3A_222 = tpu.memref_slice %arg9[%dma_start3A_218, %dma_start3A_220, %dma_start3A_221] : memref<2x64x128xf32, #tpu.memory_space<vmem>> -> memref<1x64x128xf32, #tpu.memory_space<vmem>>
      %dma_start3A_223 = tpu.memref_squeeze %dma_start3A_222 : memref<1x64x128xf32, #tpu.memory_space<vmem>> -> memref<64x128xf32, #tpu.memory_space<vmem>>
      %dma_start3A_224 = arith.constant 0 : i32
      %dma_start3A_225 = tpu.memref_slice %arg8[%dma_start3A_219, %dma_start3A_224] : memref<2x64xi32, #tpu.memory_space<vmem>> -> memref<1x64xi32, #tpu.memory_space<vmem>>
      %dma_start3A_226 = tpu.memref_squeeze %dma_start3A_225 : memref<1x64xi32, #tpu.memory_space<vmem>> -> memref<64xi32, #tpu.memory_space<vmem>>
      %dma_start3A_227 = arith.constant 0 : i32
      %dma_start3A_228 = arith.constant 0 : i32
      %dma_start3A_229 = tpu.memref_slice %arg14[%dma_start3A_227, %dma_start3A_228] : memref<10112x128xf32, #tpu.memory_space<vmem_shared>> -> memref<10112x128xf32, #tpu.memory_space<vmem_shared>>
      tpu.enqueue_indirect_dma source(%dma_start3A_223 : memref<64x128xf32, #tpu.memory_space<vmem>>) target(%dma_start3A_229 : memref<10112x128xf32, #tpu.memory_space<vmem_shared>>) offsets(%dma_start3A_226 : memref<64xi32, #tpu.memory_space<vmem>>) semaphore(%arg17 : memref<!tpu.dma_semaphore, #tpu.memory_space<semaphore_mem>>) {add = true}
      %lt3A = arith.constant 38 : i32
      %lt3A_230 = arith.cmpi slt, %scan3A_127, %lt3A : i32
      %convert_element_type3A_231 = arith.extui %lt3A_230 : i1 to i32
      %cond3A_232 = arith.constant 0 : i32
      %cond3A_233 = arith.cmpi ne, %convert_element_type3A_231, %cond3A_232 : i32
      scf.if %cond3A_233 {
        %dma_wait3A_293 = arith.constant 0 : i32
        %dma_wait3A_294 = arith.constant 0 : i32
        %dma_wait3A_295 = arith.constant 0 : i32
        %dma_wait3A_296 = tpu.memref_slice %arg9[%dma_wait3A_293, %dma_wait3A_294, %dma_wait3A_295] : memref<2x64x128xf32, #tpu.memory_space<vmem>> -> memref<1x64x128xf32, #tpu.memory_space<vmem>>
        %dma_wait3A_297 = tpu.memref_squeeze %dma_wait3A_296 : memref<1x64x128xf32, #tpu.memory_space<vmem>> -> memref<64x128xf32, #tpu.memory_space<vmem>>
        %dma_wait3A_298 = arith.constant 0 : i32
        %dma_wait3A_299 = arith.constant 0 : i32
        %dma_wait3A_300 = tpu.memref_slice %arg2[%dma_wait3A_298, %dma_wait3A_299] : memref<10000x128xf32, #tpu.memory_space<hbm>> -> memref<64x128xf32, #tpu.memory_space<hbm>>
        %dma_wait3A_301 = arith.constant 0 : i32
        %dma_wait3A_302 = arith.constant 0 : i32
        %dma_wait3A_303 = tpu.memref_slice %arg9[%dma_wait3A_293, %dma_wait3A_301, %dma_wait3A_302] : memref<2x64x128xf32, #tpu.memory_space<vmem>> -> memref<1x64x128xf32, #tpu.memory_space<vmem>>
        %dma_wait3A_304 = tpu.memref_squeeze %dma_wait3A_303 : memref<1x64x128xf32, #tpu.memory_space<vmem>> -> memref<64x128xf32, #tpu.memory_space<vmem>>
        %dma_wait3A_305 = arith.constant 0 : i32
        %dma_wait3A_306 = arith.constant 0 : i32
        %dma_wait3A_307 = tpu.memref_slice %arg2[%dma_wait3A_305, %dma_wait3A_306] : memref<10000x128xf32, #tpu.memory_space<hbm>> -> memref<64x128xf32, #tpu.memory_space<hbm>>
        tpu.wait_dma2 semaphore(%arg17 : memref<!tpu.dma_semaphore, #tpu.memory_space<semaphore_mem>>) src(%dma_wait3A_307 : memref<64x128xf32, #tpu.memory_space<hbm>>) dst(%dma_wait3A_304 : memref<64x128xf32, #tpu.memory_space<vmem>>)
        %add3A_308 = arith.constant 2 : i32
        %add3A_309 = arith.addi %mul3A_129, %add3A_308 : i32
        %mul3A_310 = arith.constant 64 : i32
        %mul3A_311 = arith.muli %add3A_309, %mul3A_310 : i32
        %add3A_312 = arith.addi %add3A_4, %mul3A_311 : i32
        %mul3A_313 = arith.constant 64 : i32
        %mul3A_314 = arith.muli %add3A_309, %mul3A_313 : i32
        %add3A_315 = arith.addi %mul3A_6, %mul3A_314 : i32
        %dma_start3A_316 = arith.constant 0 : i32
        %dma_start3A_317 = arith.constant 0 : i32
        %dma_start3A_318 = tpu.memref_slice %arg8[%dma_start3A_316, %dma_start3A_317] : memref<2x64xi32, #tpu.memory_space<vmem>> -> memref<1x64xi32, #tpu.memory_space<vmem>>
        %dma_start3A_319 = tpu.memref_squeeze %dma_start3A_318 : memref<1x64xi32, #tpu.memory_space<vmem>> -> memref<64xi32, #tpu.memory_space<vmem>>
        %dma_start3A_320 = tpu.memref_slice %arg5[%add3A_312] : memref<320000xi32, #tpu.memory_space<hbm>> -> memref<64xi32, #tpu.memory_space<hbm>>
        %dma_start3A_321 = arith.constant 0 : i32
        %dma_start3A_322 = tpu.memref_slice %arg8[%dma_start3A_316, %dma_start3A_321] : memref<2x64xi32, #tpu.memory_space<vmem>> -> memref<1x64xi32, #tpu.memory_space<vmem>>
        %dma_start3A_323 = tpu.memref_squeeze %dma_start3A_322 : memref<1x64xi32, #tpu.memory_space<vmem>> -> memref<64xi32, #tpu.memory_space<vmem>>
        %dma_start3A_324 = tpu.memref_slice %arg5[%add3A_312] : memref<320000xi32, #tpu.memory_space<hbm>> -> memref<64xi32, #tpu.memory_space<hbm>>
        tpu.enqueue_dma source(%dma_start3A_324 : memref<64xi32, #tpu.memory_space<hbm>>) target(%dma_start3A_323 : memref<64xi32, #tpu.memory_space<vmem>>) target_semaphore(%arg15 : memref<!tpu.dma_semaphore, #tpu.memory_space<semaphore_mem>>)
        %mul3A_325 = arith.constant 64 : i32
        %mul3A_326 = arith.muli %add3A_309, %mul3A_325 : i32
        %dma_start3A_327 = arith.constant 0 : i32
        %dma_start3A_328 = arith.constant 0 : i32
        %dma_start3A_329 = arith.constant 0 : i32
        %dma_start3A_330 = tpu.memref_slice %arg9[%dma_start3A_327, %dma_start3A_328, %dma_start3A_329] : memref<2x64x128xf32, #tpu.memory_space<vmem>> -> memref<1x64x128xf32, #tpu.memory_space<vmem>>
        %dma_start3A_331 = tpu.memref_squeeze %dma_start3A_330 : memref<1x64x128xf32, #tpu.memory_space<vmem>> -> memref<64x128xf32, #tpu.memory_space<vmem>>
        %dma_start3A_332 = tpu.memref_slice %arg7[%mul3A_326] : memref<5000xi32, #tpu.memory_space<vmem>> -> memref<64xi32, #tpu.memory_space<vmem>>
        %dma_start3A_333 = arith.constant 0 : i32
        %dma_start3A_334 = arith.constant 0 : i32
        %dma_start3A_335 = tpu.memref_slice %arg2[%dma_start3A_333, %dma_start3A_334] : memref<10000x128xf32, #tpu.memory_space<hbm>> -> memref<10000x128xf32, #tpu.memory_space<hbm>>
        tpu.enqueue_indirect_dma source(%dma_start3A_335 : memref<10000x128xf32, #tpu.memory_space<hbm>>) target(%dma_start3A_331 : memref<64x128xf32, #tpu.memory_space<vmem>>) offsets(%dma_start3A_332 : memref<64xi32, #tpu.memory_space<vmem>>) semaphore(%arg15 : memref<!tpu.dma_semaphore, #tpu.memory_space<semaphore_mem>>)
        %dma_start3A_336 = arith.constant 0 : i32
        %dma_start3A_337 = arith.constant 0 : i32
        %dma_start3A_338 = arith.constant 0 : i32
        %dma_start3A_339 = tpu.memref_slice %arg10[%dma_start3A_336, %dma_start3A_337, %dma_start3A_338] : memref<2x64x128xf32, #tpu.memory_space<vmem>> -> memref<1x64x128xf32, #tpu.memory_space<vmem>>
        %dma_start3A_340 = tpu.memref_squeeze %dma_start3A_339 : memref<1x64x128xf32, #tpu.memory_space<vmem>> -> memref<64x128xf32, #tpu.memory_space<vmem>>
        %dma_start3A_341 = arith.constant 0 : i32
        %dma_start3A_342 = tpu.memref_slice %arg3[%add3A_315, %dma_start3A_341] : memref<160000x128xf32, #tpu.memory_space<hbm>> -> memref<64x128xf32, #tpu.memory_space<hbm>>
        %dma_start3A_343 = arith.constant 0 : i32
        %dma_start3A_344 = arith.constant 0 : i32
        %dma_start3A_345 = tpu.memref_slice %arg10[%dma_start3A_336, %dma_start3A_343, %dma_start3A_344] : memref<2x64x128xf32, #tpu.memory_space<vmem>> -> memref<1x64x128xf32, #tpu.memory_space<vmem>>
        %dma_start3A_346 = tpu.memref_squeeze %dma_start3A_345 : memref<1x64x128xf32, #tpu.memory_space<vmem>> -> memref<64x128xf32, #tpu.memory_space<vmem>>
        %dma_start3A_347 = arith.constant 0 : i32
        %dma_start3A_348 = tpu.memref_slice %arg3[%add3A_315, %dma_start3A_347] : memref<160000x128xf32, #tpu.memory_space<hbm>> -> memref<64x128xf32, #tpu.memory_space<hbm>>
        tpu.enqueue_dma source(%dma_start3A_348 : memref<64x128xf32, #tpu.memory_space<hbm>>) target(%dma_start3A_346 : memref<64x128xf32, #tpu.memory_space<vmem>>) target_semaphore(%arg15 : memref<!tpu.dma_semaphore, #tpu.memory_space<semaphore_mem>>)
      } else {
      }
      %add3A_234 = arith.constant 1 : i32
      %add3A_235 = arith.addi %mul3A_129, %add3A_234 : i32
      %mul3A_236 = arith.constant 64 : i32
      %mul3A_237 = arith.muli %add3A_235, %mul3A_236 : i32
      %add3A_238 = arith.addi %add3A_4, %mul3A_237 : i32
      %mul3A_239 = arith.constant 64 : i32
      %mul3A_240 = arith.muli %add3A_235, %mul3A_239 : i32
      %add3A_241 = arith.addi %mul3A_6, %mul3A_240 : i32
      %dma_wait3A_242 = arith.constant 1 : i32
      %dma_wait3A_243 = arith.constant 0 : i32
      %dma_wait3A_244 = tpu.memref_slice %arg8[%dma_wait3A_242, %dma_wait3A_243] : memref<2x64xi32, #tpu.memory_space<vmem>> -> memref<1x64xi32, #tpu.memory_space<vmem>>
      %dma_wait3A_245 = tpu.memref_squeeze %dma_wait3A_244 : memref<1x64xi32, #tpu.memory_space<vmem>> -> memref<64xi32, #tpu.memory_space<vmem>>
      %dma_wait3A_246 = tpu.memref_slice %arg5[%add3A_238] : memref<320000xi32, #tpu.memory_space<hbm>> -> memref<64xi32, #tpu.memory_space<hbm>>
      %dma_wait3A_247 = arith.constant 0 : i32
      %dma_wait3A_248 = tpu.memref_slice %arg8[%dma_wait3A_242, %dma_wait3A_247] : memref<2x64xi32, #tpu.memory_space<vmem>> -> memref<1x64xi32, #tpu.memory_space<vmem>>
      %dma_wait3A_249 = tpu.memref_squeeze %dma_wait3A_248 : memref<1x64xi32, #tpu.memory_space<vmem>> -> memref<64xi32, #tpu.memory_space<vmem>>
      %dma_wait3A_250 = tpu.memref_slice %arg5[%add3A_238] : memref<320000xi32, #tpu.memory_space<hbm>> -> memref<64xi32, #tpu.memory_space<hbm>>
      tpu.wait_dma2 semaphore(%arg16 : memref<!tpu.dma_semaphore, #tpu.memory_space<semaphore_mem>>) src(%dma_wait3A_250 : memref<64xi32, #tpu.memory_space<hbm>>) dst(%dma_wait3A_249 : memref<64xi32, #tpu.memory_space<vmem>>)
      %mul3A_251 = arith.constant 64 : i32
      %mul3A_252 = arith.muli %add3A_235, %mul3A_251 : i32
      %dma_wait3A_253 = arith.constant 1 : i32
      %dma_wait3A_254 = arith.constant 0 : i32
      %dma_wait3A_255 = arith.constant 0 : i32
      %dma_wait3A_256 = tpu.memref_slice %arg9[%dma_wait3A_253, %dma_wait3A_254, %dma_wait3A_255] : memref<2x64x128xf32, #tpu.memory_space<vmem>> -> memref<1x64x128xf32, #tpu.memory_space<vmem>>
      %dma_wait3A_257 = tpu.memref_squeeze %dma_wait3A_256 : memref<1x64x128xf32, #tpu.memory_space<vmem>> -> memref<64x128xf32, #tpu.memory_space<vmem>>
      %dma_wait3A_258 = tpu.memref_slice %arg7[%mul3A_252] : memref<5000xi32, #tpu.memory_space<vmem>> -> memref<64xi32, #tpu.memory_space<vmem>>
      %dma_wait3A_259 = arith.constant 0 : i32
      %dma_wait3A_260 = arith.constant 0 : i32
      %dma_wait3A_261 = tpu.memref_slice %arg2[%dma_wait3A_259, %dma_wait3A_260] : memref<10000x128xf32, #tpu.memory_space<hbm>> -> memref<10000x128xf32, #tpu.memory_space<hbm>>
      tpu.wait_indirect_dma semaphore(%arg16 : memref<!tpu.dma_semaphore, #tpu.memory_space<semaphore_mem>>) src(%dma_wait3A_261 : memref<10000x128xf32, #tpu.memory_space<hbm>>) dst(%dma_wait3A_257 : memref<64x128xf32, #tpu.memory_space<vmem>>)
      %dma_wait3A_262 = arith.constant 1 : i32
      %dma_wait3A_263 = arith.constant 0 : i32
      %dma_wait3A_264 = arith.constant 0 : i32
      %dma_wait3A_265 = tpu.memref_slice %arg10[%dma_wait3A_262, %dma_wait3A_263, %dma_wait3A_264] : memref<2x64x128xf32, #tpu.memory_space<vmem>> -> memref<1x64x128xf32, #tpu.memory_space<vmem>>
      %dma_wait3A_266 = tpu.memref_squeeze %dma_wait3A_265 : memref<1x64x128xf32, #tpu.memory_space<vmem>> -> memref<64x128xf32, #tpu.memory_space<vmem>>
      %dma_wait3A_267 = arith.constant 0 : i32
      %dma_wait3A_268 = tpu.memref_slice %arg3[%add3A_241, %dma_wait3A_267] : memref<160000x128xf32, #tpu.memory_space<hbm>> -> memref<64x128xf32, #tpu.memory_space<hbm>>
      %dma_wait3A_269 = arith.constant 0 : i32
      %dma_wait3A_270 = arith.constant 0 : i32
      %dma_wait3A_271 = tpu.memref_slice %arg10[%dma_wait3A_262, %dma_wait3A_269, %dma_wait3A_270] : memref<2x64x128xf32, #tpu.memory_space<vmem>> -> memref<1x64x128xf32, #tpu.memory_space<vmem>>
      %dma_wait3A_272 = tpu.memref_squeeze %dma_wait3A_271 : memref<1x64x128xf32, #tpu.memory_space<vmem>> -> memref<64x128xf32, #tpu.memory_space<vmem>>
      %dma_wait3A_273 = arith.constant 0 : i32
      %dma_wait3A_274 = tpu.memref_slice %arg3[%add3A_241, %dma_wait3A_273] : memref<160000x128xf32, #tpu.memory_space<hbm>> -> memref<64x128xf32, #tpu.memory_space<hbm>>
      tpu.wait_dma2 semaphore(%arg16 : memref<!tpu.dma_semaphore, #tpu.memory_space<semaphore_mem>>) src(%dma_wait3A_274 : memref<64x128xf32, #tpu.memory_space<hbm>>) dst(%dma_wait3A_272 : memref<64x128xf32, #tpu.memory_space<vmem>>)
      %scan3A_275 = arith.constant 0 : i32
      %scan3A_276 = arith.constant 0 : i32
      %scan3A_277 = arith.constant 32 : i32
      %scan3A_278 = arith.addi %scan3A_276, %scan3A_277 : i32
      %scan3A_279 = arith.constant 1 : i32
      scf.for %scan3A_293 = %scan3A_276 to %scan3A_278 step %scan3A_279  : i32 {
        %mul3A_294 = arith.constant 2 : i32
        %mul3A_295 = arith.muli %scan3A_293, %mul3A_294 : i32
        %add3A_296 = arith.constant 0 : i32
        %add3A_297 = arith.addi %mul3A_295, %add3A_296 : i32
        %get3A = arith.constant 1 : i32
        %get3A_298 = arith.index_cast %get3A : i32 to index
        %get3A_299 = arith.index_cast %add3A_297 : i32 to index
        %get3A_300 = arith.constant 0 : index
        %get3A_301 = tpu.vector_load %arg9[%get3A_298, %get3A_299, %get3A_300] {strides = array<i32>} : memref<2x64x128xf32, #tpu.memory_space<vmem>>, vector<1x1x16xf32>,
        %get3A_302 = vector.shape_cast %get3A_301 : vector<1x1x16xf32> to vector<16xf32>
        %get3A_303 = arith.constant 1 : i32
        %get3A_304 = arith.index_cast %get3A_303 : i32 to index
        %get3A_305 = arith.index_cast %add3A_297 : i32 to index
        %get3A_306 = arith.constant 0 : index
        %get3A_307 = tpu.vector_load %arg10[%get3A_304, %get3A_305, %get3A_306] {strides = array<i32>} : memref<2x64x128xf32, #tpu.memory_space<vmem>>, vector<1x1x16xf32>,
        %get3A_308 = vector.shape_cast %get3A_307 : vector<1x1x16xf32> to vector<16xf32>
        %mul3A_309 = arith.mulf %get3A_302, %get3A_308 : vector<16xf32>
        %swap3A = arith.constant 1 : i32
        %swap3A_310 = arith.index_cast %swap3A : i32 to index
        %swap3A_311 = arith.index_cast %add3A_297 : i32 to index
        %swap3A_312 = arith.constant 0 : index
        %swap3A_313 = tpu.vector_load %arg9[%swap3A_310, %swap3A_311, %swap3A_312] {strides = array<i32>} : memref<2x64x128xf32, #tpu.memory_space<vmem>>, vector<1x1x16xf32>,
        %swap3A_314 = vector.shape_cast %swap3A_313 : vector<1x1x16xf32> to vector<16xf32>
        %swap3A_315 = vector.shape_cast %mul3A_309 : vector<16xf32> to vector<1x1x16xf32>
        tpu.vector_store %arg9[%swap3A_310, %swap3A_311, %swap3A_312], %swap3A_315 {strides = array<i32>} : memref<2x64x128xf32, #tpu.memory_space<vmem>>, vector<1x1x16xf32>,
        %get3A_316 = arith.constant 1 : i32
        %get3A_317 = arith.index_cast %get3A_316 : i32 to index
        %get3A_318 = arith.index_cast %add3A_297 : i32 to index
        %get3A_319 = arith.constant 16 : index
        %get3A_320 = tpu.vector_load %arg9[%get3A_317, %get3A_318, %get3A_319] {strides = array<i32>} : memref<2x64x128xf32, #tpu.memory_space<vmem>>, vector<1x1x16xf32>,
        %get3A_321 = vector.shape_cast %get3A_320 : vector<1x1x16xf32> to vector<16xf32>
        %get3A_322 = arith.constant 1 : i32
        %get3A_323 = arith.index_cast %get3A_322 : i32 to index
        %get3A_324 = arith.index_cast %add3A_297 : i32 to index
        %get3A_325 = arith.constant 16 : index
        %get3A_326 = tpu.vector_load %arg10[%get3A_323, %get3A_324, %get3A_325] {strides = array<i32>} : memref<2x64x128xf32, #tpu.memory_space<vmem>>, vector<1x1x16xf32>,
        %get3A_327 = vector.shape_cast %get3A_326 : vector<1x1x16xf32> to vector<16xf32>
        %mul3A_328 = arith.mulf %get3A_321, %get3A_327 : vector<16xf32>
        %swap3A_329 = arith.constant 1 : i32
        %swap3A_330 = arith.index_cast %swap3A_329 : i32 to index
        %swap3A_331 = arith.index_cast %add3A_297 : i32 to index
        %swap3A_332 = arith.constant 16 : index
        %swap3A_333 = tpu.vector_load %arg9[%swap3A_330, %swap3A_331, %swap3A_332] {strides = array<i32>} : memref<2x64x128xf32, #tpu.memory_space<vmem>>, vector<1x1x16xf32>,
        %swap3A_334 = vector.shape_cast %swap3A_333 : vector<1x1x16xf32> to vector<16xf32>
        %swap3A_335 = vector.shape_cast %mul3A_328 : vector<16xf32> to vector<1x1x16xf32>
        tpu.vector_store %arg9[%swap3A_330, %swap3A_331, %swap3A_332], %swap3A_335 {strides = array<i32>} : memref<2x64x128xf32, #tpu.memory_space<vmem>>, vector<1x1x16xf32>,
        %get3A_336 = arith.constant 1 : i32
        %get3A_337 = arith.index_cast %get3A_336 : i32 to index
        %get3A_338 = arith.index_cast %add3A_297 : i32 to index
        %get3A_339 = arith.constant 32 : index
        %get3A_340 = tpu.vector_load %arg9[%get3A_337, %get3A_338, %get3A_339] {strides = array<i32>} : memref<2x64x128xf32, #tpu.memory_space<vmem>>, vector<1x1x16xf32>,
        %get3A_341 = vector.shape_cast %get3A_340 : vector<1x1x16xf32> to vector<16xf32>
        %get3A_342 = arith.constant 1 : i32
        %get3A_343 = arith.index_cast %get3A_342 : i32 to index
        %get3A_344 = arith.index_cast %add3A_297 : i32 to index
        %get3A_345 = arith.constant 32 : index
        %get3A_346 = tpu.vector_load %arg10[%get3A_343, %get3A_344, %get3A_345] {strides = array<i32>} : memref<2x64x128xf32, #tpu.memory_space<vmem>>, vector<1x1x16xf32>,
        %get3A_347 = vector.shape_cast %get3A_346 : vector<1x1x16xf32> to vector<16xf32>
        %mul3A_348 = arith.mulf %get3A_341, %get3A_347 : vector<16xf32>
        %swap3A_349 = arith.constant 1 : i32
        %swap3A_350 = arith.index_cast %swap3A_349 : i32 to index
        %swap3A_351 = arith.index_cast %add3A_297 : i32 to index
        %swap3A_352 = arith.constant 32 : index
        %swap3A_353 = tpu.vector_load %arg9[%swap3A_350, %swap3A_351, %swap3A_352] {strides = array<i32>} : memref<2x64x128xf32, #tpu.memory_space<vmem>>, vector<1x1x16xf32>,
        %swap3A_354 = vector.shape_cast %swap3A_353 : vector<1x1x16xf32> to vector<16xf32>
        %swap3A_355 = vector.shape_cast %mul3A_348 : vector<16xf32> to vector<1x1x16xf32>
        tpu.vector_store %arg9[%swap3A_350, %swap3A_351, %swap3A_352], %swap3A_355 {strides = array<i32>} : memref<2x64x128xf32, #tpu.memory_space<vmem>>, vector<1x1x16xf32>,
        %get3A_356 = arith.constant 1 : i32
        %get3A_357 = arith.index_cast %get3A_356 : i32 to index
        %get3A_358 = arith.index_cast %add3A_297 : i32 to index
        %get3A_359 = arith.constant 48 : index
        %get3A_360 = tpu.vector_load %arg9[%get3A_357, %get3A_358, %get3A_359] {strides = array<i32>} : memref<2x64x128xf32, #tpu.memory_space<vmem>>, vector<1x1x16xf32>,
        %get3A_361 = vector.shape_cast %get3A_360 : vector<1x1x16xf32> to vector<16xf32>
        %get3A_362 = arith.constant 1 : i32
        %get3A_363 = arith.index_cast %get3A_362 : i32 to index
        %get3A_364 = arith.index_cast %add3A_297 : i32 to index
        %get3A_365 = arith.constant 48 : index
        %get3A_366 = tpu.vector_load %arg10[%get3A_363, %get3A_364, %get3A_365] {strides = array<i32>} : memref<2x64x128xf32, #tpu.memory_space<vmem>>, vector<1x1x16xf32>,
        %get3A_367 = vector.shape_cast %get3A_366 : vector<1x1x16xf32> to vector<16xf32>
        %mul3A_368 = arith.mulf %get3A_361, %get3A_367 : vector<16xf32>
        %swap3A_369 = arith.constant 1 : i32
        %swap3A_370 = arith.index_cast %swap3A_369 : i32 to index
        %swap3A_371 = arith.index_cast %add3A_297 : i32 to index
        %swap3A_372 = arith.constant 48 : index
        %swap3A_373 = tpu.vector_load %arg9[%swap3A_370, %swap3A_371, %swap3A_372] {strides = array<i32>} : memref<2x64x128xf32, #tpu.memory_space<vmem>>, vector<1x1x16xf32>,
        %swap3A_374 = vector.shape_cast %swap3A_373 : vector<1x1x16xf32> to vector<16xf32>
        %swap3A_375 = vector.shape_cast %mul3A_368 : vector<16xf32> to vector<1x1x16xf32>
        tpu.vector_store %arg9[%swap3A_370, %swap3A_371, %swap3A_372], %swap3A_375 {strides = array<i32>} : memref<2x64x128xf32, #tpu.memory_space<vmem>>, vector<1x1x16xf32>,
        %get3A_376 = arith.constant 1 : i32
        %get3A_377 = arith.index_cast %get3A_376 : i32 to index
        %get3A_378 = arith.index_cast %add3A_297 : i32 to index
        %get3A_379 = arith.constant 64 : index
        %get3A_380 = tpu.vector_load %arg9[%get3A_377, %get3A_378, %get3A_379] {strides = array<i32>} : memref<2x64x128xf32, #tpu.memory_space<vmem>>, vector<1x1x16xf32>,
        %get3A_381 = vector.shape_cast %get3A_380 : vector<1x1x16xf32> to vector<16xf32>
        %get3A_382 = arith.constant 1 : i32
        %get3A_383 = arith.index_cast %get3A_382 : i32 to index
        %get3A_384 = arith.index_cast %add3A_297 : i32 to index
        %get3A_385 = arith.constant 64 : index
        %get3A_386 = tpu.vector_load %arg10[%get3A_383, %get3A_384, %get3A_385] {strides = array<i32>} : memref<2x64x128xf32, #tpu.memory_space<vmem>>, vector<1x1x16xf32>,
        %get3A_387 = vector.shape_cast %get3A_386 : vector<1x1x16xf32> to vector<16xf32>
        %mul3A_388 = arith.mulf %get3A_381, %get3A_387 : vector<16xf32>
        %swap3A_389 = arith.constant 1 : i32
        %swap3A_390 = arith.index_cast %swap3A_389 : i32 to index
        %swap3A_391 = arith.index_cast %add3A_297 : i32 to index
        %swap3A_392 = arith.constant 64 : index
        %swap3A_393 = tpu.vector_load %arg9[%swap3A_390, %swap3A_391, %swap3A_392] {strides = array<i32>} : memref<2x64x128xf32, #tpu.memory_space<vmem>>, vector<1x1x16xf32>,
        %swap3A_394 = vector.shape_cast %swap3A_393 : vector<1x1x16xf32> to vector<16xf32>
        %swap3A_395 = vector.shape_cast %mul3A_388 : vector<16xf32> to vector<1x1x16xf32>
        tpu.vector_store %arg9[%swap3A_390, %swap3A_391, %swap3A_392], %swap3A_395 {strides = array<i32>} : memref<2x64x128xf32, #tpu.memory_space<vmem>>, vector<1x1x16xf32>,
        %get3A_396 = arith.constant 1 : i32
        %get3A_397 = arith.index_cast %get3A_396 : i32 to index
        %get3A_398 = arith.index_cast %add3A_297 : i32 to index
        %get3A_399 = arith.constant 80 : index
        %get3A_400 = tpu.vector_load %arg9[%get3A_397, %get3A_398, %get3A_399] {strides = array<i32>} : memref<2x64x128xf32, #tpu.memory_space<vmem>>, vector<1x1x16xf32>,
        %get3A_401 = vector.shape_cast %get3A_400 : vector<1x1x16xf32> to vector<16xf32>
        %get3A_402 = arith.constant 1 : i32
        %get3A_403 = arith.index_cast %get3A_402 : i32 to index
        %get3A_404 = arith.index_cast %add3A_297 : i32 to index
        %get3A_405 = arith.constant 80 : index
        %get3A_406 = tpu.vector_load %arg10[%get3A_403, %get3A_404, %get3A_405] {strides = array<i32>} : memref<2x64x128xf32, #tpu.memory_space<vmem>>, vector<1x1x16xf32>,
        %get3A_407 = vector.shape_cast %get3A_406 : vector<1x1x16xf32> to vector<16xf32>
        %mul3A_408 = arith.mulf %get3A_401, %get3A_407 : vector<16xf32>
        %swap3A_409 = arith.constant 1 : i32
        %swap3A_410 = arith.index_cast %swap3A_409 : i32 to index
        %swap3A_411 = arith.index_cast %add3A_297 : i32 to index
        %swap3A_412 = arith.constant 80 : index
        %swap3A_413 = tpu.vector_load %arg9[%swap3A_410, %swap3A_411, %swap3A_412] {strides = array<i32>} : memref<2x64x128xf32, #tpu.memory_space<vmem>>, vector<1x1x16xf32>,
        %swap3A_414 = vector.shape_cast %swap3A_413 : vector<1x1x16xf32> to vector<16xf32>
        %swap3A_415 = vector.shape_cast %mul3A_408 : vector<16xf32> to vector<1x1x16xf32>
        tpu.vector_store %arg9[%swap3A_410, %swap3A_411, %swap3A_412], %swap3A_415 {strides = array<i32>} : memref<2x64x128xf32, #tpu.memory_space<vmem>>, vector<1x1x16xf32>,
        %get3A_416 = arith.constant 1 : i32
        %get3A_417 = arith.index_cast %get3A_416 : i32 to index
        %get3A_418 = arith.index_cast %add3A_297 : i32 to index
        %get3A_419 = arith.constant 96 : index
        %get3A_420 = tpu.vector_load %arg9[%get3A_417, %get3A_418, %get3A_419] {strides = array<i32>} : memref<2x64x128xf32, #tpu.memory_space<vmem>>, vector<1x1x16xf32>,
        %get3A_421 = vector.shape_cast %get3A_420 : vector<1x1x16xf32> to vector<16xf32>
        %get3A_422 = arith.constant 1 : i32
        %get3A_423 = arith.index_cast %get3A_422 : i32 to index
        %get3A_424 = arith.index_cast %add3A_297 : i32 to index
        %get3A_425 = arith.constant 96 : index
        %get3A_426 = tpu.vector_load %arg10[%get3A_423, %get3A_424, %get3A_425] {strides = array<i32>} : memref<2x64x128xf32, #tpu.memory_space<vmem>>, vector<1x1x16xf32>,
        %get3A_427 = vector.shape_cast %get3A_426 : vector<1x1x16xf32> to vector<16xf32>
        %mul3A_428 = arith.mulf %get3A_421, %get3A_427 : vector<16xf32>
        %swap3A_429 = arith.constant 1 : i32
        %swap3A_430 = arith.index_cast %swap3A_429 : i32 to index
        %swap3A_431 = arith.index_cast %add3A_297 : i32 to index
        %swap3A_432 = arith.constant 96 : index
        %swap3A_433 = tpu.vector_load %arg9[%swap3A_430, %swap3A_431, %swap3A_432] {strides = array<i32>} : memref<2x64x128xf32, #tpu.memory_space<vmem>>, vector<1x1x16xf32>,
        %swap3A_434 = vector.shape_cast %swap3A_433 : vector<1x1x16xf32> to vector<16xf32>
        %swap3A_435 = vector.shape_cast %mul3A_428 : vector<16xf32> to vector<1x1x16xf32>
        tpu.vector_store %arg9[%swap3A_430, %swap3A_431, %swap3A_432], %swap3A_435 {strides = array<i32>} : memref<2x64x128xf32, #tpu.memory_space<vmem>>, vector<1x1x16xf32>,
        %get3A_436 = arith.constant 1 : i32
        %get3A_437 = arith.index_cast %get3A_436 : i32 to index
        %get3A_438 = arith.index_cast %add3A_297 : i32 to index
        %get3A_439 = arith.constant 112 : index
        %get3A_440 = tpu.vector_load %arg9[%get3A_437, %get3A_438, %get3A_439] {strides = array<i32>} : memref<2x64x128xf32, #tpu.memory_space<vmem>>, vector<1x1x16xf32>,
        %get3A_441 = vector.shape_cast %get3A_440 : vector<1x1x16xf32> to vector<16xf32>
        %get3A_442 = arith.constant 1 : i32
        %get3A_443 = arith.index_cast %get3A_442 : i32 to index
        %get3A_444 = arith.index_cast %add3A_297 : i32 to index
        %get3A_445 = arith.constant 112 : index
        %get3A_446 = tpu.vector_load %arg10[%get3A_443, %get3A_444, %get3A_445] {strides = array<i32>} : memref<2x64x128xf32, #tpu.memory_space<vmem>>, vector<1x1x16xf32>,
        %get3A_447 = vector.shape_cast %get3A_446 : vector<1x1x16xf32> to vector<16xf32>
        %mul3A_448 = arith.mulf %get3A_441, %get3A_447 : vector<16xf32>
        %swap3A_449 = arith.constant 1 : i32
        %swap3A_450 = arith.index_cast %swap3A_449 : i32 to index
        %swap3A_451 = arith.index_cast %add3A_297 : i32 to index
        %swap3A_452 = arith.constant 112 : index
        %swap3A_453 = tpu.vector_load %arg9[%swap3A_450, %swap3A_451, %swap3A_452] {strides = array<i32>} : memref<2x64x128xf32, #tpu.memory_space<vmem>>, vector<1x1x16xf32>,
        %swap3A_454 = vector.shape_cast %swap3A_453 : vector<1x1x16xf32> to vector<16xf32>
        %swap3A_455 = vector.shape_cast %mul3A_448 : vector<16xf32> to vector<1x1x16xf32>
        tpu.vector_store %arg9[%swap3A_450, %swap3A_451, %swap3A_452], %swap3A_455 {strides = array<i32>} : memref<2x64x128xf32, #tpu.memory_space<vmem>>, vector<1x1x16xf32>,
        %add3A_456 = arith.constant 1 : i32
        %add3A_457 = arith.addi %mul3A_295, %add3A_456 : i32
        %get3A_458 = arith.constant 1 : i32
        %get3A_459 = arith.index_cast %get3A_458 : i32 to index
        %get3A_460 = arith.index_cast %add3A_457 : i32 to index
        %get3A_461 = arith.constant 0 : index
        %get3A_462 = tpu.vector_load %arg9[%get3A_459, %get3A_460, %get3A_461] {strides = array<i32>} : memref<2x64x128xf32, #tpu.memory_space<vmem>>, vector<1x1x16xf32>,
        %get3A_463 = vector.shape_cast %get3A_462 : vector<1x1x16xf32> to vector<16xf32>
        %get3A_464 = arith.constant 1 : i32
        %get3A_465 = arith.index_cast %get3A_464 : i32 to index
        %get3A_466 = arith.index_cast %add3A_457 : i32 to index
        %get3A_467 = arith.constant 0 : index
        %get3A_468 = tpu.vector_load %arg10[%get3A_465, %get3A_466, %get3A_467] {strides = array<i32>} : memref<2x64x128xf32, #tpu.memory_space<vmem>>, vector<1x1x16xf32>,
        %get3A_469 = vector.shape_cast %get3A_468 : vector<1x1x16xf32> to vector<16xf32>
        %mul3A_470 = arith.mulf %get3A_463, %get3A_469 : vector<16xf32>
        %swap3A_471 = arith.constant 1 : i32
        %swap3A_472 = arith.index_cast %swap3A_471 : i32 to index
        %swap3A_473 = arith.index_cast %add3A_457 : i32 to index
        %swap3A_474 = arith.constant 0 : index
        %swap3A_475 = tpu.vector_load %arg9[%swap3A_472, %swap3A_473, %swap3A_474] {strides = array<i32>} : memref<2x64x128xf32, #tpu.memory_space<vmem>>, vector<1x1x16xf32>,
        %swap3A_476 = vector.shape_cast %swap3A_475 : vector<1x1x16xf32> to vector<16xf32>
        %swap3A_477 = vector.shape_cast %mul3A_470 : vector<16xf32> to vector<1x1x16xf32>
        tpu.vector_store %arg9[%swap3A_472, %swap3A_473, %swap3A_474], %swap3A_477 {strides = array<i32>} : memref<2x64x128xf32, #tpu.memory_space<vmem>>, vector<1x1x16xf32>,
        %get3A_478 = arith.constant 1 : i32
        %get3A_479 = arith.index_cast %get3A_478 : i32 to index
        %get3A_480 = arith.index_cast %add3A_457 : i32 to index
        %get3A_481 = arith.constant 16 : index
        %get3A_482 = tpu.vector_load %arg9[%get3A_479, %get3A_480, %get3A_481] {strides = array<i32>} : memref<2x64x128xf32, #tpu.memory_space<vmem>>, vector<1x1x16xf32>,
        %get3A_483 = vector.shape_cast %get3A_482 : vector<1x1x16xf32> to vector<16xf32>
        %get3A_484 = arith.constant 1 : i32
        %get3A_485 = arith.index_cast %get3A_484 : i32 to index
        %get3A_486 = arith.index_cast %add3A_457 : i32 to index
        %get3A_487 = arith.constant 16 : index
        %get3A_488 = tpu.vector_load %arg10[%get3A_485, %get3A_486, %get3A_487] {strides = array<i32>} : memref<2x64x128xf32, #tpu.memory_space<vmem>>, vector<1x1x16xf32>,
        %get3A_489 = vector.shape_cast %get3A_488 : vector<1x1x16xf32> to vector<16xf32>
        %mul3A_490 = arith.mulf %get3A_483, %get3A_489 : vector<16xf32>
        %swap3A_491 = arith.constant 1 : i32
        %swap3A_492 = arith.index_cast %swap3A_491 : i32 to index
        %swap3A_493 = arith.index_cast %add3A_457 : i32 to index
        %swap3A_494 = arith.constant 16 : index
        %swap3A_495 = tpu.vector_load %arg9[%swap3A_492, %swap3A_493, %swap3A_494] {strides = array<i32>} : memref<2x64x128xf32, #tpu.memory_space<vmem>>, vector<1x1x16xf32>,
        %swap3A_496 = vector.shape_cast %swap3A_495 : vector<1x1x16xf32> to vector<16xf32>
        %swap3A_497 = vector.shape_cast %mul3A_490 : vector<16xf32> to vector<1x1x16xf32>
        tpu.vector_store %arg9[%swap3A_492, %swap3A_493, %swap3A_494], %swap3A_497 {strides = array<i32>} : memref<2x64x128xf32, #tpu.memory_space<vmem>>, vector<1x1x16xf32>,
        %get3A_498 = arith.constant 1 : i32
        %get3A_499 = arith.index_cast %get3A_498 : i32 to index
        %get3A_500 = arith.index_cast %add3A_457 : i32 to index
        %get3A_501 = arith.constant 32 : index
        %get3A_502 = tpu.vector_load %arg9[%get3A_499, %get3A_500, %get3A_501] {strides = array<i32>} : memref<2x64x128xf32, #tpu.memory_space<vmem>>, vector<1x1x16xf32>,
        %get3A_503 = vector.shape_cast %get3A_502 : vector<1x1x16xf32> to vector<16xf32>
        %get3A_504 = arith.constant 1 : i32
        %get3A_505 = arith.index_cast %get3A_504 : i32 to index
        %get3A_506 = arith.index_cast %add3A_457 : i32 to index
        %get3A_507 = arith.constant 32 : index
        %get3A_508 = tpu.vector_load %arg10[%get3A_505, %get3A_506, %get3A_507] {strides = array<i32>} : memref<2x64x128xf32, #tpu.memory_space<vmem>>, vector<1x1x16xf32>,
        %get3A_509 = vector.shape_cast %get3A_508 : vector<1x1x16xf32> to vector<16xf32>
        %mul3A_510 = arith.mulf %get3A_503, %get3A_509 : vector<16xf32>
        %swap3A_511 = arith.constant 1 : i32
        %swap3A_512 = arith.index_cast %swap3A_511 : i32 to index
        %swap3A_513 = arith.index_cast %add3A_457 : i32 to index
        %swap3A_514 = arith.constant 32 : index
        %swap3A_515 = tpu.vector_load %arg9[%swap3A_512, %swap3A_513, %swap3A_514] {strides = array<i32>} : memref<2x64x128xf32, #tpu.memory_space<vmem>>, vector<1x1x16xf32>,
        %swap3A_516 = vector.shape_cast %swap3A_515 : vector<1x1x16xf32> to vector<16xf32>
        %swap3A_517 = vector.shape_cast %mul3A_510 : vector<16xf32> to vector<1x1x16xf32>
        tpu.vector_store %arg9[%swap3A_512, %swap3A_513, %swap3A_514], %swap3A_517 {strides = array<i32>} : memref<2x64x128xf32, #tpu.memory_space<vmem>>, vector<1x1x16xf32>,
        %get3A_518 = arith.constant 1 : i32
        %get3A_519 = arith.index_cast %get3A_518 : i32 to index
        %get3A_520 = arith.index_cast %add3A_457 : i32 to index
        %get3A_521 = arith.constant 48 : index
        %get3A_522 = tpu.vector_load %arg9[%get3A_519, %get3A_520, %get3A_521] {strides = array<i32>} : memref<2x64x128xf32, #tpu.memory_space<vmem>>, vector<1x1x16xf32>,
        %get3A_523 = vector.shape_cast %get3A_522 : vector<1x1x16xf32> to vector<16xf32>
        %get3A_524 = arith.constant 1 : i32
        %get3A_525 = arith.index_cast %get3A_524 : i32 to index
        %get3A_526 = arith.index_cast %add3A_457 : i32 to index
        %get3A_527 = arith.constant 48 : index
        %get3A_528 = tpu.vector_load %arg10[%get3A_525, %get3A_526, %get3A_527] {strides = array<i32>} : memref<2x64x128xf32, #tpu.memory_space<vmem>>, vector<1x1x16xf32>,
        %get3A_529 = vector.shape_cast %get3A_528 : vector<1x1x16xf32> to vector<16xf32>
        %mul3A_530 = arith.mulf %get3A_523, %get3A_529 : vector<16xf32>
        %swap3A_531 = arith.constant 1 : i32
        %swap3A_532 = arith.index_cast %swap3A_531 : i32 to index
        %swap3A_533 = arith.index_cast %add3A_457 : i32 to index
        %swap3A_534 = arith.constant 48 : index
        %swap3A_535 = tpu.vector_load %arg9[%swap3A_532, %swap3A_533, %swap3A_534] {strides = array<i32>} : memref<2x64x128xf32, #tpu.memory_space<vmem>>, vector<1x1x16xf32>,
        %swap3A_536 = vector.shape_cast %swap3A_535 : vector<1x1x16xf32> to vector<16xf32>
        %swap3A_537 = vector.shape_cast %mul3A_530 : vector<16xf32> to vector<1x1x16xf32>
        tpu.vector_store %arg9[%swap3A_532, %swap3A_533, %swap3A_534], %swap3A_537 {strides = array<i32>} : memref<2x64x128xf32, #tpu.memory_space<vmem>>, vector<1x1x16xf32>,
        %get3A_538 = arith.constant 1 : i32
        %get3A_539 = arith.index_cast %get3A_538 : i32 to index
        %get3A_540 = arith.index_cast %add3A_457 : i32 to index
        %get3A_541 = arith.constant 64 : index
        %get3A_542 = tpu.vector_load %arg9[%get3A_539, %get3A_540, %get3A_541] {strides = array<i32>} : memref<2x64x128xf32, #tpu.memory_space<vmem>>, vector<1x1x16xf32>,
        %get3A_543 = vector.shape_cast %get3A_542 : vector<1x1x16xf32> to vector<16xf32>
        %get3A_544 = arith.constant 1 : i32
        %get3A_545 = arith.index_cast %get3A_544 : i32 to index
        %get3A_546 = arith.index_cast %add3A_457 : i32 to index
        %get3A_547 = arith.constant 64 : index
        %get3A_548 = tpu.vector_load %arg10[%get3A_545, %get3A_546, %get3A_547] {strides = array<i32>} : memref<2x64x128xf32, #tpu.memory_space<vmem>>, vector<1x1x16xf32>,
        %get3A_549 = vector.shape_cast %get3A_548 : vector<1x1x16xf32> to vector<16xf32>
        %mul3A_550 = arith.mulf %get3A_543, %get3A_549 : vector<16xf32>
        %swap3A_551 = arith.constant 1 : i32
        %swap3A_552 = arith.index_cast %swap3A_551 : i32 to index
        %swap3A_553 = arith.index_cast %add3A_457 : i32 to index
        %swap3A_554 = arith.constant 64 : index
        %swap3A_555 = tpu.vector_load %arg9[%swap3A_552, %swap3A_553, %swap3A_554] {strides = array<i32>} : memref<2x64x128xf32, #tpu.memory_space<vmem>>, vector<1x1x16xf32>,
        %swap3A_556 = vector.shape_cast %swap3A_555 : vector<1x1x16xf32> to vector<16xf32>
        %swap3A_557 = vector.shape_cast %mul3A_550 : vector<16xf32> to vector<1x1x16xf32>
        tpu.vector_store %arg9[%swap3A_552, %swap3A_553, %swap3A_554], %swap3A_557 {strides = array<i32>} : memref<2x64x128xf32, #tpu.memory_space<vmem>>, vector<1x1x16xf32>,
        %get3A_558 = arith.constant 1 : i32
        %get3A_559 = arith.index_cast %get3A_558 : i32 to index
        %get3A_560 = arith.index_cast %add3A_457 : i32 to index
        %get3A_561 = arith.constant 80 : index
        %get3A_562 = tpu.vector_load %arg9[%get3A_559, %get3A_560, %get3A_561] {strides = array<i32>} : memref<2x64x128xf32, #tpu.memory_space<vmem>>, vector<1x1x16xf32>,
        %get3A_563 = vector.shape_cast %get3A_562 : vector<1x1x16xf32> to vector<16xf32>
        %get3A_564 = arith.constant 1 : i32
        %get3A_565 = arith.index_cast %get3A_564 : i32 to index
        %get3A_566 = arith.index_cast %add3A_457 : i32 to index
        %get3A_567 = arith.constant 80 : index
        %get3A_568 = tpu.vector_load %arg10[%get3A_565, %get3A_566, %get3A_567] {strides = array<i32>} : memref<2x64x128xf32, #tpu.memory_space<vmem>>, vector<1x1x16xf32>,
        %get3A_569 = vector.shape_cast %get3A_568 : vector<1x1x16xf32> to vector<16xf32>
        %mul3A_570 = arith.mulf %get3A_563, %get3A_569 : vector<16xf32>
        %swap3A_571 = arith.constant 1 : i32
        %swap3A_572 = arith.index_cast %swap3A_571 : i32 to index
        %swap3A_573 = arith.index_cast %add3A_457 : i32 to index
        %swap3A_574 = arith.constant 80 : index
        %swap3A_575 = tpu.vector_load %arg9[%swap3A_572, %swap3A_573, %swap3A_574] {strides = array<i32>} : memref<2x64x128xf32, #tpu.memory_space<vmem>>, vector<1x1x16xf32>,
        %swap3A_576 = vector.shape_cast %swap3A_575 : vector<1x1x16xf32> to vector<16xf32>
        %swap3A_577 = vector.shape_cast %mul3A_570 : vector<16xf32> to vector<1x1x16xf32>
        tpu.vector_store %arg9[%swap3A_572, %swap3A_573, %swap3A_574], %swap3A_577 {strides = array<i32>} : memref<2x64x128xf32, #tpu.memory_space<vmem>>, vector<1x1x16xf32>,
        %get3A_578 = arith.constant 1 : i32
        %get3A_579 = arith.index_cast %get3A_578 : i32 to index
        %get3A_580 = arith.index_cast %add3A_457 : i32 to index
        %get3A_581 = arith.constant 96 : index
        %get3A_582 = tpu.vector_load %arg9[%get3A_579, %get3A_580, %get3A_581] {strides = array<i32>} : memref<2x64x128xf32, #tpu.memory_space<vmem>>, vector<1x1x16xf32>,
        %get3A_583 = vector.shape_cast %get3A_582 : vector<1x1x16xf32> to vector<16xf32>
        %get3A_584 = arith.constant 1 : i32
        %get3A_585 = arith.index_cast %get3A_584 : i32 to index
        %get3A_586 = arith.index_cast %add3A_457 : i32 to index
        %get3A_587 = arith.constant 96 : index
        %get3A_588 = tpu.vector_load %arg10[%get3A_585, %get3A_586, %get3A_587] {strides = array<i32>} : memref<2x64x128xf32, #tpu.memory_space<vmem>>, vector<1x1x16xf32>,
        %get3A_589 = vector.shape_cast %get3A_588 : vector<1x1x16xf32> to vector<16xf32>
        %mul3A_590 = arith.mulf %get3A_583, %get3A_589 : vector<16xf32>
        %swap3A_591 = arith.constant 1 : i32
        %swap3A_592 = arith.index_cast %swap3A_591 : i32 to index
        %swap3A_593 = arith.index_cast %add3A_457 : i32 to index
        %swap3A_594 = arith.constant 96 : index
        %swap3A_595 = tpu.vector_load %arg9[%swap3A_592, %swap3A_593, %swap3A_594] {strides = array<i32>} : memref<2x64x128xf32, #tpu.memory_space<vmem>>, vector<1x1x16xf32>,
        %swap3A_596 = vector.shape_cast %swap3A_595 : vector<1x1x16xf32> to vector<16xf32>
        %swap3A_597 = vector.shape_cast %mul3A_590 : vector<16xf32> to vector<1x1x16xf32>
        tpu.vector_store %arg9[%swap3A_592, %swap3A_593, %swap3A_594], %swap3A_597 {strides = array<i32>} : memref<2x64x128xf32, #tpu.memory_space<vmem>>, vector<1x1x16xf32>,
        %get3A_598 = arith.constant 1 : i32
        %get3A_599 = arith.index_cast %get3A_598 : i32 to index
        %get3A_600 = arith.index_cast %add3A_457 : i32 to index
        %get3A_601 = arith.constant 112 : index
        %get3A_602 = tpu.vector_load %arg9[%get3A_599, %get3A_600, %get3A_601] {strides = array<i32>} : memref<2x64x128xf32, #tpu.memory_space<vmem>>, vector<1x1x16xf32>,
        %get3A_603 = vector.shape_cast %get3A_602 : vector<1x1x16xf32> to vector<16xf32>
        %get3A_604 = arith.constant 1 : i32
        %get3A_605 = arith.index_cast %get3A_604 : i32 to index
        %get3A_606 = arith.index_cast %add3A_457 : i32 to index
        %get3A_607 = arith.constant 112 : index
        %get3A_608 = tpu.vector_load %arg10[%get3A_605, %get3A_606, %get3A_607] {strides = array<i32>} : memref<2x64x128xf32, #tpu.memory_space<vmem>>, vector<1x1x16xf32>,
        %get3A_609 = vector.shape_cast %get3A_608 : vector<1x1x16xf32> to vector<16xf32>
        %mul3A_610 = arith.mulf %get3A_603, %get3A_609 : vector<16xf32>
        %swap3A_611 = arith.constant 1 : i32
        %swap3A_612 = arith.index_cast %swap3A_611 : i32 to index
        %swap3A_613 = arith.index_cast %add3A_457 : i32 to index
        %swap3A_614 = arith.constant 112 : index
        %swap3A_615 = tpu.vector_load %arg9[%swap3A_612, %swap3A_613, %swap3A_614] {strides = array<i32>} : memref<2x64x128xf32, #tpu.memory_space<vmem>>, vector<1x1x16xf32>,
        %swap3A_616 = vector.shape_cast %swap3A_615 : vector<1x1x16xf32> to vector<16xf32>
        %swap3A_617 = vector.shape_cast %mul3A_610 : vector<16xf32> to vector<1x1x16xf32>
        tpu.vector_store %arg9[%swap3A_612, %swap3A_613, %swap3A_614], %swap3A_617 {strides = array<i32>} : memref<2x64x128xf32, #tpu.memory_space<vmem>>, vector<1x1x16xf32>,
      }
      %scan3A_280 = arith.constant 32 : i32
      %dma_start3A_281 = arith.constant 1 : i32
      %dma_start3A_282 = arith.constant 1 : i32
      %dma_start3A_283 = arith.constant 0 : i32
      %dma_start3A_284 = arith.constant 0 : i32
      %dma_start3A_285 = tpu.memref_slice %arg9[%dma_start3A_281, %dma_start3A_283, %dma_start3A_284] : memref<2x64x128xf32, #tpu.memory_space<vmem>> -> memref<1x64x128xf32, #tpu.memory_space<vmem>>
      %dma_start3A_286 = tpu.memref_squeeze %dma_start3A_285 : memref<1x64x128xf32, #tpu.memory_space<vmem>> -> memref<64x128xf32, #tpu.memory_space<vmem>>
      %dma_start3A_287 = arith.constant 0 : i32
      %dma_start3A_288 = tpu.memref_slice %arg8[%dma_start3A_282, %dma_start3A_287] : memref<2x64xi32, #tpu.memory_space<vmem>> -> memref<1x64xi32, #tpu.memory_space<vmem>>
      %dma_start3A_289 = tpu.memref_squeeze %dma_start3A_288 : memref<1x64xi32, #tpu.memory_space<vmem>> -> memref<64xi32, #tpu.memory_space<vmem>>
      %dma_start3A_290 = arith.constant 0 : i32
      %dma_start3A_291 = arith.constant 0 : i32
      %dma_start3A_292 = tpu.memref_slice %arg14[%dma_start3A_290, %dma_start3A_291] : memref<10112x128xf32, #tpu.memory_space<vmem_shared>> -> memref<10112x128xf32, #tpu.memory_space<vmem_shared>>
      tpu.enqueue_indirect_dma source(%dma_start3A_286 : memref<64x128xf32, #tpu.memory_space<vmem>>) target(%dma_start3A_292 : memref<10112x128xf32, #tpu.memory_space<vmem_shared>>) offsets(%dma_start3A_289 : memref<64xi32, #tpu.memory_space<vmem>>) semaphore(%arg18 : memref<!tpu.dma_semaphore, #tpu.memory_space<semaphore_mem>>) {add = true}
    }
    %scan3A_83 = arith.constant 39 : i32
    %dma_wait3A = arith.constant 0 : i32
    %dma_wait3A_84 = arith.constant 0 : i32
    %dma_wait3A_85 = arith.constant 0 : i32
    %dma_wait3A_86 = tpu.memref_slice %arg9[%dma_wait3A, %dma_wait3A_84, %dma_wait3A_85] : memref<2x64x128xf32, #tpu.memory_space<vmem>> -> memref<1x64x128xf32, #tpu.memory_space<vmem>>
    %dma_wait3A_87 = tpu.memref_squeeze %dma_wait3A_86 : memref<1x64x128xf32, #tpu.memory_space<vmem>> -> memref<64x128xf32, #tpu.memory_space<vmem>>
    %dma_wait3A_88 = arith.constant 0 : i32
    %dma_wait3A_89 = arith.constant 0 : i32
    %dma_wait3A_90 = tpu.memref_slice %arg2[%dma_wait3A_88, %dma_wait3A_89] : memref<10000x128xf32, #tpu.memory_space<hbm>> -> memref<64x128xf32, #tpu.memory_space<hbm>>
    %dma_wait3A_91 = arith.constant 0 : i32
    %dma_wait3A_92 = arith.constant 0 : i32
    %dma_wait3A_93 = tpu.memref_slice %arg9[%dma_wait3A, %dma_wait3A_91, %dma_wait3A_92] : memref<2x64x128xf32, #tpu.memory_space<vmem>> -> memref<1x64x128xf32, #tpu.memory_space<vmem>>
    %dma_wait3A_94 = tpu.memref_squeeze %dma_wait3A_93 : memref<1x64x128xf32, #tpu.memory_space<vmem>> -> memref<64x128xf32, #tpu.memory_space<vmem>>
    %dma_wait3A_95 = arith.constant 0 : i32
    %dma_wait3A_96 = arith.constant 0 : i32
    %dma_wait3A_97 = tpu.memref_slice %arg2[%dma_wait3A_95, %dma_wait3A_96] : memref<10000x128xf32, #tpu.memory_space<hbm>> -> memref<64x128xf32, #tpu.memory_space<hbm>>
    tpu.wait_dma2 semaphore(%arg17 : memref<!tpu.dma_semaphore, #tpu.memory_space<semaphore_mem>>) src(%dma_wait3A_97 : memref<64x128xf32, #tpu.memory_space<hbm>>) dst(%dma_wait3A_94 : memref<64x128xf32, #tpu.memory_space<vmem>>)
    %dma_wait3A_98 = arith.constant 1 : i32
    %dma_wait3A_99 = arith.constant 0 : i32
    %dma_wait3A_100 = arith.constant 0 : i32
    %dma_wait3A_101 = tpu.memref_slice %arg9[%dma_wait3A_98, %dma_wait3A_99, %dma_wait3A_100] : memref<2x64x128xf32, #tpu.memory_space<vmem>> -> memref<1x64x128xf32, #tpu.memory_space<vmem>>
    %dma_wait3A_102 = tpu.memref_squeeze %dma_wait3A_101 : memref<1x64x128xf32, #tpu.memory_space<vmem>> -> memref<64x128xf32, #tpu.memory_space<vmem>>
    %dma_wait3A_103 = arith.constant 0 : i32
    %dma_wait3A_104 = arith.constant 0 : i32
    %dma_wait3A_105 = tpu.memref_slice %arg2[%dma_wait3A_103, %dma_wait3A_104] : memref<10000x128xf32, #tpu.memory_space<hbm>> -> memref<64x128xf32, #tpu.memory_space<hbm>>
    %dma_wait3A_106 = arith.constant 0 : i32
    %dma_wait3A_107 = arith.constant 0 : i32
    %dma_wait3A_108 = tpu.memref_slice %arg9[%dma_wait3A_98, %dma_wait3A_106, %dma_wait3A_107] : memref<2x64x128xf32, #tpu.memory_space<vmem>> -> memref<1x64x128xf32, #tpu.memory_space<vmem>>
    %dma_wait3A_109 = tpu.memref_squeeze %dma_wait3A_108 : memref<1x64x128xf32, #tpu.memory_space<vmem>> -> memref<64x128xf32, #tpu.memory_space<vmem>>
    %dma_wait3A_110 = arith.constant 0 : i32
    %dma_wait3A_111 = arith.constant 0 : i32
    %dma_wait3A_112 = tpu.memref_slice %arg2[%dma_wait3A_110, %dma_wait3A_111] : memref<10000x128xf32, #tpu.memory_space<hbm>> -> memref<64x128xf32, #tpu.memory_space<hbm>>
    tpu.wait_dma2 semaphore(%arg18 : memref<!tpu.dma_semaphore, #tpu.memory_space<semaphore_mem>>) src(%dma_wait3A_112 : memref<64x128xf32, #tpu.memory_space<hbm>>) dst(%dma_wait3A_109 : memref<64x128xf32, #tpu.memory_space<vmem>>)
    %add3A_113 = arith.constant 4992 : i32
    %add3A_114 = arith.addi %add3A_4, %add3A_113 : i32
    "tpu.region"() ({
      %run_scoped3A_127 = tpu.sem_alloc : memref<!tpu.dma_semaphore, #tpu.memory_space<semaphore_mem>>
      %dma_start3A_128 = tpu.memref_slice %arg5[%add3A_114] : memref<320000xi32, #tpu.memory_space<hbm>> -> memref<8xi32, #tpu.memory_space<hbm>>
      %dma_start3A_129 = tpu.memref_slice %arg5[%add3A_114] : memref<320000xi32, #tpu.memory_space<hbm>> -> memref<8xi32, #tpu.memory_space<hbm>>
      tpu.enqueue_dma source(%dma_start3A_129 : memref<8xi32, #tpu.memory_space<hbm>>) target(%arg11 : memref<8xi32, #tpu.memory_space<vmem>>) target_semaphore(%run_scoped3A_127 : memref<!tpu.dma_semaphore, #tpu.memory_space<semaphore_mem>>)
      %dma_wait3A_130 = tpu.memref_slice %arg5[%add3A_114] : memref<320000xi32, #tpu.memory_space<hbm>> -> memref<8xi32, #tpu.memory_space<hbm>>
      %dma_wait3A_131 = tpu.memref_slice %arg5[%add3A_114] : memref<320000xi32, #tpu.memory_space<hbm>> -> memref<8xi32, #tpu.memory_space<hbm>>
      tpu.wait_dma2 semaphore(%run_scoped3A_127 : memref<!tpu.dma_semaphore, #tpu.memory_space<semaphore_mem>>) src(%dma_wait3A_131 : memref<8xi32, #tpu.memory_space<hbm>>) dst(%arg11 : memref<8xi32, #tpu.memory_space<vmem>>)
      tpu.yield
    }) : () -> ()
    "tpu.region"() ({
      %run_scoped3A_127 = tpu.sem_alloc : memref<!tpu.dma_semaphore, #tpu.memory_space<semaphore_mem>>
      %dma_start3A_128 = arith.constant 4992 : i32
      %dma_start3A_129 = tpu.memref_slice %arg7[%dma_start3A_128] : memref<5000xi32, #tpu.memory_space<vmem>> -> memref<8xi32, #tpu.memory_space<vmem>>
      %dma_start3A_130 = arith.constant 0 : i32
      %dma_start3A_131 = arith.constant 0 : i32
      %dma_start3A_132 = tpu.memref_slice %arg2[%dma_start3A_130, %dma_start3A_131] : memref<10000x128xf32, #tpu.memory_space<hbm>> -> memref<10000x128xf32, #tpu.memory_space<hbm>>
      tpu.enqueue_indirect_dma source(%dma_start3A_132 : memref<10000x128xf32, #tpu.memory_space<hbm>>) target(%arg12 : memref<8x128xf32, #tpu.memory_space<vmem>>) offsets(%dma_start3A_129 : memref<8xi32, #tpu.memory_space<vmem>>) semaphore(%run_scoped3A_127 : memref<!tpu.dma_semaphore, #tpu.memory_space<semaphore_mem>>)
      %dma_wait3A_133 = arith.constant 4992 : i32
      %dma_wait3A_134 = tpu.memref_slice %arg7[%dma_wait3A_133] : memref<5000xi32, #tpu.memory_space<vmem>> -> memref<8xi32, #tpu.memory_space<vmem>>
      %dma_wait3A_135 = arith.constant 0 : i32
      %dma_wait3A_136 = arith.constant 0 : i32
      %dma_wait3A_137 = tpu.memref_slice %arg2[%dma_wait3A_135, %dma_wait3A_136] : memref<10000x128xf32, #tpu.memory_space<hbm>> -> memref<10000x128xf32, #tpu.memory_space<hbm>>
      tpu.wait_indirect_dma semaphore(%run_scoped3A_127 : memref<!tpu.dma_semaphore, #tpu.memory_space<semaphore_mem>>) src(%dma_wait3A_137 : memref<10000x128xf32, #tpu.memory_space<hbm>>) dst(%arg12 : memref<8x128xf32, #tpu.memory_space<vmem>>)
      tpu.yield
    }) : () -> ()
    %add3A_115 = arith.constant 4992 : i32
    %add3A_116 = arith.addi %mul3A_6, %add3A_115 : i32
    "tpu.region"() ({
      %run_scoped3A_127 = tpu.sem_alloc : memref<!tpu.dma_semaphore, #tpu.memory_space<semaphore_mem>>
      %dma_start3A_128 = arith.constant 0 : i32
      %dma_start3A_129 = tpu.memref_slice %arg3[%add3A_116, %dma_start3A_128] : memref<160000x128xf32, #tpu.memory_space<hbm>> -> memref<8x128xf32, #tpu.memory_space<hbm>>
      %dma_start3A_130 = arith.constant 0 : i32
      %dma_start3A_131 = tpu.memref_slice %arg3[%add3A_116, %dma_start3A_130] : memref<160000x128xf32, #tpu.memory_space<hbm>> -> memref<8x128xf32, #tpu.memory_space<hbm>>
      tpu.enqueue_dma source(%dma_start3A_131 : memref<8x128xf32, #tpu.memory_space<hbm>>) target(%arg13 : memref<8x128xf32, #tpu.memory_space<vmem>>) target_semaphore(%run_scoped3A_127 : memref<!tpu.dma_semaphore, #tpu.memory_space<semaphore_mem>>)
      %dma_wait3A_132 = arith.constant 0 : i32
      %dma_wait3A_133 = tpu.memref_slice %arg3[%add3A_116, %dma_wait3A_132] : memref<160000x128xf32, #tpu.memory_space<hbm>> -> memref<8x128xf32, #tpu.memory_space<hbm>>
      %dma_wait3A_134 = arith.constant 0 : i32
      %dma_wait3A_135 = tpu.memref_slice %arg3[%add3A_116, %dma_wait3A_134] : memref<160000x128xf32, #tpu.memory_space<hbm>> -> memref<8x128xf32, #tpu.memory_space<hbm>>
      tpu.wait_dma2 semaphore(%run_scoped3A_127 : memref<!tpu.dma_semaphore, #tpu.memory_space<semaphore_mem>>) src(%dma_wait3A_135 : memref<8x128xf32, #tpu.memory_space<hbm>>) dst(%arg13 : memref<8x128xf32, #tpu.memory_space<vmem>>)
      tpu.yield
    }) : () -> ()
    %scan3A_117 = arith.constant 0 : i32
    %scan3A_118 = arith.constant 0 : i32
    %scan3A_119 = arith.constant 8 : i32
    %scan3A_120 = arith.addi %scan3A_118, %scan3A_119 : i32
    %scan3A_121 = arith.constant 1 : i32
    scf.for %scan3A_127 = %scan3A_118 to %scan3A_120 step %scan3A_121  : i32 {
      %get3A = arith.index_cast %scan3A_127 : i32 to index
      %get3A_128 = arith.constant 0 : index
      %get3A_129 = tpu.vector_load %arg12[%get3A, %get3A_128] {strides = array<i32>} : memref<8x128xf32, #tpu.memory_space<vmem>>, vector<1x16xf32>,
      %get3A_130 = vector.shape_cast %get3A_129 : vector<1x16xf32> to vector<16xf32>
      %get3A_131 = arith.index_cast %scan3A_127 : i32 to index
      %get3A_132 = arith.constant 0 : index
      %get3A_133 = tpu.vector_load %arg13[%get3A_131, %get3A_132] {strides = array<i32>} : memref<8x128xf32, #tpu.memory_space<vmem>>, vector<1x16xf32>,
      %get3A_134 = vector.shape_cast %get3A_133 : vector<1x16xf32> to vector<16xf32>
      %mul3A_135 = arith.mulf %get3A_130, %get3A_134 : vector<16xf32>
      %swap3A = arith.index_cast %scan3A_127 : i32 to index
      %swap3A_136 = arith.constant 0 : index
      %swap3A_137 = tpu.vector_load %arg12[%swap3A, %swap3A_136] {strides = array<i32>} : memref<8x128xf32, #tpu.memory_space<vmem>>, vector<1x16xf32>,
      %swap3A_138 = vector.shape_cast %swap3A_137 : vector<1x16xf32> to vector<16xf32>
      %swap3A_139 = vector.shape_cast %mul3A_135 : vector<16xf32> to vector<1x16xf32>
      tpu.vector_store %arg12[%swap3A, %swap3A_136], %swap3A_139 {strides = array<i32>} : memref<8x128xf32, #tpu.memory_space<vmem>>, vector<1x16xf32>,
      %get3A_140 = arith.index_cast %scan3A_127 : i32 to index
      %get3A_141 = arith.constant 16 : index
      %get3A_142 = tpu.vector_load %arg12[%get3A_140, %get3A_141] {strides = array<i32>} : memref<8x128xf32, #tpu.memory_space<vmem>>, vector<1x16xf32>,
      %get3A_143 = vector.shape_cast %get3A_142 : vector<1x16xf32> to vector<16xf32>
      %get3A_144 = arith.index_cast %scan3A_127 : i32 to index
      %get3A_145 = arith.constant 16 : index
      %get3A_146 = tpu.vector_load %arg13[%get3A_144, %get3A_145] {strides = array<i32>} : memref<8x128xf32, #tpu.memory_space<vmem>>, vector<1x16xf32>,
      %get3A_147 = vector.shape_cast %get3A_146 : vector<1x16xf32> to vector<16xf32>
      %mul3A_148 = arith.mulf %get3A_143, %get3A_147 : vector<16xf32>
      %swap3A_149 = arith.index_cast %scan3A_127 : i32 to index
      %swap3A_150 = arith.constant 16 : index
      %swap3A_151 = tpu.vector_load %arg12[%swap3A_149, %swap3A_150] {strides = array<i32>} : memref<8x128xf32, #tpu.memory_space<vmem>>, vector<1x16xf32>,
      %swap3A_152 = vector.shape_cast %swap3A_151 : vector<1x16xf32> to vector<16xf32>
      %swap3A_153 = vector.shape_cast %mul3A_148 : vector<16xf32> to vector<1x16xf32>
      tpu.vector_store %arg12[%swap3A_149, %swap3A_150], %swap3A_153 {strides = array<i32>} : memref<8x128xf32, #tpu.memory_space<vmem>>, vector<1x16xf32>,
      %get3A_154 = arith.index_cast %scan3A_127 : i32 to index
      %get3A_155 = arith.constant 32 : index
      %get3A_156 = tpu.vector_load %arg12[%get3A_154, %get3A_155] {strides = array<i32>} : memref<8x128xf32, #tpu.memory_space<vmem>>, vector<1x16xf32>,
      %get3A_157 = vector.shape_cast %get3A_156 : vector<1x16xf32> to vector<16xf32>
      %get3A_158 = arith.index_cast %scan3A_127 : i32 to index
      %get3A_159 = arith.constant 32 : index
      %get3A_160 = tpu.vector_load %arg13[%get3A_158, %get3A_159] {strides = array<i32>} : memref<8x128xf32, #tpu.memory_space<vmem>>, vector<1x16xf32>,
      %get3A_161 = vector.shape_cast %get3A_160 : vector<1x16xf32> to vector<16xf32>
      %mul3A_162 = arith.mulf %get3A_157, %get3A_161 : vector<16xf32>
      %swap3A_163 = arith.index_cast %scan3A_127 : i32 to index
      %swap3A_164 = arith.constant 32 : index
      %swap3A_165 = tpu.vector_load %arg12[%swap3A_163, %swap3A_164] {strides = array<i32>} : memref<8x128xf32, #tpu.memory_space<vmem>>, vector<1x16xf32>,
      %swap3A_166 = vector.shape_cast %swap3A_165 : vector<1x16xf32> to vector<16xf32>
      %swap3A_167 = vector.shape_cast %mul3A_162 : vector<16xf32> to vector<1x16xf32>
      tpu.vector_store %arg12[%swap3A_163, %swap3A_164], %swap3A_167 {strides = array<i32>} : memref<8x128xf32, #tpu.memory_space<vmem>>, vector<1x16xf32>,
      %get3A_168 = arith.index_cast %scan3A_127 : i32 to index
      %get3A_169 = arith.constant 48 : index
      %get3A_170 = tpu.vector_load %arg12[%get3A_168, %get3A_169] {strides = array<i32>} : memref<8x128xf32, #tpu.memory_space<vmem>>, vector<1x16xf32>,
      %get3A_171 = vector.shape_cast %get3A_170 : vector<1x16xf32> to vector<16xf32>
      %get3A_172 = arith.index_cast %scan3A_127 : i32 to index
      %get3A_173 = arith.constant 48 : index
      %get3A_174 = tpu.vector_load %arg13[%get3A_172, %get3A_173] {strides = array<i32>} : memref<8x128xf32, #tpu.memory_space<vmem>>, vector<1x16xf32>,
      %get3A_175 = vector.shape_cast %get3A_174 : vector<1x16xf32> to vector<16xf32>
      %mul3A_176 = arith.mulf %get3A_171, %get3A_175 : vector<16xf32>
      %swap3A_177 = arith.index_cast %scan3A_127 : i32 to index
      %swap3A_178 = arith.constant 48 : index
      %swap3A_179 = tpu.vector_load %arg12[%swap3A_177, %swap3A_178] {strides = array<i32>} : memref<8x128xf32, #tpu.memory_space<vmem>>, vector<1x16xf32>,
      %swap3A_180 = vector.shape_cast %swap3A_179 : vector<1x16xf32> to vector<16xf32>
      %swap3A_181 = vector.shape_cast %mul3A_176 : vector<16xf32> to vector<1x16xf32>
      tpu.vector_store %arg12[%swap3A_177, %swap3A_178], %swap3A_181 {strides = array<i32>} : memref<8x128xf32, #tpu.memory_space<vmem>>, vector<1x16xf32>,
      %get3A_182 = arith.index_cast %scan3A_127 : i32 to index
      %get3A_183 = arith.constant 64 : index
      %get3A_184 = tpu.vector_load %arg12[%get3A_182, %get3A_183] {strides = array<i32>} : memref<8x128xf32, #tpu.memory_space<vmem>>, vector<1x16xf32>,
      %get3A_185 = vector.shape_cast %get3A_184 : vector<1x16xf32> to vector<16xf32>
      %get3A_186 = arith.index_cast %scan3A_127 : i32 to index
      %get3A_187 = arith.constant 64 : index
      %get3A_188 = tpu.vector_load %arg13[%get3A_186, %get3A_187] {strides = array<i32>} : memref<8x128xf32, #tpu.memory_space<vmem>>, vector<1x16xf32>,
      %get3A_189 = vector.shape_cast %get3A_188 : vector<1x16xf32> to vector<16xf32>
      %mul3A_190 = arith.mulf %get3A_185, %get3A_189 : vector<16xf32>
      %swap3A_191 = arith.index_cast %scan3A_127 : i32 to index
      %swap3A_192 = arith.constant 64 : index
      %swap3A_193 = tpu.vector_load %arg12[%swap3A_191, %swap3A_192] {strides = array<i32>} : memref<8x128xf32, #tpu.memory_space<vmem>>, vector<1x16xf32>,
      %swap3A_194 = vector.shape_cast %swap3A_193 : vector<1x16xf32> to vector<16xf32>
      %swap3A_195 = vector.shape_cast %mul3A_190 : vector<16xf32> to vector<1x16xf32>
      tpu.vector_store %arg12[%swap3A_191, %swap3A_192], %swap3A_195 {strides = array<i32>} : memref<8x128xf32, #tpu.memory_space<vmem>>, vector<1x16xf32>,
      %get3A_196 = arith.index_cast %scan3A_127 : i32 to index
      %get3A_197 = arith.constant 80 : index
      %get3A_198 = tpu.vector_load %arg12[%get3A_196, %get3A_197] {strides = array<i32>} : memref<8x128xf32, #tpu.memory_space<vmem>>, vector<1x16xf32>,
      %get3A_199 = vector.shape_cast %get3A_198 : vector<1x16xf32> to vector<16xf32>
      %get3A_200 = arith.index_cast %scan3A_127 : i32 to index
      %get3A_201 = arith.constant 80 : index
      %get3A_202 = tpu.vector_load %arg13[%get3A_200, %get3A_201] {strides = array<i32>} : memref<8x128xf32, #tpu.memory_space<vmem>>, vector<1x16xf32>,
      %get3A_203 = vector.shape_cast %get3A_202 : vector<1x16xf32> to vector<16xf32>
      %mul3A_204 = arith.mulf %get3A_199, %get3A_203 : vector<16xf32>
      %swap3A_205 = arith.index_cast %scan3A_127 : i32 to index
      %swap3A_206 = arith.constant 80 : index
      %swap3A_207 = tpu.vector_load %arg12[%swap3A_205, %swap3A_206] {strides = array<i32>} : memref<8x128xf32, #tpu.memory_space<vmem>>, vector<1x16xf32>,
      %swap3A_208 = vector.shape_cast %swap3A_207 : vector<1x16xf32> to vector<16xf32>
      %swap3A_209 = vector.shape_cast %mul3A_204 : vector<16xf32> to vector<1x16xf32>
      tpu.vector_store %arg12[%swap3A_205, %swap3A_206], %swap3A_209 {strides = array<i32>} : memref<8x128xf32, #tpu.memory_space<vmem>>, vector<1x16xf32>,
      %get3A_210 = arith.index_cast %scan3A_127 : i32 to index
      %get3A_211 = arith.constant 96 : index
      %get3A_212 = tpu.vector_load %arg12[%get3A_210, %get3A_211] {strides = array<i32>} : memref<8x128xf32, #tpu.memory_space<vmem>>, vector<1x16xf32>,
      %get3A_213 = vector.shape_cast %get3A_212 : vector<1x16xf32> to vector<16xf32>
      %get3A_214 = arith.index_cast %scan3A_127 : i32 to index
      %get3A_215 = arith.constant 96 : index
      %get3A_216 = tpu.vector_load %arg13[%get3A_214, %get3A_215] {strides = array<i32>} : memref<8x128xf32, #tpu.memory_space<vmem>>, vector<1x16xf32>,
      %get3A_217 = vector.shape_cast %get3A_216 : vector<1x16xf32> to vector<16xf32>
      %mul3A_218 = arith.mulf %get3A_213, %get3A_217 : vector<16xf32>
      %swap3A_219 = arith.index_cast %scan3A_127 : i32 to index
      %swap3A_220 = arith.constant 96 : index
      %swap3A_221 = tpu.vector_load %arg12[%swap3A_219, %swap3A_220] {strides = array<i32>} : memref<8x128xf32, #tpu.memory_space<vmem>>, vector<1x16xf32>,
      %swap3A_222 = vector.shape_cast %swap3A_221 : vector<1x16xf32> to vector<16xf32>
      %swap3A_223 = vector.shape_cast %mul3A_218 : vector<16xf32> to vector<1x16xf32>
      tpu.vector_store %arg12[%swap3A_219, %swap3A_220], %swap3A_223 {strides = array<i32>} : memref<8x128xf32, #tpu.memory_space<vmem>>, vector<1x16xf32>,
      %get3A_224 = arith.index_cast %scan3A_127 : i32 to index
      %get3A_225 = arith.constant 112 : index
      %get3A_226 = tpu.vector_load %arg12[%get3A_224, %get3A_225] {strides = array<i32>} : memref<8x128xf32, #tpu.memory_space<vmem>>, vector<1x16xf32>,
      %get3A_227 = vector.shape_cast %get3A_226 : vector<1x16xf32> to vector<16xf32>
      %get3A_228 = arith.index_cast %scan3A_127 : i32 to index
      %get3A_229 = arith.constant 112 : index
      %get3A_230 = tpu.vector_load %arg13[%get3A_228, %get3A_229] {strides = array<i32>} : memref<8x128xf32, #tpu.memory_space<vmem>>, vector<1x16xf32>,
      %get3A_231 = vector.shape_cast %get3A_230 : vector<1x16xf32> to vector<16xf32>
      %mul3A_232 = arith.mulf %get3A_227, %get3A_231 : vector<16xf32>
      %swap3A_233 = arith.index_cast %scan3A_127 : i32 to index
      %swap3A_234 = arith.constant 112 : index
      %swap3A_235 = tpu.vector_load %arg12[%swap3A_233, %swap3A_234] {strides = array<i32>} : memref<8x128xf32, #tpu.memory_space<vmem>>, vector<1x16xf32>,
      %swap3A_236 = vector.shape_cast %swap3A_235 : vector<1x16xf32> to vector<16xf32>
      %swap3A_237 = vector.shape_cast %mul3A_232 : vector<16xf32> to vector<1x16xf32>
      tpu.vector_store %arg12[%swap3A_233, %swap3A_234], %swap3A_237 {strides = array<i32>} : memref<8x128xf32, #tpu.memory_space<vmem>>, vector<1x16xf32>,
    }
    %scan3A_122 = arith.constant 8 : i32
    "tpu.region"() ({
      %run_scoped3A_127 = tpu.sem_alloc : memref<!tpu.dma_semaphore, #tpu.memory_space<semaphore_mem>>
      %dma_start3A_128 = arith.constant 0 : i32
      %dma_start3A_129 = arith.constant 0 : i32
      %dma_start3A_130 = tpu.memref_slice %arg14[%dma_start3A_128, %dma_start3A_129] : memref<10112x128xf32, #tpu.memory_space<vmem_shared>> -> memref<10112x128xf32, #tpu.memory_space<vmem_shared>>
      tpu.enqueue_indirect_dma source(%arg12 : memref<8x128xf32, #tpu.memory_space<vmem>>) target(%dma_start3A_130 : memref<10112x128xf32, #tpu.memory_space<vmem_shared>>) offsets(%arg11 : memref<8xi32, #tpu.memory_space<vmem>>) semaphore(%run_scoped3A_127 : memref<!tpu.dma_semaphore, #tpu.memory_space<semaphore_mem>>) {add = true}
      %dma_wait3A_131 = arith.constant 0 : i32
      %dma_wait3A_132 = arith.constant 0 : i32
      %dma_wait3A_133 = tpu.memref_slice %arg14[%dma_wait3A_131, %dma_wait3A_132] : memref<10112x128xf32, #tpu.memory_space<vmem_shared>> -> memref<10112x128xf32, #tpu.memory_space<vmem_shared>>
      tpu.wait_indirect_dma semaphore(%run_scoped3A_127 : memref<!tpu.dma_semaphore, #tpu.memory_space<semaphore_mem>>) src(%arg12 : memref<8x128xf32, #tpu.memory_space<vmem>>) dst(%dma_wait3A_133 : memref<10112x128xf32, #tpu.memory_space<vmem_shared>>)
      tpu.yield
    }) : () -> ()
    %barrier3A_123 = arith.constant 0 : index
    tpu.barrier barrier_id(%barrier3A_123)
    %mul3A_124 = arith.constant 10112 : i32
    %mul3A_125 = arith.muli %arg0, %mul3A_124 : i32
    %add3A_126 = arith.addi %mul3A_125, %mul3A_13 : i32
    "tpu.region"() ({
      %run_scoped3A_127 = tpu.sem_alloc : memref<!tpu.dma_semaphore, #tpu.memory_space<semaphore_mem>>
      %dma_start3A_128 = arith.constant 0 : i32
      %dma_start3A_129 = tpu.memref_slice %arg6[%add3A_126, %dma_start3A_128] : memref<20224x128xf32, #tpu.memory_space<hbm>> -> memref<632x128xf32, #tpu.memory_space<hbm>>
      %dma_start3A_130 = arith.constant 0 : i32
      %dma_start3A_131 = tpu.memref_slice %arg14[%mul3A_13, %dma_start3A_130] : memref<10112x128xf32, #tpu.memory_space<vmem_shared>> -> memref<632x128xf32, #tpu.memory_space<vmem_shared>>
      tpu.enqueue_dma source(%dma_start3A_131 : memref<632x128xf32, #tpu.memory_space<vmem_shared>>) target(%dma_start3A_129 : memref<632x128xf32, #tpu.memory_space<hbm>>) target_semaphore(%run_scoped3A_127 : memref<!tpu.dma_semaphore, #tpu.memory_space<semaphore_mem>>)
      %dma_wait3A_132 = arith.constant 0 : i32
      %dma_wait3A_133 = tpu.memref_slice %arg6[%add3A_126, %dma_wait3A_132] : memref<20224x128xf32, #tpu.memory_space<hbm>> -> memref<632x128xf32, #tpu.memory_space<hbm>>
      %dma_wait3A_134 = arith.constant 0 : i32
      %dma_wait3A_135 = tpu.memref_slice %arg14[%mul3A_13, %dma_wait3A_134] : memref<10112x128xf32, #tpu.memory_space<vmem_shared>> -> memref<632x128xf32, #tpu.memory_space<vmem_shared>>
      tpu.wait_dma2 semaphore(%run_scoped3A_127 : memref<!tpu.dma_semaphore, #tpu.memory_space<semaphore_mem>>) src(%dma_wait3A_135 : memref<632x128xf32, #tpu.memory_space<vmem_shared>>) dst(%dma_wait3A_133 : memref<632x128xf32, #tpu.memory_space<hbm>>)
      tpu.yield
    }) : () -> ()
    return
  }
}

#map = affine_map<(d0, d1) -> (0, 0)>
#map1 = affine_map<(d0, d1) -> (0)>
module attributes {stable_mosaic.version = 14 : i64} {
  func.func @k(%arg0: i32, %arg1: i32, %arg2: memref<10000x128xf32, #tpu.memory_space<hbm>>, %arg3: memref<160000x128xf32, #tpu.memory_space<hbm>>, %arg4: memref<320000xi32, #tpu.memory_space<hbm>>, %arg5: memref<320000xi32, #tpu.memory_space<hbm>>, %arg6: memref<20224x128xf32, #tpu.memory_space<hbm>>, %arg7: memref<5000xi32, #tpu.memory_space<vmem>>, %arg8: memref<2x64xi32, #tpu.memory_space<vmem>>, %arg9: memref<2x64x128xf32, #tpu.memory_space<vmem>>, %arg10: memref<2x64x128xf32, #tpu.memory_space<vmem>>, %arg11: memref<8xi32, #tpu.memory_space<vmem>>, %arg12: memref<8x128xf32, #tpu.memory_space<vmem>>, %arg13: memref<8x128xf32, #tpu.memory_space<vmem>>, %arg14: memref<10112x128xf32, #tpu.memory_space<vmem_shared>>, %arg15: memref<!tpu.dma_semaphore, #tpu.memory_space<semaphore_mem>>, %arg16: memref<!tpu.dma_semaphore, #tpu.memory_space<semaphore_mem>>, %arg17: memref<!tpu.dma_semaphore, #tpu.memory_space<semaphore_mem>>, %arg18: memref<!tpu.dma_semaphore, #tpu.memory_space<semaphore_mem>>) attributes {dimension_semantics = [#tpu.dimension_semantics<core_parallel>, #tpu.dimension_semantics<subcore_parallel>], iteration_bounds = array<i64: 2, 16>, scalar_prefetch = 0 : i64, scratch_operands = 12 : i64, tpu.core_type = #tpu.core_type<sc_vector_subcore>, window_params = [{transform_indices = #map}, {transform_indices = #map}, {transform_indices = #map1}, {transform_indices = #map1}, {transform_indices = #map}]} {
    %mul3A = arith.constant 16 : i32
    %mul3A_0 = arith.muli %arg0, %mul3A : i32
    %add3A = arith.addi %mul3A_0, %arg1 : i32
    %mul3A_1 = arith.constant 5000 : i32
    %mul3A_2 = arith.muli %add3A, %mul3A_1 : i32
    %add3A_3 = arith.constant 0 : i32
    %add3A_4 = arith.addi %add3A_3, %mul3A_2 : i32
    %mul3A_5 = arith.constant 5000 : i32
    %mul3A_6 = arith.muli %add3A, %mul3A_5 : i32
    "tpu.region"() ({
      %run_scoped3A_127 = tpu.sem_alloc : memref<!tpu.dma_semaphore, #tpu.memory_space<semaphore_mem>>
      %dma_start3A_128 = tpu.memref_slice %arg4[%add3A_4] : memref<320000xi32, #tpu.memory_space<hbm>> -> memref<5000xi32, #tpu.memory_space<hbm>>
      %dma_start3A_129 = tpu.memref_slice %arg4[%add3A_4] : memref<320000xi32, #tpu.memory_space<hbm>> -> memref<5000xi32, #tpu.memory_space<hbm>>
      tpu.enqueue_dma source(%dma_start3A_129 : memref<5000xi32, #tpu.memory_space<hbm>>) target(%arg7 : memref<5000xi32, #tpu.memory_space<vmem>>) target_semaphore(%run_scoped3A_127 : memref<!tpu.dma_semaphore, #tpu.memory_space<semaphore_mem>>)
      %dma_wait3A_130 = tpu.memref_slice %arg4[%add3A_4] : memref<320000xi32, #tpu.memory_space<hbm>> -> memref<5000xi32, #tpu.memory_space<hbm>>
      %dma_wait3A_131 = tpu.memref_slice %arg4[%add3A_4] : memref<320000xi32, #tpu.memory_space<hbm>> -> memref<5000xi32, #tpu.memory_space<hbm>>
      tpu.wait_dma2 semaphore(%run_scoped3A_127 : memref<!tpu.dma_semaphore, #tpu.memory_space<semaphore_mem>>) src(%dma_wait3A_131 : memref<5000xi32, #tpu.memory_space<hbm>>) dst(%arg7 : memref<5000xi32, #tpu.memory_space<vmem>>)
      tpu.yield
    }) : () -> ()
    %scan3A = arith.constant 0 : i32
    %scan3A_7 = arith.constant 0 : i32
    %scan3A_8 = arith.constant 64 : i32
    %scan3A_9 = arith.addi %scan3A_7, %scan3A_8 : i32
    %scan3A_10 = arith.constant 1 : i32
    scf.for %scan3A_127 = %scan3A_7 to %scan3A_9 step %scan3A_10  : i32 {
      %broadcast_in_dim3A = arith.constant 0.000000e+00 : f32
      %broadcast_in_dim3A_128 = vector.broadcast %broadcast_in_dim3A : f32 to vector<16xf32>
      %swap3A = arith.constant 0 : i32
      %swap3A_129 = arith.index_cast %swap3A : i32 to index
      %swap3A_130 = arith.index_cast %scan3A_127 : i32 to index
      %swap3A_131 = arith.constant 0 : index
      %swap3A_132 = tpu.vector_load %arg9[%swap3A_129, %swap3A_130, %swap3A_131] {strides = array<i32>} : memref<2x64x128xf32, #tpu.memory_space<vmem>>, vector<1x1x16xf32>,
      %swap3A_133 = vector.shape_cast %swap3A_132 : vector<1x1x16xf32> to vector<16xf32>
      %swap3A_134 = vector.shape_cast %broadcast_in_dim3A_128 : vector<16xf32> to vector<1x1x16xf32>
      tpu.vector_store %arg9[%swap3A_129, %swap3A_130, %swap3A_131], %swap3A_134 {strides = array<i32>} : memref<2x64x128xf32, #tpu.memory_space<vmem>>, vector<1x1x16xf32>,
      %broadcast_in_dim3A_135 = arith.constant 0.000000e+00 : f32
      %broadcast_in_dim3A_136 = vector.broadcast %broadcast_in_dim3A_135 : f32 to vector<16xf32>
      %swap3A_137 = arith.constant 0 : i32
      %swap3A_138 = arith.index_cast %swap3A_137 : i32 to index
      %swap3A_139 = arith.index_cast %scan3A_127 : i32 to index
      %swap3A_140 = arith.constant 16 : index
      %swap3A_141 = tpu.vector_load %arg9[%swap3A_138, %swap3A_139, %swap3A_140] {strides = array<i32>} : memref<2x64x128xf32, #tpu.memory_space<vmem>>, vector<1x1x16xf32>,
      %swap3A_142 = vector.shape_cast %swap3A_141 : vector<1x1x16xf32> to vector<16xf32>
      %swap3A_143 = vector.shape_cast %broadcast_in_dim3A_136 : vector<16xf32> to vector<1x1x16xf32>
      tpu.vector_store %arg9[%swap3A_138, %swap3A_139, %swap3A_140], %swap3A_143 {strides = array<i32>} : memref<2x64x128xf32, #tpu.memory_space<vmem>>, vector<1x1x16xf32>,
      %broadcast_in_dim3A_144 = arith.constant 0.000000e+00 : f32
      %broadcast_in_dim3A_145 = vector.broadcast %broadcast_in_dim3A_144 : f32 to vector<16xf32>
      %swap3A_146 = arith.constant 0 : i32
      %swap3A_147 = arith.index_cast %swap3A_146 : i32 to index
      %swap3A_148 = arith.index_cast %scan3A_127 : i32 to index
      %swap3A_149 = arith.constant 32 : index
      %swap3A_150 = tpu.vector_load %arg9[%swap3A_147, %swap3A_148, %swap3A_149] {strides = array<i32>} : memref<2x64x128xf32, #tpu.memory_space<vmem>>, vector<1x1x16xf32>,
      %swap3A_151 = vector.shape_cast %swap3A_150 : vector<1x1x16xf32> to vector<16xf32>
      %swap3A_152 = vector.shape_cast %broadcast_in_dim3A_145 : vector<16xf32> to vector<1x1x16xf32>
      tpu.vector_store %arg9[%swap3A_147, %swap3A_148, %swap3A_149], %swap3A_152 {strides = array<i32>} : memref<2x64x128xf32, #tpu.memory_space<vmem>>, vector<1x1x16xf32>,
      %broadcast_in_dim3A_153 = arith.constant 0.000000e+00 : f32
      %broadcast_in_dim3A_154 = vector.broadcast %broadcast_in_dim3A_153 : f32 to vector<16xf32>
      %swap3A_155 = arith.constant 0 : i32
      %swap3A_156 = arith.index_cast %swap3A_155 : i32 to index
      %swap3A_157 = arith.index_cast %scan3A_127 : i32 to index
      %swap3A_158 = arith.constant 48 : index
      %swap3A_159 = tpu.vector_load %arg9[%swap3A_156, %swap3A_157, %swap3A_158] {strides = array<i32>} : memref<2x64x128xf32, #tpu.memory_space<vmem>>, vector<1x1x16xf32>,
      %swap3A_160 = vector.shape_cast %swap3A_159 : vector<1x1x16xf32> to vector<16xf32>
      %swap3A_161 = vector.shape_cast %broadcast_in_dim3A_154 : vector<16xf32> to vector<1x1x16xf32>
      tpu.vector_store %arg9[%swap3A_156, %swap3A_157, %swap3A_158], %swap3A_161 {strides = array<i32>} : memref<2x64x128xf32, #tpu.memory_space<vmem>>, vector<1x1x16xf32>,
      %broadcast_in_dim3A_162 = arith.constant 0.000000e+00 : f32
      %broadcast_in_dim3A_163 = vector.broadcast %broadcast_in_dim3A_162 : f32 to vector<16xf32>
      %swap3A_164 = arith.constant 0 : i32
      %swap3A_165 = arith.index_cast %swap3A_164 : i32 to index
      %swap3A_166 = arith.index_cast %scan3A_127 : i32 to index
      %swap3A_167 = arith.constant 64 : index
      %swap3A_168 = tpu.vector_load %arg9[%swap3A_165, %swap3A_166, %swap3A_167] {strides = array<i32>} : memref<2x64x128xf32, #tpu.memory_space<vmem>>, vector<1x1x16xf32>,
      %swap3A_169 = vector.shape_cast %swap3A_168 : vector<1x1x16xf32> to vector<16xf32>
      %swap3A_170 = vector.shape_cast %broadcast_in_dim3A_163 : vector<16xf32> to vector<1x1x16xf32>
      tpu.vector_store %arg9[%swap3A_165, %swap3A_166, %swap3A_167], %swap3A_170 {strides = array<i32>} : memref<2x64x128xf32, #tpu.memory_space<vmem>>, vector<1x1x16xf32>,
      %broadcast_in_dim3A_171 = arith.constant 0.000000e+00 : f32
      %broadcast_in_dim3A_172 = vector.broadcast %broadcast_in_dim3A_171 : f32 to vector<16xf32>
      %swap3A_173 = arith.constant 0 : i32
      %swap3A_174 = arith.index_cast %swap3A_173 : i32 to index
      %swap3A_175 = arith.index_cast %scan3A_127 : i32 to index
      %swap3A_176 = arith.constant 80 : index
      %swap3A_177 = tpu.vector_load %arg9[%swap3A_174, %swap3A_175, %swap3A_176] {strides = array<i32>} : memref<2x64x128xf32, #tpu.memory_space<vmem>>, vector<1x1x16xf32>,
      %swap3A_178 = vector.shape_cast %swap3A_177 : vector<1x1x16xf32> to vector<16xf32>
      %swap3A_179 = vector.shape_cast %broadcast_in_dim3A_172 : vector<16xf32> to vector<1x1x16xf32>
      tpu.vector_store %arg9[%swap3A_174, %swap3A_175, %swap3A_176], %swap3A_179 {strides = array<i32>} : memref<2x64x128xf32, #tpu.memory_space<vmem>>, vector<1x1x16xf32>,
      %broadcast_in_dim3A_180 = arith.constant 0.000000e+00 : f32
      %broadcast_in_dim3A_181 = vector.broadcast %broadcast_in_dim3A_180 : f32 to vector<16xf32>
      %swap3A_182 = arith.constant 0 : i32
      %swap3A_183 = arith.index_cast %swap3A_182 : i32 to index
      %swap3A_184 = arith.index_cast %scan3A_127 : i32 to index
      %swap3A_185 = arith.constant 96 : index
      %swap3A_186 = tpu.vector_load %arg9[%swap3A_183, %swap3A_184, %swap3A_185] {strides = array<i32>} : memref<2x64x128xf32, #tpu.memory_space<vmem>>, vector<1x1x16xf32>,
      %swap3A_187 = vector.shape_cast %swap3A_186 : vector<1x1x16xf32> to vector<16xf32>
      %swap3A_188 = vector.shape_cast %broadcast_in_dim3A_181 : vector<16xf32> to vector<1x1x16xf32>
      tpu.vector_store %arg9[%swap3A_183, %swap3A_184, %swap3A_185], %swap3A_188 {strides = array<i32>} : memref<2x64x128xf32, #tpu.memory_space<vmem>>, vector<1x1x16xf32>,
      %broadcast_in_dim3A_189 = arith.constant 0.000000e+00 : f32
      %broadcast_in_dim3A_190 = vector.broadcast %broadcast_in_dim3A_189 : f32 to vector<16xf32>
      %swap3A_191 = arith.constant 0 : i32
      %swap3A_192 = arith.index_cast %swap3A_191 : i32 to index
      %swap3A_193 = arith.index_cast %scan3A_127 : i32 to index
      %swap3A_194 = arith.constant 112 : index
      %swap3A_195 = tpu.vector_load %arg9[%swap3A_192, %swap3A_193, %swap3A_194] {strides = array<i32>} : memref<2x64x128xf32, #tpu.memory_space<vmem>>, vector<1x1x16xf32>,
      %swap3A_196 = vector.shape_cast %swap3A_195 : vector<1x1x16xf32> to vector<16xf32>
      %swap3A_197 = vector.shape_cast %broadcast_in_dim3A_190 : vector<16xf32> to vector<1x1x16xf32>
      tpu.vector_store %arg9[%swap3A_192, %swap3A_193, %swap3A_194], %swap3A_197 {strides = array<i32>} : memref<2x64x128xf32, #tpu.memory_space<vmem>>, vector<1x1x16xf32>,
    }
    %scan3A_11 = arith.constant 64 : i32
    %mul3A_12 = arith.constant 632 : i32
    %mul3A_13 = arith.muli %arg1, %mul3A_12 : i32
    %add3A_14 = arith.constant 0 : i32
    %add3A_15 = arith.addi %mul3A_13, %add3A_14 : i32
    %run_scoped3A = arith.constant 0 : i32
    "tpu.region"() ({
      %run_scoped3A_127 = tpu.sem_alloc : memref<!tpu.dma_semaphore, #tpu.memory_space<semaphore_mem>>
      %dma_start3A_128 = arith.constant 0 : i32
      %dma_start3A_129 = arith.constant 0 : i32
      %dma_start3A_130 = tpu.memref_slice %arg9[%run_scoped3A, %dma_start3A_128, %dma_start3A_129] : memref<2x64x128xf32, #tpu.memory_space<vmem>> -> memref<1x64x128xf32, #tpu.memory_space<vmem>>
      %dma_start3A_131 = tpu.memref_squeeze %dma_start3A_130 : memref<1x64x128xf32, #tpu.memory_space<vmem>> -> memref<64x128xf32, #tpu.memory_space<vmem>>
      %dma_start3A_132 = arith.constant 0 : i32
      %dma_start3A_133 = tpu.memref_slice %arg14[%add3A_15, %dma_start3A_132] : memref<10112x128xf32, #tpu.memory_space<vmem_shared>> -> memref<64x128xf32, #tpu.memory_space<vmem_shared>>
      %dma_start3A_134 = arith.constant 0 : i32
      %dma_start3A_135 = tpu.memref_slice %arg14[%add3A_15, %dma_start3A_134] : memref<10112x128xf32, #tpu.memory_space<vmem_shared>> -> memref<64x128xf32, #tpu.memory_space<vmem_shared>>
      %dma_start3A_136 = arith.constant 0 : i32
      %dma_start3A_137 = arith.constant 0 : i32
      %dma_start3A_138 = tpu.memref_slice %arg9[%run_scoped3A, %dma_start3A_136, %dma_start3A_137] : memref<2x64x128xf32, #tpu.memory_space<vmem>> -> memref<1x64x128xf32, #tpu.memory_space<vmem>>
      %dma_start3A_139 = tpu.memref_squeeze %dma_start3A_138 : memref<1x64x128xf32, #tpu.memory_space<vmem>> -> memref<64x128xf32, #tpu.memory_space<vmem>>
      tpu.enqueue_dma source(%dma_start3A_139 : memref<64x128xf32, #tpu.memory_space<vmem>>) target(%dma_start3A_135 : memref<64x128xf32, #tpu.memory_space<vmem_shared>>) target_semaphore(%run_scoped3A_127 : memref<!tpu.dma_semaphore, #tpu.memory_space<semaphore_mem>>)
      %dma_wait3A_140 = arith.constant 0 : i32
      %dma_wait3A_141 = arith.constant 0 : i32
      %dma_wait3A_142 = tpu.memref_slice %arg9[%run_scoped3A, %dma_wait3A_140, %dma_wait3A_141] : memref<2x64x128xf32, #tpu.memory_space<vmem>> -> memref<1x64x128xf32, #tpu.memory_space<vmem>>
      %dma_wait3A_143 = tpu.memref_squeeze %dma_wait3A_142 : memref<1x64x128xf32, #tpu.memory_space<vmem>> -> memref<64x128xf32, #tpu.memory_space<vmem>>
      %dma_wait3A_144 = arith.constant 0 : i32
      %dma_wait3A_145 = tpu.memref_slice %arg14[%add3A_15, %dma_wait3A_144] : memref<10112x128xf32, #tpu.memory_space<vmem_shared>> -> memref<64x128xf32, #tpu.memory_space<vmem_shared>>
      %dma_wait3A_146 = arith.constant 0 : i32
      %dma_wait3A_147 = tpu.memref_slice %arg14[%add3A_15, %dma_wait3A_146] : memref<10112x128xf32, #tpu.memory_space<vmem_shared>> -> memref<64x128xf32, #tpu.memory_space<vmem_shared>>
      %dma_wait3A_148 = arith.constant 0 : i32
      %dma_wait3A_149 = arith.constant 0 : i32
      %dma_wait3A_150 = tpu.memref_slice %arg9[%run_scoped3A, %dma_wait3A_148, %dma_wait3A_149] : memref<2x64x128xf32, #tpu.memory_space<vmem>> -> memref<1x64x128xf32, #tpu.memory_space<vmem>>
      %dma_wait3A_151 = tpu.memref_squeeze %dma_wait3A_150 : memref<1x64x128xf32, #tpu.memory_space<vmem>> -> memref<64x128xf32, #tpu.memory_space<vmem>>
      tpu.wait_dma2 semaphore(%run_scoped3A_127 : memref<!tpu.dma_semaphore, #tpu.memory_space<semaphore_mem>>) src(%dma_wait3A_151 : memref<64x128xf32, #tpu.memory_space<vmem>>) dst(%dma_wait3A_147 : memref<64x128xf32, #tpu.memory_space<vmem_shared>>)
      tpu.yield
    }) : () -> ()
    %add3A_16 = arith.constant 64 : i32
    %add3A_17 = arith.addi %mul3A_13, %add3A_16 : i32
    %run_scoped3A_18 = arith.constant 0 : i32
    "tpu.region"() ({
      %run_scoped3A_127 = tpu.sem_alloc : memref<!tpu.dma_semaphore, #tpu.memory_space<semaphore_mem>>
      %dma_start3A_128 = arith.constant 0 : i32
      %dma_start3A_129 = arith.constant 0 : i32
      %dma_start3A_130 = tpu.memref_slice %arg9[%run_scoped3A_18, %dma_start3A_128, %dma_start3A_129] : memref<2x64x128xf32, #tpu.memory_space<vmem>> -> memref<1x64x128xf32, #tpu.memory_space<vmem>>
      %dma_start3A_131 = tpu.memref_squeeze %dma_start3A_130 : memref<1x64x128xf32, #tpu.memory_space<vmem>> -> memref<64x128xf32, #tpu.memory_space<vmem>>
      %dma_start3A_132 = arith.constant 0 : i32
      %dma_start3A_133 = tpu.memref_slice %arg14[%add3A_17, %dma_start3A_132] : memref<10112x128xf32, #tpu.memory_space<vmem_shared>> -> memref<64x128xf32, #tpu.memory_space<vmem_shared>>
      %dma_start3A_134 = arith.constant 0 : i32
      %dma_start3A_135 = tpu.memref_slice %arg14[%add3A_17, %dma_start3A_134] : memref<10112x128xf32, #tpu.memory_space<vmem_shared>> -> memref<64x128xf32, #tpu.memory_space<vmem_shared>>
      %dma_start3A_136 = arith.constant 0 : i32
      %dma_start3A_137 = arith.constant 0 : i32
      %dma_start3A_138 = tpu.memref_slice %arg9[%run_scoped3A_18, %dma_start3A_136, %dma_start3A_137] : memref<2x64x128xf32, #tpu.memory_space<vmem>> -> memref<1x64x128xf32, #tpu.memory_space<vmem>>
      %dma_start3A_139 = tpu.memref_squeeze %dma_start3A_138 : memref<1x64x128xf32, #tpu.memory_space<vmem>> -> memref<64x128xf32, #tpu.memory_space<vmem>>
      tpu.enqueue_dma source(%dma_start3A_139 : memref<64x128xf32, #tpu.memory_space<vmem>>) target(%dma_start3A_135 : memref<64x128xf32, #tpu.memory_space<vmem_shared>>) target_semaphore(%run_scoped3A_127 : memref<!tpu.dma_semaphore, #tpu.memory_space<semaphore_mem>>)
      %dma_wait3A_140 = arith.constant 0 : i32
      %dma_wait3A_141 = arith.constant 0 : i32
      %dma_wait3A_142 = tpu.memref_slice %arg9[%run_scoped3A_18, %dma_wait3A_140, %dma_wait3A_141] : memref<2x64x128xf32, #tpu.memory_space<vmem>> -> memref<1x64x128xf32, #tpu.memory_space<vmem>>
      %dma_wait3A_143 = tpu.memref_squeeze %dma_wait3A_142 : memref<1x64x128xf32, #tpu.memory_space<vmem>> -> memref<64x128xf32, #tpu.memory_space<vmem>>
      %dma_wait3A_144 = arith.constant 0 : i32
      %dma_wait3A_145 = tpu.memref_slice %arg14[%add3A_17, %dma_wait3A_144] : memref<10112x128xf32, #tpu.memory_space<vmem_shared>> -> memref<64x128xf32, #tpu.memory_space<vmem_shared>>
      %dma_wait3A_146 = arith.constant 0 : i32
      %dma_wait3A_147 = tpu.memref_slice %arg14[%add3A_17, %dma_wait3A_146] : memref<10112x128xf32, #tpu.memory_space<vmem_shared>> -> memref<64x128xf32, #tpu.memory_space<vmem_shared>>
      %dma_wait3A_148 = arith.constant 0 : i32
      %dma_wait3A_149 = arith.constant 0 : i32
      %dma_wait3A_150 = tpu.memref_slice %arg9[%run_scoped3A_18, %dma_wait3A_148, %dma_wait3A_149] : memref<2x64x128xf32, #tpu.memory_space<vmem>> -> memref<1x64x128xf32, #tpu.memory_space<vmem>>
      %dma_wait3A_151 = tpu.memref_squeeze %dma_wait3A_150 : memref<1x64x128xf32, #tpu.memory_space<vmem>> -> memref<64x128xf32, #tpu.memory_space<vmem>>
      tpu.wait_dma2 semaphore(%run_scoped3A_127 : memref<!tpu.dma_semaphore, #tpu.memory_space<semaphore_mem>>) src(%dma_wait3A_151 : memref<64x128xf32, #tpu.memory_space<vmem>>) dst(%dma_wait3A_147 : memref<64x128xf32, #tpu.memory_space<vmem_shared>>)
      tpu.yield
    }) : () -> ()
    %add3A_19 = arith.constant 128 : i32
    %add3A_20 = arith.addi %mul3A_13, %add3A_19 : i32
    %run_scoped3A_21 = arith.constant 0 : i32
    "tpu.region"() ({
      %run_scoped3A_127 = tpu.sem_alloc : memref<!tpu.dma_semaphore, #tpu.memory_space<semaphore_mem>>
      %dma_start3A_128 = arith.constant 0 : i32
      %dma_start3A_129 = arith.constant 0 : i32
      %dma_start3A_130 = tpu.memref_slice %arg9[%run_scoped3A_21, %dma_start3A_128, %dma_start3A_129] : memref<2x64x128xf32, #tpu.memory_space<vmem>> -> memref<1x64x128xf32, #tpu.memory_space<vmem>>
      %dma_start3A_131 = tpu.memref_squeeze %dma_start3A_130 : memref<1x64x128xf32, #tpu.memory_space<vmem>> -> memref<64x128xf32, #tpu.memory_space<vmem>>
      %dma_start3A_132 = arith.constant 0 : i32
      %dma_start3A_133 = tpu.memref_slice %arg14[%add3A_20, %dma_start3A_132] : memref<10112x128xf32, #tpu.memory_space<vmem_shared>> -> memref<64x128xf32, #tpu.memory_space<vmem_shared>>
      %dma_start3A_134 = arith.constant 0 : i32
      %dma_start3A_135 = tpu.memref_slice %arg14[%add3A_20, %dma_start3A_134] : memref<10112x128xf32, #tpu.memory_space<vmem_shared>> -> memref<64x128xf32, #tpu.memory_space<vmem_shared>>
      %dma_start3A_136 = arith.constant 0 : i32
      %dma_start3A_137 = arith.constant 0 : i32
      %dma_start3A_138 = tpu.memref_slice %arg9[%run_scoped3A_21, %dma_start3A_136, %dma_start3A_137] : memref<2x64x128xf32, #tpu.memory_space<vmem>> -> memref<1x64x128xf32, #tpu.memory_space<vmem>>
      %dma_start3A_139 = tpu.memref_squeeze %dma_start3A_138 : memref<1x64x128xf32, #tpu.memory_space<vmem>> -> memref<64x128xf32, #tpu.memory_space<vmem>>
      tpu.enqueue_dma source(%dma_start3A_139 : memref<64x128xf32, #tpu.memory_space<vmem>>) target(%dma_start3A_135 : memref<64x128xf32, #tpu.memory_space<vmem_shared>>) target_semaphore(%run_scoped3A_127 : memref<!tpu.dma_semaphore, #tpu.memory_space<semaphore_mem>>)
      %dma_wait3A_140 = arith.constant 0 : i32
      %dma_wait3A_141 = arith.constant 0 : i32
      %dma_wait3A_142 = tpu.memref_slice %arg9[%run_scoped3A_21, %dma_wait3A_140, %dma_wait3A_141] : memref<2x64x128xf32, #tpu.memory_space<vmem>> -> memref<1x64x128xf32, #tpu.memory_space<vmem>>
      %dma_wait3A_143 = tpu.memref_squeeze %dma_wait3A_142 : memref<1x64x128xf32, #tpu.memory_space<vmem>> -> memref<64x128xf32, #tpu.memory_space<vmem>>
      %dma_wait3A_144 = arith.constant 0 : i32
      %dma_wait3A_145 = tpu.memref_slice %arg14[%add3A_20, %dma_wait3A_144] : memref<10112x128xf32, #tpu.memory_space<vmem_shared>> -> memref<64x128xf32, #tpu.memory_space<vmem_shared>>
      %dma_wait3A_146 = arith.constant 0 : i32
      %dma_wait3A_147 = tpu.memref_slice %arg14[%add3A_20, %dma_wait3A_146] : memref<10112x128xf32, #tpu.memory_space<vmem_shared>> -> memref<64x128xf32, #tpu.memory_space<vmem_shared>>
      %dma_wait3A_148 = arith.constant 0 : i32
      %dma_wait3A_149 = arith.constant 0 : i32
      %dma_wait3A_150 = tpu.memref_slice %arg9[%run_scoped3A_21, %dma_wait3A_148, %dma_wait3A_149] : memref<2x64x128xf32, #tpu.memory_space<vmem>> -> memref<1x64x128xf32, #tpu.memory_space<vmem>>
      %dma_wait3A_151 = tpu.memref_squeeze %dma_wait3A_150 : memref<1x64x128xf32, #tpu.memory_space<vmem>> -> memref<64x128xf32, #tpu.memory_space<vmem>>
      tpu.wait_dma2 semaphore(%run_scoped3A_127 : memref<!tpu.dma_semaphore, #tpu.memory_space<semaphore_mem>>) src(%dma_wait3A_151 : memref<64x128xf32, #tpu.memory_space<vmem>>) dst(%dma_wait3A_147 : memref<64x128xf32, #tpu.memory_space<vmem_shared>>)
      tpu.yield
    }) : () -> ()
    %add3A_22 = arith.constant 192 : i32
    %add3A_23 = arith.addi %mul3A_13, %add3A_22 : i32
    %run_scoped3A_24 = arith.constant 0 : i32
    "tpu.region"() ({
      %run_scoped3A_127 = tpu.sem_alloc : memref<!tpu.dma_semaphore, #tpu.memory_space<semaphore_mem>>
      %dma_start3A_128 = arith.constant 0 : i32
      %dma_start3A_129 = arith.constant 0 : i32
      %dma_start3A_130 = tpu.memref_slice %arg9[%run_scoped3A_24, %dma_start3A_128, %dma_start3A_129] : memref<2x64x128xf32, #tpu.memory_space<vmem>> -> memref<1x64x128xf32, #tpu.memory_space<vmem>>
      %dma_start3A_131 = tpu.memref_squeeze %dma_start3A_130 : memref<1x64x128xf32, #tpu.memory_space<vmem>> -> memref<64x128xf32, #tpu.memory_space<vmem>>
      %dma_start3A_132 = arith.constant 0 : i32
      %dma_start3A_133 = tpu.memref_slice %arg14[%add3A_23, %dma_start3A_132] : memref<10112x128xf32, #tpu.memory_space<vmem_shared>> -> memref<64x128xf32, #tpu.memory_space<vmem_shared>>
      %dma_start3A_134 = arith.constant 0 : i32
      %dma_start3A_135 = tpu.memref_slice %arg14[%add3A_23, %dma_start3A_134] : memref<10112x128xf32, #tpu.memory_space<vmem_shared>> -> memref<64x128xf32, #tpu.memory_space<vmem_shared>>
      %dma_start3A_136 = arith.constant 0 : i32
      %dma_start3A_137 = arith.constant 0 : i32
      %dma_start3A_138 = tpu.memref_slice %arg9[%run_scoped3A_24, %dma_start3A_136, %dma_start3A_137] : memref<2x64x128xf32, #tpu.memory_space<vmem>> -> memref<1x64x128xf32, #tpu.memory_space<vmem>>
      %dma_start3A_139 = tpu.memref_squeeze %dma_start3A_138 : memref<1x64x128xf32, #tpu.memory_space<vmem>> -> memref<64x128xf32, #tpu.memory_space<vmem>>
      tpu.enqueue_dma source(%dma_start3A_139 : memref<64x128xf32, #tpu.memory_space<vmem>>) target(%dma_start3A_135 : memref<64x128xf32, #tpu.memory_space<vmem_shared>>) target_semaphore(%run_scoped3A_127 : memref<!tpu.dma_semaphore, #tpu.memory_space<semaphore_mem>>)
      %dma_wait3A_140 = arith.constant 0 : i32
      %dma_wait3A_141 = arith.constant 0 : i32
      %dma_wait3A_142 = tpu.memref_slice %arg9[%run_scoped3A_24, %dma_wait3A_140, %dma_wait3A_141] : memref<2x64x128xf32, #tpu.memory_space<vmem>> -> memref<1x64x128xf32, #tpu.memory_space<vmem>>
      %dma_wait3A_143 = tpu.memref_squeeze %dma_wait3A_142 : memref<1x64x128xf32, #tpu.memory_space<vmem>> -> memref<64x128xf32, #tpu.memory_space<vmem>>
      %dma_wait3A_144 = arith.constant 0 : i32
      %dma_wait3A_145 = tpu.memref_slice %arg14[%add3A_23, %dma_wait3A_144] : memref<10112x128xf32, #tpu.memory_space<vmem_shared>> -> memref<64x128xf32, #tpu.memory_space<vmem_shared>>
      %dma_wait3A_146 = arith.constant 0 : i32
      %dma_wait3A_147 = tpu.memref_slice %arg14[%add3A_23, %dma_wait3A_146] : memref<10112x128xf32, #tpu.memory_space<vmem_shared>> -> memref<64x128xf32, #tpu.memory_space<vmem_shared>>
      %dma_wait3A_148 = arith.constant 0 : i32
      %dma_wait3A_149 = arith.constant 0 : i32
      %dma_wait3A_150 = tpu.memref_slice %arg9[%run_scoped3A_24, %dma_wait3A_148, %dma_wait3A_149] : memref<2x64x128xf32, #tpu.memory_space<vmem>> -> memref<1x64x128xf32, #tpu.memory_space<vmem>>
      %dma_wait3A_151 = tpu.memref_squeeze %dma_wait3A_150 : memref<1x64x128xf32, #tpu.memory_space<vmem>> -> memref<64x128xf32, #tpu.memory_space<vmem>>
      tpu.wait_dma2 semaphore(%run_scoped3A_127 : memref<!tpu.dma_semaphore, #tpu.memory_space<semaphore_mem>>) src(%dma_wait3A_151 : memref<64x128xf32, #tpu.memory_space<vmem>>) dst(%dma_wait3A_147 : memref<64x128xf32, #tpu.memory_space<vmem_shared>>)
      tpu.yield
    }) : () -> ()
    %add3A_25 = arith.constant 256 : i32
    %add3A_26 = arith.addi %mul3A_13, %add3A_25 : i32
    %run_scoped3A_27 = arith.constant 0 : i32
    "tpu.region"() ({
      %run_scoped3A_127 = tpu.sem_alloc : memref<!tpu.dma_semaphore, #tpu.memory_space<semaphore_mem>>
      %dma_start3A_128 = arith.constant 0 : i32
      %dma_start3A_129 = arith.constant 0 : i32
      %dma_start3A_130 = tpu.memref_slice %arg9[%run_scoped3A_27, %dma_start3A_128, %dma_start3A_129] : memref<2x64x128xf32, #tpu.memory_space<vmem>> -> memref<1x64x128xf32, #tpu.memory_space<vmem>>
      %dma_start3A_131 = tpu.memref_squeeze %dma_start3A_130 : memref<1x64x128xf32, #tpu.memory_space<vmem>> -> memref<64x128xf32, #tpu.memory_space<vmem>>
      %dma_start3A_132 = arith.constant 0 : i32
      %dma_start3A_133 = tpu.memref_slice %arg14[%add3A_26, %dma_start3A_132] : memref<10112x128xf32, #tpu.memory_space<vmem_shared>> -> memref<64x128xf32, #tpu.memory_space<vmem_shared>>
      %dma_start3A_134 = arith.constant 0 : i32
      %dma_start3A_135 = tpu.memref_slice %arg14[%add3A_26, %dma_start3A_134] : memref<10112x128xf32, #tpu.memory_space<vmem_shared>> -> memref<64x128xf32, #tpu.memory_space<vmem_shared>>
      %dma_start3A_136 = arith.constant 0 : i32
      %dma_start3A_137 = arith.constant 0 : i32
      %dma_start3A_138 = tpu.memref_slice %arg9[%run_scoped3A_27, %dma_start3A_136, %dma_start3A_137] : memref<2x64x128xf32, #tpu.memory_space<vmem>> -> memref<1x64x128xf32, #tpu.memory_space<vmem>>
      %dma_start3A_139 = tpu.memref_squeeze %dma_start3A_138 : memref<1x64x128xf32, #tpu.memory_space<vmem>> -> memref<64x128xf32, #tpu.memory_space<vmem>>
      tpu.enqueue_dma source(%dma_start3A_139 : memref<64x128xf32, #tpu.memory_space<vmem>>) target(%dma_start3A_135 : memref<64x128xf32, #tpu.memory_space<vmem_shared>>) target_semaphore(%run_scoped3A_127 : memref<!tpu.dma_semaphore, #tpu.memory_space<semaphore_mem>>)
      %dma_wait3A_140 = arith.constant 0 : i32
      %dma_wait3A_141 = arith.constant 0 : i32
      %dma_wait3A_142 = tpu.memref_slice %arg9[%run_scoped3A_27, %dma_wait3A_140, %dma_wait3A_141] : memref<2x64x128xf32, #tpu.memory_space<vmem>> -> memref<1x64x128xf32, #tpu.memory_space<vmem>>
      %dma_wait3A_143 = tpu.memref_squeeze %dma_wait3A_142 : memref<1x64x128xf32, #tpu.memory_space<vmem>> -> memref<64x128xf32, #tpu.memory_space<vmem>>
      %dma_wait3A_144 = arith.constant 0 : i32
      %dma_wait3A_145 = tpu.memref_slice %arg14[%add3A_26, %dma_wait3A_144] : memref<10112x128xf32, #tpu.memory_space<vmem_shared>> -> memref<64x128xf32, #tpu.memory_space<vmem_shared>>
      %dma_wait3A_146 = arith.constant 0 : i32
      %dma_wait3A_147 = tpu.memref_slice %arg14[%add3A_26, %dma_wait3A_146] : memref<10112x128xf32, #tpu.memory_space<vmem_shared>> -> memref<64x128xf32, #tpu.memory_space<vmem_shared>>
      %dma_wait3A_148 = arith.constant 0 : i32
      %dma_wait3A_149 = arith.constant 0 : i32
      %dma_wait3A_150 = tpu.memref_slice %arg9[%run_scoped3A_27, %dma_wait3A_148, %dma_wait3A_149] : memref<2x64x128xf32, #tpu.memory_space<vmem>> -> memref<1x64x128xf32, #tpu.memory_space<vmem>>
      %dma_wait3A_151 = tpu.memref_squeeze %dma_wait3A_150 : memref<1x64x128xf32, #tpu.memory_space<vmem>> -> memref<64x128xf32, #tpu.memory_space<vmem>>
      tpu.wait_dma2 semaphore(%run_scoped3A_127 : memref<!tpu.dma_semaphore, #tpu.memory_space<semaphore_mem>>) src(%dma_wait3A_151 : memref<64x128xf32, #tpu.memory_space<vmem>>) dst(%dma_wait3A_147 : memref<64x128xf32, #tpu.memory_space<vmem_shared>>)
      tpu.yield
    }) : () -> ()
    %add3A_28 = arith.constant 320 : i32
    %add3A_29 = arith.addi %mul3A_13, %add3A_28 : i32
    %run_scoped3A_30 = arith.constant 0 : i32
    "tpu.region"() ({
      %run_scoped3A_127 = tpu.sem_alloc : memref<!tpu.dma_semaphore, #tpu.memory_space<semaphore_mem>>
      %dma_start3A_128 = arith.constant 0 : i32
      %dma_start3A_129 = arith.constant 0 : i32
      %dma_start3A_130 = tpu.memref_slice %arg9[%run_scoped3A_30, %dma_start3A_128, %dma_start3A_129] : memref<2x64x128xf32, #tpu.memory_space<vmem>> -> memref<1x64x128xf32, #tpu.memory_space<vmem>>
      %dma_start3A_131 = tpu.memref_squeeze %dma_start3A_130 : memref<1x64x128xf32, #tpu.memory_space<vmem>> -> memref<64x128xf32, #tpu.memory_space<vmem>>
      %dma_start3A_132 = arith.constant 0 : i32
      %dma_start3A_133 = tpu.memref_slice %arg14[%add3A_29, %dma_start3A_132] : memref<10112x128xf32, #tpu.memory_space<vmem_shared>> -> memref<64x128xf32, #tpu.memory_space<vmem_shared>>
      %dma_start3A_134 = arith.constant 0 : i32
      %dma_start3A_135 = tpu.memref_slice %arg14[%add3A_29, %dma_start3A_134] : memref<10112x128xf32, #tpu.memory_space<vmem_shared>> -> memref<64x128xf32, #tpu.memory_space<vmem_shared>>
      %dma_start3A_136 = arith.constant 0 : i32
      %dma_start3A_137 = arith.constant 0 : i32
      %dma_start3A_138 = tpu.memref_slice %arg9[%run_scoped3A_30, %dma_start3A_136, %dma_start3A_137] : memref<2x64x128xf32, #tpu.memory_space<vmem>> -> memref<1x64x128xf32, #tpu.memory_space<vmem>>
      %dma_start3A_139 = tpu.memref_squeeze %dma_start3A_138 : memref<1x64x128xf32, #tpu.memory_space<vmem>> -> memref<64x128xf32, #tpu.memory_space<vmem>>
      tpu.enqueue_dma source(%dma_start3A_139 : memref<64x128xf32, #tpu.memory_space<vmem>>) target(%dma_start3A_135 : memref<64x128xf32, #tpu.memory_space<vmem_shared>>) target_semaphore(%run_scoped3A_127 : memref<!tpu.dma_semaphore, #tpu.memory_space<semaphore_mem>>)
      %dma_wait3A_140 = arith.constant 0 : i32
      %dma_wait3A_141 = arith.constant 0 : i32
      %dma_wait3A_142 = tpu.memref_slice %arg9[%run_scoped3A_30, %dma_wait3A_140, %dma_wait3A_141] : memref<2x64x128xf32, #tpu.memory_space<vmem>> -> memref<1x64x128xf32, #tpu.memory_space<vmem>>
      %dma_wait3A_143 = tpu.memref_squeeze %dma_wait3A_142 : memref<1x64x128xf32, #tpu.memory_space<vmem>> -> memref<64x128xf32, #tpu.memory_space<vmem>>
      %dma_wait3A_144 = arith.constant 0 : i32
      %dma_wait3A_145 = tpu.memref_slice %arg14[%add3A_29, %dma_wait3A_144] : memref<10112x128xf32, #tpu.memory_space<vmem_shared>> -> memref<64x128xf32, #tpu.memory_space<vmem_shared>>
      %dma_wait3A_146 = arith.constant 0 : i32
      %dma_wait3A_147 = tpu.memref_slice %arg14[%add3A_29, %dma_wait3A_146] : memref<10112x128xf32, #tpu.memory_space<vmem_shared>> -> memref<64x128xf32, #tpu.memory_space<vmem_shared>>
      %dma_wait3A_148 = arith.constant 0 : i32
      %dma_wait3A_149 = arith.constant 0 : i32
      %dma_wait3A_150 = tpu.memref_slice %arg9[%run_scoped3A_30, %dma_wait3A_148, %dma_wait3A_149] : memref<2x64x128xf32, #tpu.memory_space<vmem>> -> memref<1x64x128xf32, #tpu.memory_space<vmem>>
      %dma_wait3A_151 = tpu.memref_squeeze %dma_wait3A_150 : memref<1x64x128xf32, #tpu.memory_space<vmem>> -> memref<64x128xf32, #tpu.memory_space<vmem>>
      tpu.wait_dma2 semaphore(%run_scoped3A_127 : memref<!tpu.dma_semaphore, #tpu.memory_space<semaphore_mem>>) src(%dma_wait3A_151 : memref<64x128xf32, #tpu.memory_space<vmem>>) dst(%dma_wait3A_147 : memref<64x128xf32, #tpu.memory_space<vmem_shared>>)
      tpu.yield
    }) : () -> ()
    %add3A_31 = arith.constant 384 : i32
    %add3A_32 = arith.addi %mul3A_13, %add3A_31 : i32
    %run_scoped3A_33 = arith.constant 0 : i32
    "tpu.region"() ({
      %run_scoped3A_127 = tpu.sem_alloc : memref<!tpu.dma_semaphore, #tpu.memory_space<semaphore_mem>>
      %dma_start3A_128 = arith.constant 0 : i32
      %dma_start3A_129 = arith.constant 0 : i32
      %dma_start3A_130 = tpu.memref_slice %arg9[%run_scoped3A_33, %dma_start3A_128, %dma_start3A_129] : memref<2x64x128xf32, #tpu.memory_space<vmem>> -> memref<1x64x128xf32, #tpu.memory_space<vmem>>
      %dma_start3A_131 = tpu.memref_squeeze %dma_start3A_130 : memref<1x64x128xf32, #tpu.memory_space<vmem>> -> memref<64x128xf32, #tpu.memory_space<vmem>>
      %dma_start3A_132 = arith.constant 0 : i32
      %dma_start3A_133 = tpu.memref_slice %arg14[%add3A_32, %dma_start3A_132] : memref<10112x128xf32, #tpu.memory_space<vmem_shared>> -> memref<64x128xf32, #tpu.memory_space<vmem_shared>>
      %dma_start3A_134 = arith.constant 0 : i32
      %dma_start3A_135 = tpu.memref_slice %arg14[%add3A_32, %dma_start3A_134] : memref<10112x128xf32, #tpu.memory_space<vmem_shared>> -> memref<64x128xf32, #tpu.memory_space<vmem_shared>>
      %dma_start3A_136 = arith.constant 0 : i32
      %dma_start3A_137 = arith.constant 0 : i32
      %dma_start3A_138 = tpu.memref_slice %arg9[%run_scoped3A_33, %dma_start3A_136, %dma_start3A_137] : memref<2x64x128xf32, #tpu.memory_space<vmem>> -> memref<1x64x128xf32, #tpu.memory_space<vmem>>
      %dma_start3A_139 = tpu.memref_squeeze %dma_start3A_138 : memref<1x64x128xf32, #tpu.memory_space<vmem>> -> memref<64x128xf32, #tpu.memory_space<vmem>>
      tpu.enqueue_dma source(%dma_start3A_139 : memref<64x128xf32, #tpu.memory_space<vmem>>) target(%dma_start3A_135 : memref<64x128xf32, #tpu.memory_space<vmem_shared>>) target_semaphore(%run_scoped3A_127 : memref<!tpu.dma_semaphore, #tpu.memory_space<semaphore_mem>>)
      %dma_wait3A_140 = arith.constant 0 : i32
      %dma_wait3A_141 = arith.constant 0 : i32
      %dma_wait3A_142 = tpu.memref_slice %arg9[%run_scoped3A_33, %dma_wait3A_140, %dma_wait3A_141] : memref<2x64x128xf32, #tpu.memory_space<vmem>> -> memref<1x64x128xf32, #tpu.memory_space<vmem>>
      %dma_wait3A_143 = tpu.memref_squeeze %dma_wait3A_142 : memref<1x64x128xf32, #tpu.memory_space<vmem>> -> memref<64x128xf32, #tpu.memory_space<vmem>>
      %dma_wait3A_144 = arith.constant 0 : i32
      %dma_wait3A_145 = tpu.memref_slice %arg14[%add3A_32, %dma_wait3A_144] : memref<10112x128xf32, #tpu.memory_space<vmem_shared>> -> memref<64x128xf32, #tpu.memory_space<vmem_shared>>
      %dma_wait3A_146 = arith.constant 0 : i32
      %dma_wait3A_147 = tpu.memref_slice %arg14[%add3A_32, %dma_wait3A_146] : memref<10112x128xf32, #tpu.memory_space<vmem_shared>> -> memref<64x128xf32, #tpu.memory_space<vmem_shared>>
      %dma_wait3A_148 = arith.constant 0 : i32
      %dma_wait3A_149 = arith.constant 0 : i32
      %dma_wait3A_150 = tpu.memref_slice %arg9[%run_scoped3A_33, %dma_wait3A_148, %dma_wait3A_149] : memref<2x64x128xf32, #tpu.memory_space<vmem>> -> memref<1x64x128xf32, #tpu.memory_space<vmem>>
      %dma_wait3A_151 = tpu.memref_squeeze %dma_wait3A_150 : memref<1x64x128xf32, #tpu.memory_space<vmem>> -> memref<64x128xf32, #tpu.memory_space<vmem>>
      tpu.wait_dma2 semaphore(%run_scoped3A_127 : memref<!tpu.dma_semaphore, #tpu.memory_space<semaphore_mem>>) src(%dma_wait3A_151 : memref<64x128xf32, #tpu.memory_space<vmem>>) dst(%dma_wait3A_147 : memref<64x128xf32, #tpu.memory_space<vmem_shared>>)
      tpu.yield
    }) : () -> ()
    %add3A_34 = arith.constant 448 : i32
    %add3A_35 = arith.addi %mul3A_13, %add3A_34 : i32
    %run_scoped3A_36 = arith.constant 0 : i32
    "tpu.region"() ({
      %run_scoped3A_127 = tpu.sem_alloc : memref<!tpu.dma_semaphore, #tpu.memory_space<semaphore_mem>>
      %dma_start3A_128 = arith.constant 0 : i32
      %dma_start3A_129 = arith.constant 0 : i32
      %dma_start3A_130 = tpu.memref_slice %arg9[%run_scoped3A_36, %dma_start3A_128, %dma_start3A_129] : memref<2x64x128xf32, #tpu.memory_space<vmem>> -> memref<1x64x128xf32, #tpu.memory_space<vmem>>
      %dma_start3A_131 = tpu.memref_squeeze %dma_start3A_130 : memref<1x64x128xf32, #tpu.memory_space<vmem>> -> memref<64x128xf32, #tpu.memory_space<vmem>>
      %dma_start3A_132 = arith.constant 0 : i32
      %dma_start3A_133 = tpu.memref_slice %arg14[%add3A_35, %dma_start3A_132] : memref<10112x128xf32, #tpu.memory_space<vmem_shared>> -> memref<64x128xf32, #tpu.memory_space<vmem_shared>>
      %dma_start3A_134 = arith.constant 0 : i32
      %dma_start3A_135 = tpu.memref_slice %arg14[%add3A_35, %dma_start3A_134] : memref<10112x128xf32, #tpu.memory_space<vmem_shared>> -> memref<64x128xf32, #tpu.memory_space<vmem_shared>>
      %dma_start3A_136 = arith.constant 0 : i32
      %dma_start3A_137 = arith.constant 0 : i32
      %dma_start3A_138 = tpu.memref_slice %arg9[%run_scoped3A_36, %dma_start3A_136, %dma_start3A_137] : memref<2x64x128xf32, #tpu.memory_space<vmem>> -> memref<1x64x128xf32, #tpu.memory_space<vmem>>
      %dma_start3A_139 = tpu.memref_squeeze %dma_start3A_138 : memref<1x64x128xf32, #tpu.memory_space<vmem>> -> memref<64x128xf32, #tpu.memory_space<vmem>>
      tpu.enqueue_dma source(%dma_start3A_139 : memref<64x128xf32, #tpu.memory_space<vmem>>) target(%dma_start3A_135 : memref<64x128xf32, #tpu.memory_space<vmem_shared>>) target_semaphore(%run_scoped3A_127 : memref<!tpu.dma_semaphore, #tpu.memory_space<semaphore_mem>>)
      %dma_wait3A_140 = arith.constant 0 : i32
      %dma_wait3A_141 = arith.constant 0 : i32
      %dma_wait3A_142 = tpu.memref_slice %arg9[%run_scoped3A_36, %dma_wait3A_140, %dma_wait3A_141] : memref<2x64x128xf32, #tpu.memory_space<vmem>> -> memref<1x64x128xf32, #tpu.memory_space<vmem>>
      %dma_wait3A_143 = tpu.memref_squeeze %dma_wait3A_142 : memref<1x64x128xf32, #tpu.memory_space<vmem>> -> memref<64x128xf32, #tpu.memory_space<vmem>>
      %dma_wait3A_144 = arith.constant 0 : i32
      %dma_wait3A_145 = tpu.memref_slice %arg14[%add3A_35, %dma_wait3A_144] : memref<10112x128xf32, #tpu.memory_space<vmem_shared>> -> memref<64x128xf32, #tpu.memory_space<vmem_shared>>
      %dma_wait3A_146 = arith.constant 0 : i32
      %dma_wait3A_147 = tpu.memref_slice %arg14[%add3A_35, %dma_wait3A_146] : memref<10112x128xf32, #tpu.memory_space<vmem_shared>> -> memref<64x128xf32, #tpu.memory_space<vmem_shared>>
      %dma_wait3A_148 = arith.constant 0 : i32
      %dma_wait3A_149 = arith.constant 0 : i32
      %dma_wait3A_150 = tpu.memref_slice %arg9[%run_scoped3A_36, %dma_wait3A_148, %dma_wait3A_149] : memref<2x64x128xf32, #tpu.memory_space<vmem>> -> memref<1x64x128xf32, #tpu.memory_space<vmem>>
      %dma_wait3A_151 = tpu.memref_squeeze %dma_wait3A_150 : memref<1x64x128xf32, #tpu.memory_space<vmem>> -> memref<64x128xf32, #tpu.memory_space<vmem>>
      tpu.wait_dma2 semaphore(%run_scoped3A_127 : memref<!tpu.dma_semaphore, #tpu.memory_space<semaphore_mem>>) src(%dma_wait3A_151 : memref<64x128xf32, #tpu.memory_space<vmem>>) dst(%dma_wait3A_147 : memref<64x128xf32, #tpu.memory_space<vmem_shared>>)
      tpu.yield
    }) : () -> ()
    %add3A_37 = arith.constant 512 : i32
    %add3A_38 = arith.addi %mul3A_13, %add3A_37 : i32
    %run_scoped3A_39 = arith.constant 0 : i32
    "tpu.region"() ({
      %run_scoped3A_127 = tpu.sem_alloc : memref<!tpu.dma_semaphore, #tpu.memory_space<semaphore_mem>>
      %dma_start3A_128 = arith.constant 0 : i32
      %dma_start3A_129 = arith.constant 0 : i32
      %dma_start3A_130 = tpu.memref_slice %arg9[%run_scoped3A_39, %dma_start3A_128, %dma_start3A_129] : memref<2x64x128xf32, #tpu.memory_space<vmem>> -> memref<1x64x128xf32, #tpu.memory_space<vmem>>
      %dma_start3A_131 = tpu.memref_squeeze %dma_start3A_130 : memref<1x64x128xf32, #tpu.memory_space<vmem>> -> memref<64x128xf32, #tpu.memory_space<vmem>>
      %dma_start3A_132 = arith.constant 0 : i32
      %dma_start3A_133 = tpu.memref_slice %arg14[%add3A_38, %dma_start3A_132] : memref<10112x128xf32, #tpu.memory_space<vmem_shared>> -> memref<64x128xf32, #tpu.memory_space<vmem_shared>>
      %dma_start3A_134 = arith.constant 0 : i32
      %dma_start3A_135 = tpu.memref_slice %arg14[%add3A_38, %dma_start3A_134] : memref<10112x128xf32, #tpu.memory_space<vmem_shared>> -> memref<64x128xf32, #tpu.memory_space<vmem_shared>>
      %dma_start3A_136 = arith.constant 0 : i32
      %dma_start3A_137 = arith.constant 0 : i32
      %dma_start3A_138 = tpu.memref_slice %arg9[%run_scoped3A_39, %dma_start3A_136, %dma_start3A_137] : memref<2x64x128xf32, #tpu.memory_space<vmem>> -> memref<1x64x128xf32, #tpu.memory_space<vmem>>
      %dma_start3A_139 = tpu.memref_squeeze %dma_start3A_138 : memref<1x64x128xf32, #tpu.memory_space<vmem>> -> memref<64x128xf32, #tpu.memory_space<vmem>>
      tpu.enqueue_dma source(%dma_start3A_139 : memref<64x128xf32, #tpu.memory_space<vmem>>) target(%dma_start3A_135 : memref<64x128xf32, #tpu.memory_space<vmem_shared>>) target_semaphore(%run_scoped3A_127 : memref<!tpu.dma_semaphore, #tpu.memory_space<semaphore_mem>>)
      %dma_wait3A_140 = arith.constant 0 : i32
      %dma_wait3A_141 = arith.constant 0 : i32
      %dma_wait3A_142 = tpu.memref_slice %arg9[%run_scoped3A_39, %dma_wait3A_140, %dma_wait3A_141] : memref<2x64x128xf32, #tpu.memory_space<vmem>> -> memref<1x64x128xf32, #tpu.memory_space<vmem>>
      %dma_wait3A_143 = tpu.memref_squeeze %dma_wait3A_142 : memref<1x64x128xf32, #tpu.memory_space<vmem>> -> memref<64x128xf32, #tpu.memory_space<vmem>>
      %dma_wait3A_144 = arith.constant 0 : i32
      %dma_wait3A_145 = tpu.memref_slice %arg14[%add3A_38, %dma_wait3A_144] : memref<10112x128xf32, #tpu.memory_space<vmem_shared>> -> memref<64x128xf32, #tpu.memory_space<vmem_shared>>
      %dma_wait3A_146 = arith.constant 0 : i32
      %dma_wait3A_147 = tpu.memref_slice %arg14[%add3A_38, %dma_wait3A_146] : memref<10112x128xf32, #tpu.memory_space<vmem_shared>> -> memref<64x128xf32, #tpu.memory_space<vmem_shared>>
      %dma_wait3A_148 = arith.constant 0 : i32
      %dma_wait3A_149 = arith.constant 0 : i32
      %dma_wait3A_150 = tpu.memref_slice %arg9[%run_scoped3A_39, %dma_wait3A_148, %dma_wait3A_149] : memref<2x64x128xf32, #tpu.memory_space<vmem>> -> memref<1x64x128xf32, #tpu.memory_space<vmem>>
      %dma_wait3A_151 = tpu.memref_squeeze %dma_wait3A_150 : memref<1x64x128xf32, #tpu.memory_space<vmem>> -> memref<64x128xf32, #tpu.memory_space<vmem>>
      tpu.wait_dma2 semaphore(%run_scoped3A_127 : memref<!tpu.dma_semaphore, #tpu.memory_space<semaphore_mem>>) src(%dma_wait3A_151 : memref<64x128xf32, #tpu.memory_space<vmem>>) dst(%dma_wait3A_147 : memref<64x128xf32, #tpu.memory_space<vmem_shared>>)
      tpu.yield
    }) : () -> ()
    %add3A_40 = arith.constant 576 : i32
    %add3A_41 = arith.addi %mul3A_13, %add3A_40 : i32
    %run_scoped3A_42 = arith.constant 0 : i32
    "tpu.region"() ({
      %run_scoped3A_127 = tpu.sem_alloc : memref<!tpu.dma_semaphore, #tpu.memory_space<semaphore_mem>>
      %dma_start3A_128 = arith.constant 0 : i32
      %dma_start3A_129 = arith.constant 0 : i32
      %dma_start3A_130 = tpu.memref_slice %arg9[%run_scoped3A_42, %dma_start3A_128, %dma_start3A_129] : memref<2x64x128xf32, #tpu.memory_space<vmem>> -> memref<1x56x128xf32, #tpu.memory_space<vmem>>
      %dma_start3A_131 = tpu.memref_squeeze %dma_start3A_130 : memref<1x56x128xf32, #tpu.memory_space<vmem>> -> memref<56x128xf32, #tpu.memory_space<vmem>>
      %dma_start3A_132 = arith.constant 0 : i32
      %dma_start3A_133 = tpu.memref_slice %arg14[%add3A_41, %dma_start3A_132] : memref<10112x128xf32, #tpu.memory_space<vmem_shared>> -> memref<56x128xf32, #tpu.memory_space<vmem_shared>>
      %dma_start3A_134 = arith.constant 0 : i32
      %dma_start3A_135 = tpu.memref_slice %arg14[%add3A_41, %dma_start3A_134] : memref<10112x128xf32, #tpu.memory_space<vmem_shared>> -> memref<56x128xf32, #tpu.memory_space<vmem_shared>>
      %dma_start3A_136 = arith.constant 0 : i32
      %dma_start3A_137 = arith.constant 0 : i32
      %dma_start3A_138 = tpu.memref_slice %arg9[%run_scoped3A_42, %dma_start3A_136, %dma_start3A_137] : memref<2x64x128xf32, #tpu.memory_space<vmem>> -> memref<1x56x128xf32, #tpu.memory_space<vmem>>
      %dma_start3A_139 = tpu.memref_squeeze %dma_start3A_138 : memref<1x56x128xf32, #tpu.memory_space<vmem>> -> memref<56x128xf32, #tpu.memory_space<vmem>>
      tpu.enqueue_dma source(%dma_start3A_139 : memref<56x128xf32, #tpu.memory_space<vmem>>) target(%dma_start3A_135 : memref<56x128xf32, #tpu.memory_space<vmem_shared>>) target_semaphore(%run_scoped3A_127 : memref<!tpu.dma_semaphore, #tpu.memory_space<semaphore_mem>>)
      %dma_wait3A_140 = arith.constant 0 : i32
      %dma_wait3A_141 = arith.constant 0 : i32
      %dma_wait3A_142 = tpu.memref_slice %arg9[%run_scoped3A_42, %dma_wait3A_140, %dma_wait3A_141] : memref<2x64x128xf32, #tpu.memory_space<vmem>> -> memref<1x56x128xf32, #tpu.memory_space<vmem>>
      %dma_wait3A_143 = tpu.memref_squeeze %dma_wait3A_142 : memref<1x56x128xf32, #tpu.memory_space<vmem>> -> memref<56x128xf32, #tpu.memory_space<vmem>>
      %dma_wait3A_144 = arith.constant 0 : i32
      %dma_wait3A_145 = tpu.memref_slice %arg14[%add3A_41, %dma_wait3A_144] : memref<10112x128xf32, #tpu.memory_space<vmem_shared>> -> memref<56x128xf32, #tpu.memory_space<vmem_shared>>
      %dma_wait3A_146 = arith.constant 0 : i32
      %dma_wait3A_147 = tpu.memref_slice %arg14[%add3A_41, %dma_wait3A_146] : memref<10112x128xf32, #tpu.memory_space<vmem_shared>> -> memref<56x128xf32, #tpu.memory_space<vmem_shared>>
      %dma_wait3A_148 = arith.constant 0 : i32
      %dma_wait3A_149 = arith.constant 0 : i32
      %dma_wait3A_150 = tpu.memref_slice %arg9[%run_scoped3A_42, %dma_wait3A_148, %dma_wait3A_149] : memref<2x64x128xf32, #tpu.memory_space<vmem>> -> memref<1x56x128xf32, #tpu.memory_space<vmem>>
      %dma_wait3A_151 = tpu.memref_squeeze %dma_wait3A_150 : memref<1x56x128xf32, #tpu.memory_space<vmem>> -> memref<56x128xf32, #tpu.memory_space<vmem>>
      tpu.wait_dma2 semaphore(%run_scoped3A_127 : memref<!tpu.dma_semaphore, #tpu.memory_space<semaphore_mem>>) src(%dma_wait3A_151 : memref<56x128xf32, #tpu.memory_space<vmem>>) dst(%dma_wait3A_147 : memref<56x128xf32, #tpu.memory_space<vmem_shared>>)
      tpu.yield
    }) : () -> ()
    %barrier3A = arith.constant 0 : index
    tpu.barrier barrier_id(%barrier3A)
    %add3A_43 = arith.constant 0 : i32
    %add3A_44 = arith.addi %add3A_4, %add3A_43 : i32
    %add3A_45 = arith.constant 0 : i32
    %add3A_46 = arith.addi %mul3A_6, %add3A_45 : i32
    %dma_start3A = arith.constant 0 : i32
    %dma_start3A_47 = arith.constant 0 : i32
    %dma_start3A_48 = tpu.memref_slice %arg8[%dma_start3A, %dma_start3A_47] : memref<2x64xi32, #tpu.memory_space<vmem>> -> memref<1x64xi32, #tpu.memory_space<vmem>>
    %dma_start3A_49 = tpu.memref_squeeze %dma_start3A_48 : memref<1x64xi32, #tpu.memory_space<vmem>> -> memref<64xi32, #tpu.memory_space<vmem>>
    %dma_start3A_50 = tpu.memref_slice %arg5[%add3A_44] : memref<320000xi32, #tpu.memory_space<hbm>> -> memref<64xi32, #tpu.memory_space<hbm>>
    %dma_start3A_51 = arith.constant 0 : i32
    %dma_start3A_52 = tpu.memref_slice %arg8[%dma_start3A, %dma_start3A_51] : memref<2x64xi32, #tpu.memory_space<vmem>> -> memref<1x64xi32, #tpu.memory_space<vmem>>
    %dma_start3A_53 = tpu.memref_squeeze %dma_start3A_52 : memref<1x64xi32, #tpu.memory_space<vmem>> -> memref<64xi32, #tpu.memory_space<vmem>>
    %dma_start3A_54 = tpu.memref_slice %arg5[%add3A_44] : memref<320000xi32, #tpu.memory_space<hbm>> -> memref<64xi32, #tpu.memory_space<hbm>>
    tpu.enqueue_dma source(%dma_start3A_54 : memref<64xi32, #tpu.memory_space<hbm>>) target(%dma_start3A_53 : memref<64xi32, #tpu.memory_space<vmem>>) target_semaphore(%arg15 : memref<!tpu.dma_semaphore, #tpu.memory_space<semaphore_mem>>)
    %dma_start3A_55 = arith.constant 0 : i32
    %dma_start3A_56 = arith.constant 0 : i32
    %dma_start3A_57 = arith.constant 0 : i32
    %dma_start3A_58 = tpu.memref_slice %arg9[%dma_start3A_55, %dma_start3A_56, %dma_start3A_57] : memref<2x64x128xf32, #tpu.memory_space<vmem>> -> memref<1x64x128xf32, #tpu.memory_space<vmem>>
    %dma_start3A_59 = tpu.memref_squeeze %dma_start3A_58 : memref<1x64x128xf32, #tpu.memory_space<vmem>> -> memref<64x128xf32, #tpu.memory_space<vmem>>
    %dma_start3A_60 = arith.constant 0 : i32
    %dma_start3A_61 = tpu.memref_slice %arg7[%dma_start3A_60] : memref<5000xi32, #tpu.memory_space<vmem>> -> memref<64xi32, #tpu.memory_space<vmem>>
    %dma_start3A_62 = arith.constant 0 : i32
    %dma_start3A_63 = arith.constant 0 : i32
    %dma_start3A_64 = tpu.memref_slice %arg2[%dma_start3A_62, %dma_start3A_63] : memref<10000x128xf32, #tpu.memory_space<hbm>> -> memref<10000x128xf32, #tpu.memory_space<hbm>>
    tpu.enqueue_indirect_dma source(%dma_start3A_64 : memref<10000x128xf32, #tpu.memory_space<hbm>>) target(%dma_start3A_59 : memref<64x128xf32, #tpu.memory_space<vmem>>) offsets(%dma_start3A_61 : memref<64xi32, #tpu.memory_space<vmem>>) semaphore(%arg15 : memref<!tpu.dma_semaphore, #tpu.memory_space<semaphore_mem>>)
    %dma_start3A_65 = arith.constant 0 : i32
    %dma_start3A_66 = arith.constant 0 : i32
    %dma_start3A_67 = arith.constant 0 : i32
    %dma_start3A_68 = tpu.memref_slice %arg10[%dma_start3A_65, %dma_start3A_66, %dma_start3A_67] : memref<2x64x128xf32, #tpu.memory_space<vmem>> -> memref<1x64x128xf32, #tpu.memory_space<vmem>>
    %dma_start3A_69 = tpu.memref_squeeze %dma_start3A_68 : memref<1x64x128xf32, #tpu.memory_space<vmem>> -> memref<64x128xf32, #tpu.memory_space<vmem>>
    %dma_start3A_70 = arith.constant 0 : i32
    %dma_start3A_71 = tpu.memref_slice %arg3[%add3A_46, %dma_start3A_70] : memref<160000x128xf32, #tpu.memory_space<hbm>> -> memref<64x128xf32, #tpu.memory_space<hbm>>
    %dma_start3A_72 = arith.constant 0 : i32
    %dma_start3A_73 = arith.constant 0 : i32
    %dma_start3A_74 = tpu.memref_slice %arg10[%dma_start3A_65, %dma_start3A_72, %dma_start3A_73] : memref<2x64x128xf32, #tpu.memory_space<vmem>> -> memref<1x64x128xf32, #tpu.memory_space<vmem>>
    %dma_start3A_75 = tpu.memref_squeeze %dma_start3A_74 : memref<1x64x128xf32, #tpu.memory_space<vmem>> -> memref<64x128xf32, #tpu.memory_space<vmem>>
    %dma_start3A_76 = arith.constant 0 : i32
    %dma_start3A_77 = tpu.memref_slice %arg3[%add3A_46, %dma_start3A_76] : memref<160000x128xf32, #tpu.memory_space<hbm>> -> memref<64x128xf32, #tpu.memory_space<hbm>>
    tpu.enqueue_dma source(%dma_start3A_77 : memref<64x128xf32, #tpu.memory_space<hbm>>) target(%dma_start3A_75 : memref<64x128xf32, #tpu.memory_space<vmem>>) target_semaphore(%arg15 : memref<!tpu.dma_semaphore, #tpu.memory_space<semaphore_mem>>)
    %scan3A_78 = arith.constant 0 : i32
    %scan3A_79 = arith.constant 0 : i32
    %scan3A_80 = arith.constant 39 : i32
    %scan3A_81 = arith.addi %scan3A_79, %scan3A_80 : i32
    %scan3A_82 = arith.constant 1 : i32
    scf.for %scan3A_127 = %scan3A_79 to %scan3A_81 step %scan3A_82  : i32 {
      %mul3A_128 = arith.constant 2 : i32
      %mul3A_129 = arith.muli %mul3A_128, %scan3A_127 : i32
      %gt3A = arith.constant 0 : i32
      %gt3A_130 = arith.cmpi sgt, %scan3A_127, %gt3A : i32
      %convert_element_type3A = arith.extui %gt3A_130 : i1 to i32
      %cond3A = arith.constant 0 : i32
      %cond3A_131 = arith.cmpi ne, %convert_element_type3A, %cond3A : i32
      scf.if %cond3A_131 {
        %dma_wait3A_293 = arith.constant 1 : i32
        %dma_wait3A_294 = arith.constant 0 : i32
        %dma_wait3A_295 = arith.constant 0 : i32
        %dma_wait3A_296 = tpu.memref_slice %arg9[%dma_wait3A_293, %dma_wait3A_294, %dma_wait3A_295] : memref<2x64x128xf32, #tpu.memory_space<vmem>> -> memref<1x64x128xf32, #tpu.memory_space<vmem>>
        %dma_wait3A_297 = tpu.memref_squeeze %dma_wait3A_296 : memref<1x64x128xf32, #tpu.memory_space<vmem>> -> memref<64x128xf32, #tpu.memory_space<vmem>>
        %dma_wait3A_298 = arith.constant 0 : i32
        %dma_wait3A_299 = arith.constant 0 : i32
        %dma_wait3A_300 = tpu.memref_slice %arg2[%dma_wait3A_298, %dma_wait3A_299] : memref<10000x128xf32, #tpu.memory_space<hbm>> -> memref<64x128xf32, #tpu.memory_space<hbm>>
        %dma_wait3A_301 = arith.constant 0 : i32
        %dma_wait3A_302 = arith.constant 0 : i32
        %dma_wait3A_303 = tpu.memref_slice %arg9[%dma_wait3A_293, %dma_wait3A_301, %dma_wait3A_302] : memref<2x64x128xf32, #tpu.memory_space<vmem>> -> memref<1x64x128xf32, #tpu.memory_space<vmem>>
        %dma_wait3A_304 = tpu.memref_squeeze %dma_wait3A_303 : memref<1x64x128xf32, #tpu.memory_space<vmem>> -> memref<64x128xf32, #tpu.memory_space<vmem>>
        %dma_wait3A_305 = arith.constant 0 : i32
        %dma_wait3A_306 = arith.constant 0 : i32
        %dma_wait3A_307 = tpu.memref_slice %arg2[%dma_wait3A_305, %dma_wait3A_306] : memref<10000x128xf32, #tpu.memory_space<hbm>> -> memref<64x128xf32, #tpu.memory_space<hbm>>
        tpu.wait_dma2 semaphore(%arg18 : memref<!tpu.dma_semaphore, #tpu.memory_space<semaphore_mem>>) src(%dma_wait3A_307 : memref<64x128xf32, #tpu.memory_space<hbm>>) dst(%dma_wait3A_304 : memref<64x128xf32, #tpu.memory_space<vmem>>)
      } else {
      }
      %add3A_132 = arith.constant 1 : i32
      %add3A_133 = arith.addi %mul3A_129, %add3A_132 : i32
      %mul3A_134 = arith.constant 64 : i32
      %mul3A_135 = arith.muli %add3A_133, %mul3A_134 : i32
      %add3A_136 = arith.addi %add3A_4, %mul3A_135 : i32
      %mul3A_137 = arith.constant 64 : i32
      %mul3A_138 = arith.muli %add3A_133, %mul3A_137 : i32
      %add3A_139 = arith.addi %mul3A_6, %mul3A_138 : i32
      %dma_start3A_140 = arith.constant 1 : i32
      %dma_start3A_141 = arith.constant 0 : i32
      %dma_start3A_142 = tpu.memref_slice %arg8[%dma_start3A_140, %dma_start3A_141] : memref<2x64xi32, #tpu.memory_space<vmem>> -> memref<1x64xi32, #tpu.memory_space<vmem>>
      %dma_start3A_143 = tpu.memref_squeeze %dma_start3A_142 : memref<1x64xi32, #tpu.memory_space<vmem>> -> memref<64xi32, #tpu.memory_space<vmem>>
      %dma_start3A_144 = tpu.memref_slice %arg5[%add3A_136] : memref<320000xi32, #tpu.memory_space<hbm>> -> memref<64xi32, #tpu.memory_space<hbm>>
      %dma_start3A_145 = arith.constant 0 : i32
      %dma_start3A_146 = tpu.memref_slice %arg8[%dma_start3A_140, %dma_start3A_145] : memref<2x64xi32, #tpu.memory_space<vmem>> -> memref<1x64xi32, #tpu.memory_space<vmem>>
      %dma_start3A_147 = tpu.memref_squeeze %dma_start3A_146 : memref<1x64xi32, #tpu.memory_space<vmem>> -> memref<64xi32, #tpu.memory_space<vmem>>
      %dma_start3A_148 = tpu.memref_slice %arg5[%add3A_136] : memref<320000xi32, #tpu.memory_space<hbm>> -> memref<64xi32, #tpu.memory_space<hbm>>
      tpu.enqueue_dma source(%dma_start3A_148 : memref<64xi32, #tpu.memory_space<hbm>>) target(%dma_start3A_147 : memref<64xi32, #tpu.memory_space<vmem>>) target_semaphore(%arg16 : memref<!tpu.dma_semaphore, #tpu.memory_space<semaphore_mem>>)
      %mul3A_149 = arith.constant 64 : i32
      %mul3A_150 = arith.muli %add3A_133, %mul3A_149 : i32
      %dma_start3A_151 = arith.constant 1 : i32
      %dma_start3A_152 = arith.constant 0 : i32
      %dma_start3A_153 = arith.constant 0 : i32
      %dma_start3A_154 = tpu.memref_slice %arg9[%dma_start3A_151, %dma_start3A_152, %dma_start3A_153] : memref<2x64x128xf32, #tpu.memory_space<vmem>> -> memref<1x64x128xf32, #tpu.memory_space<vmem>>
      %dma_start3A_155 = tpu.memref_squeeze %dma_start3A_154 : memref<1x64x128xf32, #tpu.memory_space<vmem>> -> memref<64x128xf32, #tpu.memory_space<vmem>>
      %dma_start3A_156 = tpu.memref_slice %arg7[%mul3A_150] : memref<5000xi32, #tpu.memory_space<vmem>> -> memref<64xi32, #tpu.memory_space<vmem>>
      %dma_start3A_157 = arith.constant 0 : i32
      %dma_start3A_158 = arith.constant 0 : i32
      %dma_start3A_159 = tpu.memref_slice %arg2[%dma_start3A_157, %dma_start3A_158] : memref<10000x128xf32, #tpu.memory_space<hbm>> -> memref<10000x128xf32, #tpu.memory_space<hbm>>
      tpu.enqueue_indirect_dma source(%dma_start3A_159 : memref<10000x128xf32, #tpu.memory_space<hbm>>) target(%dma_start3A_155 : memref<64x128xf32, #tpu.memory_space<vmem>>) offsets(%dma_start3A_156 : memref<64xi32, #tpu.memory_space<vmem>>) semaphore(%arg16 : memref<!tpu.dma_semaphore, #tpu.memory_space<semaphore_mem>>)
      %dma_start3A_160 = arith.constant 1 : i32
      %dma_start3A_161 = arith.constant 0 : i32
      %dma_start3A_162 = arith.constant 0 : i32
      %dma_start3A_163 = tpu.memref_slice %arg10[%dma_start3A_160, %dma_start3A_161, %dma_start3A_162] : memref<2x64x128xf32, #tpu.memory_space<vmem>> -> memref<1x64x128xf32, #tpu.memory_space<vmem>>
      %dma_start3A_164 = tpu.memref_squeeze %dma_start3A_163 : memref<1x64x128xf32, #tpu.memory_space<vmem>> -> memref<64x128xf32, #tpu.memory_space<vmem>>
      %dma_start3A_165 = arith.constant 0 : i32
      %dma_start3A_166 = tpu.memref_slice %arg3[%add3A_139, %dma_start3A_165] : memref<160000x128xf32, #tpu.memory_space<hbm>> -> memref<64x128xf32, #tpu.memory_space<hbm>>
      %dma_start3A_167 = arith.constant 0 : i32
      %dma_start3A_168 = arith.constant 0 : i32
      %dma_start3A_169 = tpu.memref_slice %arg10[%dma_start3A_160, %dma_start3A_167, %dma_start3A_168] : memref<2x64x128xf32, #tpu.memory_space<vmem>> -> memref<1x64x128xf32, #tpu.memory_space<vmem>>
      %dma_start3A_170 = tpu.memref_squeeze %dma_start3A_169 : memref<1x64x128xf32, #tpu.memory_space<vmem>> -> memref<64x128xf32, #tpu.memory_space<vmem>>
      %dma_start3A_171 = arith.constant 0 : i32
      %dma_start3A_172 = tpu.memref_slice %arg3[%add3A_139, %dma_start3A_171] : memref<160000x128xf32, #tpu.memory_space<hbm>> -> memref<64x128xf32, #tpu.memory_space<hbm>>
      tpu.enqueue_dma source(%dma_start3A_172 : memref<64x128xf32, #tpu.memory_space<hbm>>) target(%dma_start3A_170 : memref<64x128xf32, #tpu.memory_space<vmem>>) target_semaphore(%arg16 : memref<!tpu.dma_semaphore, #tpu.memory_space<semaphore_mem>>)
      %mul3A_173 = arith.constant 64 : i32
      %mul3A_174 = arith.muli %mul3A_129, %mul3A_173 : i32
      %add3A_175 = arith.addi %add3A_4, %mul3A_174 : i32
      %mul3A_176 = arith.constant 64 : i32
      %mul3A_177 = arith.muli %mul3A_129, %mul3A_176 : i32
      %add3A_178 = arith.addi %mul3A_6, %mul3A_177 : i32
      %dma_wait3A_179 = arith.constant 0 : i32
      %dma_wait3A_180 = arith.constant 0 : i32
      %dma_wait3A_181 = tpu.memref_slice %arg8[%dma_wait3A_179, %dma_wait3A_180] : memref<2x64xi32, #tpu.memory_space<vmem>> -> memref<1x64xi32, #tpu.memory_space<vmem>>
      %dma_wait3A_182 = tpu.memref_squeeze %dma_wait3A_181 : memref<1x64xi32, #tpu.memory_space<vmem>> -> memref<64xi32, #tpu.memory_space<vmem>>
      %dma_wait3A_183 = tpu.memref_slice %arg5[%add3A_175] : memref<320000xi32, #tpu.memory_space<hbm>> -> memref<64xi32, #tpu.memory_space<hbm>>
      %dma_wait3A_184 = arith.constant 0 : i32
      %dma_wait3A_185 = tpu.memref_slice %arg8[%dma_wait3A_179, %dma_wait3A_184] : memref<2x64xi32, #tpu.memory_space<vmem>> -> memref<1x64xi32, #tpu.memory_space<vmem>>
      %dma_wait3A_186 = tpu.memref_squeeze %dma_wait3A_185 : memref<1x64xi32, #tpu.memory_space<vmem>> -> memref<64xi32, #tpu.memory_space<vmem>>
      %dma_wait3A_187 = tpu.memref_slice %arg5[%add3A_175] : memref<320000xi32, #tpu.memory_space<hbm>> -> memref<64xi32, #tpu.memory_space<hbm>>
      tpu.wait_dma2 semaphore(%arg15 : memref<!tpu.dma_semaphore, #tpu.memory_space<semaphore_mem>>) src(%dma_wait3A_187 : memref<64xi32, #tpu.memory_space<hbm>>) dst(%dma_wait3A_186 : memref<64xi32, #tpu.memory_space<vmem>>)
      %mul3A_188 = arith.constant 64 : i32
      %mul3A_189 = arith.muli %mul3A_129, %mul3A_188 : i32
      %dma_wait3A_190 = arith.constant 0 : i32
      %dma_wait3A_191 = arith.constant 0 : i32
      %dma_wait3A_192 = arith.constant 0 : i32
      %dma_wait3A_193 = tpu.memref_slice %arg9[%dma_wait3A_190, %dma_wait3A_191, %dma_wait3A_192] : memref<2x64x128xf32, #tpu.memory_space<vmem>> -> memref<1x64x128xf32, #tpu.memory_space<vmem>>
      %dma_wait3A_194 = tpu.memref_squeeze %dma_wait3A_193 : memref<1x64x128xf32, #tpu.memory_space<vmem>> -> memref<64x128xf32, #tpu.memory_space<vmem>>
      %dma_wait3A_195 = tpu.memref_slice %arg7[%mul3A_189] : memref<5000xi32, #tpu.memory_space<vmem>> -> memref<64xi32, #tpu.memory_space<vmem>>
      %dma_wait3A_196 = arith.constant 0 : i32
      %dma_wait3A_197 = arith.constant 0 : i32
      %dma_wait3A_198 = tpu.memref_slice %arg2[%dma_wait3A_196, %dma_wait3A_197] : memref<10000x128xf32, #tpu.memory_space<hbm>> -> memref<10000x128xf32, #tpu.memory_space<hbm>>
      tpu.wait_indirect_dma semaphore(%arg15 : memref<!tpu.dma_semaphore, #tpu.memory_space<semaphore_mem>>) src(%dma_wait3A_198 : memref<10000x128xf32, #tpu.memory_space<hbm>>) dst(%dma_wait3A_194 : memref<64x128xf32, #tpu.memory_space<vmem>>)
      %dma_wait3A_199 = arith.constant 0 : i32
      %dma_wait3A_200 = arith.constant 0 : i32
      %dma_wait3A_201 = arith.constant 0 : i32
      %dma_wait3A_202 = tpu.memref_slice %arg10[%dma_wait3A_199, %dma_wait3A_200, %dma_wait3A_201] : memref<2x64x128xf32, #tpu.memory_space<vmem>> -> memref<1x64x128xf32, #tpu.memory_space<vmem>>
      %dma_wait3A_203 = tpu.memref_squeeze %dma_wait3A_202 : memref<1x64x128xf32, #tpu.memory_space<vmem>> -> memref<64x128xf32, #tpu.memory_space<vmem>>
      %dma_wait3A_204 = arith.constant 0 : i32
      %dma_wait3A_205 = tpu.memref_slice %arg3[%add3A_178, %dma_wait3A_204] : memref<160000x128xf32, #tpu.memory_space<hbm>> -> memref<64x128xf32, #tpu.memory_space<hbm>>
      %dma_wait3A_206 = arith.constant 0 : i32
      %dma_wait3A_207 = arith.constant 0 : i32
      %dma_wait3A_208 = tpu.memref_slice %arg10[%dma_wait3A_199, %dma_wait3A_206, %dma_wait3A_207] : memref<2x64x128xf32, #tpu.memory_space<vmem>> -> memref<1x64x128xf32, #tpu.memory_space<vmem>>
      %dma_wait3A_209 = tpu.memref_squeeze %dma_wait3A_208 : memref<1x64x128xf32, #tpu.memory_space<vmem>> -> memref<64x128xf32, #tpu.memory_space<vmem>>
      %dma_wait3A_210 = arith.constant 0 : i32
      %dma_wait3A_211 = tpu.memref_slice %arg3[%add3A_178, %dma_wait3A_210] : memref<160000x128xf32, #tpu.memory_space<hbm>> -> memref<64x128xf32, #tpu.memory_space<hbm>>
      tpu.wait_dma2 semaphore(%arg15 : memref<!tpu.dma_semaphore, #tpu.memory_space<semaphore_mem>>) src(%dma_wait3A_211 : memref<64x128xf32, #tpu.memory_space<hbm>>) dst(%dma_wait3A_209 : memref<64x128xf32, #tpu.memory_space<vmem>>)
      %scan3A_212 = arith.constant 0 : i32
      %scan3A_213 = arith.constant 0 : i32
      %scan3A_214 = arith.constant 32 : i32
      %scan3A_215 = arith.addi %scan3A_213, %scan3A_214 : i32
      %scan3A_216 = arith.constant 1 : i32
      scf.for %scan3A_293 = %scan3A_213 to %scan3A_215 step %scan3A_216  : i32 {
        %mul3A_294 = arith.constant 2 : i32
        %mul3A_295 = arith.muli %scan3A_293, %mul3A_294 : i32
        %add3A_296 = arith.constant 0 : i32
        %add3A_297 = arith.addi %mul3A_295, %add3A_296 : i32
        %get3A = arith.constant 0 : i32
        %get3A_298 = arith.index_cast %get3A : i32 to index
        %get3A_299 = arith.index_cast %add3A_297 : i32 to index
        %get3A_300 = arith.constant 0 : index
        %get3A_301 = tpu.vector_load %arg9[%get3A_298, %get3A_299, %get3A_300] {strides = array<i32>} : memref<2x64x128xf32, #tpu.memory_space<vmem>>, vector<1x1x16xf32>,
        %get3A_302 = vector.shape_cast %get3A_301 : vector<1x1x16xf32> to vector<16xf32>
        %get3A_303 = arith.constant 0 : i32
        %get3A_304 = arith.index_cast %get3A_303 : i32 to index
        %get3A_305 = arith.index_cast %add3A_297 : i32 to index
        %get3A_306 = arith.constant 0 : index
        %get3A_307 = tpu.vector_load %arg10[%get3A_304, %get3A_305, %get3A_306] {strides = array<i32>} : memref<2x64x128xf32, #tpu.memory_space<vmem>>, vector<1x1x16xf32>,
        %get3A_308 = vector.shape_cast %get3A_307 : vector<1x1x16xf32> to vector<16xf32>
        %mul3A_309 = arith.mulf %get3A_302, %get3A_308 : vector<16xf32>
        %swap3A = arith.constant 0 : i32
        %swap3A_310 = arith.index_cast %swap3A : i32 to index
        %swap3A_311 = arith.index_cast %add3A_297 : i32 to index
        %swap3A_312 = arith.constant 0 : index
        %swap3A_313 = tpu.vector_load %arg9[%swap3A_310, %swap3A_311, %swap3A_312] {strides = array<i32>} : memref<2x64x128xf32, #tpu.memory_space<vmem>>, vector<1x1x16xf32>,
        %swap3A_314 = vector.shape_cast %swap3A_313 : vector<1x1x16xf32> to vector<16xf32>
        %swap3A_315 = vector.shape_cast %mul3A_309 : vector<16xf32> to vector<1x1x16xf32>
        tpu.vector_store %arg9[%swap3A_310, %swap3A_311, %swap3A_312], %swap3A_315 {strides = array<i32>} : memref<2x64x128xf32, #tpu.memory_space<vmem>>, vector<1x1x16xf32>,
        %get3A_316 = arith.constant 0 : i32
        %get3A_317 = arith.index_cast %get3A_316 : i32 to index
        %get3A_318 = arith.index_cast %add3A_297 : i32 to index
        %get3A_319 = arith.constant 16 : index
        %get3A_320 = tpu.vector_load %arg9[%get3A_317, %get3A_318, %get3A_319] {strides = array<i32>} : memref<2x64x128xf32, #tpu.memory_space<vmem>>, vector<1x1x16xf32>,
        %get3A_321 = vector.shape_cast %get3A_320 : vector<1x1x16xf32> to vector<16xf32>
        %get3A_322 = arith.constant 0 : i32
        %get3A_323 = arith.index_cast %get3A_322 : i32 to index
        %get3A_324 = arith.index_cast %add3A_297 : i32 to index
        %get3A_325 = arith.constant 16 : index
        %get3A_326 = tpu.vector_load %arg10[%get3A_323, %get3A_324, %get3A_325] {strides = array<i32>} : memref<2x64x128xf32, #tpu.memory_space<vmem>>, vector<1x1x16xf32>,
        %get3A_327 = vector.shape_cast %get3A_326 : vector<1x1x16xf32> to vector<16xf32>
        %mul3A_328 = arith.mulf %get3A_321, %get3A_327 : vector<16xf32>
        %swap3A_329 = arith.constant 0 : i32
        %swap3A_330 = arith.index_cast %swap3A_329 : i32 to index
        %swap3A_331 = arith.index_cast %add3A_297 : i32 to index
        %swap3A_332 = arith.constant 16 : index
        %swap3A_333 = tpu.vector_load %arg9[%swap3A_330, %swap3A_331, %swap3A_332] {strides = array<i32>} : memref<2x64x128xf32, #tpu.memory_space<vmem>>, vector<1x1x16xf32>,
        %swap3A_334 = vector.shape_cast %swap3A_333 : vector<1x1x16xf32> to vector<16xf32>
        %swap3A_335 = vector.shape_cast %mul3A_328 : vector<16xf32> to vector<1x1x16xf32>
        tpu.vector_store %arg9[%swap3A_330, %swap3A_331, %swap3A_332], %swap3A_335 {strides = array<i32>} : memref<2x64x128xf32, #tpu.memory_space<vmem>>, vector<1x1x16xf32>,
        %get3A_336 = arith.constant 0 : i32
        %get3A_337 = arith.index_cast %get3A_336 : i32 to index
        %get3A_338 = arith.index_cast %add3A_297 : i32 to index
        %get3A_339 = arith.constant 32 : index
        %get3A_340 = tpu.vector_load %arg9[%get3A_337, %get3A_338, %get3A_339] {strides = array<i32>} : memref<2x64x128xf32, #tpu.memory_space<vmem>>, vector<1x1x16xf32>,
        %get3A_341 = vector.shape_cast %get3A_340 : vector<1x1x16xf32> to vector<16xf32>
        %get3A_342 = arith.constant 0 : i32
        %get3A_343 = arith.index_cast %get3A_342 : i32 to index
        %get3A_344 = arith.index_cast %add3A_297 : i32 to index
        %get3A_345 = arith.constant 32 : index
        %get3A_346 = tpu.vector_load %arg10[%get3A_343, %get3A_344, %get3A_345] {strides = array<i32>} : memref<2x64x128xf32, #tpu.memory_space<vmem>>, vector<1x1x16xf32>,
        %get3A_347 = vector.shape_cast %get3A_346 : vector<1x1x16xf32> to vector<16xf32>
        %mul3A_348 = arith.mulf %get3A_341, %get3A_347 : vector<16xf32>
        %swap3A_349 = arith.constant 0 : i32
        %swap3A_350 = arith.index_cast %swap3A_349 : i32 to index
        %swap3A_351 = arith.index_cast %add3A_297 : i32 to index
        %swap3A_352 = arith.constant 32 : index
        %swap3A_353 = tpu.vector_load %arg9[%swap3A_350, %swap3A_351, %swap3A_352] {strides = array<i32>} : memref<2x64x128xf32, #tpu.memory_space<vmem>>, vector<1x1x16xf32>,
        %swap3A_354 = vector.shape_cast %swap3A_353 : vector<1x1x16xf32> to vector<16xf32>
        %swap3A_355 = vector.shape_cast %mul3A_348 : vector<16xf32> to vector<1x1x16xf32>
        tpu.vector_store %arg9[%swap3A_350, %swap3A_351, %swap3A_352], %swap3A_355 {strides = array<i32>} : memref<2x64x128xf32, #tpu.memory_space<vmem>>, vector<1x1x16xf32>,
        %get3A_356 = arith.constant 0 : i32
        %get3A_357 = arith.index_cast %get3A_356 : i32 to index
        %get3A_358 = arith.index_cast %add3A_297 : i32 to index
        %get3A_359 = arith.constant 48 : index
        %get3A_360 = tpu.vector_load %arg9[%get3A_357, %get3A_358, %get3A_359] {strides = array<i32>} : memref<2x64x128xf32, #tpu.memory_space<vmem>>, vector<1x1x16xf32>,
        %get3A_361 = vector.shape_cast %get3A_360 : vector<1x1x16xf32> to vector<16xf32>
        %get3A_362 = arith.constant 0 : i32
        %get3A_363 = arith.index_cast %get3A_362 : i32 to index
        %get3A_364 = arith.index_cast %add3A_297 : i32 to index
        %get3A_365 = arith.constant 48 : index
        %get3A_366 = tpu.vector_load %arg10[%get3A_363, %get3A_364, %get3A_365] {strides = array<i32>} : memref<2x64x128xf32, #tpu.memory_space<vmem>>, vector<1x1x16xf32>,
        %get3A_367 = vector.shape_cast %get3A_366 : vector<1x1x16xf32> to vector<16xf32>
        %mul3A_368 = arith.mulf %get3A_361, %get3A_367 : vector<16xf32>
        %swap3A_369 = arith.constant 0 : i32
        %swap3A_370 = arith.index_cast %swap3A_369 : i32 to index
        %swap3A_371 = arith.index_cast %add3A_297 : i32 to index
        %swap3A_372 = arith.constant 48 : index
        %swap3A_373 = tpu.vector_load %arg9[%swap3A_370, %swap3A_371, %swap3A_372] {strides = array<i32>} : memref<2x64x128xf32, #tpu.memory_space<vmem>>, vector<1x1x16xf32>,
        %swap3A_374 = vector.shape_cast %swap3A_373 : vector<1x1x16xf32> to vector<16xf32>
        %swap3A_375 = vector.shape_cast %mul3A_368 : vector<16xf32> to vector<1x1x16xf32>
        tpu.vector_store %arg9[%swap3A_370, %swap3A_371, %swap3A_372], %swap3A_375 {strides = array<i32>} : memref<2x64x128xf32, #tpu.memory_space<vmem>>, vector<1x1x16xf32>,
        %get3A_376 = arith.constant 0 : i32
        %get3A_377 = arith.index_cast %get3A_376 : i32 to index
        %get3A_378 = arith.index_cast %add3A_297 : i32 to index
        %get3A_379 = arith.constant 64 : index
        %get3A_380 = tpu.vector_load %arg9[%get3A_377, %get3A_378, %get3A_379] {strides = array<i32>} : memref<2x64x128xf32, #tpu.memory_space<vmem>>, vector<1x1x16xf32>,
        %get3A_381 = vector.shape_cast %get3A_380 : vector<1x1x16xf32> to vector<16xf32>
        %get3A_382 = arith.constant 0 : i32
        %get3A_383 = arith.index_cast %get3A_382 : i32 to index
        %get3A_384 = arith.index_cast %add3A_297 : i32 to index
        %get3A_385 = arith.constant 64 : index
        %get3A_386 = tpu.vector_load %arg10[%get3A_383, %get3A_384, %get3A_385] {strides = array<i32>} : memref<2x64x128xf32, #tpu.memory_space<vmem>>, vector<1x1x16xf32>,
        %get3A_387 = vector.shape_cast %get3A_386 : vector<1x1x16xf32> to vector<16xf32>
        %mul3A_388 = arith.mulf %get3A_381, %get3A_387 : vector<16xf32>
        %swap3A_389 = arith.constant 0 : i32
        %swap3A_390 = arith.index_cast %swap3A_389 : i32 to index
        %swap3A_391 = arith.index_cast %add3A_297 : i32 to index
        %swap3A_392 = arith.constant 64 : index
        %swap3A_393 = tpu.vector_load %arg9[%swap3A_390, %swap3A_391, %swap3A_392] {strides = array<i32>} : memref<2x64x128xf32, #tpu.memory_space<vmem>>, vector<1x1x16xf32>,
        %swap3A_394 = vector.shape_cast %swap3A_393 : vector<1x1x16xf32> to vector<16xf32>
        %swap3A_395 = vector.shape_cast %mul3A_388 : vector<16xf32> to vector<1x1x16xf32>
        tpu.vector_store %arg9[%swap3A_390, %swap3A_391, %swap3A_392], %swap3A_395 {strides = array<i32>} : memref<2x64x128xf32, #tpu.memory_space<vmem>>, vector<1x1x16xf32>,
        %get3A_396 = arith.constant 0 : i32
        %get3A_397 = arith.index_cast %get3A_396 : i32 to index
        %get3A_398 = arith.index_cast %add3A_297 : i32 to index
        %get3A_399 = arith.constant 80 : index
        %get3A_400 = tpu.vector_load %arg9[%get3A_397, %get3A_398, %get3A_399] {strides = array<i32>} : memref<2x64x128xf32, #tpu.memory_space<vmem>>, vector<1x1x16xf32>,
        %get3A_401 = vector.shape_cast %get3A_400 : vector<1x1x16xf32> to vector<16xf32>
        %get3A_402 = arith.constant 0 : i32
        %get3A_403 = arith.index_cast %get3A_402 : i32 to index
        %get3A_404 = arith.index_cast %add3A_297 : i32 to index
        %get3A_405 = arith.constant 80 : index
        %get3A_406 = tpu.vector_load %arg10[%get3A_403, %get3A_404, %get3A_405] {strides = array<i32>} : memref<2x64x128xf32, #tpu.memory_space<vmem>>, vector<1x1x16xf32>,
        %get3A_407 = vector.shape_cast %get3A_406 : vector<1x1x16xf32> to vector<16xf32>
        %mul3A_408 = arith.mulf %get3A_401, %get3A_407 : vector<16xf32>
        %swap3A_409 = arith.constant 0 : i32
        %swap3A_410 = arith.index_cast %swap3A_409 : i32 to index
        %swap3A_411 = arith.index_cast %add3A_297 : i32 to index
        %swap3A_412 = arith.constant 80 : index
        %swap3A_413 = tpu.vector_load %arg9[%swap3A_410, %swap3A_411, %swap3A_412] {strides = array<i32>} : memref<2x64x128xf32, #tpu.memory_space<vmem>>, vector<1x1x16xf32>,
        %swap3A_414 = vector.shape_cast %swap3A_413 : vector<1x1x16xf32> to vector<16xf32>
        %swap3A_415 = vector.shape_cast %mul3A_408 : vector<16xf32> to vector<1x1x16xf32>
        tpu.vector_store %arg9[%swap3A_410, %swap3A_411, %swap3A_412], %swap3A_415 {strides = array<i32>} : memref<2x64x128xf32, #tpu.memory_space<vmem>>, vector<1x1x16xf32>,
        %get3A_416 = arith.constant 0 : i32
        %get3A_417 = arith.index_cast %get3A_416 : i32 to index
        %get3A_418 = arith.index_cast %add3A_297 : i32 to index
        %get3A_419 = arith.constant 96 : index
        %get3A_420 = tpu.vector_load %arg9[%get3A_417, %get3A_418, %get3A_419] {strides = array<i32>} : memref<2x64x128xf32, #tpu.memory_space<vmem>>, vector<1x1x16xf32>,
        %get3A_421 = vector.shape_cast %get3A_420 : vector<1x1x16xf32> to vector<16xf32>
        %get3A_422 = arith.constant 0 : i32
        %get3A_423 = arith.index_cast %get3A_422 : i32 to index
        %get3A_424 = arith.index_cast %add3A_297 : i32 to index
        %get3A_425 = arith.constant 96 : index
        %get3A_426 = tpu.vector_load %arg10[%get3A_423, %get3A_424, %get3A_425] {strides = array<i32>} : memref<2x64x128xf32, #tpu.memory_space<vmem>>, vector<1x1x16xf32>,
        %get3A_427 = vector.shape_cast %get3A_426 : vector<1x1x16xf32> to vector<16xf32>
        %mul3A_428 = arith.mulf %get3A_421, %get3A_427 : vector<16xf32>
        %swap3A_429 = arith.constant 0 : i32
        %swap3A_430 = arith.index_cast %swap3A_429 : i32 to index
        %swap3A_431 = arith.index_cast %add3A_297 : i32 to index
        %swap3A_432 = arith.constant 96 : index
        %swap3A_433 = tpu.vector_load %arg9[%swap3A_430, %swap3A_431, %swap3A_432] {strides = array<i32>} : memref<2x64x128xf32, #tpu.memory_space<vmem>>, vector<1x1x16xf32>,
        %swap3A_434 = vector.shape_cast %swap3A_433 : vector<1x1x16xf32> to vector<16xf32>
        %swap3A_435 = vector.shape_cast %mul3A_428 : vector<16xf32> to vector<1x1x16xf32>
        tpu.vector_store %arg9[%swap3A_430, %swap3A_431, %swap3A_432], %swap3A_435 {strides = array<i32>} : memref<2x64x128xf32, #tpu.memory_space<vmem>>, vector<1x1x16xf32>,
        %get3A_436 = arith.constant 0 : i32
        %get3A_437 = arith.index_cast %get3A_436 : i32 to index
        %get3A_438 = arith.index_cast %add3A_297 : i32 to index
        %get3A_439 = arith.constant 112 : index
        %get3A_440 = tpu.vector_load %arg9[%get3A_437, %get3A_438, %get3A_439] {strides = array<i32>} : memref<2x64x128xf32, #tpu.memory_space<vmem>>, vector<1x1x16xf32>,
        %get3A_441 = vector.shape_cast %get3A_440 : vector<1x1x16xf32> to vector<16xf32>
        %get3A_442 = arith.constant 0 : i32
        %get3A_443 = arith.index_cast %get3A_442 : i32 to index
        %get3A_444 = arith.index_cast %add3A_297 : i32 to index
        %get3A_445 = arith.constant 112 : index
        %get3A_446 = tpu.vector_load %arg10[%get3A_443, %get3A_444, %get3A_445] {strides = array<i32>} : memref<2x64x128xf32, #tpu.memory_space<vmem>>, vector<1x1x16xf32>,
        %get3A_447 = vector.shape_cast %get3A_446 : vector<1x1x16xf32> to vector<16xf32>
        %mul3A_448 = arith.mulf %get3A_441, %get3A_447 : vector<16xf32>
        %swap3A_449 = arith.constant 0 : i32
        %swap3A_450 = arith.index_cast %swap3A_449 : i32 to index
        %swap3A_451 = arith.index_cast %add3A_297 : i32 to index
        %swap3A_452 = arith.constant 112 : index
        %swap3A_453 = tpu.vector_load %arg9[%swap3A_450, %swap3A_451, %swap3A_452] {strides = array<i32>} : memref<2x64x128xf32, #tpu.memory_space<vmem>>, vector<1x1x16xf32>,
        %swap3A_454 = vector.shape_cast %swap3A_453 : vector<1x1x16xf32> to vector<16xf32>
        %swap3A_455 = vector.shape_cast %mul3A_448 : vector<16xf32> to vector<1x1x16xf32>
        tpu.vector_store %arg9[%swap3A_450, %swap3A_451, %swap3A_452], %swap3A_455 {strides = array<i32>} : memref<2x64x128xf32, #tpu.memory_space<vmem>>, vector<1x1x16xf32>,
        %add3A_456 = arith.constant 1 : i32
        %add3A_457 = arith.addi %mul3A_295, %add3A_456 : i32
        %get3A_458 = arith.constant 0 : i32
        %get3A_459 = arith.index_cast %get3A_458 : i32 to index
        %get3A_460 = arith.index_cast %add3A_457 : i32 to index
        %get3A_461 = arith.constant 0 : index
        %get3A_462 = tpu.vector_load %arg9[%get3A_459, %get3A_460, %get3A_461] {strides = array<i32>} : memref<2x64x128xf32, #tpu.memory_space<vmem>>, vector<1x1x16xf32>,
        %get3A_463 = vector.shape_cast %get3A_462 : vector<1x1x16xf32> to vector<16xf32>
        %get3A_464 = arith.constant 0 : i32
        %get3A_465 = arith.index_cast %get3A_464 : i32 to index
        %get3A_466 = arith.index_cast %add3A_457 : i32 to index
        %get3A_467 = arith.constant 0 : index
        %get3A_468 = tpu.vector_load %arg10[%get3A_465, %get3A_466, %get3A_467] {strides = array<i32>} : memref<2x64x128xf32, #tpu.memory_space<vmem>>, vector<1x1x16xf32>,
        %get3A_469 = vector.shape_cast %get3A_468 : vector<1x1x16xf32> to vector<16xf32>
        %mul3A_470 = arith.mulf %get3A_463, %get3A_469 : vector<16xf32>
        %swap3A_471 = arith.constant 0 : i32
        %swap3A_472 = arith.index_cast %swap3A_471 : i32 to index
        %swap3A_473 = arith.index_cast %add3A_457 : i32 to index
        %swap3A_474 = arith.constant 0 : index
        %swap3A_475 = tpu.vector_load %arg9[%swap3A_472, %swap3A_473, %swap3A_474] {strides = array<i32>} : memref<2x64x128xf32, #tpu.memory_space<vmem>>, vector<1x1x16xf32>,
        %swap3A_476 = vector.shape_cast %swap3A_475 : vector<1x1x16xf32> to vector<16xf32>
        %swap3A_477 = vector.shape_cast %mul3A_470 : vector<16xf32> to vector<1x1x16xf32>
        tpu.vector_store %arg9[%swap3A_472, %swap3A_473, %swap3A_474], %swap3A_477 {strides = array<i32>} : memref<2x64x128xf32, #tpu.memory_space<vmem>>, vector<1x1x16xf32>,
        %get3A_478 = arith.constant 0 : i32
        %get3A_479 = arith.index_cast %get3A_478 : i32 to index
        %get3A_480 = arith.index_cast %add3A_457 : i32 to index
        %get3A_481 = arith.constant 16 : index
        %get3A_482 = tpu.vector_load %arg9[%get3A_479, %get3A_480, %get3A_481] {strides = array<i32>} : memref<2x64x128xf32, #tpu.memory_space<vmem>>, vector<1x1x16xf32>,
        %get3A_483 = vector.shape_cast %get3A_482 : vector<1x1x16xf32> to vector<16xf32>
        %get3A_484 = arith.constant 0 : i32
        %get3A_485 = arith.index_cast %get3A_484 : i32 to index
        %get3A_486 = arith.index_cast %add3A_457 : i32 to index
        %get3A_487 = arith.constant 16 : index
        %get3A_488 = tpu.vector_load %arg10[%get3A_485, %get3A_486, %get3A_487] {strides = array<i32>} : memref<2x64x128xf32, #tpu.memory_space<vmem>>, vector<1x1x16xf32>,
        %get3A_489 = vector.shape_cast %get3A_488 : vector<1x1x16xf32> to vector<16xf32>
        %mul3A_490 = arith.mulf %get3A_483, %get3A_489 : vector<16xf32>
        %swap3A_491 = arith.constant 0 : i32
        %swap3A_492 = arith.index_cast %swap3A_491 : i32 to index
        %swap3A_493 = arith.index_cast %add3A_457 : i32 to index
        %swap3A_494 = arith.constant 16 : index
        %swap3A_495 = tpu.vector_load %arg9[%swap3A_492, %swap3A_493, %swap3A_494] {strides = array<i32>} : memref<2x64x128xf32, #tpu.memory_space<vmem>>, vector<1x1x16xf32>,
        %swap3A_496 = vector.shape_cast %swap3A_495 : vector<1x1x16xf32> to vector<16xf32>
        %swap3A_497 = vector.shape_cast %mul3A_490 : vector<16xf32> to vector<1x1x16xf32>
        tpu.vector_store %arg9[%swap3A_492, %swap3A_493, %swap3A_494], %swap3A_497 {strides = array<i32>} : memref<2x64x128xf32, #tpu.memory_space<vmem>>, vector<1x1x16xf32>,
        %get3A_498 = arith.constant 0 : i32
        %get3A_499 = arith.index_cast %get3A_498 : i32 to index
        %get3A_500 = arith.index_cast %add3A_457 : i32 to index
        %get3A_501 = arith.constant 32 : index
        %get3A_502 = tpu.vector_load %arg9[%get3A_499, %get3A_500, %get3A_501] {strides = array<i32>} : memref<2x64x128xf32, #tpu.memory_space<vmem>>, vector<1x1x16xf32>,
        %get3A_503 = vector.shape_cast %get3A_502 : vector<1x1x16xf32> to vector<16xf32>
        %get3A_504 = arith.constant 0 : i32
        %get3A_505 = arith.index_cast %get3A_504 : i32 to index
        %get3A_506 = arith.index_cast %add3A_457 : i32 to index
        %get3A_507 = arith.constant 32 : index
        %get3A_508 = tpu.vector_load %arg10[%get3A_505, %get3A_506, %get3A_507] {strides = array<i32>} : memref<2x64x128xf32, #tpu.memory_space<vmem>>, vector<1x1x16xf32>,
        %get3A_509 = vector.shape_cast %get3A_508 : vector<1x1x16xf32> to vector<16xf32>
        %mul3A_510 = arith.mulf %get3A_503, %get3A_509 : vector<16xf32>
        %swap3A_511 = arith.constant 0 : i32
        %swap3A_512 = arith.index_cast %swap3A_511 : i32 to index
        %swap3A_513 = arith.index_cast %add3A_457 : i32 to index
        %swap3A_514 = arith.constant 32 : index
        %swap3A_515 = tpu.vector_load %arg9[%swap3A_512, %swap3A_513, %swap3A_514] {strides = array<i32>} : memref<2x64x128xf32, #tpu.memory_space<vmem>>, vector<1x1x16xf32>,
        %swap3A_516 = vector.shape_cast %swap3A_515 : vector<1x1x16xf32> to vector<16xf32>
        %swap3A_517 = vector.shape_cast %mul3A_510 : vector<16xf32> to vector<1x1x16xf32>
        tpu.vector_store %arg9[%swap3A_512, %swap3A_513, %swap3A_514], %swap3A_517 {strides = array<i32>} : memref<2x64x128xf32, #tpu.memory_space<vmem>>, vector<1x1x16xf32>,
        %get3A_518 = arith.constant 0 : i32
        %get3A_519 = arith.index_cast %get3A_518 : i32 to index
        %get3A_520 = arith.index_cast %add3A_457 : i32 to index
        %get3A_521 = arith.constant 48 : index
        %get3A_522 = tpu.vector_load %arg9[%get3A_519, %get3A_520, %get3A_521] {strides = array<i32>} : memref<2x64x128xf32, #tpu.memory_space<vmem>>, vector<1x1x16xf32>,
        %get3A_523 = vector.shape_cast %get3A_522 : vector<1x1x16xf32> to vector<16xf32>
        %get3A_524 = arith.constant 0 : i32
        %get3A_525 = arith.index_cast %get3A_524 : i32 to index
        %get3A_526 = arith.index_cast %add3A_457 : i32 to index
        %get3A_527 = arith.constant 48 : index
        %get3A_528 = tpu.vector_load %arg10[%get3A_525, %get3A_526, %get3A_527] {strides = array<i32>} : memref<2x64x128xf32, #tpu.memory_space<vmem>>, vector<1x1x16xf32>,
        %get3A_529 = vector.shape_cast %get3A_528 : vector<1x1x16xf32> to vector<16xf32>
        %mul3A_530 = arith.mulf %get3A_523, %get3A_529 : vector<16xf32>
        %swap3A_531 = arith.constant 0 : i32
        %swap3A_532 = arith.index_cast %swap3A_531 : i32 to index
        %swap3A_533 = arith.index_cast %add3A_457 : i32 to index
        %swap3A_534 = arith.constant 48 : index
        %swap3A_535 = tpu.vector_load %arg9[%swap3A_532, %swap3A_533, %swap3A_534] {strides = array<i32>} : memref<2x64x128xf32, #tpu.memory_space<vmem>>, vector<1x1x16xf32>,
        %swap3A_536 = vector.shape_cast %swap3A_535 : vector<1x1x16xf32> to vector<16xf32>
        %swap3A_537 = vector.shape_cast %mul3A_530 : vector<16xf32> to vector<1x1x16xf32>
        tpu.vector_store %arg9[%swap3A_532, %swap3A_533, %swap3A_534], %swap3A_537 {strides = array<i32>} : memref<2x64x128xf32, #tpu.memory_space<vmem>>, vector<1x1x16xf32>,
        %get3A_538 = arith.constant 0 : i32
        %get3A_539 = arith.index_cast %get3A_538 : i32 to index
        %get3A_540 = arith.index_cast %add3A_457 : i32 to index
        %get3A_541 = arith.constant 64 : index
        %get3A_542 = tpu.vector_load %arg9[%get3A_539, %get3A_540, %get3A_541] {strides = array<i32>} : memref<2x64x128xf32, #tpu.memory_space<vmem>>, vector<1x1x16xf32>,
        %get3A_543 = vector.shape_cast %get3A_542 : vector<1x1x16xf32> to vector<16xf32>
        %get3A_544 = arith.constant 0 : i32
        %get3A_545 = arith.index_cast %get3A_544 : i32 to index
        %get3A_546 = arith.index_cast %add3A_457 : i32 to index
        %get3A_547 = arith.constant 64 : index
        %get3A_548 = tpu.vector_load %arg10[%get3A_545, %get3A_546, %get3A_547] {strides = array<i32>} : memref<2x64x128xf32, #tpu.memory_space<vmem>>, vector<1x1x16xf32>,
        %get3A_549 = vector.shape_cast %get3A_548 : vector<1x1x16xf32> to vector<16xf32>
        %mul3A_550 = arith.mulf %get3A_543, %get3A_549 : vector<16xf32>
        %swap3A_551 = arith.constant 0 : i32
        %swap3A_552 = arith.index_cast %swap3A_551 : i32 to index
        %swap3A_553 = arith.index_cast %add3A_457 : i32 to index
        %swap3A_554 = arith.constant 64 : index
        %swap3A_555 = tpu.vector_load %arg9[%swap3A_552, %swap3A_553, %swap3A_554] {strides = array<i32>} : memref<2x64x128xf32, #tpu.memory_space<vmem>>, vector<1x1x16xf32>,
        %swap3A_556 = vector.shape_cast %swap3A_555 : vector<1x1x16xf32> to vector<16xf32>
        %swap3A_557 = vector.shape_cast %mul3A_550 : vector<16xf32> to vector<1x1x16xf32>
        tpu.vector_store %arg9[%swap3A_552, %swap3A_553, %swap3A_554], %swap3A_557 {strides = array<i32>} : memref<2x64x128xf32, #tpu.memory_space<vmem>>, vector<1x1x16xf32>,
        %get3A_558 = arith.constant 0 : i32
        %get3A_559 = arith.index_cast %get3A_558 : i32 to index
        %get3A_560 = arith.index_cast %add3A_457 : i32 to index
        %get3A_561 = arith.constant 80 : index
        %get3A_562 = tpu.vector_load %arg9[%get3A_559, %get3A_560, %get3A_561] {strides = array<i32>} : memref<2x64x128xf32, #tpu.memory_space<vmem>>, vector<1x1x16xf32>,
        %get3A_563 = vector.shape_cast %get3A_562 : vector<1x1x16xf32> to vector<16xf32>
        %get3A_564 = arith.constant 0 : i32
        %get3A_565 = arith.index_cast %get3A_564 : i32 to index
        %get3A_566 = arith.index_cast %add3A_457 : i32 to index
        %get3A_567 = arith.constant 80 : index
        %get3A_568 = tpu.vector_load %arg10[%get3A_565, %get3A_566, %get3A_567] {strides = array<i32>} : memref<2x64x128xf32, #tpu.memory_space<vmem>>, vector<1x1x16xf32>,
        %get3A_569 = vector.shape_cast %get3A_568 : vector<1x1x16xf32> to vector<16xf32>
        %mul3A_570 = arith.mulf %get3A_563, %get3A_569 : vector<16xf32>
        %swap3A_571 = arith.constant 0 : i32
        %swap3A_572 = arith.index_cast %swap3A_571 : i32 to index
        %swap3A_573 = arith.index_cast %add3A_457 : i32 to index
        %swap3A_574 = arith.constant 80 : index
        %swap3A_575 = tpu.vector_load %arg9[%swap3A_572, %swap3A_573, %swap3A_574] {strides = array<i32>} : memref<2x64x128xf32, #tpu.memory_space<vmem>>, vector<1x1x16xf32>,
        %swap3A_576 = vector.shape_cast %swap3A_575 : vector<1x1x16xf32> to vector<16xf32>
        %swap3A_577 = vector.shape_cast %mul3A_570 : vector<16xf32> to vector<1x1x16xf32>
        tpu.vector_store %arg9[%swap3A_572, %swap3A_573, %swap3A_574], %swap3A_577 {strides = array<i32>} : memref<2x64x128xf32, #tpu.memory_space<vmem>>, vector<1x1x16xf32>,
        %get3A_578 = arith.constant 0 : i32
        %get3A_579 = arith.index_cast %get3A_578 : i32 to index
        %get3A_580 = arith.index_cast %add3A_457 : i32 to index
        %get3A_581 = arith.constant 96 : index
        %get3A_582 = tpu.vector_load %arg9[%get3A_579, %get3A_580, %get3A_581] {strides = array<i32>} : memref<2x64x128xf32, #tpu.memory_space<vmem>>, vector<1x1x16xf32>,
        %get3A_583 = vector.shape_cast %get3A_582 : vector<1x1x16xf32> to vector<16xf32>
        %get3A_584 = arith.constant 0 : i32
        %get3A_585 = arith.index_cast %get3A_584 : i32 to index
        %get3A_586 = arith.index_cast %add3A_457 : i32 to index
        %get3A_587 = arith.constant 96 : index
        %get3A_588 = tpu.vector_load %arg10[%get3A_585, %get3A_586, %get3A_587] {strides = array<i32>} : memref<2x64x128xf32, #tpu.memory_space<vmem>>, vector<1x1x16xf32>,
        %get3A_589 = vector.shape_cast %get3A_588 : vector<1x1x16xf32> to vector<16xf32>
        %mul3A_590 = arith.mulf %get3A_583, %get3A_589 : vector<16xf32>
        %swap3A_591 = arith.constant 0 : i32
        %swap3A_592 = arith.index_cast %swap3A_591 : i32 to index
        %swap3A_593 = arith.index_cast %add3A_457 : i32 to index
        %swap3A_594 = arith.constant 96 : index
        %swap3A_595 = tpu.vector_load %arg9[%swap3A_592, %swap3A_593, %swap3A_594] {strides = array<i32>} : memref<2x64x128xf32, #tpu.memory_space<vmem>>, vector<1x1x16xf32>,
        %swap3A_596 = vector.shape_cast %swap3A_595 : vector<1x1x16xf32> to vector<16xf32>
        %swap3A_597 = vector.shape_cast %mul3A_590 : vector<16xf32> to vector<1x1x16xf32>
        tpu.vector_store %arg9[%swap3A_592, %swap3A_593, %swap3A_594], %swap3A_597 {strides = array<i32>} : memref<2x64x128xf32, #tpu.memory_space<vmem>>, vector<1x1x16xf32>,
        %get3A_598 = arith.constant 0 : i32
        %get3A_599 = arith.index_cast %get3A_598 : i32 to index
        %get3A_600 = arith.index_cast %add3A_457 : i32 to index
        %get3A_601 = arith.constant 112 : index
        %get3A_602 = tpu.vector_load %arg9[%get3A_599, %get3A_600, %get3A_601] {strides = array<i32>} : memref<2x64x128xf32, #tpu.memory_space<vmem>>, vector<1x1x16xf32>,
        %get3A_603 = vector.shape_cast %get3A_602 : vector<1x1x16xf32> to vector<16xf32>
        %get3A_604 = arith.constant 0 : i32
        %get3A_605 = arith.index_cast %get3A_604 : i32 to index
        %get3A_606 = arith.index_cast %add3A_457 : i32 to index
        %get3A_607 = arith.constant 112 : index
        %get3A_608 = tpu.vector_load %arg10[%get3A_605, %get3A_606, %get3A_607] {strides = array<i32>} : memref<2x64x128xf32, #tpu.memory_space<vmem>>, vector<1x1x16xf32>,
        %get3A_609 = vector.shape_cast %get3A_608 : vector<1x1x16xf32> to vector<16xf32>
        %mul3A_610 = arith.mulf %get3A_603, %get3A_609 : vector<16xf32>
        %swap3A_611 = arith.constant 0 : i32
        %swap3A_612 = arith.index_cast %swap3A_611 : i32 to index
        %swap3A_613 = arith.index_cast %add3A_457 : i32 to index
        %swap3A_614 = arith.constant 112 : index
        %swap3A_615 = tpu.vector_load %arg9[%swap3A_612, %swap3A_613, %swap3A_614] {strides = array<i32>} : memref<2x64x128xf32, #tpu.memory_space<vmem>>, vector<1x1x16xf32>,
        %swap3A_616 = vector.shape_cast %swap3A_615 : vector<1x1x16xf32> to vector<16xf32>
        %swap3A_617 = vector.shape_cast %mul3A_610 : vector<16xf32> to vector<1x1x16xf32>
        tpu.vector_store %arg9[%swap3A_612, %swap3A_613, %swap3A_614], %swap3A_617 {strides = array<i32>} : memref<2x64x128xf32, #tpu.memory_space<vmem>>, vector<1x1x16xf32>,
      }
      %scan3A_217 = arith.constant 32 : i32
      %dma_start3A_218 = arith.constant 0 : i32
      %dma_start3A_219 = arith.constant 0 : i32
      %dma_start3A_220 = arith.constant 0 : i32
      %dma_start3A_221 = arith.constant 0 : i32
      %dma_start3A_222 = tpu.memref_slice %arg9[%dma_start3A_218, %dma_start3A_220, %dma_start3A_221] : memref<2x64x128xf32, #tpu.memory_space<vmem>> -> memref<1x64x128xf32, #tpu.memory_space<vmem>>
      %dma_start3A_223 = tpu.memref_squeeze %dma_start3A_222 : memref<1x64x128xf32, #tpu.memory_space<vmem>> -> memref<64x128xf32, #tpu.memory_space<vmem>>
      %dma_start3A_224 = arith.constant 0 : i32
      %dma_start3A_225 = tpu.memref_slice %arg8[%dma_start3A_219, %dma_start3A_224] : memref<2x64xi32, #tpu.memory_space<vmem>> -> memref<1x64xi32, #tpu.memory_space<vmem>>
      %dma_start3A_226 = tpu.memref_squeeze %dma_start3A_225 : memref<1x64xi32, #tpu.memory_space<vmem>> -> memref<64xi32, #tpu.memory_space<vmem>>
      %dma_start3A_227 = arith.constant 0 : i32
      %dma_start3A_228 = arith.constant 0 : i32
      %dma_start3A_229 = tpu.memref_slice %arg14[%dma_start3A_227, %dma_start3A_228] : memref<10112x128xf32, #tpu.memory_space<vmem_shared>> -> memref<10112x128xf32, #tpu.memory_space<vmem_shared>>
      tpu.enqueue_indirect_dma source(%dma_start3A_223 : memref<64x128xf32, #tpu.memory_space<vmem>>) target(%dma_start3A_229 : memref<10112x128xf32, #tpu.memory_space<vmem_shared>>) offsets(%dma_start3A_226 : memref<64xi32, #tpu.memory_space<vmem>>) semaphore(%arg17 : memref<!tpu.dma_semaphore, #tpu.memory_space<semaphore_mem>>) {add = true}
      %lt3A = arith.constant 38 : i32
      %lt3A_230 = arith.cmpi slt, %scan3A_127, %lt3A : i32
      %convert_element_type3A_231 = arith.extui %lt3A_230 : i1 to i32
      %cond3A_232 = arith.constant 0 : i32
      %cond3A_233 = arith.cmpi ne, %convert_element_type3A_231, %cond3A_232 : i32
      scf.if %cond3A_233 {
        %dma_wait3A_293 = arith.constant 0 : i32
        %dma_wait3A_294 = arith.constant 0 : i32
        %dma_wait3A_295 = arith.constant 0 : i32
        %dma_wait3A_296 = tpu.memref_slice %arg9[%dma_wait3A_293, %dma_wait3A_294, %dma_wait3A_295] : memref<2x64x128xf32, #tpu.memory_space<vmem>> -> memref<1x64x128xf32, #tpu.memory_space<vmem>>
        %dma_wait3A_297 = tpu.memref_squeeze %dma_wait3A_296 : memref<1x64x128xf32, #tpu.memory_space<vmem>> -> memref<64x128xf32, #tpu.memory_space<vmem>>
        %dma_wait3A_298 = arith.constant 0 : i32
        %dma_wait3A_299 = arith.constant 0 : i32
        %dma_wait3A_300 = tpu.memref_slice %arg2[%dma_wait3A_298, %dma_wait3A_299] : memref<10000x128xf32, #tpu.memory_space<hbm>> -> memref<64x128xf32, #tpu.memory_space<hbm>>
        %dma_wait3A_301 = arith.constant 0 : i32
        %dma_wait3A_302 = arith.constant 0 : i32
        %dma_wait3A_303 = tpu.memref_slice %arg9[%dma_wait3A_293, %dma_wait3A_301, %dma_wait3A_302] : memref<2x64x128xf32, #tpu.memory_space<vmem>> -> memref<1x64x128xf32, #tpu.memory_space<vmem>>
        %dma_wait3A_304 = tpu.memref_squeeze %dma_wait3A_303 : memref<1x64x128xf32, #tpu.memory_space<vmem>> -> memref<64x128xf32, #tpu.memory_space<vmem>>
        %dma_wait3A_305 = arith.constant 0 : i32
        %dma_wait3A_306 = arith.constant 0 : i32
        %dma_wait3A_307 = tpu.memref_slice %arg2[%dma_wait3A_305, %dma_wait3A_306] : memref<10000x128xf32, #tpu.memory_space<hbm>> -> memref<64x128xf32, #tpu.memory_space<hbm>>
        tpu.wait_dma2 semaphore(%arg17 : memref<!tpu.dma_semaphore, #tpu.memory_space<semaphore_mem>>) src(%dma_wait3A_307 : memref<64x128xf32, #tpu.memory_space<hbm>>) dst(%dma_wait3A_304 : memref<64x128xf32, #tpu.memory_space<vmem>>)
        %add3A_308 = arith.constant 2 : i32
        %add3A_309 = arith.addi %mul3A_129, %add3A_308 : i32
        %mul3A_310 = arith.constant 64 : i32
        %mul3A_311 = arith.muli %add3A_309, %mul3A_310 : i32
        %add3A_312 = arith.addi %add3A_4, %mul3A_311 : i32
        %mul3A_313 = arith.constant 64 : i32
        %mul3A_314 = arith.muli %add3A_309, %mul3A_313 : i32
        %add3A_315 = arith.addi %mul3A_6, %mul3A_314 : i32
        %dma_start3A_316 = arith.constant 0 : i32
        %dma_start3A_317 = arith.constant 0 : i32
        %dma_start3A_318 = tpu.memref_slice %arg8[%dma_start3A_316, %dma_start3A_317] : memref<2x64xi32, #tpu.memory_space<vmem>> -> memref<1x64xi32, #tpu.memory_space<vmem>>
        %dma_start3A_319 = tpu.memref_squeeze %dma_start3A_318 : memref<1x64xi32, #tpu.memory_space<vmem>> -> memref<64xi32, #tpu.memory_space<vmem>>
        %dma_start3A_320 = tpu.memref_slice %arg5[%add3A_312] : memref<320000xi32, #tpu.memory_space<hbm>> -> memref<64xi32, #tpu.memory_space<hbm>>
        %dma_start3A_321 = arith.constant 0 : i32
        %dma_start3A_322 = tpu.memref_slice %arg8[%dma_start3A_316, %dma_start3A_321] : memref<2x64xi32, #tpu.memory_space<vmem>> -> memref<1x64xi32, #tpu.memory_space<vmem>>
        %dma_start3A_323 = tpu.memref_squeeze %dma_start3A_322 : memref<1x64xi32, #tpu.memory_space<vmem>> -> memref<64xi32, #tpu.memory_space<vmem>>
        %dma_start3A_324 = tpu.memref_slice %arg5[%add3A_312] : memref<320000xi32, #tpu.memory_space<hbm>> -> memref<64xi32, #tpu.memory_space<hbm>>
        tpu.enqueue_dma source(%dma_start3A_324 : memref<64xi32, #tpu.memory_space<hbm>>) target(%dma_start3A_323 : memref<64xi32, #tpu.memory_space<vmem>>) target_semaphore(%arg15 : memref<!tpu.dma_semaphore, #tpu.memory_space<semaphore_mem>>)
        %mul3A_325 = arith.constant 64 : i32
        %mul3A_326 = arith.muli %add3A_309, %mul3A_325 : i32
        %dma_start3A_327 = arith.constant 0 : i32
        %dma_start3A_328 = arith.constant 0 : i32
        %dma_start3A_329 = arith.constant 0 : i32
        %dma_start3A_330 = tpu.memref_slice %arg9[%dma_start3A_327, %dma_start3A_328, %dma_start3A_329] : memref<2x64x128xf32, #tpu.memory_space<vmem>> -> memref<1x64x128xf32, #tpu.memory_space<vmem>>
        %dma_start3A_331 = tpu.memref_squeeze %dma_start3A_330 : memref<1x64x128xf32, #tpu.memory_space<vmem>> -> memref<64x128xf32, #tpu.memory_space<vmem>>
        %dma_start3A_332 = tpu.memref_slice %arg7[%mul3A_326] : memref<5000xi32, #tpu.memory_space<vmem>> -> memref<64xi32, #tpu.memory_space<vmem>>
        %dma_start3A_333 = arith.constant 0 : i32
        %dma_start3A_334 = arith.constant 0 : i32
        %dma_start3A_335 = tpu.memref_slice %arg2[%dma_start3A_333, %dma_start3A_334] : memref<10000x128xf32, #tpu.memory_space<hbm>> -> memref<10000x128xf32, #tpu.memory_space<hbm>>
        tpu.enqueue_indirect_dma source(%dma_start3A_335 : memref<10000x128xf32, #tpu.memory_space<hbm>>) target(%dma_start3A_331 : memref<64x128xf32, #tpu.memory_space<vmem>>) offsets(%dma_start3A_332 : memref<64xi32, #tpu.memory_space<vmem>>) semaphore(%arg15 : memref<!tpu.dma_semaphore, #tpu.memory_space<semaphore_mem>>)
        %dma_start3A_336 = arith.constant 0 : i32
        %dma_start3A_337 = arith.constant 0 : i32
        %dma_start3A_338 = arith.constant 0 : i32
        %dma_start3A_339 = tpu.memref_slice %arg10[%dma_start3A_336, %dma_start3A_337, %dma_start3A_338] : memref<2x64x128xf32, #tpu.memory_space<vmem>> -> memref<1x64x128xf32, #tpu.memory_space<vmem>>
        %dma_start3A_340 = tpu.memref_squeeze %dma_start3A_339 : memref<1x64x128xf32, #tpu.memory_space<vmem>> -> memref<64x128xf32, #tpu.memory_space<vmem>>
        %dma_start3A_341 = arith.constant 0 : i32
        %dma_start3A_342 = tpu.memref_slice %arg3[%add3A_315, %dma_start3A_341] : memref<160000x128xf32, #tpu.memory_space<hbm>> -> memref<64x128xf32, #tpu.memory_space<hbm>>
        %dma_start3A_343 = arith.constant 0 : i32
        %dma_start3A_344 = arith.constant 0 : i32
        %dma_start3A_345 = tpu.memref_slice %arg10[%dma_start3A_336, %dma_start3A_343, %dma_start3A_344] : memref<2x64x128xf32, #tpu.memory_space<vmem>> -> memref<1x64x128xf32, #tpu.memory_space<vmem>>
        %dma_start3A_346 = tpu.memref_squeeze %dma_start3A_345 : memref<1x64x128xf32, #tpu.memory_space<vmem>> -> memref<64x128xf32, #tpu.memory_space<vmem>>
        %dma_start3A_347 = arith.constant 0 : i32
        %dma_start3A_348 = tpu.memref_slice %arg3[%add3A_315, %dma_start3A_347] : memref<160000x128xf32, #tpu.memory_space<hbm>> -> memref<64x128xf32, #tpu.memory_space<hbm>>
        tpu.enqueue_dma source(%dma_start3A_348 : memref<64x128xf32, #tpu.memory_space<hbm>>) target(%dma_start3A_346 : memref<64x128xf32, #tpu.memory_space<vmem>>) target_semaphore(%arg15 : memref<!tpu.dma_semaphore, #tpu.memory_space<semaphore_mem>>)
      } else {
      }
      %add3A_234 = arith.constant 1 : i32
      %add3A_235 = arith.addi %mul3A_129, %add3A_234 : i32
      %mul3A_236 = arith.constant 64 : i32
      %mul3A_237 = arith.muli %add3A_235, %mul3A_236 : i32
      %add3A_238 = arith.addi %add3A_4, %mul3A_237 : i32
      %mul3A_239 = arith.constant 64 : i32
      %mul3A_240 = arith.muli %add3A_235, %mul3A_239 : i32
      %add3A_241 = arith.addi %mul3A_6, %mul3A_240 : i32
      %dma_wait3A_242 = arith.constant 1 : i32
      %dma_wait3A_243 = arith.constant 0 : i32
      %dma_wait3A_244 = tpu.memref_slice %arg8[%dma_wait3A_242, %dma_wait3A_243] : memref<2x64xi32, #tpu.memory_space<vmem>> -> memref<1x64xi32, #tpu.memory_space<vmem>>
      %dma_wait3A_245 = tpu.memref_squeeze %dma_wait3A_244 : memref<1x64xi32, #tpu.memory_space<vmem>> -> memref<64xi32, #tpu.memory_space<vmem>>
      %dma_wait3A_246 = tpu.memref_slice %arg5[%add3A_238] : memref<320000xi32, #tpu.memory_space<hbm>> -> memref<64xi32, #tpu.memory_space<hbm>>
      %dma_wait3A_247 = arith.constant 0 : i32
      %dma_wait3A_248 = tpu.memref_slice %arg8[%dma_wait3A_242, %dma_wait3A_247] : memref<2x64xi32, #tpu.memory_space<vmem>> -> memref<1x64xi32, #tpu.memory_space<vmem>>
      %dma_wait3A_249 = tpu.memref_squeeze %dma_wait3A_248 : memref<1x64xi32, #tpu.memory_space<vmem>> -> memref<64xi32, #tpu.memory_space<vmem>>
      %dma_wait3A_250 = tpu.memref_slice %arg5[%add3A_238] : memref<320000xi32, #tpu.memory_space<hbm>> -> memref<64xi32, #tpu.memory_space<hbm>>
      tpu.wait_dma2 semaphore(%arg16 : memref<!tpu.dma_semaphore, #tpu.memory_space<semaphore_mem>>) src(%dma_wait3A_250 : memref<64xi32, #tpu.memory_space<hbm>>) dst(%dma_wait3A_249 : memref<64xi32, #tpu.memory_space<vmem>>)
      %mul3A_251 = arith.constant 64 : i32
      %mul3A_252 = arith.muli %add3A_235, %mul3A_251 : i32
      %dma_wait3A_253 = arith.constant 1 : i32
      %dma_wait3A_254 = arith.constant 0 : i32
      %dma_wait3A_255 = arith.constant 0 : i32
      %dma_wait3A_256 = tpu.memref_slice %arg9[%dma_wait3A_253, %dma_wait3A_254, %dma_wait3A_255] : memref<2x64x128xf32, #tpu.memory_space<vmem>> -> memref<1x64x128xf32, #tpu.memory_space<vmem>>
      %dma_wait3A_257 = tpu.memref_squeeze %dma_wait3A_256 : memref<1x64x128xf32, #tpu.memory_space<vmem>> -> memref<64x128xf32, #tpu.memory_space<vmem>>
      %dma_wait3A_258 = tpu.memref_slice %arg7[%mul3A_252] : memref<5000xi32, #tpu.memory_space<vmem>> -> memref<64xi32, #tpu.memory_space<vmem>>
      %dma_wait3A_259 = arith.constant 0 : i32
      %dma_wait3A_260 = arith.constant 0 : i32
      %dma_wait3A_261 = tpu.memref_slice %arg2[%dma_wait3A_259, %dma_wait3A_260] : memref<10000x128xf32, #tpu.memory_space<hbm>> -> memref<10000x128xf32, #tpu.memory_space<hbm>>
      tpu.wait_indirect_dma semaphore(%arg16 : memref<!tpu.dma_semaphore, #tpu.memory_space<semaphore_mem>>) src(%dma_wait3A_261 : memref<10000x128xf32, #tpu.memory_space<hbm>>) dst(%dma_wait3A_257 : memref<64x128xf32, #tpu.memory_space<vmem>>)
      %dma_wait3A_262 = arith.constant 1 : i32
      %dma_wait3A_263 = arith.constant 0 : i32
      %dma_wait3A_264 = arith.constant 0 : i32
      %dma_wait3A_265 = tpu.memref_slice %arg10[%dma_wait3A_262, %dma_wait3A_263, %dma_wait3A_264] : memref<2x64x128xf32, #tpu.memory_space<vmem>> -> memref<1x64x128xf32, #tpu.memory_space<vmem>>
      %dma_wait3A_266 = tpu.memref_squeeze %dma_wait3A_265 : memref<1x64x128xf32, #tpu.memory_space<vmem>> -> memref<64x128xf32, #tpu.memory_space<vmem>>
      %dma_wait3A_267 = arith.constant 0 : i32
      %dma_wait3A_268 = tpu.memref_slice %arg3[%add3A_241, %dma_wait3A_267] : memref<160000x128xf32, #tpu.memory_space<hbm>> -> memref<64x128xf32, #tpu.memory_space<hbm>>
      %dma_wait3A_269 = arith.constant 0 : i32
      %dma_wait3A_270 = arith.constant 0 : i32
      %dma_wait3A_271 = tpu.memref_slice %arg10[%dma_wait3A_262, %dma_wait3A_269, %dma_wait3A_270] : memref<2x64x128xf32, #tpu.memory_space<vmem>> -> memref<1x64x128xf32, #tpu.memory_space<vmem>>
      %dma_wait3A_272 = tpu.memref_squeeze %dma_wait3A_271 : memref<1x64x128xf32, #tpu.memory_space<vmem>> -> memref<64x128xf32, #tpu.memory_space<vmem>>
      %dma_wait3A_273 = arith.constant 0 : i32
      %dma_wait3A_274 = tpu.memref_slice %arg3[%add3A_241, %dma_wait3A_273] : memref<160000x128xf32, #tpu.memory_space<hbm>> -> memref<64x128xf32, #tpu.memory_space<hbm>>
      tpu.wait_dma2 semaphore(%arg16 : memref<!tpu.dma_semaphore, #tpu.memory_space<semaphore_mem>>) src(%dma_wait3A_274 : memref<64x128xf32, #tpu.memory_space<hbm>>) dst(%dma_wait3A_272 : memref<64x128xf32, #tpu.memory_space<vmem>>)
      %scan3A_275 = arith.constant 0 : i32
      %scan3A_276 = arith.constant 0 : i32
      %scan3A_277 = arith.constant 32 : i32
      %scan3A_278 = arith.addi %scan3A_276, %scan3A_277 : i32
      %scan3A_279 = arith.constant 1 : i32
      scf.for %scan3A_293 = %scan3A_276 to %scan3A_278 step %scan3A_279  : i32 {
        %mul3A_294 = arith.constant 2 : i32
        %mul3A_295 = arith.muli %scan3A_293, %mul3A_294 : i32
        %add3A_296 = arith.constant 0 : i32
        %add3A_297 = arith.addi %mul3A_295, %add3A_296 : i32
        %get3A = arith.constant 1 : i32
        %get3A_298 = arith.index_cast %get3A : i32 to index
        %get3A_299 = arith.index_cast %add3A_297 : i32 to index
        %get3A_300 = arith.constant 0 : index
        %get3A_301 = tpu.vector_load %arg9[%get3A_298, %get3A_299, %get3A_300] {strides = array<i32>} : memref<2x64x128xf32, #tpu.memory_space<vmem>>, vector<1x1x16xf32>,
        %get3A_302 = vector.shape_cast %get3A_301 : vector<1x1x16xf32> to vector<16xf32>
        %get3A_303 = arith.constant 1 : i32
        %get3A_304 = arith.index_cast %get3A_303 : i32 to index
        %get3A_305 = arith.index_cast %add3A_297 : i32 to index
        %get3A_306 = arith.constant 0 : index
        %get3A_307 = tpu.vector_load %arg10[%get3A_304, %get3A_305, %get3A_306] {strides = array<i32>} : memref<2x64x128xf32, #tpu.memory_space<vmem>>, vector<1x1x16xf32>,
        %get3A_308 = vector.shape_cast %get3A_307 : vector<1x1x16xf32> to vector<16xf32>
        %mul3A_309 = arith.mulf %get3A_302, %get3A_308 : vector<16xf32>
        %swap3A = arith.constant 1 : i32
        %swap3A_310 = arith.index_cast %swap3A : i32 to index
        %swap3A_311 = arith.index_cast %add3A_297 : i32 to index
        %swap3A_312 = arith.constant 0 : index
        %swap3A_313 = tpu.vector_load %arg9[%swap3A_310, %swap3A_311, %swap3A_312] {strides = array<i32>} : memref<2x64x128xf32, #tpu.memory_space<vmem>>, vector<1x1x16xf32>,
        %swap3A_314 = vector.shape_cast %swap3A_313 : vector<1x1x16xf32> to vector<16xf32>
        %swap3A_315 = vector.shape_cast %mul3A_309 : vector<16xf32> to vector<1x1x16xf32>
        tpu.vector_store %arg9[%swap3A_310, %swap3A_311, %swap3A_312], %swap3A_315 {strides = array<i32>} : memref<2x64x128xf32, #tpu.memory_space<vmem>>, vector<1x1x16xf32>,
        %get3A_316 = arith.constant 1 : i32
        %get3A_317 = arith.index_cast %get3A_316 : i32 to index
        %get3A_318 = arith.index_cast %add3A_297 : i32 to index
        %get3A_319 = arith.constant 16 : index
        %get3A_320 = tpu.vector_load %arg9[%get3A_317, %get3A_318, %get3A_319] {strides = array<i32>} : memref<2x64x128xf32, #tpu.memory_space<vmem>>, vector<1x1x16xf32>,
        %get3A_321 = vector.shape_cast %get3A_320 : vector<1x1x16xf32> to vector<16xf32>
        %get3A_322 = arith.constant 1 : i32
        %get3A_323 = arith.index_cast %get3A_322 : i32 to index
        %get3A_324 = arith.index_cast %add3A_297 : i32 to index
        %get3A_325 = arith.constant 16 : index
        %get3A_326 = tpu.vector_load %arg10[%get3A_323, %get3A_324, %get3A_325] {strides = array<i32>} : memref<2x64x128xf32, #tpu.memory_space<vmem>>, vector<1x1x16xf32>,
        %get3A_327 = vector.shape_cast %get3A_326 : vector<1x1x16xf32> to vector<16xf32>
        %mul3A_328 = arith.mulf %get3A_321, %get3A_327 : vector<16xf32>
        %swap3A_329 = arith.constant 1 : i32
        %swap3A_330 = arith.index_cast %swap3A_329 : i32 to index
        %swap3A_331 = arith.index_cast %add3A_297 : i32 to index
        %swap3A_332 = arith.constant 16 : index
        %swap3A_333 = tpu.vector_load %arg9[%swap3A_330, %swap3A_331, %swap3A_332] {strides = array<i32>} : memref<2x64x128xf32, #tpu.memory_space<vmem>>, vector<1x1x16xf32>,
        %swap3A_334 = vector.shape_cast %swap3A_333 : vector<1x1x16xf32> to vector<16xf32>
        %swap3A_335 = vector.shape_cast %mul3A_328 : vector<16xf32> to vector<1x1x16xf32>
        tpu.vector_store %arg9[%swap3A_330, %swap3A_331, %swap3A_332], %swap3A_335 {strides = array<i32>} : memref<2x64x128xf32, #tpu.memory_space<vmem>>, vector<1x1x16xf32>,
        %get3A_336 = arith.constant 1 : i32
        %get3A_337 = arith.index_cast %get3A_336 : i32 to index
        %get3A_338 = arith.index_cast %add3A_297 : i32 to index
        %get3A_339 = arith.constant 32 : index
        %get3A_340 = tpu.vector_load %arg9[%get3A_337, %get3A_338, %get3A_339] {strides = array<i32>} : memref<2x64x128xf32, #tpu.memory_space<vmem>>, vector<1x1x16xf32>,
        %get3A_341 = vector.shape_cast %get3A_340 : vector<1x1x16xf32> to vector<16xf32>
        %get3A_342 = arith.constant 1 : i32
        %get3A_343 = arith.index_cast %get3A_342 : i32 to index
        %get3A_344 = arith.index_cast %add3A_297 : i32 to index
        %get3A_345 = arith.constant 32 : index
        %get3A_346 = tpu.vector_load %arg10[%get3A_343, %get3A_344, %get3A_345] {strides = array<i32>} : memref<2x64x128xf32, #tpu.memory_space<vmem>>, vector<1x1x16xf32>,
        %get3A_347 = vector.shape_cast %get3A_346 : vector<1x1x16xf32> to vector<16xf32>
        %mul3A_348 = arith.mulf %get3A_341, %get3A_347 : vector<16xf32>
        %swap3A_349 = arith.constant 1 : i32
        %swap3A_350 = arith.index_cast %swap3A_349 : i32 to index
        %swap3A_351 = arith.index_cast %add3A_297 : i32 to index
        %swap3A_352 = arith.constant 32 : index
        %swap3A_353 = tpu.vector_load %arg9[%swap3A_350, %swap3A_351, %swap3A_352] {strides = array<i32>} : memref<2x64x128xf32, #tpu.memory_space<vmem>>, vector<1x1x16xf32>,
        %swap3A_354 = vector.shape_cast %swap3A_353 : vector<1x1x16xf32> to vector<16xf32>
        %swap3A_355 = vector.shape_cast %mul3A_348 : vector<16xf32> to vector<1x1x16xf32>
        tpu.vector_store %arg9[%swap3A_350, %swap3A_351, %swap3A_352], %swap3A_355 {strides = array<i32>} : memref<2x64x128xf32, #tpu.memory_space<vmem>>, vector<1x1x16xf32>,
        %get3A_356 = arith.constant 1 : i32
        %get3A_357 = arith.index_cast %get3A_356 : i32 to index
        %get3A_358 = arith.index_cast %add3A_297 : i32 to index
        %get3A_359 = arith.constant 48 : index
        %get3A_360 = tpu.vector_load %arg9[%get3A_357, %get3A_358, %get3A_359] {strides = array<i32>} : memref<2x64x128xf32, #tpu.memory_space<vmem>>, vector<1x1x16xf32>,
        %get3A_361 = vector.shape_cast %get3A_360 : vector<1x1x16xf32> to vector<16xf32>
        %get3A_362 = arith.constant 1 : i32
        %get3A_363 = arith.index_cast %get3A_362 : i32 to index
        %get3A_364 = arith.index_cast %add3A_297 : i32 to index
        %get3A_365 = arith.constant 48 : index
        %get3A_366 = tpu.vector_load %arg10[%get3A_363, %get3A_364, %get3A_365] {strides = array<i32>} : memref<2x64x128xf32, #tpu.memory_space<vmem>>, vector<1x1x16xf32>,
        %get3A_367 = vector.shape_cast %get3A_366 : vector<1x1x16xf32> to vector<16xf32>
        %mul3A_368 = arith.mulf %get3A_361, %get3A_367 : vector<16xf32>
        %swap3A_369 = arith.constant 1 : i32
        %swap3A_370 = arith.index_cast %swap3A_369 : i32 to index
        %swap3A_371 = arith.index_cast %add3A_297 : i32 to index
        %swap3A_372 = arith.constant 48 : index
        %swap3A_373 = tpu.vector_load %arg9[%swap3A_370, %swap3A_371, %swap3A_372] {strides = array<i32>} : memref<2x64x128xf32, #tpu.memory_space<vmem>>, vector<1x1x16xf32>,
        %swap3A_374 = vector.shape_cast %swap3A_373 : vector<1x1x16xf32> to vector<16xf32>
        %swap3A_375 = vector.shape_cast %mul3A_368 : vector<16xf32> to vector<1x1x16xf32>
        tpu.vector_store %arg9[%swap3A_370, %swap3A_371, %swap3A_372], %swap3A_375 {strides = array<i32>} : memref<2x64x128xf32, #tpu.memory_space<vmem>>, vector<1x1x16xf32>,
        %get3A_376 = arith.constant 1 : i32
        %get3A_377 = arith.index_cast %get3A_376 : i32 to index
        %get3A_378 = arith.index_cast %add3A_297 : i32 to index
        %get3A_379 = arith.constant 64 : index
        %get3A_380 = tpu.vector_load %arg9[%get3A_377, %get3A_378, %get3A_379] {strides = array<i32>} : memref<2x64x128xf32, #tpu.memory_space<vmem>>, vector<1x1x16xf32>,
        %get3A_381 = vector.shape_cast %get3A_380 : vector<1x1x16xf32> to vector<16xf32>
        %get3A_382 = arith.constant 1 : i32
        %get3A_383 = arith.index_cast %get3A_382 : i32 to index
        %get3A_384 = arith.index_cast %add3A_297 : i32 to index
        %get3A_385 = arith.constant 64 : index
        %get3A_386 = tpu.vector_load %arg10[%get3A_383, %get3A_384, %get3A_385] {strides = array<i32>} : memref<2x64x128xf32, #tpu.memory_space<vmem>>, vector<1x1x16xf32>,
        %get3A_387 = vector.shape_cast %get3A_386 : vector<1x1x16xf32> to vector<16xf32>
        %mul3A_388 = arith.mulf %get3A_381, %get3A_387 : vector<16xf32>
        %swap3A_389 = arith.constant 1 : i32
        %swap3A_390 = arith.index_cast %swap3A_389 : i32 to index
        %swap3A_391 = arith.index_cast %add3A_297 : i32 to index
        %swap3A_392 = arith.constant 64 : index
        %swap3A_393 = tpu.vector_load %arg9[%swap3A_390, %swap3A_391, %swap3A_392] {strides = array<i32>} : memref<2x64x128xf32, #tpu.memory_space<vmem>>, vector<1x1x16xf32>,
        %swap3A_394 = vector.shape_cast %swap3A_393 : vector<1x1x16xf32> to vector<16xf32>
        %swap3A_395 = vector.shape_cast %mul3A_388 : vector<16xf32> to vector<1x1x16xf32>
        tpu.vector_store %arg9[%swap3A_390, %swap3A_391, %swap3A_392], %swap3A_395 {strides = array<i32>} : memref<2x64x128xf32, #tpu.memory_space<vmem>>, vector<1x1x16xf32>,
        %get3A_396 = arith.constant 1 : i32
        %get3A_397 = arith.index_cast %get3A_396 : i32 to index
        %get3A_398 = arith.index_cast %add3A_297 : i32 to index
        %get3A_399 = arith.constant 80 : index
        %get3A_400 = tpu.vector_load %arg9[%get3A_397, %get3A_398, %get3A_399] {strides = array<i32>} : memref<2x64x128xf32, #tpu.memory_space<vmem>>, vector<1x1x16xf32>,
        %get3A_401 = vector.shape_cast %get3A_400 : vector<1x1x16xf32> to vector<16xf32>
        %get3A_402 = arith.constant 1 : i32
        %get3A_403 = arith.index_cast %get3A_402 : i32 to index
        %get3A_404 = arith.index_cast %add3A_297 : i32 to index
        %get3A_405 = arith.constant 80 : index
        %get3A_406 = tpu.vector_load %arg10[%get3A_403, %get3A_404, %get3A_405] {strides = array<i32>} : memref<2x64x128xf32, #tpu.memory_space<vmem>>, vector<1x1x16xf32>,
        %get3A_407 = vector.shape_cast %get3A_406 : vector<1x1x16xf32> to vector<16xf32>
        %mul3A_408 = arith.mulf %get3A_401, %get3A_407 : vector<16xf32>
        %swap3A_409 = arith.constant 1 : i32
        %swap3A_410 = arith.index_cast %swap3A_409 : i32 to index
        %swap3A_411 = arith.index_cast %add3A_297 : i32 to index
        %swap3A_412 = arith.constant 80 : index
        %swap3A_413 = tpu.vector_load %arg9[%swap3A_410, %swap3A_411, %swap3A_412] {strides = array<i32>} : memref<2x64x128xf32, #tpu.memory_space<vmem>>, vector<1x1x16xf32>,
        %swap3A_414 = vector.shape_cast %swap3A_413 : vector<1x1x16xf32> to vector<16xf32>
        %swap3A_415 = vector.shape_cast %mul3A_408 : vector<16xf32> to vector<1x1x16xf32>
        tpu.vector_store %arg9[%swap3A_410, %swap3A_411, %swap3A_412], %swap3A_415 {strides = array<i32>} : memref<2x64x128xf32, #tpu.memory_space<vmem>>, vector<1x1x16xf32>,
        %get3A_416 = arith.constant 1 : i32
        %get3A_417 = arith.index_cast %get3A_416 : i32 to index
        %get3A_418 = arith.index_cast %add3A_297 : i32 to index
        %get3A_419 = arith.constant 96 : index
        %get3A_420 = tpu.vector_load %arg9[%get3A_417, %get3A_418, %get3A_419] {strides = array<i32>} : memref<2x64x128xf32, #tpu.memory_space<vmem>>, vector<1x1x16xf32>,
        %get3A_421 = vector.shape_cast %get3A_420 : vector<1x1x16xf32> to vector<16xf32>
        %get3A_422 = arith.constant 1 : i32
        %get3A_423 = arith.index_cast %get3A_422 : i32 to index
        %get3A_424 = arith.index_cast %add3A_297 : i32 to index
        %get3A_425 = arith.constant 96 : index
        %get3A_426 = tpu.vector_load %arg10[%get3A_423, %get3A_424, %get3A_425] {strides = array<i32>} : memref<2x64x128xf32, #tpu.memory_space<vmem>>, vector<1x1x16xf32>,
        %get3A_427 = vector.shape_cast %get3A_426 : vector<1x1x16xf32> to vector<16xf32>
        %mul3A_428 = arith.mulf %get3A_421, %get3A_427 : vector<16xf32>
        %swap3A_429 = arith.constant 1 : i32
        %swap3A_430 = arith.index_cast %swap3A_429 : i32 to index
        %swap3A_431 = arith.index_cast %add3A_297 : i32 to index
        %swap3A_432 = arith.constant 96 : index
        %swap3A_433 = tpu.vector_load %arg9[%swap3A_430, %swap3A_431, %swap3A_432] {strides = array<i32>} : memref<2x64x128xf32, #tpu.memory_space<vmem>>, vector<1x1x16xf32>,
        %swap3A_434 = vector.shape_cast %swap3A_433 : vector<1x1x16xf32> to vector<16xf32>
        %swap3A_435 = vector.shape_cast %mul3A_428 : vector<16xf32> to vector<1x1x16xf32>
        tpu.vector_store %arg9[%swap3A_430, %swap3A_431, %swap3A_432], %swap3A_435 {strides = array<i32>} : memref<2x64x128xf32, #tpu.memory_space<vmem>>, vector<1x1x16xf32>,
        %get3A_436 = arith.constant 1 : i32
        %get3A_437 = arith.index_cast %get3A_436 : i32 to index
        %get3A_438 = arith.index_cast %add3A_297 : i32 to index
        %get3A_439 = arith.constant 112 : index
        %get3A_440 = tpu.vector_load %arg9[%get3A_437, %get3A_438, %get3A_439] {strides = array<i32>} : memref<2x64x128xf32, #tpu.memory_space<vmem>>, vector<1x1x16xf32>,
        %get3A_441 = vector.shape_cast %get3A_440 : vector<1x1x16xf32> to vector<16xf32>
        %get3A_442 = arith.constant 1 : i32
        %get3A_443 = arith.index_cast %get3A_442 : i32 to index
        %get3A_444 = arith.index_cast %add3A_297 : i32 to index
        %get3A_445 = arith.constant 112 : index
        %get3A_446 = tpu.vector_load %arg10[%get3A_443, %get3A_444, %get3A_445] {strides = array<i32>} : memref<2x64x128xf32, #tpu.memory_space<vmem>>, vector<1x1x16xf32>,
        %get3A_447 = vector.shape_cast %get3A_446 : vector<1x1x16xf32> to vector<16xf32>
        %mul3A_448 = arith.mulf %get3A_441, %get3A_447 : vector<16xf32>
        %swap3A_449 = arith.constant 1 : i32
        %swap3A_450 = arith.index_cast %swap3A_449 : i32 to index
        %swap3A_451 = arith.index_cast %add3A_297 : i32 to index
        %swap3A_452 = arith.constant 112 : index
        %swap3A_453 = tpu.vector_load %arg9[%swap3A_450, %swap3A_451, %swap3A_452] {strides = array<i32>} : memref<2x64x128xf32, #tpu.memory_space<vmem>>, vector<1x1x16xf32>,
        %swap3A_454 = vector.shape_cast %swap3A_453 : vector<1x1x16xf32> to vector<16xf32>
        %swap3A_455 = vector.shape_cast %mul3A_448 : vector<16xf32> to vector<1x1x16xf32>
        tpu.vector_store %arg9[%swap3A_450, %swap3A_451, %swap3A_452], %swap3A_455 {strides = array<i32>} : memref<2x64x128xf32, #tpu.memory_space<vmem>>, vector<1x1x16xf32>,
        %add3A_456 = arith.constant 1 : i32
        %add3A_457 = arith.addi %mul3A_295, %add3A_456 : i32
        %get3A_458 = arith.constant 1 : i32
        %get3A_459 = arith.index_cast %get3A_458 : i32 to index
        %get3A_460 = arith.index_cast %add3A_457 : i32 to index
        %get3A_461 = arith.constant 0 : index
        %get3A_462 = tpu.vector_load %arg9[%get3A_459, %get3A_460, %get3A_461] {strides = array<i32>} : memref<2x64x128xf32, #tpu.memory_space<vmem>>, vector<1x1x16xf32>,
        %get3A_463 = vector.shape_cast %get3A_462 : vector<1x1x16xf32> to vector<16xf32>
        %get3A_464 = arith.constant 1 : i32
        %get3A_465 = arith.index_cast %get3A_464 : i32 to index
        %get3A_466 = arith.index_cast %add3A_457 : i32 to index
        %get3A_467 = arith.constant 0 : index
        %get3A_468 = tpu.vector_load %arg10[%get3A_465, %get3A_466, %get3A_467] {strides = array<i32>} : memref<2x64x128xf32, #tpu.memory_space<vmem>>, vector<1x1x16xf32>,
        %get3A_469 = vector.shape_cast %get3A_468 : vector<1x1x16xf32> to vector<16xf32>
        %mul3A_470 = arith.mulf %get3A_463, %get3A_469 : vector<16xf32>
        %swap3A_471 = arith.constant 1 : i32
        %swap3A_472 = arith.index_cast %swap3A_471 : i32 to index
        %swap3A_473 = arith.index_cast %add3A_457 : i32 to index
        %swap3A_474 = arith.constant 0 : index
        %swap3A_475 = tpu.vector_load %arg9[%swap3A_472, %swap3A_473, %swap3A_474] {strides = array<i32>} : memref<2x64x128xf32, #tpu.memory_space<vmem>>, vector<1x1x16xf32>,
        %swap3A_476 = vector.shape_cast %swap3A_475 : vector<1x1x16xf32> to vector<16xf32>
        %swap3A_477 = vector.shape_cast %mul3A_470 : vector<16xf32> to vector<1x1x16xf32>
        tpu.vector_store %arg9[%swap3A_472, %swap3A_473, %swap3A_474], %swap3A_477 {strides = array<i32>} : memref<2x64x128xf32, #tpu.memory_space<vmem>>, vector<1x1x16xf32>,
        %get3A_478 = arith.constant 1 : i32
        %get3A_479 = arith.index_cast %get3A_478 : i32 to index
        %get3A_480 = arith.index_cast %add3A_457 : i32 to index
        %get3A_481 = arith.constant 16 : index
        %get3A_482 = tpu.vector_load %arg9[%get3A_479, %get3A_480, %get3A_481] {strides = array<i32>} : memref<2x64x128xf32, #tpu.memory_space<vmem>>, vector<1x1x16xf32>,
        %get3A_483 = vector.shape_cast %get3A_482 : vector<1x1x16xf32> to vector<16xf32>
        %get3A_484 = arith.constant 1 : i32
        %get3A_485 = arith.index_cast %get3A_484 : i32 to index
        %get3A_486 = arith.index_cast %add3A_457 : i32 to index
        %get3A_487 = arith.constant 16 : index
        %get3A_488 = tpu.vector_load %arg10[%get3A_485, %get3A_486, %get3A_487] {strides = array<i32>} : memref<2x64x128xf32, #tpu.memory_space<vmem>>, vector<1x1x16xf32>,
        %get3A_489 = vector.shape_cast %get3A_488 : vector<1x1x16xf32> to vector<16xf32>
        %mul3A_490 = arith.mulf %get3A_483, %get3A_489 : vector<16xf32>
        %swap3A_491 = arith.constant 1 : i32
        %swap3A_492 = arith.index_cast %swap3A_491 : i32 to index
        %swap3A_493 = arith.index_cast %add3A_457 : i32 to index
        %swap3A_494 = arith.constant 16 : index
        %swap3A_495 = tpu.vector_load %arg9[%swap3A_492, %swap3A_493, %swap3A_494] {strides = array<i32>} : memref<2x64x128xf32, #tpu.memory_space<vmem>>, vector<1x1x16xf32>,
        %swap3A_496 = vector.shape_cast %swap3A_495 : vector<1x1x16xf32> to vector<16xf32>
        %swap3A_497 = vector.shape_cast %mul3A_490 : vector<16xf32> to vector<1x1x16xf32>
        tpu.vector_store %arg9[%swap3A_492, %swap3A_493, %swap3A_494], %swap3A_497 {strides = array<i32>} : memref<2x64x128xf32, #tpu.memory_space<vmem>>, vector<1x1x16xf32>,
        %get3A_498 = arith.constant 1 : i32
        %get3A_499 = arith.index_cast %get3A_498 : i32 to index
        %get3A_500 = arith.index_cast %add3A_457 : i32 to index
        %get3A_501 = arith.constant 32 : index
        %get3A_502 = tpu.vector_load %arg9[%get3A_499, %get3A_500, %get3A_501] {strides = array<i32>} : memref<2x64x128xf32, #tpu.memory_space<vmem>>, vector<1x1x16xf32>,
        %get3A_503 = vector.shape_cast %get3A_502 : vector<1x1x16xf32> to vector<16xf32>
        %get3A_504 = arith.constant 1 : i32
        %get3A_505 = arith.index_cast %get3A_504 : i32 to index
        %get3A_506 = arith.index_cast %add3A_457 : i32 to index
        %get3A_507 = arith.constant 32 : index
        %get3A_508 = tpu.vector_load %arg10[%get3A_505, %get3A_506, %get3A_507] {strides = array<i32>} : memref<2x64x128xf32, #tpu.memory_space<vmem>>, vector<1x1x16xf32>,
        %get3A_509 = vector.shape_cast %get3A_508 : vector<1x1x16xf32> to vector<16xf32>
        %mul3A_510 = arith.mulf %get3A_503, %get3A_509 : vector<16xf32>
        %swap3A_511 = arith.constant 1 : i32
        %swap3A_512 = arith.index_cast %swap3A_511 : i32 to index
        %swap3A_513 = arith.index_cast %add3A_457 : i32 to index
        %swap3A_514 = arith.constant 32 : index
        %swap3A_515 = tpu.vector_load %arg9[%swap3A_512, %swap3A_513, %swap3A_514] {strides = array<i32>} : memref<2x64x128xf32, #tpu.memory_space<vmem>>, vector<1x1x16xf32>,
        %swap3A_516 = vector.shape_cast %swap3A_515 : vector<1x1x16xf32> to vector<16xf32>
        %swap3A_517 = vector.shape_cast %mul3A_510 : vector<16xf32> to vector<1x1x16xf32>
        tpu.vector_store %arg9[%swap3A_512, %swap3A_513, %swap3A_514], %swap3A_517 {strides = array<i32>} : memref<2x64x128xf32, #tpu.memory_space<vmem>>, vector<1x1x16xf32>,
        %get3A_518 = arith.constant 1 : i32
        %get3A_519 = arith.index_cast %get3A_518 : i32 to index
        %get3A_520 = arith.index_cast %add3A_457 : i32 to index
        %get3A_521 = arith.constant 48 : index
        %get3A_522 = tpu.vector_load %arg9[%get3A_519, %get3A_520, %get3A_521] {strides = array<i32>} : memref<2x64x128xf32, #tpu.memory_space<vmem>>, vector<1x1x16xf32>,
        %get3A_523 = vector.shape_cast %get3A_522 : vector<1x1x16xf32> to vector<16xf32>
        %get3A_524 = arith.constant 1 : i32
        %get3A_525 = arith.index_cast %get3A_524 : i32 to index
        %get3A_526 = arith.index_cast %add3A_457 : i32 to index
        %get3A_527 = arith.constant 48 : index
        %get3A_528 = tpu.vector_load %arg10[%get3A_525, %get3A_526, %get3A_527] {strides = array<i32>} : memref<2x64x128xf32, #tpu.memory_space<vmem>>, vector<1x1x16xf32>,
        %get3A_529 = vector.shape_cast %get3A_528 : vector<1x1x16xf32> to vector<16xf32>
        %mul3A_530 = arith.mulf %get3A_523, %get3A_529 : vector<16xf32>
        %swap3A_531 = arith.constant 1 : i32
        %swap3A_532 = arith.index_cast %swap3A_531 : i32 to index
        %swap3A_533 = arith.index_cast %add3A_457 : i32 to index
        %swap3A_534 = arith.constant 48 : index
        %swap3A_535 = tpu.vector_load %arg9[%swap3A_532, %swap3A_533, %swap3A_534] {strides = array<i32>} : memref<2x64x128xf32, #tpu.memory_space<vmem>>, vector<1x1x16xf32>,
        %swap3A_536 = vector.shape_cast %swap3A_535 : vector<1x1x16xf32> to vector<16xf32>
        %swap3A_537 = vector.shape_cast %mul3A_530 : vector<16xf32> to vector<1x1x16xf32>
        tpu.vector_store %arg9[%swap3A_532, %swap3A_533, %swap3A_534], %swap3A_537 {strides = array<i32>} : memref<2x64x128xf32, #tpu.memory_space<vmem>>, vector<1x1x16xf32>,
        %get3A_538 = arith.constant 1 : i32
        %get3A_539 = arith.index_cast %get3A_538 : i32 to index
        %get3A_540 = arith.index_cast %add3A_457 : i32 to index
        %get3A_541 = arith.constant 64 : index
        %get3A_542 = tpu.vector_load %arg9[%get3A_539, %get3A_540, %get3A_541] {strides = array<i32>} : memref<2x64x128xf32, #tpu.memory_space<vmem>>, vector<1x1x16xf32>,
        %get3A_543 = vector.shape_cast %get3A_542 : vector<1x1x16xf32> to vector<16xf32>
        %get3A_544 = arith.constant 1 : i32
        %get3A_545 = arith.index_cast %get3A_544 : i32 to index
        %get3A_546 = arith.index_cast %add3A_457 : i32 to index
        %get3A_547 = arith.constant 64 : index
        %get3A_548 = tpu.vector_load %arg10[%get3A_545, %get3A_546, %get3A_547] {strides = array<i32>} : memref<2x64x128xf32, #tpu.memory_space<vmem>>, vector<1x1x16xf32>,
        %get3A_549 = vector.shape_cast %get3A_548 : vector<1x1x16xf32> to vector<16xf32>
        %mul3A_550 = arith.mulf %get3A_543, %get3A_549 : vector<16xf32>
        %swap3A_551 = arith.constant 1 : i32
        %swap3A_552 = arith.index_cast %swap3A_551 : i32 to index
        %swap3A_553 = arith.index_cast %add3A_457 : i32 to index
        %swap3A_554 = arith.constant 64 : index
        %swap3A_555 = tpu.vector_load %arg9[%swap3A_552, %swap3A_553, %swap3A_554] {strides = array<i32>} : memref<2x64x128xf32, #tpu.memory_space<vmem>>, vector<1x1x16xf32>,
        %swap3A_556 = vector.shape_cast %swap3A_555 : vector<1x1x16xf32> to vector<16xf32>
        %swap3A_557 = vector.shape_cast %mul3A_550 : vector<16xf32> to vector<1x1x16xf32>
        tpu.vector_store %arg9[%swap3A_552, %swap3A_553, %swap3A_554], %swap3A_557 {strides = array<i32>} : memref<2x64x128xf32, #tpu.memory_space<vmem>>, vector<1x1x16xf32>,
        %get3A_558 = arith.constant 1 : i32
        %get3A_559 = arith.index_cast %get3A_558 : i32 to index
        %get3A_560 = arith.index_cast %add3A_457 : i32 to index
        %get3A_561 = arith.constant 80 : index
        %get3A_562 = tpu.vector_load %arg9[%get3A_559, %get3A_560, %get3A_561] {strides = array<i32>} : memref<2x64x128xf32, #tpu.memory_space<vmem>>, vector<1x1x16xf32>,
        %get3A_563 = vector.shape_cast %get3A_562 : vector<1x1x16xf32> to vector<16xf32>
        %get3A_564 = arith.constant 1 : i32
        %get3A_565 = arith.index_cast %get3A_564 : i32 to index
        %get3A_566 = arith.index_cast %add3A_457 : i32 to index
        %get3A_567 = arith.constant 80 : index
        %get3A_568 = tpu.vector_load %arg10[%get3A_565, %get3A_566, %get3A_567] {strides = array<i32>} : memref<2x64x128xf32, #tpu.memory_space<vmem>>, vector<1x1x16xf32>,
        %get3A_569 = vector.shape_cast %get3A_568 : vector<1x1x16xf32> to vector<16xf32>
        %mul3A_570 = arith.mulf %get3A_563, %get3A_569 : vector<16xf32>
        %swap3A_571 = arith.constant 1 : i32
        %swap3A_572 = arith.index_cast %swap3A_571 : i32 to index
        %swap3A_573 = arith.index_cast %add3A_457 : i32 to index
        %swap3A_574 = arith.constant 80 : index
        %swap3A_575 = tpu.vector_load %arg9[%swap3A_572, %swap3A_573, %swap3A_574] {strides = array<i32>} : memref<2x64x128xf32, #tpu.memory_space<vmem>>, vector<1x1x16xf32>,
        %swap3A_576 = vector.shape_cast %swap3A_575 : vector<1x1x16xf32> to vector<16xf32>
        %swap3A_577 = vector.shape_cast %mul3A_570 : vector<16xf32> to vector<1x1x16xf32>
        tpu.vector_store %arg9[%swap3A_572, %swap3A_573, %swap3A_574], %swap3A_577 {strides = array<i32>} : memref<2x64x128xf32, #tpu.memory_space<vmem>>, vector<1x1x16xf32>,
        %get3A_578 = arith.constant 1 : i32
        %get3A_579 = arith.index_cast %get3A_578 : i32 to index
        %get3A_580 = arith.index_cast %add3A_457 : i32 to index
        %get3A_581 = arith.constant 96 : index
        %get3A_582 = tpu.vector_load %arg9[%get3A_579, %get3A_580, %get3A_581] {strides = array<i32>} : memref<2x64x128xf32, #tpu.memory_space<vmem>>, vector<1x1x16xf32>,
        %get3A_583 = vector.shape_cast %get3A_582 : vector<1x1x16xf32> to vector<16xf32>
        %get3A_584 = arith.constant 1 : i32
        %get3A_585 = arith.index_cast %get3A_584 : i32 to index
        %get3A_586 = arith.index_cast %add3A_457 : i32 to index
        %get3A_587 = arith.constant 96 : index
        %get3A_588 = tpu.vector_load %arg10[%get3A_585, %get3A_586, %get3A_587] {strides = array<i32>} : memref<2x64x128xf32, #tpu.memory_space<vmem>>, vector<1x1x16xf32>,
        %get3A_589 = vector.shape_cast %get3A_588 : vector<1x1x16xf32> to vector<16xf32>
        %mul3A_590 = arith.mulf %get3A_583, %get3A_589 : vector<16xf32>
        %swap3A_591 = arith.constant 1 : i32
        %swap3A_592 = arith.index_cast %swap3A_591 : i32 to index
        %swap3A_593 = arith.index_cast %add3A_457 : i32 to index
        %swap3A_594 = arith.constant 96 : index
        %swap3A_595 = tpu.vector_load %arg9[%swap3A_592, %swap3A_593, %swap3A_594] {strides = array<i32>} : memref<2x64x128xf32, #tpu.memory_space<vmem>>, vector<1x1x16xf32>,
        %swap3A_596 = vector.shape_cast %swap3A_595 : vector<1x1x16xf32> to vector<16xf32>
        %swap3A_597 = vector.shape_cast %mul3A_590 : vector<16xf32> to vector<1x1x16xf32>
        tpu.vector_store %arg9[%swap3A_592, %swap3A_593, %swap3A_594], %swap3A_597 {strides = array<i32>} : memref<2x64x128xf32, #tpu.memory_space<vmem>>, vector<1x1x16xf32>,
        %get3A_598 = arith.constant 1 : i32
        %get3A_599 = arith.index_cast %get3A_598 : i32 to index
        %get3A_600 = arith.index_cast %add3A_457 : i32 to index
        %get3A_601 = arith.constant 112 : index
        %get3A_602 = tpu.vector_load %arg9[%get3A_599, %get3A_600, %get3A_601] {strides = array<i32>} : memref<2x64x128xf32, #tpu.memory_space<vmem>>, vector<1x1x16xf32>,
        %get3A_603 = vector.shape_cast %get3A_602 : vector<1x1x16xf32> to vector<16xf32>
        %get3A_604 = arith.constant 1 : i32
        %get3A_605 = arith.index_cast %get3A_604 : i32 to index
        %get3A_606 = arith.index_cast %add3A_457 : i32 to index
        %get3A_607 = arith.constant 112 : index
        %get3A_608 = tpu.vector_load %arg10[%get3A_605, %get3A_606, %get3A_607] {strides = array<i32>} : memref<2x64x128xf32, #tpu.memory_space<vmem>>, vector<1x1x16xf32>,
        %get3A_609 = vector.shape_cast %get3A_608 : vector<1x1x16xf32> to vector<16xf32>
        %mul3A_610 = arith.mulf %get3A_603, %get3A_609 : vector<16xf32>
        %swap3A_611 = arith.constant 1 : i32
        %swap3A_612 = arith.index_cast %swap3A_611 : i32 to index
        %swap3A_613 = arith.index_cast %add3A_457 : i32 to index
        %swap3A_614 = arith.constant 112 : index
        %swap3A_615 = tpu.vector_load %arg9[%swap3A_612, %swap3A_613, %swap3A_614] {strides = array<i32>} : memref<2x64x128xf32, #tpu.memory_space<vmem>>, vector<1x1x16xf32>,
        %swap3A_616 = vector.shape_cast %swap3A_615 : vector<1x1x16xf32> to vector<16xf32>
        %swap3A_617 = vector.shape_cast %mul3A_610 : vector<16xf32> to vector<1x1x16xf32>
        tpu.vector_store %arg9[%swap3A_612, %swap3A_613, %swap3A_614], %swap3A_617 {strides = array<i32>} : memref<2x64x128xf32, #tpu.memory_space<vmem>>, vector<1x1x16xf32>,
      }
      %scan3A_280 = arith.constant 32 : i32
      %dma_start3A_281 = arith.constant 1 : i32
      %dma_start3A_282 = arith.constant 1 : i32
      %dma_start3A_283 = arith.constant 0 : i32
      %dma_start3A_284 = arith.constant 0 : i32
      %dma_start3A_285 = tpu.memref_slice %arg9[%dma_start3A_281, %dma_start3A_283, %dma_start3A_284] : memref<2x64x128xf32, #tpu.memory_space<vmem>> -> memref<1x64x128xf32, #tpu.memory_space<vmem>>
      %dma_start3A_286 = tpu.memref_squeeze %dma_start3A_285 : memref<1x64x128xf32, #tpu.memory_space<vmem>> -> memref<64x128xf32, #tpu.memory_space<vmem>>
      %dma_start3A_287 = arith.constant 0 : i32
      %dma_start3A_288 = tpu.memref_slice %arg8[%dma_start3A_282, %dma_start3A_287] : memref<2x64xi32, #tpu.memory_space<vmem>> -> memref<1x64xi32, #tpu.memory_space<vmem>>
      %dma_start3A_289 = tpu.memref_squeeze %dma_start3A_288 : memref<1x64xi32, #tpu.memory_space<vmem>> -> memref<64xi32, #tpu.memory_space<vmem>>
      %dma_start3A_290 = arith.constant 0 : i32
      %dma_start3A_291 = arith.constant 0 : i32
      %dma_start3A_292 = tpu.memref_slice %arg14[%dma_start3A_290, %dma_start3A_291] : memref<10112x128xf32, #tpu.memory_space<vmem_shared>> -> memref<10112x128xf32, #tpu.memory_space<vmem_shared>>
      tpu.enqueue_indirect_dma source(%dma_start3A_286 : memref<64x128xf32, #tpu.memory_space<vmem>>) target(%dma_start3A_292 : memref<10112x128xf32, #tpu.memory_space<vmem_shared>>) offsets(%dma_start3A_289 : memref<64xi32, #tpu.memory_space<vmem>>) semaphore(%arg18 : memref<!tpu.dma_semaphore, #tpu.memory_space<semaphore_mem>>) {add = true}
    }
    %scan3A_83 = arith.constant 39 : i32
    %dma_wait3A = arith.constant 0 : i32
    %dma_wait3A_84 = arith.constant 0 : i32
    %dma_wait3A_85 = arith.constant 0 : i32
    %dma_wait3A_86 = tpu.memref_slice %arg9[%dma_wait3A, %dma_wait3A_84, %dma_wait3A_85] : memref<2x64x128xf32, #tpu.memory_space<vmem>> -> memref<1x64x128xf32, #tpu.memory_space<vmem>>
    %dma_wait3A_87 = tpu.memref_squeeze %dma_wait3A_86 : memref<1x64x128xf32, #tpu.memory_space<vmem>> -> memref<64x128xf32, #tpu.memory_space<vmem>>
    %dma_wait3A_88 = arith.constant 0 : i32
    %dma_wait3A_89 = arith.constant 0 : i32
    %dma_wait3A_90 = tpu.memref_slice %arg2[%dma_wait3A_88, %dma_wait3A_89] : memref<10000x128xf32, #tpu.memory_space<hbm>> -> memref<64x128xf32, #tpu.memory_space<hbm>>
    %dma_wait3A_91 = arith.constant 0 : i32
    %dma_wait3A_92 = arith.constant 0 : i32
    %dma_wait3A_93 = tpu.memref_slice %arg9[%dma_wait3A, %dma_wait3A_91, %dma_wait3A_92] : memref<2x64x128xf32, #tpu.memory_space<vmem>> -> memref<1x64x128xf32, #tpu.memory_space<vmem>>
    %dma_wait3A_94 = tpu.memref_squeeze %dma_wait3A_93 : memref<1x64x128xf32, #tpu.memory_space<vmem>> -> memref<64x128xf32, #tpu.memory_space<vmem>>
    %dma_wait3A_95 = arith.constant 0 : i32
    %dma_wait3A_96 = arith.constant 0 : i32
    %dma_wait3A_97 = tpu.memref_slice %arg2[%dma_wait3A_95, %dma_wait3A_96] : memref<10000x128xf32, #tpu.memory_space<hbm>> -> memref<64x128xf32, #tpu.memory_space<hbm>>
    tpu.wait_dma2 semaphore(%arg17 : memref<!tpu.dma_semaphore, #tpu.memory_space<semaphore_mem>>) src(%dma_wait3A_97 : memref<64x128xf32, #tpu.memory_space<hbm>>) dst(%dma_wait3A_94 : memref<64x128xf32, #tpu.memory_space<vmem>>)
    %dma_wait3A_98 = arith.constant 1 : i32
    %dma_wait3A_99 = arith.constant 0 : i32
    %dma_wait3A_100 = arith.constant 0 : i32
    %dma_wait3A_101 = tpu.memref_slice %arg9[%dma_wait3A_98, %dma_wait3A_99, %dma_wait3A_100] : memref<2x64x128xf32, #tpu.memory_space<vmem>> -> memref<1x64x128xf32, #tpu.memory_space<vmem>>
    %dma_wait3A_102 = tpu.memref_squeeze %dma_wait3A_101 : memref<1x64x128xf32, #tpu.memory_space<vmem>> -> memref<64x128xf32, #tpu.memory_space<vmem>>
    %dma_wait3A_103 = arith.constant 0 : i32
    %dma_wait3A_104 = arith.constant 0 : i32
    %dma_wait3A_105 = tpu.memref_slice %arg2[%dma_wait3A_103, %dma_wait3A_104] : memref<10000x128xf32, #tpu.memory_space<hbm>> -> memref<64x128xf32, #tpu.memory_space<hbm>>
    %dma_wait3A_106 = arith.constant 0 : i32
    %dma_wait3A_107 = arith.constant 0 : i32
    %dma_wait3A_108 = tpu.memref_slice %arg9[%dma_wait3A_98, %dma_wait3A_106, %dma_wait3A_107] : memref<2x64x128xf32, #tpu.memory_space<vmem>> -> memref<1x64x128xf32, #tpu.memory_space<vmem>>
    %dma_wait3A_109 = tpu.memref_squeeze %dma_wait3A_108 : memref<1x64x128xf32, #tpu.memory_space<vmem>> -> memref<64x128xf32, #tpu.memory_space<vmem>>
    %dma_wait3A_110 = arith.constant 0 : i32
    %dma_wait3A_111 = arith.constant 0 : i32
    %dma_wait3A_112 = tpu.memref_slice %arg2[%dma_wait3A_110, %dma_wait3A_111] : memref<10000x128xf32, #tpu.memory_space<hbm>> -> memref<64x128xf32, #tpu.memory_space<hbm>>
    tpu.wait_dma2 semaphore(%arg18 : memref<!tpu.dma_semaphore, #tpu.memory_space<semaphore_mem>>) src(%dma_wait3A_112 : memref<64x128xf32, #tpu.memory_space<hbm>>) dst(%dma_wait3A_109 : memref<64x128xf32, #tpu.memory_space<vmem>>)
    %add3A_113 = arith.constant 4992 : i32
    %add3A_114 = arith.addi %add3A_4, %add3A_113 : i32
    "tpu.region"() ({
      %run_scoped3A_127 = tpu.sem_alloc : memref<!tpu.dma_semaphore, #tpu.memory_space<semaphore_mem>>
      %dma_start3A_128 = tpu.memref_slice %arg5[%add3A_114] : memref<320000xi32, #tpu.memory_space<hbm>> -> memref<8xi32, #tpu.memory_space<hbm>>
      %dma_start3A_129 = tpu.memref_slice %arg5[%add3A_114] : memref<320000xi32, #tpu.memory_space<hbm>> -> memref<8xi32, #tpu.memory_space<hbm>>
      tpu.enqueue_dma source(%dma_start3A_129 : memref<8xi32, #tpu.memory_space<hbm>>) target(%arg11 : memref<8xi32, #tpu.memory_space<vmem>>) target_semaphore(%run_scoped3A_127 : memref<!tpu.dma_semaphore, #tpu.memory_space<semaphore_mem>>)
      %dma_wait3A_130 = tpu.memref_slice %arg5[%add3A_114] : memref<320000xi32, #tpu.memory_space<hbm>> -> memref<8xi32, #tpu.memory_space<hbm>>
      %dma_wait3A_131 = tpu.memref_slice %arg5[%add3A_114] : memref<320000xi32, #tpu.memory_space<hbm>> -> memref<8xi32, #tpu.memory_space<hbm>>
      tpu.wait_dma2 semaphore(%run_scoped3A_127 : memref<!tpu.dma_semaphore, #tpu.memory_space<semaphore_mem>>) src(%dma_wait3A_131 : memref<8xi32, #tpu.memory_space<hbm>>) dst(%arg11 : memref<8xi32, #tpu.memory_space<vmem>>)
      tpu.yield
    }) : () -> ()
    "tpu.region"() ({
      %run_scoped3A_127 = tpu.sem_alloc : memref<!tpu.dma_semaphore, #tpu.memory_space<semaphore_mem>>
      %dma_start3A_128 = arith.constant 4992 : i32
      %dma_start3A_129 = tpu.memref_slice %arg7[%dma_start3A_128] : memref<5000xi32, #tpu.memory_space<vmem>> -> memref<8xi32, #tpu.memory_space<vmem>>
      %dma_start3A_130 = arith.constant 0 : i32
      %dma_start3A_131 = arith.constant 0 : i32
      %dma_start3A_132 = tpu.memref_slice %arg2[%dma_start3A_130, %dma_start3A_131] : memref<10000x128xf32, #tpu.memory_space<hbm>> -> memref<10000x128xf32, #tpu.memory_space<hbm>>
      tpu.enqueue_indirect_dma source(%dma_start3A_132 : memref<10000x128xf32, #tpu.memory_space<hbm>>) target(%arg12 : memref<8x128xf32, #tpu.memory_space<vmem>>) offsets(%dma_start3A_129 : memref<8xi32, #tpu.memory_space<vmem>>) semaphore(%run_scoped3A_127 : memref<!tpu.dma_semaphore, #tpu.memory_space<semaphore_mem>>)
      %dma_wait3A_133 = arith.constant 4992 : i32
      %dma_wait3A_134 = tpu.memref_slice %arg7[%dma_wait3A_133] : memref<5000xi32, #tpu.memory_space<vmem>> -> memref<8xi32, #tpu.memory_space<vmem>>
      %dma_wait3A_135 = arith.constant 0 : i32
      %dma_wait3A_136 = arith.constant 0 : i32
      %dma_wait3A_137 = tpu.memref_slice %arg2[%dma_wait3A_135, %dma_wait3A_136] : memref<10000x128xf32, #tpu.memory_space<hbm>> -> memref<10000x128xf32, #tpu.memory_space<hbm>>
      tpu.wait_indirect_dma semaphore(%run_scoped3A_127 : memref<!tpu.dma_semaphore, #tpu.memory_space<semaphore_mem>>) src(%dma_wait3A_137 : memref<10000x128xf32, #tpu.memory_space<hbm>>) dst(%arg12 : memref<8x128xf32, #tpu.memory_space<vmem>>)
      tpu.yield
    }) : () -> ()
    %add3A_115 = arith.constant 4992 : i32
    %add3A_116 = arith.addi %mul3A_6, %add3A_115 : i32
    "tpu.region"() ({
      %run_scoped3A_127 = tpu.sem_alloc : memref<!tpu.dma_semaphore, #tpu.memory_space<semaphore_mem>>
      %dma_start3A_128 = arith.constant 0 : i32
      %dma_start3A_129 = tpu.memref_slice %arg3[%add3A_116, %dma_start3A_128] : memref<160000x128xf32, #tpu.memory_space<hbm>> -> memref<8x128xf32, #tpu.memory_space<hbm>>
      %dma_start3A_130 = arith.constant 0 : i32
      %dma_start3A_131 = tpu.memref_slice %arg3[%add3A_116, %dma_start3A_130] : memref<160000x128xf32, #tpu.memory_space<hbm>> -> memref<8x128xf32, #tpu.memory_space<hbm>>
      tpu.enqueue_dma source(%dma_start3A_131 : memref<8x128xf32, #tpu.memory_space<hbm>>) target(%arg13 : memref<8x128xf32, #tpu.memory_space<vmem>>) target_semaphore(%run_scoped3A_127 : memref<!tpu.dma_semaphore, #tpu.memory_space<semaphore_mem>>)
      %dma_wait3A_132 = arith.constant 0 : i32
      %dma_wait3A_133 = tpu.memref_slice %arg3[%add3A_116, %dma_wait3A_132] : memref<160000x128xf32, #tpu.memory_space<hbm>> -> memref<8x128xf32, #tpu.memory_space<hbm>>
      %dma_wait3A_134 = arith.constant 0 : i32
      %dma_wait3A_135 = tpu.memref_slice %arg3[%add3A_116, %dma_wait3A_134] : memref<160000x128xf32, #tpu.memory_space<hbm>> -> memref<8x128xf32, #tpu.memory_space<hbm>>
      tpu.wait_dma2 semaphore(%run_scoped3A_127 : memref<!tpu.dma_semaphore, #tpu.memory_space<semaphore_mem>>) src(%dma_wait3A_135 : memref<8x128xf32, #tpu.memory_space<hbm>>) dst(%arg13 : memref<8x128xf32, #tpu.memory_space<vmem>>)
      tpu.yield
    }) : () -> ()
    %scan3A_117 = arith.constant 0 : i32
    %scan3A_118 = arith.constant 0 : i32
    %scan3A_119 = arith.constant 8 : i32
    %scan3A_120 = arith.addi %scan3A_118, %scan3A_119 : i32
    %scan3A_121 = arith.constant 1 : i32
    scf.for %scan3A_127 = %scan3A_118 to %scan3A_120 step %scan3A_121  : i32 {
      %get3A = arith.index_cast %scan3A_127 : i32 to index
      %get3A_128 = arith.constant 0 : index
      %get3A_129 = tpu.vector_load %arg12[%get3A, %get3A_128] {strides = array<i32>} : memref<8x128xf32, #tpu.memory_space<vmem>>, vector<1x16xf32>,
      %get3A_130 = vector.shape_cast %get3A_129 : vector<1x16xf32> to vector<16xf32>
      %get3A_131 = arith.index_cast %scan3A_127 : i32 to index
      %get3A_132 = arith.constant 0 : index
      %get3A_133 = tpu.vector_load %arg13[%get3A_131, %get3A_132] {strides = array<i32>} : memref<8x128xf32, #tpu.memory_space<vmem>>, vector<1x16xf32>,
      %get3A_134 = vector.shape_cast %get3A_133 : vector<1x16xf32> to vector<16xf32>
      %mul3A_135 = arith.mulf %get3A_130, %get3A_134 : vector<16xf32>
      %swap3A = arith.index_cast %scan3A_127 : i32 to index
      %swap3A_136 = arith.constant 0 : index
      %swap3A_137 = tpu.vector_load %arg12[%swap3A, %swap3A_136] {strides = array<i32>} : memref<8x128xf32, #tpu.memory_space<vmem>>, vector<1x16xf32>,
      %swap3A_138 = vector.shape_cast %swap3A_137 : vector<1x16xf32> to vector<16xf32>
      %swap3A_139 = vector.shape_cast %mul3A_135 : vector<16xf32> to vector<1x16xf32>
      tpu.vector_store %arg12[%swap3A, %swap3A_136], %swap3A_139 {strides = array<i32>} : memref<8x128xf32, #tpu.memory_space<vmem>>, vector<1x16xf32>,
      %get3A_140 = arith.index_cast %scan3A_127 : i32 to index
      %get3A_141 = arith.constant 16 : index
      %get3A_142 = tpu.vector_load %arg12[%get3A_140, %get3A_141] {strides = array<i32>} : memref<8x128xf32, #tpu.memory_space<vmem>>, vector<1x16xf32>,
      %get3A_143 = vector.shape_cast %get3A_142 : vector<1x16xf32> to vector<16xf32>
      %get3A_144 = arith.index_cast %scan3A_127 : i32 to index
      %get3A_145 = arith.constant 16 : index
      %get3A_146 = tpu.vector_load %arg13[%get3A_144, %get3A_145] {strides = array<i32>} : memref<8x128xf32, #tpu.memory_space<vmem>>, vector<1x16xf32>,
      %get3A_147 = vector.shape_cast %get3A_146 : vector<1x16xf32> to vector<16xf32>
      %mul3A_148 = arith.mulf %get3A_143, %get3A_147 : vector<16xf32>
      %swap3A_149 = arith.index_cast %scan3A_127 : i32 to index
      %swap3A_150 = arith.constant 16 : index
      %swap3A_151 = tpu.vector_load %arg12[%swap3A_149, %swap3A_150] {strides = array<i32>} : memref<8x128xf32, #tpu.memory_space<vmem>>, vector<1x16xf32>,
      %swap3A_152 = vector.shape_cast %swap3A_151 : vector<1x16xf32> to vector<16xf32>
      %swap3A_153 = vector.shape_cast %mul3A_148 : vector<16xf32> to vector<1x16xf32>
      tpu.vector_store %arg12[%swap3A_149, %swap3A_150], %swap3A_153 {strides = array<i32>} : memref<8x128xf32, #tpu.memory_space<vmem>>, vector<1x16xf32>,
      %get3A_154 = arith.index_cast %scan3A_127 : i32 to index
      %get3A_155 = arith.constant 32 : index
      %get3A_156 = tpu.vector_load %arg12[%get3A_154, %get3A_155] {strides = array<i32>} : memref<8x128xf32, #tpu.memory_space<vmem>>, vector<1x16xf32>,
      %get3A_157 = vector.shape_cast %get3A_156 : vector<1x16xf32> to vector<16xf32>
      %get3A_158 = arith.index_cast %scan3A_127 : i32 to index
      %get3A_159 = arith.constant 32 : index
      %get3A_160 = tpu.vector_load %arg13[%get3A_158, %get3A_159] {strides = array<i32>} : memref<8x128xf32, #tpu.memory_space<vmem>>, vector<1x16xf32>,
      %get3A_161 = vector.shape_cast %get3A_160 : vector<1x16xf32> to vector<16xf32>
      %mul3A_162 = arith.mulf %get3A_157, %get3A_161 : vector<16xf32>
      %swap3A_163 = arith.index_cast %scan3A_127 : i32 to index
      %swap3A_164 = arith.constant 32 : index
      %swap3A_165 = tpu.vector_load %arg12[%swap3A_163, %swap3A_164] {strides = array<i32>} : memref<8x128xf32, #tpu.memory_space<vmem>>, vector<1x16xf32>,
      %swap3A_166 = vector.shape_cast %swap3A_165 : vector<1x16xf32> to vector<16xf32>
      %swap3A_167 = vector.shape_cast %mul3A_162 : vector<16xf32> to vector<1x16xf32>
      tpu.vector_store %arg12[%swap3A_163, %swap3A_164], %swap3A_167 {strides = array<i32>} : memref<8x128xf32, #tpu.memory_space<vmem>>, vector<1x16xf32>,
      %get3A_168 = arith.index_cast %scan3A_127 : i32 to index
      %get3A_169 = arith.constant 48 : index
      %get3A_170 = tpu.vector_load %arg12[%get3A_168, %get3A_169] {strides = array<i32>} : memref<8x128xf32, #tpu.memory_space<vmem>>, vector<1x16xf32>,
      %get3A_171 = vector.shape_cast %get3A_170 : vector<1x16xf32> to vector<16xf32>
      %get3A_172 = arith.index_cast %scan3A_127 : i32 to index
      %get3A_173 = arith.constant 48 : index
      %get3A_174 = tpu.vector_load %arg13[%get3A_172, %get3A_173] {strides = array<i32>} : memref<8x128xf32, #tpu.memory_space<vmem>>, vector<1x16xf32>,
      %get3A_175 = vector.shape_cast %get3A_174 : vector<1x16xf32> to vector<16xf32>
      %mul3A_176 = arith.mulf %get3A_171, %get3A_175 : vector<16xf32>
      %swap3A_177 = arith.index_cast %scan3A_127 : i32 to index
      %swap3A_178 = arith.constant 48 : index
      %swap3A_179 = tpu.vector_load %arg12[%swap3A_177, %swap3A_178] {strides = array<i32>} : memref<8x128xf32, #tpu.memory_space<vmem>>, vector<1x16xf32>,
      %swap3A_180 = vector.shape_cast %swap3A_179 : vector<1x16xf32> to vector<16xf32>
      %swap3A_181 = vector.shape_cast %mul3A_176 : vector<16xf32> to vector<1x16xf32>
      tpu.vector_store %arg12[%swap3A_177, %swap3A_178], %swap3A_181 {strides = array<i32>} : memref<8x128xf32, #tpu.memory_space<vmem>>, vector<1x16xf32>,
      %get3A_182 = arith.index_cast %scan3A_127 : i32 to index
      %get3A_183 = arith.constant 64 : index
      %get3A_184 = tpu.vector_load %arg12[%get3A_182, %get3A_183] {strides = array<i32>} : memref<8x128xf32, #tpu.memory_space<vmem>>, vector<1x16xf32>,
      %get3A_185 = vector.shape_cast %get3A_184 : vector<1x16xf32> to vector<16xf32>
      %get3A_186 = arith.index_cast %scan3A_127 : i32 to index
      %get3A_187 = arith.constant 64 : index
      %get3A_188 = tpu.vector_load %arg13[%get3A_186, %get3A_187] {strides = array<i32>} : memref<8x128xf32, #tpu.memory_space<vmem>>, vector<1x16xf32>,
      %get3A_189 = vector.shape_cast %get3A_188 : vector<1x16xf32> to vector<16xf32>
      %mul3A_190 = arith.mulf %get3A_185, %get3A_189 : vector<16xf32>
      %swap3A_191 = arith.index_cast %scan3A_127 : i32 to index
      %swap3A_192 = arith.constant 64 : index
      %swap3A_193 = tpu.vector_load %arg12[%swap3A_191, %swap3A_192] {strides = array<i32>} : memref<8x128xf32, #tpu.memory_space<vmem>>, vector<1x16xf32>,
      %swap3A_194 = vector.shape_cast %swap3A_193 : vector<1x16xf32> to vector<16xf32>
      %swap3A_195 = vector.shape_cast %mul3A_190 : vector<16xf32> to vector<1x16xf32>
      tpu.vector_store %arg12[%swap3A_191, %swap3A_192], %swap3A_195 {strides = array<i32>} : memref<8x128xf32, #tpu.memory_space<vmem>>, vector<1x16xf32>,
      %get3A_196 = arith.index_cast %scan3A_127 : i32 to index
      %get3A_197 = arith.constant 80 : index
      %get3A_198 = tpu.vector_load %arg12[%get3A_196, %get3A_197] {strides = array<i32>} : memref<8x128xf32, #tpu.memory_space<vmem>>, vector<1x16xf32>,
      %get3A_199 = vector.shape_cast %get3A_198 : vector<1x16xf32> to vector<16xf32>
      %get3A_200 = arith.index_cast %scan3A_127 : i32 to index
      %get3A_201 = arith.constant 80 : index
      %get3A_202 = tpu.vector_load %arg13[%get3A_200, %get3A_201] {strides = array<i32>} : memref<8x128xf32, #tpu.memory_space<vmem>>, vector<1x16xf32>,
      %get3A_203 = vector.shape_cast %get3A_202 : vector<1x16xf32> to vector<16xf32>
      %mul3A_204 = arith.mulf %get3A_199, %get3A_203 : vector<16xf32>
      %swap3A_205 = arith.index_cast %scan3A_127 : i32 to index
      %swap3A_206 = arith.constant 80 : index
      %swap3A_207 = tpu.vector_load %arg12[%swap3A_205, %swap3A_206] {strides = array<i32>} : memref<8x128xf32, #tpu.memory_space<vmem>>, vector<1x16xf32>,
      %swap3A_208 = vector.shape_cast %swap3A_207 : vector<1x16xf32> to vector<16xf32>
      %swap3A_209 = vector.shape_cast %mul3A_204 : vector<16xf32> to vector<1x16xf32>
      tpu.vector_store %arg12[%swap3A_205, %swap3A_206], %swap3A_209 {strides = array<i32>} : memref<8x128xf32, #tpu.memory_space<vmem>>, vector<1x16xf32>,
      %get3A_210 = arith.index_cast %scan3A_127 : i32 to index
      %get3A_211 = arith.constant 96 : index
      %get3A_212 = tpu.vector_load %arg12[%get3A_210, %get3A_211] {strides = array<i32>} : memref<8x128xf32, #tpu.memory_space<vmem>>, vector<1x16xf32>,
      %get3A_213 = vector.shape_cast %get3A_212 : vector<1x16xf32> to vector<16xf32>
      %get3A_214 = arith.index_cast %scan3A_127 : i32 to index
      %get3A_215 = arith.constant 96 : index
      %get3A_216 = tpu.vector_load %arg13[%get3A_214, %get3A_215] {strides = array<i32>} : memref<8x128xf32, #tpu.memory_space<vmem>>, vector<1x16xf32>,
      %get3A_217 = vector.shape_cast %get3A_216 : vector<1x16xf32> to vector<16xf32>
      %mul3A_218 = arith.mulf %get3A_213, %get3A_217 : vector<16xf32>
      %swap3A_219 = arith.index_cast %scan3A_127 : i32 to index
      %swap3A_220 = arith.constant 96 : index
      %swap3A_221 = tpu.vector_load %arg12[%swap3A_219, %swap3A_220] {strides = array<i32>} : memref<8x128xf32, #tpu.memory_space<vmem>>, vector<1x16xf32>,
      %swap3A_222 = vector.shape_cast %swap3A_221 : vector<1x16xf32> to vector<16xf32>
      %swap3A_223 = vector.shape_cast %mul3A_218 : vector<16xf32> to vector<1x16xf32>
      tpu.vector_store %arg12[%swap3A_219, %swap3A_220], %swap3A_223 {strides = array<i32>} : memref<8x128xf32, #tpu.memory_space<vmem>>, vector<1x16xf32>,
      %get3A_224 = arith.index_cast %scan3A_127 : i32 to index
      %get3A_225 = arith.constant 112 : index
      %get3A_226 = tpu.vector_load %arg12[%get3A_224, %get3A_225] {strides = array<i32>} : memref<8x128xf32, #tpu.memory_space<vmem>>, vector<1x16xf32>,
      %get3A_227 = vector.shape_cast %get3A_226 : vector<1x16xf32> to vector<16xf32>
      %get3A_228 = arith.index_cast %scan3A_127 : i32 to index
      %get3A_229 = arith.constant 112 : index
      %get3A_230 = tpu.vector_load %arg13[%get3A_228, %get3A_229] {strides = array<i32>} : memref<8x128xf32, #tpu.memory_space<vmem>>, vector<1x16xf32>,
      %get3A_231 = vector.shape_cast %get3A_230 : vector<1x16xf32> to vector<16xf32>
      %mul3A_232 = arith.mulf %get3A_227, %get3A_231 : vector<16xf32>
      %swap3A_233 = arith.index_cast %scan3A_127 : i32 to index
      %swap3A_234 = arith.constant 112 : index
      %swap3A_235 = tpu.vector_load %arg12[%swap3A_233, %swap3A_234] {strides = array<i32>} : memref<8x128xf32, #tpu.memory_space<vmem>>, vector<1x16xf32>,
      %swap3A_236 = vector.shape_cast %swap3A_235 : vector<1x16xf32> to vector<16xf32>
      %swap3A_237 = vector.shape_cast %mul3A_232 : vector<16xf32> to vector<1x16xf32>
      tpu.vector_store %arg12[%swap3A_233, %swap3A_234], %swap3A_237 {strides = array<i32>} : memref<8x128xf32, #tpu.memory_space<vmem>>, vector<1x16xf32>,
    }
    %scan3A_122 = arith.constant 8 : i32
    "tpu.region"() ({
      %run_scoped3A_127 = tpu.sem_alloc : memref<!tpu.dma_semaphore, #tpu.memory_space<semaphore_mem>>
      %dma_start3A_128 = arith.constant 0 : i32
      %dma_start3A_129 = arith.constant 0 : i32
      %dma_start3A_130 = tpu.memref_slice %arg14[%dma_start3A_128, %dma_start3A_129] : memref<10112x128xf32, #tpu.memory_space<vmem_shared>> -> memref<10112x128xf32, #tpu.memory_space<vmem_shared>>
      tpu.enqueue_indirect_dma source(%arg12 : memref<8x128xf32, #tpu.memory_space<vmem>>) target(%dma_start3A_130 : memref<10112x128xf32, #tpu.memory_space<vmem_shared>>) offsets(%arg11 : memref<8xi32, #tpu.memory_space<vmem>>) semaphore(%run_scoped3A_127 : memref<!tpu.dma_semaphore, #tpu.memory_space<semaphore_mem>>) {add = true}
      %dma_wait3A_131 = arith.constant 0 : i32
      %dma_wait3A_132 = arith.constant 0 : i32
      %dma_wait3A_133 = tpu.memref_slice %arg14[%dma_wait3A_131, %dma_wait3A_132] : memref<10112x128xf32, #tpu.memory_space<vmem_shared>> -> memref<10112x128xf32, #tpu.memory_space<vmem_shared>>
      tpu.wait_indirect_dma semaphore(%run_scoped3A_127 : memref<!tpu.dma_semaphore, #tpu.memory_space<semaphore_mem>>) src(%arg12 : memref<8x128xf32, #tpu.memory_space<vmem>>) dst(%dma_wait3A_133 : memref<10112x128xf32, #tpu.memory_space<vmem_shared>>)
      tpu.yield
    }) : () -> ()
    %barrier3A_123 = arith.constant 0 : index
    tpu.barrier barrier_id(%barrier3A_123)
    %mul3A_124 = arith.constant 10112 : i32
    %mul3A_125 = arith.muli %arg0, %mul3A_124 : i32
    %add3A_126 = arith.addi %mul3A_125, %mul3A_13 : i32
    "tpu.region"() ({
      %run_scoped3A_127 = tpu.sem_alloc : memref<!tpu.dma_semaphore, #tpu.memory_space<semaphore_mem>>
      %dma_start3A_128 = arith.constant 0 : i32
      %dma_start3A_129 = tpu.memref_slice %arg6[%add3A_126, %dma_start3A_128] : memref<20224x128xf32, #tpu.memory_space<hbm>> -> memref<632x128xf32, #tpu.memory_space<hbm>>
      %dma_start3A_130 = arith.constant 0 : i32
      %dma_start3A_131 = tpu.memref_slice %arg14[%mul3A_13, %dma_start3A_130] : memref<10112x128xf32, #tpu.memory_space<vmem_shared>> -> memref<632x128xf32, #tpu.memory_space<vmem_shared>>
      tpu.enqueue_dma source(%dma_start3A_131 : memref<632x128xf32, #tpu.memory_space<vmem_shared>>) target(%dma_start3A_129 : memref<632x128xf32, #tpu.memory_space<hbm>>) target_semaphore(%run_scoped3A_127 : memref<!tpu.dma_semaphore, #tpu.memory_space<semaphore_mem>>)
      %dma_wait3A_132 = arith.constant 0 : i32
      %dma_wait3A_133 = tpu.memref_slice %arg6[%add3A_126, %dma_wait3A_132] : memref<20224x128xf32, #tpu.memory_space<hbm>> -> memref<632x128xf32, #tpu.memory_space<hbm>>
      %dma_wait3A_134 = arith.constant 0 : i32
      %dma_wait3A_135 = tpu.memref_slice %arg14[%mul3A_13, %dma_wait3A_134] : memref<10112x128xf32, #tpu.memory_space<vmem_shared>> -> memref<632x128xf32, #tpu.memory_space<vmem_shared>>
      tpu.wait_dma2 semaphore(%run_scoped3A_127 : memref<!tpu.dma_semaphore, #tpu.memory_space<semaphore_mem>>) src(%dma_wait3A_135 : memref<632x128xf32, #tpu.memory_space<vmem_shared>>) dst(%dma_wait3A_133 : memref<632x128xf32, #tpu.memory_space<hbm>>)
      tpu.yield
    }) : () -> ()
    return
  }
}

module attributes {stable_mosaic.version = 14 : i64} {
  func.func @_w_body(%arg0: i32, %arg1: memref<16x6400xf32, #tpu.memory_space<vmem>>, %arg2: memref<16x8xf32, #tpu.memory_space<vmem>>, %arg3: memref<8x128xf32, #tpu.memory_space<vmem>>, %arg4: memref<6400x128xf32, #tpu.memory_space<vmem>>) attributes {dimension_semantics = [#tpu.dimension_semantics<arbitrary>], iteration_bounds = array<i64: 25>, scalar_prefetch = 0 : i64, scratch_operands = 0 : i64, tpu.core_type = #tpu.core_type<tc>, window_params = [{transform_indices = @transform_0, window_bounds = array<i64: 16, 6400>}, {pipeline_mode = #tpu.pipeline_mode<synchronous>, transform_indices = @transform_1, window_bounds = array<i64: 16, 8>}, {pipeline_mode = #tpu.pipeline_mode<synchronous>, transform_indices = @transform_2, window_bounds = array<i64: 8, 128>}, {transform_indices = @transform_3, window_bounds = array<i64: 6400, 128>}]} {
    %get3A = arith.constant 0 : index
    %get3A_0 = arith.constant 0 : index
    %get3A_1 = vector.load %arg2[%get3A, %get3A_0] : memref<16x8xf32, #tpu.memory_space<vmem>>, vector<16x8xf32>
    %get3A_2 = arith.constant 0 : index
    %get3A_3 = arith.constant 0 : index
    %get3A_4 = vector.load %arg1[%get3A_2, %get3A_3] : memref<16x6400xf32, #tpu.memory_space<vmem>>, vector<16x6400xf32>
    %dot_general3A = arith.constant dense<0.000000e+00> : vector<8x6400xf32>
    %dot_general3A_5 = tpu.matmul %get3A_1, %get3A_4, %dot_general3A {dimension_numbers = #tpu.dot_dimension_numbers<[0], [0], [1], [1], [0, 1, 1, 1], [], []>, transpose_lhs_hint = false} : vector<16x8xf32>, vector<16x6400xf32>, vector<8x6400xf32> -> vector<8x6400xf32>
    %mul3A = arith.constant 2.500000e-01 : f32
    %mul3A_6 = vector.broadcast %mul3A : f32 to vector<8x6400xf32>
    %mul3A_7 = arith.mulf %dot_general3A_5, %mul3A_6 : vector<8x6400xf32>
    %custom_jvp_call3A = arith.constant 0.000000e+00 : f32
    %max3A = vector.broadcast %custom_jvp_call3A : f32 to vector<8x6400xf32>
    %max3A_8 = arith.maximumf %mul3A_7, %max3A : vector<8x6400xf32>
    %sub3A = vector.broadcast %custom_jvp_call3A : f32 to vector<8x6400xf32>
    %sub3A_9 = arith.subf %mul3A_7, %sub3A : vector<8x6400xf32>
    %ne3A = arith.cmpf one, %sub3A_9, %sub3A_9 : vector<8x6400xf32>
    %add3A = vector.broadcast %custom_jvp_call3A : f32 to vector<8x6400xf32>
    %add3A_10 = arith.addf %mul3A_7, %add3A : vector<8x6400xf32>
    %abs3A = math.absf %sub3A_9 : vector<8x6400xf32>
    %neg3A = arith.constant 0.000000e+00 : f32
    %neg3A_11 = vector.broadcast %neg3A : f32 to vector<8x6400xf32>
    %neg3A_12 = arith.subf %neg3A_11, %abs3A : vector<8x6400xf32>
    %exp3A = math.exp %neg3A_12 : vector<8x6400xf32>
    %log1p3A = math.log1p %exp3A : vector<8x6400xf32>
    %add3A_13 = arith.addf %max3A_8, %log1p3A : vector<8x6400xf32>
    %select_n3A = arith.select %ne3A, %add3A_10, %add3A_13 : vector<8x6400xi1>, vector<8x6400xf32>
    %sub3A_14 = arith.constant 0.693147182 : f32
    %sub3A_15 = vector.broadcast %sub3A_14 : f32 to vector<8x6400xf32>
    %sub3A_16 = arith.subf %select_n3A, %sub3A_15 : vector<8x6400xf32>
    %get3A_17 = arith.constant 0 : index
    %get3A_18 = arith.constant 0 : index
    %get3A_19 = vector.load %arg3[%get3A_17, %get3A_18] : memref<8x128xf32, #tpu.memory_space<vmem>>, vector<8x128xf32>
    %dot_general3A_20 = arith.constant dense<0.000000e+00> : vector<6400x128xf32>
    %dot_general3A_21 = tpu.matmul %sub3A_16, %get3A_19, %dot_general3A_20 {dimension_numbers = #tpu.dot_dimension_numbers<[0], [0], [1], [1], [0, 1, 1, 1], [], []>, transpose_lhs_hint = false} : vector<8x6400xf32>, vector<8x128xf32>, vector<6400x128xf32> -> vector<6400x128xf32>
    %mul3A_22 = arith.constant 0.353553385 : f32
    %mul3A_23 = vector.broadcast %mul3A_22 : f32 to vector<6400x128xf32>
    %mul3A_24 = arith.mulf %dot_general3A_21, %mul3A_23 : vector<6400x128xf32>
    %swap3A = arith.constant 0 : index
    %swap3A_25 = arith.constant 0 : index
    %swap3A_26 = vector.load %arg4[%swap3A, %swap3A_25] : memref<6400x128xf32, #tpu.memory_space<vmem>>, vector<6400x128xf32>
    tpu.vector_store %arg4[%swap3A, %swap3A_25], %mul3A_24 {strides = array<i32>} : memref<6400x128xf32, #tpu.memory_space<vmem>>, vector<6400x128xf32>,
    return
  }
  func.func @transform_0(%arg0: i32) -> (i32, i32) {
    %add3A = arith.constant 25 : i32
    %add3A_0 = arith.addi %arg0, %add3A : i32
    %c0_i32 = arith.constant 0 : i32
    %c0_i32_1 = arith.constant 0 : i32
    return %c0_i32, %add3A_0 : i32, i32
  }
  func.func @transform_1(%arg0: i32) -> (i32, i32) {
    %c0_i32 = arith.constant 0 : i32
    %c0_i32_0 = arith.constant 0 : i32
    %c0_i32_1 = arith.constant 0 : i32
    return %c0_i32, %c0_i32_0 : i32, i32
  }
  func.func @transform_2(%arg0: i32) -> (i32, i32) {
    %c0_i32 = arith.constant 0 : i32
    %c0_i32_0 = arith.constant 0 : i32
    %c0_i32_1 = arith.constant 0 : i32
    return %c0_i32, %c0_i32_0 : i32, i32
  }
  func.func @transform_3(%arg0: i32) -> (i32, i32) {
    %c0_i32 = arith.constant 0 : i32
    %c0_i32_0 = arith.constant 0 : i32
    return %arg0, %c0_i32 : i32, i32
  }
}

module attributes {stable_mosaic.version = 14 : i64} {
  func.func @_x_body(%arg0: i32, %arg1: memref<1000x128xf32, #tpu.memory_space<vmem>>, %arg2: memref<128x128xf32, #tpu.memory_space<vmem>>, %arg3: memref<1000x128xf32, #tpu.memory_space<vmem>>) attributes {dimension_semantics = [#tpu.dimension_semantics<arbitrary>], iteration_bounds = array<i64: 10>, scalar_prefetch = 0 : i64, scratch_operands = 0 : i64, tpu.core_type = #tpu.core_type<tc>, window_params = [{transform_indices = @transform_0, window_bounds = array<i64: 1000, 128>}, {pipeline_mode = #tpu.pipeline_mode<synchronous>, transform_indices = @transform_1, window_bounds = array<i64: 128, 128>}, {transform_indices = @transform_2, window_bounds = array<i64: 1000, 128>}]} {
    %get3A = arith.constant 0 : index
    %get3A_0 = arith.constant 0 : index
    %get3A_1 = vector.load %arg1[%get3A, %get3A_0] : memref<1000x128xf32, #tpu.memory_space<vmem>>, vector<1000x128xf32>
    %get3A_2 = arith.constant 0 : index
    %get3A_3 = arith.constant 0 : index
    %get3A_4 = vector.load %arg2[%get3A_2, %get3A_3] : memref<128x128xf32, #tpu.memory_space<vmem>>, vector<128x128xf32>
    %dot_general3A = arith.constant dense<0.000000e+00> : vector<1000x128xf32>
    %dot_general3A_5 = tpu.matmul %get3A_1, %get3A_4, %dot_general3A {dimension_numbers = #tpu.dot_dimension_numbers<[1], [0], [0], [1], [0, 0, 1, 1], [], []>, transpose_lhs_hint = false} : vector<1000x128xf32>, vector<128x128xf32>, vector<1000x128xf32> -> vector<1000x128xf32>
    %mul3A = arith.constant 0.0883883461 : f32
    %mul3A_6 = vector.broadcast %mul3A : f32 to vector<1000x128xf32>
    %mul3A_7 = arith.mulf %dot_general3A_5, %mul3A_6 : vector<1000x128xf32>
    %swap3A = arith.constant 0 : index
    %swap3A_8 = arith.constant 0 : index
    %swap3A_9 = vector.load %arg3[%swap3A, %swap3A_8] : memref<1000x128xf32, #tpu.memory_space<vmem>>, vector<1000x128xf32>
    tpu.vector_store %arg3[%swap3A, %swap3A_8], %mul3A_7 {strides = array<i32>} : memref<1000x128xf32, #tpu.memory_space<vmem>>, vector<1000x128xf32>,
    return
  }
  func.func @transform_0(%arg0: i32) -> (i32, i32) {
    %c0_i32 = arith.constant 0 : i32
    %c0_i32_0 = arith.constant 0 : i32
    return %arg0, %c0_i32 : i32, i32
  }
  func.func @transform_1(%arg0: i32) -> (i32, i32) {
    %c0_i32 = arith.constant 0 : i32
    %c0_i32_0 = arith.constant 0 : i32
    %c0_i32_1 = arith.constant 0 : i32
    return %c0_i32, %c0_i32_0 : i32, i32
  }
  func.func @transform_2(%arg0: i32) -> (i32, i32) {
    %c0_i32 = arith.constant 0 : i32
    %c0_i32_0 = arith.constant 0 : i32
    return %arg0, %c0_i32 : i32, i32
  }
}

module attributes {stable_mosaic.version = 14 : i64} {
  func.func @_w_body(%arg0: i32, %arg1: memref<16x6400xf32, #tpu.memory_space<vmem>>, %arg2: memref<16x8xf32, #tpu.memory_space<vmem>>, %arg3: memref<8x128xf32, #tpu.memory_space<vmem>>, %arg4: memref<6400x128xf32, #tpu.memory_space<vmem>>) attributes {dimension_semantics = [#tpu.dimension_semantics<arbitrary>], iteration_bounds = array<i64: 25>, scalar_prefetch = 0 : i64, scratch_operands = 0 : i64, tpu.core_type = #tpu.core_type<tc>, window_params = [{transform_indices = @transform_0, window_bounds = array<i64: 16, 6400>}, {pipeline_mode = #tpu.pipeline_mode<synchronous>, transform_indices = @transform_1, window_bounds = array<i64: 16, 8>}, {pipeline_mode = #tpu.pipeline_mode<synchronous>, transform_indices = @transform_2, window_bounds = array<i64: 8, 128>}, {transform_indices = @transform_3, window_bounds = array<i64: 6400, 128>}]} {
    %get3A = arith.constant 0 : index
    %get3A_0 = arith.constant 0 : index
    %get3A_1 = vector.load %arg2[%get3A, %get3A_0] : memref<16x8xf32, #tpu.memory_space<vmem>>, vector<16x8xf32>
    %get3A_2 = arith.constant 0 : index
    %get3A_3 = arith.constant 0 : index
    %get3A_4 = vector.load %arg1[%get3A_2, %get3A_3] : memref<16x6400xf32, #tpu.memory_space<vmem>>, vector<16x6400xf32>
    %dot_general3A = arith.constant dense<0.000000e+00> : vector<8x6400xf32>
    %dot_general3A_5 = tpu.matmul %get3A_1, %get3A_4, %dot_general3A {dimension_numbers = #tpu.dot_dimension_numbers<[0], [0], [1], [1], [0, 1, 1, 1], [], []>, transpose_lhs_hint = false} : vector<16x8xf32>, vector<16x6400xf32>, vector<8x6400xf32> -> vector<8x6400xf32>
    %mul3A = arith.constant 2.500000e-01 : f32
    %mul3A_6 = vector.broadcast %mul3A : f32 to vector<8x6400xf32>
    %mul3A_7 = arith.mulf %dot_general3A_5, %mul3A_6 : vector<8x6400xf32>
    %custom_jvp_call3A = arith.constant 0.000000e+00 : f32
    %max3A = vector.broadcast %custom_jvp_call3A : f32 to vector<8x6400xf32>
    %max3A_8 = arith.maximumf %mul3A_7, %max3A : vector<8x6400xf32>
    %sub3A = vector.broadcast %custom_jvp_call3A : f32 to vector<8x6400xf32>
    %sub3A_9 = arith.subf %mul3A_7, %sub3A : vector<8x6400xf32>
    %ne3A = arith.cmpf one, %sub3A_9, %sub3A_9 : vector<8x6400xf32>
    %add3A = vector.broadcast %custom_jvp_call3A : f32 to vector<8x6400xf32>
    %add3A_10 = arith.addf %mul3A_7, %add3A : vector<8x6400xf32>
    %abs3A = math.absf %sub3A_9 : vector<8x6400xf32>
    %neg3A = arith.constant 0.000000e+00 : f32
    %neg3A_11 = vector.broadcast %neg3A : f32 to vector<8x6400xf32>
    %neg3A_12 = arith.subf %neg3A_11, %abs3A : vector<8x6400xf32>
    %exp3A = math.exp %neg3A_12 : vector<8x6400xf32>
    %log1p3A = math.log1p %exp3A : vector<8x6400xf32>
    %add3A_13 = arith.addf %max3A_8, %log1p3A : vector<8x6400xf32>
    %select_n3A = arith.select %ne3A, %add3A_10, %add3A_13 : vector<8x6400xi1>, vector<8x6400xf32>
    %sub3A_14 = arith.constant 0.693147182 : f32
    %sub3A_15 = vector.broadcast %sub3A_14 : f32 to vector<8x6400xf32>
    %sub3A_16 = arith.subf %select_n3A, %sub3A_15 : vector<8x6400xf32>
    %get3A_17 = arith.constant 0 : index
    %get3A_18 = arith.constant 0 : index
    %get3A_19 = vector.load %arg3[%get3A_17, %get3A_18] : memref<8x128xf32, #tpu.memory_space<vmem>>, vector<8x128xf32>
    %dot_general3A_20 = arith.constant dense<0.000000e+00> : vector<6400x128xf32>
    %dot_general3A_21 = tpu.matmul %sub3A_16, %get3A_19, %dot_general3A_20 {dimension_numbers = #tpu.dot_dimension_numbers<[0], [0], [1], [1], [0, 1, 1, 1], [], []>, transpose_lhs_hint = false} : vector<8x6400xf32>, vector<8x128xf32>, vector<6400x128xf32> -> vector<6400x128xf32>
    %mul3A_22 = arith.constant 0.353553385 : f32
    %mul3A_23 = vector.broadcast %mul3A_22 : f32 to vector<6400x128xf32>
    %mul3A_24 = arith.mulf %dot_general3A_21, %mul3A_23 : vector<6400x128xf32>
    %swap3A = arith.constant 0 : index
    %swap3A_25 = arith.constant 0 : index
    %swap3A_26 = vector.load %arg4[%swap3A, %swap3A_25] : memref<6400x128xf32, #tpu.memory_space<vmem>>, vector<6400x128xf32>
    tpu.vector_store %arg4[%swap3A, %swap3A_25], %mul3A_24 {strides = array<i32>} : memref<6400x128xf32, #tpu.memory_space<vmem>>, vector<6400x128xf32>,
    return
  }
  func.func @transform_0(%arg0: i32) -> (i32, i32) {
    %add3A = arith.constant 0 : i32
    %add3A_0 = arith.addi %arg0, %add3A : i32
    %c0_i32 = arith.constant 0 : i32
    %c0_i32_1 = arith.constant 0 : i32
    return %c0_i32, %add3A_0 : i32, i32
  }
  func.func @transform_1(%arg0: i32) -> (i32, i32) {
    %c0_i32 = arith.constant 0 : i32
    %c0_i32_0 = arith.constant 0 : i32
    %c0_i32_1 = arith.constant 0 : i32
    return %c0_i32, %c0_i32_0 : i32, i32
  }
  func.func @transform_2(%arg0: i32) -> (i32, i32) {
    %c0_i32 = arith.constant 0 : i32
    %c0_i32_0 = arith.constant 0 : i32
    %c0_i32_1 = arith.constant 0 : i32
    return %c0_i32, %c0_i32_0 : i32, i32
  }
  func.func @transform_3(%arg0: i32) -> (i32, i32) {
    %c0_i32 = arith.constant 0 : i32
    %c0_i32_0 = arith.constant 0 : i32
    return %arg0, %c0_i32 : i32, i32
  }
}

module attributes {stable_mosaic.version = 14 : i64} {
  func.func @_fin_body(%arg0: i32, %arg1: memref<2x1000x128xf32, #tpu.memory_space<vmem>>, %arg2: memref<2x1000x128xf32, #tpu.memory_space<vmem>>, %arg3: memref<1000x128xf32, #tpu.memory_space<vmem>>, %arg4: memref<1000x1xf32, #tpu.memory_space<vmem>>, %arg5: memref<128x128xf32, #tpu.memory_space<vmem>>, %arg6: memref<128x128xf32, #tpu.memory_space<vmem>>, %arg7: memref<1000x128xf32, #tpu.memory_space<vmem>>) attributes {dimension_semantics = [#tpu.dimension_semantics<arbitrary>], iteration_bounds = array<i64: 10>, scalar_prefetch = 0 : i64, scratch_operands = 0 : i64, tpu.core_type = #tpu.core_type<tc>, window_params = [{transform_indices = @transform_0, window_bounds = array<i64: 2, 1000, 128>}, {transform_indices = @transform_1, window_bounds = array<i64: 2, 1000, 128>}, {transform_indices = @transform_2, window_bounds = array<i64: 1000, 128>}, {transform_indices = @transform_3, window_bounds = array<i64: 1000, 1>}, {pipeline_mode = #tpu.pipeline_mode<synchronous>, transform_indices = @transform_4, window_bounds = array<i64: 128, 128>}, {pipeline_mode = #tpu.pipeline_mode<synchronous>, transform_indices = @transform_5, window_bounds = array<i64: 128, 128>}, {transform_indices = @transform_6, window_bounds = array<i64: 1000, 128>}]} {
    %get3A = arith.constant 0 : index
    %get3A_0 = arith.constant 0 : index
    %get3A_1 = arith.constant 0 : index
    %get3A_2 = vector.load %arg1[%get3A, %get3A_0, %get3A_1] : memref<2x1000x128xf32, #tpu.memory_space<vmem>>, vector<1x1000x128xf32>
    %get3A_3 = vector.shape_cast %get3A_2 : vector<1x1000x128xf32> to vector<1000x128xf32>
    %get3A_4 = arith.constant 1 : index
    %get3A_5 = arith.constant 0 : index
    %get3A_6 = arith.constant 0 : index
    %get3A_7 = vector.load %arg1[%get3A_4, %get3A_5, %get3A_6] : memref<2x1000x128xf32, #tpu.memory_space<vmem>>, vector<1x1000x128xf32>
    %get3A_8 = vector.shape_cast %get3A_7 : vector<1x1000x128xf32> to vector<1000x128xf32>
    %add3A = arith.addf %get3A_3, %get3A_8 : vector<1000x128xf32>
    %get3A_9 = arith.constant 0 : index
    %get3A_10 = arith.constant 0 : index
    %get3A_11 = arith.constant 0 : index
    %get3A_12 = vector.load %arg2[%get3A_9, %get3A_10, %get3A_11] : memref<2x1000x128xf32, #tpu.memory_space<vmem>>, vector<1x1000x128xf32>
    %get3A_13 = vector.shape_cast %get3A_12 : vector<1x1000x128xf32> to vector<1000x128xf32>
    %add3A_14 = arith.addf %add3A, %get3A_13 : vector<1000x128xf32>
    %get3A_15 = arith.constant 1 : index
    %get3A_16 = arith.constant 0 : index
    %get3A_17 = arith.constant 0 : index
    %get3A_18 = vector.load %arg2[%get3A_15, %get3A_16, %get3A_17] : memref<2x1000x128xf32, #tpu.memory_space<vmem>>, vector<1x1000x128xf32>
    %get3A_19 = vector.shape_cast %get3A_18 : vector<1x1000x128xf32> to vector<1000x128xf32>
    %add3A_20 = arith.addf %add3A_14, %get3A_19 : vector<1000x128xf32>
    %mul3A = arith.constant 0.176776692 : f32
    %mul3A_21 = vector.broadcast %mul3A : f32 to vector<1000x128xf32>
    %mul3A_22 = arith.mulf %add3A_20, %mul3A_21 : vector<1000x128xf32>
    %get3A_23 = arith.constant 0 : index
    %get3A_24 = arith.constant 0 : index
    %get3A_25 = vector.load %arg5[%get3A_23, %get3A_24] : memref<128x128xf32, #tpu.memory_space<vmem>>, vector<128x128xf32>
    %dot_general3A = arith.constant dense<0.000000e+00> : vector<1000x128xf32>
    %dot_general3A_26 = tpu.matmul %mul3A_22, %get3A_25, %dot_general3A {dimension_numbers = #tpu.dot_dimension_numbers<[1], [0], [0], [1], [0, 0, 1, 1], [], []>, transpose_lhs_hint = false} : vector<1000x128xf32>, vector<128x128xf32>, vector<1000x128xf32> -> vector<1000x128xf32>
    %get3A_27 = arith.constant 0 : index
    %get3A_28 = arith.constant 0 : index
    %get3A_29 = vector.load %arg3[%get3A_27, %get3A_28] : memref<1000x128xf32, #tpu.memory_space<vmem>>, vector<1000x128xf32>
    %get3A_30 = arith.constant 0 : index
    %get3A_31 = arith.constant 0 : index
    %get3A_32 = vector.load %arg4[%get3A_30, %get3A_31] : memref<1000x1xf32, #tpu.memory_space<vmem>>, vector<1000x1xf32>
    %mul3A_33 = vector.broadcast %get3A_32 : vector<1000x1xf32> to vector<1000x128xf32>
    %mul3A_34 = arith.mulf %get3A_29, %mul3A_33 : vector<1000x128xf32>
    %get3A_35 = arith.constant 0 : index
    %get3A_36 = arith.constant 0 : index
    %get3A_37 = vector.load %arg6[%get3A_35, %get3A_36] : memref<128x128xf32, #tpu.memory_space<vmem>>, vector<128x128xf32>
    %dot_general3A_38 = arith.constant dense<0.000000e+00> : vector<1000x128xf32>
    %dot_general3A_39 = tpu.matmul %mul3A_34, %get3A_37, %dot_general3A_38 {dimension_numbers = #tpu.dot_dimension_numbers<[1], [0], [0], [1], [0, 0, 1, 1], [], []>, transpose_lhs_hint = false} : vector<1000x128xf32>, vector<128x128xf32>, vector<1000x128xf32> -> vector<1000x128xf32>
    %add3A_40 = arith.addf %dot_general3A_26, %dot_general3A_39 : vector<1000x128xf32>
    %mul3A_41 = arith.constant 0.0883883461 : f32
    %mul3A_42 = vector.broadcast %mul3A_41 : f32 to vector<1000x128xf32>
    %mul3A_43 = arith.mulf %add3A_40, %mul3A_42 : vector<1000x128xf32>
    %swap3A = arith.constant 0 : index
    %swap3A_44 = arith.constant 0 : index
    %swap3A_45 = vector.load %arg7[%swap3A, %swap3A_44] : memref<1000x128xf32, #tpu.memory_space<vmem>>, vector<1000x128xf32>
    tpu.vector_store %arg7[%swap3A, %swap3A_44], %mul3A_43 {strides = array<i32>} : memref<1000x128xf32, #tpu.memory_space<vmem>>, vector<1000x128xf32>,
    return
  }
  func.func @transform_0(%arg0: i32) -> (i32, i32, i32) {
    %c0_i32 = arith.constant 0 : i32
    %c0_i32_0 = arith.constant 0 : i32
    %c0_i32_1 = arith.constant 0 : i32
    return %c0_i32, %arg0, %c0_i32_0 : i32, i32, i32
  }
  func.func @transform_1(%arg0: i32) -> (i32, i32, i32) {
    %c0_i32 = arith.constant 0 : i32
    %c0_i32_0 = arith.constant 0 : i32
    %c0_i32_1 = arith.constant 0 : i32
    return %c0_i32, %arg0, %c0_i32_0 : i32, i32, i32
  }
  func.func @transform_2(%arg0: i32) -> (i32, i32) {
    %c0_i32 = arith.constant 0 : i32
    %c0_i32_0 = arith.constant 0 : i32
    return %arg0, %c0_i32 : i32, i32
  }
  func.func @transform_3(%arg0: i32) -> (i32, i32) {
    %c0_i32 = arith.constant 0 : i32
    %c0_i32_0 = arith.constant 0 : i32
    return %arg0, %c0_i32 : i32, i32
  }
  func.func @transform_4(%arg0: i32) -> (i32, i32) {
    %c0_i32 = arith.constant 0 : i32
    %c0_i32_0 = arith.constant 0 : i32
    %c0_i32_1 = arith.constant 0 : i32
    return %c0_i32, %c0_i32_0 : i32, i32
  }
  func.func @transform_5(%arg0: i32) -> (i32, i32) {
    %c0_i32 = arith.constant 0 : i32
    %c0_i32_0 = arith.constant 0 : i32
    %c0_i32_1 = arith.constant 0 : i32
    return %c0_i32, %c0_i32_0 : i32, i32
  }
  func.func @transform_6(%arg0: i32) -> (i32, i32) {
    %c0_i32 = arith.constant 0 : i32
    %c0_i32_0 = arith.constant 0 : i32
    return %arg0, %c0_i32 : i32, i32
  }
}

</mosaic_0001>

<sc_bundles>
// kernel: kernel.11.cloned.1.call-start
scs
__scs_entry_jumppad:
0x0: {  	(pc) =	sbr.rel $0x88, $3  }
0x1: {  	(tag) =	ssettag $0x0;
	lr =	simm.s32 $0x1  }
0x2: {  	[smem:$0x3F98] =	sst lr;
	_ =	strace $0xD0000000  }
0x3: {  	_ = 	snop  }
0x4: {  	_ = 	snop  }
0x5: {  	_ = 	snop  }
0x6: {  	_ = 	snop  }
0x7: {  	_ = 	snop  }
__scs_overlays_trampoline_lowered:
0x8: {  	[smem:$0x3FA7] =	sst s0  }
0x9: {  	[smem:$0x3FA8] =	sst s1  }
0xa: {  	[smem:$0x3FA9] =	sst s2  }
0xb: {  	[smem:$0x3FAA] =	sst s3  }
0xc: {  	[smem:$0x3FAB] =	sst s4  }
0xd: {  	[smem:$0x3FAC] =	sst s5  }
0xe: {  	[smem:$0x3FAD] =	sst s6  }
0xf: {  	[smem:$0x3FAE] =	sst s7  }
0x10: {  	[smem:$0x3FAF] =	sst s8  }
0x11: {  	[smem:$0x3FB0] =	sst s9;
	s0 =	simm.s32 @!p0 $0x0  }
0x12: {  	s1 =	sld [smem:$0x3F96];
	s0 =	simm.s32 @p0 $0x1  }
0x13: {  	[smem:$0x3FB1] =	sst s0;
	s0 =	simm.s32 @!p1 $0x0  }
0x14: {  	s2 =	sld [smem:$0x3F95];
	s0 =	simm.s32 @p1 $0x1  }
0x15: {  	[smem:$0x3FB2] =	sst s0;
	s0 =	simm.s32 @!p2 $0x0  }
0x16: {  	s3 =	sld [smem:$0x3FDB];
	s0 =	simm.s32 @p2 $0x1  }
0x17: {  	s4 =	simm.s32 $0x1BF5;
	[smem:$0x3FB4] =	sst s0  }
0x18: {  	s0 =	sld [smem:$0x3F97];
	_ =	swait.ge [sflag:s4], $0x0  }
0x19: {  	s7 =	sld [smem:$0x3F98]  }
0x1a: {  	s8 =	sadd.s32 $0xFFFFE003, lr  }
0x1b: {  	s9 =	sadd.s32 $0xFFFFFEF7, lr;
	s5 =	simm.s32 $0xFFFFFFFF;
	p2 =	slt.u32 s8, $0xFFFFF086  }
0x1c: {  	p1 =	slt.u32 s9, $0xF7A;
	s5 =	simm.s32 @!p2 $0x0  }
0x1d: {  	s5 =	simm.s32 @p1 $0x1;
	p0 =	seq.s32 s7, s2  }
0x1e: {  	s7 =	smul.u32 @!p0 $0xF7A, s2;
	p2 =	seq.s32 @!p0 s5, $0x0  }
0x1f: {  	s9 =	smul.u32 $0xF7A, s1;
	s8 =	simm.s32 @!p0 $0x1BF5;
	p2 =	por !p2, p0  }
0x20: {  	[sflag:s8] =	ssyncset.s32 @!p0 $0xFFFFF086;
	s6 =	sadd.s32 @!p0 s3, s7;
	s7 =	simm.s32 @!p0 $0x108  }
0x21: {  	s3 =	sadd.s32 s3, s9;
	s6 =	sadd.s32 @!p0 $0x88, s6;
	s7 =	simm.s32 @p2 $0x1082  }
0x22: {  	[simem:s7], [sflag:s8] =	dma.local @!p0 [hbm:s6], $0xF7A  }
0x23: {  	s9 =	sor.u32 $0xD0000000, s2;
	s6 =	simm.s32 $0x108;
	_ =	swait.ge @!p0 [sflag:s8], $0x0  }
0x24: {  	s3 =	sadd.s32 $0x88, s3;
	s6 =	simm.s32 @!p1 $0x1082;
	[sflag:s4] =	ssyncset.s32 $0xFFFFF086  }
0x25: {  	[simem:s6], [sflag:s4] =	dma.local [hbm:s3], $0xF7A  }
0x26: {  	[smem:$0x3F98] =	sst s1;
	(tag) =	ssettag s2;
	_ =	strace s9  }
0x27: {  	s1 =	sld [smem:$0x3FA8]  }
0x28: {  	s2 =	sld [smem:$0x3FA9]  }
0x29: {  	s4 =	sld [smem:$0x3FAB]  }
0x2a: {  	p0 =	seq.s32 s5, $0x0;
	s5 =	sld [smem:$0x3FAC]  }
0x2b: {  	s6 =	sld [smem:$0x3FAD]  }
0x2c: {  	s7 =	sld [smem:$0x3FAE]  }
0x2d: {  	s3 =	simm.s32 $0x108;
	s8 =	sld [smem:$0x3FAF]  }
0x2e: {  	s3 =	simm.s32 @!p0 $0x1082;
	s9 =	sld [smem:$0x3FB0]  }
0x2f: {  	lr =	sadd.s32 s0, s3;
	s0 =	sld [smem:$0x3FA7]  }
0x30: {  	s3 =	sld [smem:$0x3FAA]  }
0x31: {  	[smem:$0x3FB3] =	sst s10  }
0x32: {  	s10 =	sld [smem:$0x3FB1];
	_ =	sdelay $0x3  }
0x33: {  	p0 =	seq.s32 s10, $0x1;
	s10 =	sld [smem:$0x3FB3];
	_ =	sdelay $0x3  }
0x34: {  	[smem:$0x3FB3] =	sst s10  }
0x35: {  	s10 =	sld [smem:$0x3FB2];
	_ =	sdelay $0x3  }
0x36: {  	p1 =	seq.s32 s10, $0x1;
	s10 =	sld [smem:$0x3FB3];
	_ =	sdelay $0x3  }
0x37: {  	[smem:$0x3FB3] =	sst s10  }
0x38: {  	s10 =	sld [smem:$0x3FB4]  }
0x39: {  	_ = 	snop;
	(pc) =	sbr.ind lr, $3  }
0x3a: {  	_ = 	snop  }
0x3b: {  	_ = 	snop  }
0x3c: {  	p2 =	seq.s32 s10, $0x1;
	s10 =	sld [smem:$0x3FB3]  }
0x3d: {  	_ =	shalt  }
0x3e: {  	_ =	shalt  }
0x3f: {  	_ =	shalt  }
0x40: {  	_ =	shalt  }
0x41: {  	_ =	shalt  }
0x42: {  	_ =	shalt  }
0x43: {  	_ =	shalt  }
0x44: {  	_ =	shalt  }
0x45: {  	_ =	shalt  }
0x46: {  	_ =	shalt  }
0x47: {  	_ =	shalt  }
0x48: {  	_ =	shalt  }
0x49: {  	_ =	shalt  }
0x4a: {  	_ =	shalt  }
0x4b: {  	_ =	shalt  }
0x4c: {  	_ =	shalt  }
0x4d: {  	_ =	shalt  }
0x4e: {  	_ =	shalt  }
0x4f: {  	_ =	shalt  }
0x50: {  	_ =	shalt  }
0x51: {  	_ =	shalt  }
0x52: {  	_ =	shalt  }
0x53: {  	_ =	shalt  }
0x54: {  	_ =	shalt  }
0x55: {  	_ =	shalt  }
0x56: {  	_ =	shalt  }
0x57: {  	_ =	shalt  }
0x58: {  	_ =	shalt  }
0x59: {  	_ =	shalt  }
0x5a: {  	_ =	shalt  }
0x5b: {  	_ =	shalt  }
0x5c: {  	_ =	shalt  }
0x5d: {  	_ =	shalt  }
0x5e: {  	_ =	shalt  }
0x5f: {  	_ =	shalt  }
0x60: {  	_ =	shalt  }
0x61: {  	_ =	shalt  }
0x62: {  	_ =	shalt  }
0x63: {  	_ =	shalt  }
0x64: {  	_ =	shalt  }
0x65: {  	_ =	shalt  }
0x66: {  	_ =	shalt  }
0x67: {  	_ =	shalt  }
0x68: {  	_ =	shalt  }
0x69: {  	_ =	shalt  }
0x6a: {  	_ =	shalt  }
0x6b: {  	_ =	shalt  }
0x6c: {  	_ =	shalt  }
0x6d: {  	_ =	shalt  }
0x6e: {  	_ =	shalt  }
0x6f: {  	_ =	shalt  }
0x70: {  	_ =	shalt  }
0x71: {  	_ =	shalt  }
0x72: {  	_ =	shalt  }
0x73: {  	_ =	shalt  }
0x74: {  	_ =	shalt  }
0x75: {  	_ =	shalt  }
0x76: {  	_ =	shalt  }
0x77: {  	_ =	shalt  }
0x78: {  	_ =	shalt  }
0x79: {  	_ =	shalt  }
0x7a: {  	_ =	shalt  }
0x7b: {  	_ =	shalt  }
0x7c: {  	_ =	shalt  }
0x7d: {  	_ =	shalt  }
0x7e: {  	_ =	shalt  }
0x7f: {  	_ =	shalt  }
0x80: {  	_ =	shalt  }
0x81: {  	_ =	shalt  }
0x82: {  	_ =	shalt  }
0x83: {  	_ =	shalt  }
0x84: {  	_ =	shalt  }
0x85: {  	_ =	shalt  }
0x86: {  	_ =	shalt  }
0x87: {  	_ =	shalt  }
.Lfunc_end0:
.L_simem_size_0:
called_computation.1_lowered:
.L_overlay_start_0:
0x88: {  	s2 =	sld [smem:$0x3FD9]  }
0x89: {  	s3 =	sld [smem:$0x3FFE];
	_ =	sdelay $0x1  }
0x8a: {  	s1 =	srdreg.scid  }
0x8b: {  	s0 =	sand.u32 $0x1, s1  }
0x8c: {  	s17 =	sshll.u32 s0, $0xA;
	s2 =	sadd.s32 s3, s2  }
0x8d: {  	s2 =	sadd.s32 s2, s17  }
0x8e: {  	[smem:$0x3FBF] =	sst s2  }
0x8f: {  	_ = 	snop  }
0x90: {  	s2 =	sld [smem:$0x3FD0];
	(tm) =	ssettm $0x1  }
0x91: {  	s18 =	sld [smem:$0x3FFB];
	_ =	sdelay $0x3  }
0x92: {  	_ =	strace s18  }
0x93: {  	s3 =	sld [smem:$0x3FFC];
	_ =	sdelay $0x3  }
0x94: {  	_ =	strace s3  }
0x95: {  	s3 =	sld [smem:$0x3FFD];
	_ =	sdelay $0x3  }
0x96: {  	_ =	strace s3  }
0x97: {  	_ =	strace $0x8FFFFFFF  }
0x98: {  	s19 =	sld [smem:$0x3FDB];
	_ =	sdelay $0x1  }
0x99: {  	s4 =	simm.s32 $_scs_section_size  }
0x9a: {  	s5 =	simm.s32 $_size__tile_overlayer_lowered;
	s6 =	simm.s32 $_tile_overlayer_lowered  }
0x9b: {  	s22 =	simm.s32 $0x1BFF;
	s21 =	sshll.u32 s6, $0x1;
	s3 =	sadd.s32 s4, s19  }
0x9c: {  	s7 =	simm.s32 $0x0;
	s20 =	sshll.u32 s5, $0x1;
	s5 =	sadd.s32 s21, s3  }
0x9d: {  	[timem:s7], [sflag:s22] =	dma.local [hbm:s5], s20  }
0x9e: {  	_ =	swait.ge [sflag:s22], s20  }
0x9f: {  	s4 =	ssub.s32 $0x0, s20;
	[sflag:s22] =	ssyncset.done $0x0  }
0xa0: {  	[sflag:s22] =	ssyncadd.s32 s4;
	_ =	sdelay $0x1  }
0xa1: {  	s23 =	simm.s32 $0x1B8B  }
0xa2: {  	_ =	swait.ge [sflag:s23], $0x1  }
0xa3: {  	[sflag:s23] =	ssyncset.done $0x0  }
0xa4: {  	s25 =	simm.s32 $0x1B8E;
	s24 =	sld [smem:$0x3FFE];
	[sflag:s23] =	ssyncadd.s32 $0xFFFFFFFF  }
0xa5: {  	s26 =	simm.s32 $execute0_lowered;
	[smem:$0x3FD2] =	sst s25  }
0xa6: {  	s5 =	sshll.u32 s26, $0x1;
	_ =	strace $0x80000046;
	[dreg:$0x1] =	wrdreg $0xFFFFFFFF  }
0xa7: {  	s28 =	simm.s32 $_size_execute0_lowered;
	s3 =	sadd.s32 s3, s5;
	[dreg:$0x0] =	wrdreg $0x0  }
0xa8: {  	s5 =	sshll.u32 s28, $0x1;
	[dreg:$0x2] =	wrdreg s3  }
0xa9: {  	[dreg:$0x3] =	wrdreg s5  }
0xaa: {  	[dreg:$0x4] =	wrdreg $0xC0  }
0xab: {  	_ =	task [dreg:s7], $0x5FFFF  }
0xac: {  	[dreg:$0x1] =	wrdreg $0xFFFFFFFF  }
0xad: {  	[dreg:$0x0] =	wrdreg $0x60  }
0xae: {  	[dreg:$0x2] =	wrdreg s2  }
0xaf: {  	[dreg:$0x3] =	wrdreg s24  }
0xb0: {  	[dreg:$0x4] =	wrdreg $0x9D800  }
0xb1: {  	[dreg:$0x5] =	wrdreg $0xA  }
0xb2: {  	_ =	task.clear_ibuf [dreg:s7], $0x6FFFF;
	_ =	strace $0x90000046  }
0xb3: {  	s29 =	simm.s32 $0xA;
	_ =	strace $0x80000048  }
0xb4: {  	_ =	swait.ge [sflag:s29], $0x1  }
0xb5: {  	[sflag:s29] =	ssyncadd.s32 $0xFFFFFFFF  }
0xb6: {  	_ =	strace $0x90000048  }
0xb7: {  	_ =	sfence  }
0xb8: {  	s30 =	sld [smem:$0x0];
	_ =	sdelay $0x2  }
0xb9: {  	s31 =	sshll.u32 s1, $0xD;
	s1 =	sshrl.u32 s1, $0x2  }
0xba: {  	s3 =	sand.u32 $0x4000, s31;
	s1 =	sadd.s32 s1, s30  }
0xbb: {  	s0 =	sor.u32 s3, s0;
	s1 =	sshll.u32 s1, $0x11  }
0xbc: {  	s0 =	sor.u32 s1, s0  }
0xbd: {  	s0 =	sadd.s32 $0x8F2B, s0  }
0xbe: {  	[sflag:s0] =	ssyncadd.remote.s32 $0x1  }
0xbf: {  	_ =	sfence.sel $0xFFFF  }
0xc0: {  	[dreg:$0x0] =	wrdreg $0xFFFFFFFF;
	(pc) =	sbr.abs _section_cstart, $3  }
0xc1: {  	[dreg:$0x1] =	wrdreg $0xFFFFFFFF  }
0xc2: {  	_ =	task.clear_ibuf [dreg:s7], $0x2FFFF;
	_ =	strace $0x9FFFFFFF  }
0xc3: {  	(tm) =	ssettm $0x7FFFFFFF  }
tec
execute0_lowered:
.L_overlay_start_1:
0x0: {  	(tag) =	ssettag $0x1  }
0x1: {  	s1 =	rddreg [dreg:$0x0]  }
0x2: {  	s0 =	srdreg.scid;
	s9 =	rddreg [dreg:$0x1]  }
0x3: {  	s8 =	stileid.u32;
	s3 =	rddreg [dreg:$0x2]  }
0x4: {  	s5 =	simm.s32 $0x0;
	s0 =	sand.u32 $0x1, s0;
	s10 =	smul.u32 $0x2780, s8  }
0x5: {  	[smem:$0x7FF] =	sst s5;
	s14 =	smul.u32 $0x4F000, s8;
	s2 =	sshll.u32 s0, $0x4  }
0x6: {  	s7 =	sadd.s32 $0x15600, s9;
	s12 =	smul.u32 $0x27800, s0;
	s2 =	sor.u32 s8, s2  }
0x7: {  	_ =	strace $0x80000047;
	s0 =	ssub.s32 $0x2, s0;
	s4 =	smul.u32 $0x1388, s2  }
0x8: {  	s8 =	sadd.s32 $0x1A00, s9;
	s24 =	sshrl.u32 s0, $0x1;
	s20 =	smul.u32 $0x9C400, s2  }
0x9: {  	s25 =	sshrl.u32 s14, $0x2;
	s10 =	sadd.s32 s10, s12;
	s2 =	smul.u32 $0x13880, s2  }
0xa: {  	s0 =	ssub.s32 s0, s24;
	s6 =	sadd.s32 $0x27100, s4;
	s22 =	sshrl.u32 s4, $0x3  }
0xb: {  	s2 =	sadd.s32 s7, s2;
	s11 =	sshrl.u32 s6, $0x3;
	s23 =	sadd.s32 s8, s22  }
0xc: {  	[dreg:$0xf] =	wrdreg s2;
	s13 =	sadd.s32 s11, s9;
	s11 =	sadd.s32 s8, s11  }
0xd: {  	s9 =	sadd.s32 s10, s9;
	s24 =	sadd.s32 $0x5090, s23;
	[dreg:$0xe] =	wrdreg s11  }
0xe: {  	s10 =	sadd.s32 s25, s3;
	s26 =	sadd.s32 $0xB800, s13;
	[dreg:$0x10] =	wrdreg s24  }
0xf: {  	s12 =	sadd.s32 $0x2000, s10;
	[dreg:$0x4] =	wrdreg s26  }
0x10: {  	s13 =	sadd.s32 $0x4000, s10;
	[dreg:$0x5] =	wrdreg s12  }
0x11: {  	s14 =	sadd.s32 $0x6000, s10;
	[dreg:$0x6] =	wrdreg s13  }
0x12: {  	s15 =	sadd.s32 $0x8000, s10;
	[dreg:$0x7] =	wrdreg s14  }
0x13: {  	s28 =	simm.s32 $0x1500;
	s16 =	sadd.s32 $0xA000, s10;
	[dreg:$0x8] =	wrdreg s15  }
0x14: {  	s29 =	simm.s32 $0x1400;
	s17 =	sadd.s32 $0xC000, s10;
	[dreg:$0x9] =	wrdreg s16  }
0x15: {  	s30 =	simm.s32 $0x40;
	s18 =	sadd.s32 $0xE000, s10;
	[dreg:$0xa] =	wrdreg s17  }
0x16: {  	s31 =	simm.s32 $0x3500;
	s19 =	sadd.s32 $0x10000, s10;
	[dreg:$0xb] =	wrdreg s18  }
0x17: {  	s21 =	sadd.s32 $0x12000, s10;
	s11 =	simm.s32 $0x2;
	[dreg:$0xc] =	wrdreg s19  }
0x18: {  	[dreg:$0xd] =	wrdreg s21;
	s12 =	sshrl.u32 s20, $0x3;
	s26 =	sadd.s32 $0x286600, s9  }
0x19: {  	s9 =	simm.s32 $0x1;
	s13 =	simm.s32 $0x4;
	s14 =	simm.s32 $0x9500  }
0x1a: {  	s15 =	simm.s32 $0x8;
	s16 =	simm.s32 $0x9580;
	s17 =	simm.s32 $0x0  }
0x1b: {  	s25 =	sadd.s32 s7, s12;
	[dreg:$0x12] =	wrdreg s26;
	s26 =	simm.s32 $0x5  }
0x1c: {  	s12 =	simm.s32 $0x3;
	s2 =	sadd.s32 $0x13800, s25;
	s25 =	smax.u32 s0, $0x1  }
0x1d: {  	v0 =	vimm.f32 $0.0e+00;
	s0 =	simm.s32 $0x7500;
	[dreg:$0x11] =	wrdreg s2;
	s2 =	simm.s32 $0x1480  }
.LBB2_1:
0x1e: {  	s18 =	rddreg [dreg:$0x4]  }
0x1f: {  	[tilespmem:s5], [sflag:$0x5] =	stream.linear.gather [hbm4b:s18+s5], $0x1388, $0x38;
	[tilespmem:$0x1D980] =	vst v63  }
0x20: {  	_ =	swait.ge [sflag:s26], $0x1388  }
0x21: {  	[sflag:s26] =	ssyncset.done $0x0  }
0x22: {  	s19 =	simm.s32 $0x200;
	s18 =	simm.s32 $0x0;
	[sflag:s26] =	ssyncadd.s32 $0xFFFFEC78  }
.LBB2_2:
0x23: {  	p0 =	sne.s32 s19, $0x7E00;
	[tilespmem:s18+$0x1570] =	vst v0  }
0x24: {  	[tilespmem:s18+$0x1500] =	vst v0  }
0x25: {  	[tilespmem:s18+$0x1510] =	vst v0  }
.Ltmp0:
0x26: {  	[tilespmem:s18+$0x1520] =	vst v0;
	(pc) =	sbr.rel @p0 .LBB2_2-.Ltmp0, $4  }
0x27: {  	[tilespmem:s18+$0x1530] =	vst v0  }
0x28: {  	[tilespmem:s18+$0x1540] =	vst v0  }
0x29: {  	[tilespmem:s18+$0x1550] =	vst v0  }
0x2a: {  	[tilespmem:s18+$0x1560] =	vst v0;
	s18 =	sshra.s32 s19, $0x2;
	s19 =	sadd.s32 $0x200, s19  }
0x2b: {  	[tilespmem:s18+$0x1570] =	vst v0  }
0x2c: {  	[tilespmem:s18+$0x1500] =	vst v0  }
0x2d: {  	[tilespmem:s18+$0x1510] =	vst v0  }
0x2e: {  	[tilespmem:s18+$0x1520] =	vst v0  }
0x2f: {  	[tilespmem:s18+$0x1530] =	vst v0  }
0x30: {  	[tilespmem:s18+$0x1540] =	vst v0  }
0x31: {  	[tilespmem:s18+$0x1550] =	vst v0  }
0x32: {  	[tilespmem:s18+$0x1560] =	vst v0  }
0x33: {  	[spmem:s10] =	stream.linear.scatter [tilespmem:s28], [sflag:$0x5], $0x2000, $0x38;
	[tilespmem:$0x1D980] =	vst v63  }
0x34: {  	_ =	swait.ge [sflag:s26], $0x2000  }
0x35: {  	[sflag:s26] =	ssyncset.done $0x0  }
0x36: {  	s21 =	rddreg [dreg:$0x5];
	[sflag:s26] =	ssyncadd.s32 $0xFFFFE000  }
0x37: {  	[spmem:s21] =	stream.linear.scatter [tilespmem:s28], [sflag:$0x5], $0x2000, $0x38;
	[tilespmem:$0x1D980] =	vst v63  }
0x38: {  	_ =	swait.ge [sflag:s26], $0x2000  }
0x39: {  	[sflag:s26] =	ssyncset.done $0x0  }
0x3a: {  	s22 =	rddreg [dreg:$0x6];
	[sflag:s26] =	ssyncadd.s32 $0xFFFFE000  }
0x3b: {  	[spmem:s22] =	stream.linear.scatter [tilespmem:s28], [sflag:$0x5], $0x2000, $0x38;
	[tilespmem:$0x1D980] =	vst v63  }
0x3c: {  	_ =	swait.ge [sflag:s26], $0x2000  }
0x3d: {  	[sflag:s26] =	ssyncset.done $0x0  }
0x3e: {  	s23 =	rddreg [dreg:$0x7];
	[sflag:s26] =	ssyncadd.s32 $0xFFFFE000  }
0x3f: {  	[spmem:s23] =	stream.linear.scatter [tilespmem:s28], [sflag:$0x5], $0x2000, $0x38;
	[tilespmem:$0x1D980] =	vst v63  }
0x40: {  	_ =	swait.ge [sflag:s26], $0x2000  }
0x41: {  	[sflag:s26] =	ssyncset.done $0x0  }
0x42: {  	s24 =	rddreg [dreg:$0x8];
	[sflag:s26] =	ssyncadd.s32 $0xFFFFE000  }
0x43: {  	[spmem:s24] =	stream.linear.scatter [tilespmem:s28], [sflag:$0x5], $0x2000, $0x38;
	[tilespmem:$0x1D980] =	vst v63  }
0x44: {  	_ =	swait.ge [sflag:s26], $0x2000  }
0x45: {  	[sflag:s26] =	ssyncset.done $0x0  }
0x46: {  	s19 =	rddreg [dreg:$0x9];
	[sflag:s26] =	ssyncadd.s32 $0xFFFFE000  }
0x47: {  	[spmem:s19] =	stream.linear.scatter [tilespmem:s28], [sflag:$0x5], $0x2000, $0x38;
	[tilespmem:$0x1D980] =	vst v63  }
0x48: {  	_ =	swait.ge [sflag:s26], $0x2000  }
0x49: {  	[sflag:s26] =	ssyncset.done $0x0  }
0x4a: {  	s20 =	rddreg [dreg:$0xa];
	[sflag:s26] =	ssyncadd.s32 $0xFFFFE000  }
0x4b: {  	[spmem:s20] =	stream.linear.scatter [tilespmem:s28], [sflag:$0x5], $0x2000, $0x38;
	[tilespmem:$0x1D980] =	vst v63  }
0x4c: {  	_ =	swait.ge [sflag:s26], $0x2000  }
0x4d: {  	[sflag:s26] =	ssyncset.done $0x0  }
0x4e: {  	s21 =	rddreg [dreg:$0xb];
	[sflag:s26] =	ssyncadd.s32 $0xFFFFE000  }
0x4f: {  	[spmem:s21] =	stream.linear.scatter [tilespmem:s28], [sflag:$0x5], $0x2000, $0x38;
	[tilespmem:$0x1D980] =	vst v63  }
0x50: {  	_ =	swait.ge [sflag:s26], $0x2000  }
0x51: {  	[sflag:s26] =	ssyncset.done $0x0  }
0x52: {  	s22 =	rddreg [dreg:$0xc];
	[sflag:s26] =	ssyncadd.s32 $0xFFFFE000  }
0x53: {  	[spmem:s22] =	stream.linear.scatter [tilespmem:s28], [sflag:$0x5], $0x2000, $0x38;
	[tilespmem:$0x1D980] =	vst v63  }
0x54: {  	_ =	swait.ge [sflag:s26], $0x2000  }
0x55: {  	[sflag:s26] =	ssyncset.done $0x0  }
0x56: {  	s23 =	rddreg [dreg:$0xd];
	[sflag:s26] =	ssyncadd.s32 $0xFFFFE000  }
0x57: {  	[spmem:s23] =	stream.linear.scatter [tilespmem:s28], [sflag:$0x5], $0x1C00, $0x38;
	[tilespmem:$0x1D980] =	vst v63  }
0x58: {  	_ =	swait.ge [sflag:s26], $0x1C00  }
0x59: {  	[sflag:s26] =	ssyncset.done $0x0  }
0x5a: {  	[sflag:s26] =	ssyncadd.s32 $0xFFFFE400  }
0x5b: {  	[bflag:$0x0] =	sbarrier.arrive $0xFFFF  }
0x5c: {  	s18 =	simm.s32 $0x0;
	s19 =	rddreg [dreg:$0xe]  }
0x5d: {  	[tilespmem:s29], [sflag:$0x1] =	stream.linear.gather [hbm4b:s19+s18], $0x40, $0x38;
	[tilespmem:$0x1D980] =	vst v63  }
0x5e: {  	_ = 	snop  }
0x5f: {  	[tilespmem:s28], [sflag:$0x1] =	stream.indirect.gather [hbm4b:s1+s30], $0x80, s18, s30, $0xb8;
	[tilespmem:$0x1D980] =	vst v63  }
0x60: {  	s20 =	simm.s32 $0x5500;
	s24 =	rddreg [dreg:$0xf];
	s19 =	simm.s32 $0x0  }
0x61: {  	[tilespmem:s20], [sflag:$0x1] =	stream.linear.gather [hbm4b:s24+s18], $0x2000, $0x38;
	[tilespmem:$0x1D980] =	vst v63  }
.LBB2_4:
0x62: {  	s20 =	sshll.u32 s19, $0x7;
	p0 =	seq.s32 s19, $0x0  }
0x63: {  	s21 =	simm.s32 @!p0 $0x4;
	s22 =	sor.u32 $0x40, s20  }
0x64: {  	_ =	swait.ge @!p0 [sflag:s21], $0x2000;
	s23 =	sadd.s32 s6, s22  }
0x65: {  	[sflag:s21] =	ssyncset.done @!p0 $0x0;
	s23 =	sshrl.u32 s23, $0x3  }
0x66: {  	s24 =	sadd.s32 s4, s22;
	[sflag:s21] =	ssyncadd.s32 @!p0 $0xFFFFE000;
	s23 =	sadd.s32 s8, s23  }
0x67: {  	[tilespmem:s2], [sflag:$0x2] =	stream.linear.gather [hbm4b:s23+s18], $0x40, $0x38;
	[tilespmem:$0x1D980] =	vst v63  }
0x68: {  	s21 =	sshll.u32 s24, $0x4  }
0x69: {  	[tilespmem:s31], [sflag:$0x2] =	stream.indirect.gather [hbm4b:s1+s30], $0x80, s22, s30, $0xb8;
	[tilespmem:$0x1D980] =	vst v63  }
0x6a: {  	s21 =	sadd.s32 s7, s21  }
0x6b: {  	[tilespmem:s0], [sflag:$0x2] =	stream.linear.gather [hbm4b:s21+s18], $0x2000, $0x38;
	[tilespmem:$0x1D980] =	vst v63  }
0x6c: {  	_ =	swait.ge [sflag:s9], $0x40  }
0x6d: {  	[sflag:s9] =	ssyncset.done $0x0  }
0x6e: {  	[sflag:s9] =	ssyncadd.s32 $0xFFFFFFC0  }
0x6f: {  	_ =	swait.ge [sflag:s9], $0x2000  }
0x70: {  	[sflag:s9] =	ssyncset.done $0x0  }
0x71: {  	[sflag:s9] =	ssyncadd.s32 $0xFFFFE000  }
0x72: {  	_ =	swait.ge [sflag:s9], $0x2000  }
0x73: {  	[sflag:s9] =	ssyncset.done $0x0  }
0x74: {  	s21 =	simm.s32 $0x0;
	[sflag:s9] =	ssyncadd.s32 $0xFFFFE000  }
0x75: {  	v7 =	vld [tilespmem:s21+$0x5500]  }
0x76: {  	v8 =	vld [tilespmem:s21+$0x5510]  }
0x77: {  	v9 =	vld [tilespmem:s21+$0x5520]  }
0x78: {  	v10 =	vld [tilespmem:s21+$0x5530]  }
0x79: {  	v11 =	vld [tilespmem:s21+$0x5540]  }
0x7a: {  	v12 =	vld [tilespmem:s21+$0x5550]  }
0x7b: {  	v13 =	vld [tilespmem:s21+$0x5560]  }
0x7c: {  	v14 =	vld [tilespmem:s21+$0x5570]  }
0x7d: {  	v15 =	vld [tilespmem:s21+$0x5580]  }
0x7e: {  	v16 =	vld [tilespmem:s21+$0x5590]  }
0x7f: {  	v6 =	vld [tilespmem:s21+$0x55A0]  }
0x80: {  	v5 =	vld [tilespmem:s21+$0x55B0]  }
0x81: {  	v4 =	vld [tilespmem:s21+$0x55C0]  }
0x82: {  	v3 =	vld [tilespmem:s21+$0x55D0]  }
0x83: {  	v2 =	vld [tilespmem:s21+$0x55E0]  }
0x84: {  	v1 =	vld [tilespmem:s21+$0x55F0]  }
0x85: {  	v17 =	vld [tilespmem:s21+$0x1500]  }
0x86: {  	v18 =	vld [tilespmem:s21+$0x1510]  }
0x87: {  	v19 =	vld [tilespmem:s21+$0x1520]  }
0x88: {  	v20 =	vld [tilespmem:s21+$0x1530]  }
0x89: {  	v21 =	vld [tilespmem:s21+$0x1540]  }
0x8a: {  	v60 =	vld [tilespmem:s21+$0x1550];
	v7 =	vmul.f32 v7, v17  }
0x8b: {  	v22 =	vld [tilespmem:s21+$0x1560];
	v8 =	vmul.f32 v8, v18  }
0x8c: {  	v61 =	vld [tilespmem:s21+$0x1570];
	[tilespmem:s21+$0x1500] =	vst v7;
	v7 =	vmul.f32 v9, v19  }
0x8d: {  	v62 =	vld [tilespmem:s21+$0x1580];
	[tilespmem:s21+$0x1510] =	vst v8;
	v8 =	vmul.f32 v10, v20  }
0x8e: {  	v63 =	vld [tilespmem:s21+$0x1590];
	[tilespmem:s21+$0x1520] =	vst v7;
	v7 =	vmul.f32 v11, v21  }
0x8f: {  	v9 =	vmul.f32 v12, v60;
	[tilespmem:s21+$0x1530] =	vst v8;
	v8 =	vld [tilespmem:s21+$0x15A0]  }
0x90: {  	v10 =	vmul.f32 v13, v22;
	[tilespmem:s21+$0x1540] =	vst v7;
	v7 =	vld [tilespmem:s21+$0x15B0]  }
0x91: {  	[tilespmem:s21+$0x1550] =	vst v9;
	v9 =	vld [tilespmem:s21+$0x15C0];
	v11 =	vmul.f32 v14, v61  }
0x92: {  	v13 =	vmul.f32 v15, v62;
	[tilespmem:s21+$0x1560] =	vst v10;
	v10 =	vld [tilespmem:s21+$0x15D0]  }
0x93: {  	s22 =	simm.s32 $0x400;
	v12 =	vmul.f32 v16, v63;
	[tilespmem:s21+$0x1570] =	vst v11;
	v11 =	vld [tilespmem:s21+$0x15E0]  }
.LBB2_5:
0x94: {  	s23 =	sshra.s32 s22, $0x2;
	p0 =	sne.s32 s22, $0x7C00;
	[tilespmem:s21+$0x1580] =	vst v13;
	v6 =	vmul.f32 v6, v8;
	v8 =	vld [tilespmem:s21+$0x15F0]  }
0x95: {  	v13 =	vld [tilespmem:s23+$0x5500];
	[tilespmem:s21+$0x1590] =	vst v12;
	v5 =	vmul.f32 v5, v7  }
0x96: {  	v7 =	vld [tilespmem:s23+$0x5510];
	[tilespmem:s21+$0x15A0] =	vst v6;
	v4 =	vmul.f32 v4, v9  }
0x97: {  	v9 =	vld [tilespmem:s23+$0x5520];
	[tilespmem:s21+$0x15B0] =	vst v5;
	v3 =	vmul.f32 v3, v10  }
0x98: {  	v10 =	vld [tilespmem:s23+$0x5530];
	[tilespmem:s21+$0x15C0] =	vst v4;
	v2 =	vmul.f32 v2, v11  }
0x99: {  	v11 =	vld [tilespmem:s23+$0x5540];
	[tilespmem:s21+$0x15D0] =	vst v3;
	v1 =	vmul.f32 v1, v8  }
0x9a: {  	v8 =	vld [tilespmem:s23+$0x5550];
	[tilespmem:s21+$0x15E0] =	vst v2  }
0x9b: {  	v12 =	vld [tilespmem:s23+$0x5560];
	[tilespmem:s21+$0x15F0] =	vst v1;
	s21 =	smov.u32 s23  }
0x9c: {  	v14 =	vld [tilespmem:s21+$0x5570]  }
0x9d: {  	v15 =	vld [tilespmem:s21+$0x5580]  }
0x9e: {  	v16 =	vld [tilespmem:s21+$0x5590]  }
0x9f: {  	v6 =	vld [tilespmem:s21+$0x55A0]  }
0xa0: {  	v5 =	vld [tilespmem:s21+$0x55B0]  }
0xa1: {  	v4 =	vld [tilespmem:s21+$0x55C0]  }
0xa2: {  	v3 =	vld [tilespmem:s21+$0x55D0]  }
0xa3: {  	v2 =	vld [tilespmem:s21+$0x55E0]  }
0xa4: {  	v1 =	vld [tilespmem:s21+$0x55F0]  }
0xa5: {  	v17 =	vld [tilespmem:s21+$0x1500]  }
0xa6: {  	v18 =	vld [tilespmem:s21+$0x1510]  }
0xa7: {  	v19 =	vld [tilespmem:s21+$0x1520]  }
0xa8: {  	v20 =	vld [tilespmem:s21+$0x1530]  }
0xa9: {  	v21 =	vld [tilespmem:s21+$0x1540]  }
0xaa: {  	v13 =	vmul.f32 v13, v17;
	v17 =	vld [tilespmem:s21+$0x1550]  }
0xab: {  	v7 =	vmul.f32 v7, v18;
	v18 =	vld [tilespmem:s21+$0x1560]  }
0xac: {  	[tilespmem:s21+$0x1500] =	vst v13;
	v9 =	vmul.f32 v9, v19;
	v13 =	vld [tilespmem:s21+$0x1570]  }
0xad: {  	[tilespmem:s21+$0x1510] =	vst v7;
	v7 =	vmul.f32 v10, v20;
	v10 =	vld [tilespmem:s21+$0x1580]  }
0xae: {  	[tilespmem:s21+$0x1520] =	vst v9;
	v9 =	vmul.f32 v11, v21;
	v11 =	vld [tilespmem:s21+$0x1590]  }
.Ltmp1:
0xaf: {  	[tilespmem:s21+$0x1530] =	vst v7;
	v17 =	vmul.f32 v8, v17;
	v8 =	vld [tilespmem:s21+$0x15A0];
	(pc) =	sbr.rel @p0 .LBB2_5-.Ltmp1, $4  }
0xb0: {  	[tilespmem:s21+$0x1540] =	vst v9;
	v12 =	vmul.f32 v12, v18;
	v7 =	vld [tilespmem:s21+$0x15B0]  }
0xb1: {  	[tilespmem:s21+$0x1550] =	vst v17;
	v14 =	vmul.f32 v14, v13;
	v9 =	vld [tilespmem:s21+$0x15C0]  }
0xb2: {  	[tilespmem:s21+$0x1560] =	vst v12;
	v13 =	vmul.f32 v15, v10;
	v10 =	vld [tilespmem:s21+$0x15D0]  }
0xb3: {  	s22 =	sadd.s32 $0x400, s22;
	[tilespmem:s21+$0x1570] =	vst v14;
	v12 =	vmul.f32 v16, v11;
	v11 =	vld [tilespmem:s21+$0x15E0]  }
0xb4: {  	[tilespmem:s21+$0x1580] =	vst v13;
	v6 =	vmul.f32 v6, v8;
	v8 =	vld [tilespmem:s21+$0x15F0]  }
0xb5: {  	[tilespmem:s21+$0x1590] =	vst v12;
	v5 =	vmul.f32 v5, v7  }
0xb6: {  	[tilespmem:s21+$0x15A0] =	vst v6;
	v4 =	vmul.f32 v4, v9  }
0xb7: {  	[tilespmem:s21+$0x15B0] =	vst v5;
	v3 =	vmul.f32 v3, v10  }
0xb8: {  	[tilespmem:s21+$0x15C0] =	vst v4;
	v2 =	vmul.f32 v2, v11  }
0xb9: {  	[tilespmem:s21+$0x15D0] =	vst v3;
	v1 =	vmul.f32 v1, v8  }
0xba: {  	p0 =	seq.s32 s19, $0x26;
	[tilespmem:s21+$0x15E0] =	vst v2  }
0xbb: {  	[tilespmem:s21+$0x15F0] =	vst v1;
	s21 =	simm.s32 @!p0 $0x3  }
0xbc: {  	[spmem:s3] =	stream.indirect.scatter.add.f32 [tilespmem:s28], [sflag:$0x3], $0x80, s29, s30, $0xb8;
	[tilespmem:$0x1D980] =	vst v63  }
0xbd: {  	s20 =	sadd.s32 @!p0 $0x80, s20;
	_ =	swait.ge @!p0 [sflag:s21], $0x2000  }
0xbe: {  	s22 =	sadd.s32 @!p0 s6, s20;
	[sflag:s21] =	ssyncset.done @!p0 $0x0  }
0xbf: {  	[sflag:s21] =	ssyncadd.s32 @!p0 $0xFFFFE000;
	s21 =	sshrl.u32 @!p0 s22, $0x3  }
0xc0: {  	s23 =	simm.s32 @!p0 $0x1400;
	s22 =	simm.s32 @!p0 $0x0;
	s21 =	sadd.s32 @!p0 s8, s21  }
0xc1: {  	[tilespmem:s23], [sflag:$0x1] =	stream.linear.gather @!p0 [hbm4b:s21+s22], $0x40, $0x38;
	[tilespmem:$0x1D980] =	vst v63  }
0xc2: {  	s24 =	simm.s32 @!p0 $0x1500;
	s21 =	sadd.s32 @!p0 s4, s20;
	s23 =	simm.s32 @!p0 $0x40  }
0xc3: {  	[tilespmem:s24], [sflag:$0x1] =	stream.indirect.gather @!p0 [hbm4b:s1+s23], $0x80, s20, s23, $0xb8;
	[tilespmem:$0x1D980] =	vst v63  }
0xc4: {  	s20 =	sshll.u32 @!p0 s21, $0x4  }
0xc5: {  	s21 =	simm.s32 @!p0 $0x5500;
	s20 =	sadd.s32 @!p0 s7, s20  }
0xc6: {  	[tilespmem:s21], [sflag:$0x1] =	stream.linear.gather @!p0 [hbm4b:s20+s22], $0x2000, $0x38;
	[tilespmem:$0x1D980] =	vst v63  }
0xc7: {  	_ =	swait.ge [sflag:s11], $0x40  }
0xc8: {  	[sflag:s11] =	ssyncset.done $0x0  }
0xc9: {  	[sflag:s11] =	ssyncadd.s32 $0xFFFFFFC0  }
0xca: {  	_ =	swait.ge [sflag:s11], $0x2000  }
0xcb: {  	[sflag:s11] =	ssyncset.done $0x0  }
0xcc: {  	[sflag:s11] =	ssyncadd.s32 $0xFFFFE000  }
0xcd: {  	_ =	swait.ge [sflag:s11], $0x2000  }
0xce: {  	[sflag:s11] =	ssyncset.done $0x0  }
0xcf: {  	s20 =	simm.s32 $0x0;
	[sflag:s11] =	ssyncadd.s32 $0xFFFFE000  }
0xd0: {  	v7 =	vld [tilespmem:s20+$0x7500]  }
0xd1: {  	v8 =	vld [tilespmem:s20+$0x7510]  }
0xd2: {  	v9 =	vld [tilespmem:s20+$0x7520]  }
0xd3: {  	v10 =	vld [tilespmem:s20+$0x7530]  }
0xd4: {  	v11 =	vld [tilespmem:s20+$0x7540]  }
0xd5: {  	v12 =	vld [tilespmem:s20+$0x7550]  }
0xd6: {  	v13 =	vld [tilespmem:s20+$0x7560]  }
0xd7: {  	v14 =	vld [tilespmem:s20+$0x7570]  }
0xd8: {  	v15 =	vld [tilespmem:s20+$0x7580]  }
0xd9: {  	v16 =	vld [tilespmem:s20+$0x7590]  }
0xda: {  	v6 =	vld [tilespmem:s20+$0x75A0]  }
0xdb: {  	v5 =	vld [tilespmem:s20+$0x75B0]  }
0xdc: {  	v4 =	vld [tilespmem:s20+$0x75C0]  }
0xdd: {  	v3 =	vld [tilespmem:s20+$0x75D0]  }
0xde: {  	v2 =	vld [tilespmem:s20+$0x75E0]  }
0xdf: {  	v1 =	vld [tilespmem:s20+$0x75F0]  }
0xe0: {  	v17 =	vld [tilespmem:s20+$0x3500]  }
0xe1: {  	v18 =	vld [tilespmem:s20+$0x3510]  }
0xe2: {  	v19 =	vld [tilespmem:s20+$0x3520]  }
0xe3: {  	v20 =	vld [tilespmem:s20+$0x3530]  }
0xe4: {  	v21 =	vld [tilespmem:s20+$0x3540]  }
0xe5: {  	v60 =	vld [tilespmem:s20+$0x3550];
	v7 =	vmul.f32 v7, v17  }
0xe6: {  	v22 =	vld [tilespmem:s20+$0x3560];
	v8 =	vmul.f32 v8, v18  }
0xe7: {  	v61 =	vld [tilespmem:s20+$0x3570];
	[tilespmem:s20+$0x3500] =	vst v7;
	v7 =	vmul.f32 v9, v19  }
0xe8: {  	v62 =	vld [tilespmem:s20+$0x3580];
	[tilespmem:s20+$0x3510] =	vst v8;
	v8 =	vmul.f32 v10, v20  }
0xe9: {  	v63 =	vld [tilespmem:s20+$0x3590];
	[tilespmem:s20+$0x3520] =	vst v7;
	v7 =	vmul.f32 v11, v21  }
0xea: {  	v9 =	vmul.f32 v12, v60;
	[tilespmem:s20+$0x3530] =	vst v8;
	v8 =	vld [tilespmem:s20+$0x35A0]  }
0xeb: {  	v10 =	vmul.f32 v13, v22;
	[tilespmem:s20+$0x3540] =	vst v7;
	v7 =	vld [tilespmem:s20+$0x35B0]  }
0xec: {  	[tilespmem:s20+$0x3550] =	vst v9;
	v9 =	vld [tilespmem:s20+$0x35C0];
	v11 =	vmul.f32 v14, v61  }
0xed: {  	v13 =	vmul.f32 v15, v62;
	[tilespmem:s20+$0x3560] =	vst v10;
	v10 =	vld [tilespmem:s20+$0x35D0]  }
0xee: {  	s21 =	simm.s32 $0x400;
	v12 =	vmul.f32 v16, v63;
	[tilespmem:s20+$0x3570] =	vst v11;
	v11 =	vld [tilespmem:s20+$0x35E0]  }
.LBB2_7:
0xef: {  	s22 =	sshra.s32 s21, $0x2;
	p0 =	sne.s32 s21, $0x7C00;
	[tilespmem:s20+$0x3580] =	vst v13;
	v6 =	vmul.f32 v6, v8;
	v8 =	vld [tilespmem:s20+$0x35F0]  }
0xf0: {  	v13 =	vld [tilespmem:s22+$0x7500];
	[tilespmem:s20+$0x3590] =	vst v12;
	v5 =	vmul.f32 v5, v7  }
0xf1: {  	v7 =	vld [tilespmem:s22+$0x7510];
	[tilespmem:s20+$0x35A0] =	vst v6;
	v4 =	vmul.f32 v4, v9  }
0xf2: {  	v9 =	vld [tilespmem:s22+$0x7520];
	[tilespmem:s20+$0x35B0] =	vst v5;
	v3 =	vmul.f32 v3, v10  }
0xf3: {  	v10 =	vld [tilespmem:s22+$0x7530];
	[tilespmem:s20+$0x35C0] =	vst v4;
	v2 =	vmul.f32 v2, v11  }
0xf4: {  	v11 =	vld [tilespmem:s22+$0x7540];
	[tilespmem:s20+$0x35D0] =	vst v3;
	v1 =	vmul.f32 v1, v8  }
0xf5: {  	v8 =	vld [tilespmem:s22+$0x7550];
	[tilespmem:s20+$0x35E0] =	vst v2  }
0xf6: {  	v12 =	vld [tilespmem:s22+$0x7560];
	[tilespmem:s20+$0x35F0] =	vst v1;
	s20 =	smov.u32 s22  }
0xf7: {  	v14 =	vld [tilespmem:s20+$0x7570]  }
0xf8: {  	v15 =	vld [tilespmem:s20+$0x7580]  }
0xf9: {  	v16 =	vld [tilespmem:s20+$0x7590]  }
0xfa: {  	v6 =	vld [tilespmem:s20+$0x75A0]  }
0xfb: {  	v5 =	vld [tilespmem:s20+$0x75B0]  }
0xfc: {  	v4 =	vld [tilespmem:s20+$0x75C0]  }
0xfd: {  	v3 =	vld [tilespmem:s20+$0x75D0]  }
0xfe: {  	v2 =	vld [tilespmem:s20+$0x75E0]  }
0xff: {  	v1 =	vld [tilespmem:s20+$0x75F0]  }
0x100: {  	v17 =	vld [tilespmem:s20+$0x3500]  }
0x101: {  	v18 =	vld [tilespmem:s20+$0x3510]  }
0x102: {  	v19 =	vld [tilespmem:s20+$0x3520]  }
0x103: {  	v20 =	vld [tilespmem:s20+$0x3530]  }
0x104: {  	v21 =	vld [tilespmem:s20+$0x3540]  }
0x105: {  	v13 =	vmul.f32 v13, v17;
	v17 =	vld [tilespmem:s20+$0x3550]  }
0x106: {  	v7 =	vmul.f32 v7, v18;
	v18 =	vld [tilespmem:s20+$0x3560]  }
0x107: {  	[tilespmem:s20+$0x3500] =	vst v13;
	v9 =	vmul.f32 v9, v19;
	v13 =	vld [tilespmem:s20+$0x3570]  }
0x108: {  	[tilespmem:s20+$0x3510] =	vst v7;
	v7 =	vmul.f32 v10, v20;
	v10 =	vld [tilespmem:s20+$0x3580]  }
0x109: {  	[tilespmem:s20+$0x3520] =	vst v9;
	v9 =	vmul.f32 v11, v21;
	v11 =	vld [tilespmem:s20+$0x3590]  }
.Ltmp2:
0x10a: {  	[tilespmem:s20+$0x3530] =	vst v7;
	v17 =	vmul.f32 v8, v17;
	v8 =	vld [tilespmem:s20+$0x35A0];
	(pc) =	sbr.rel @p0 .LBB2_7-.Ltmp2, $4  }
0x10b: {  	[tilespmem:s20+$0x3540] =	vst v9;
	v12 =	vmul.f32 v12, v18;
	v7 =	vld [tilespmem:s20+$0x35B0]  }
0x10c: {  	[tilespmem:s20+$0x3550] =	vst v17;
	v14 =	vmul.f32 v14, v13;
	v9 =	vld [tilespmem:s20+$0x35C0]  }
0x10d: {  	[tilespmem:s20+$0x3560] =	vst v12;
	v13 =	vmul.f32 v15, v10;
	v10 =	vld [tilespmem:s20+$0x35D0]  }
0x10e: {  	s21 =	sadd.s32 $0x400, s21;
	[tilespmem:s20+$0x3570] =	vst v14;
	v12 =	vmul.f32 v16, v11;
	v11 =	vld [tilespmem:s20+$0x35E0]  }
0x10f: {  	[tilespmem:s20+$0x3580] =	vst v13;
	v6 =	vmul.f32 v6, v8;
	v63 =	vld [tilespmem:s20+$0x35F0]  }
0x110: {  	[tilespmem:s20+$0x3590] =	vst v12;
	v5 =	vmul.f32 v5, v7  }
0x111: {  	s19 =	sadd.s32 $0x1, s19;
	[tilespmem:s20+$0x35A0] =	vst v6;
	v4 =	vmul.f32 v4, v9  }
0x112: {  	p0 =	sne.s32 s19, $0x27;
	[tilespmem:s20+$0x35B0] =	vst v5;
	v3 =	vmul.f32 v3, v10  }
.Ltmp3:
0x113: {  	[tilespmem:s20+$0x35C0] =	vst v4;
	v2 =	vmul.f32 v2, v11;
	(pc) =	sbr.rel @p0 .LBB2_4-.Ltmp3, $4  }
0x114: {  	[tilespmem:s20+$0x35D0] =	vst v3;
	v1 =	vmul.f32 v1, v63  }
0x115: {  	[tilespmem:s20+$0x35E0] =	vst v2  }
0x116: {  	[tilespmem:s20+$0x35F0] =	vst v1  }
0x117: {  	[spmem:s3] =	stream.indirect.scatter.add.f32 [tilespmem:s31], [sflag:$0x4], $0x80, s2, s30, $0xb8;
	[tilespmem:$0x1D980] =	vst v63  }
0x118: {  	_ =	swait.ge [sflag:s12], $0x2000  }
0x119: {  	[sflag:s12] =	ssyncset.done $0x0  }
0x11a: {  	[sflag:s12] =	ssyncadd.s32 $0xFFFFE000  }
0x11b: {  	_ =	swait.ge [sflag:s13], $0x2000  }
0x11c: {  	[sflag:s13] =	ssyncset.done $0x0  }
0x11d: {  	s18 =	rddreg [dreg:$0x10];
	[sflag:s13] =	ssyncadd.s32 $0xFFFFE000  }
0x11e: {  	[tilespmem:s14], [sflag:$0x5] =	stream.linear.gather [hbm4b:s18+s5], $0x8, $0x38;
	[tilespmem:$0x1D980] =	vst v63  }
0x11f: {  	_ =	swait.ge [sflag:s26], $0x8  }
0x120: {  	[sflag:s26] =	ssyncset.done $0x0  }
0x121: {  	s21 =	simm.s32 $0x1380;
	[sflag:s26] =	ssyncadd.s32 $0xFFFFFFF8  }
0x122: {  	[tilespmem:s16], [sflag:$0x5] =	stream.indirect.gather [hbm4b:s1+s15], $0x80, s21, s15, $0xb8;
	[tilespmem:$0x1D980] =	vst v63  }
0x123: {  	_ =	swait.ge [sflag:s26], $0x400  }
0x124: {  	[sflag:s26] =	ssyncset.done $0x0  }
0x125: {  	s19 =	simm.s32 $0x9980;
	s22 =	rddreg [dreg:$0x11];
	[sflag:s26] =	ssyncadd.s32 $0xFFFFFC00  }
0x126: {  	[tilespmem:s19], [sflag:$0x5] =	stream.linear.gather [hbm4b:s22+s5], $0x400, $0x38;
	[tilespmem:$0x1D980] =	vst v63  }
0x127: {  	_ =	swait.ge [sflag:s26], $0x400  }
0x128: {  	[sflag:s26] =	ssyncset.done $0x0  }
0x129: {  	[sflag:s26] =	ssyncadd.s32 $0xFFFFFC00  }
0x12a: {  	v1 =	vld [tilespmem:$0x9580]  }
0x12b: {  	v2 =	vld [tilespmem:$0x9980]  }
0x12c: {  	v3 =	vld [tilespmem:$0x9590]  }
0x12d: {  	v4 =	vld [tilespmem:$0x9990]  }
0x12e: {  	v5 =	vld [tilespmem:$0x95A0]  }
0x12f: {  	v6 =	vld [tilespmem:$0x99A0]  }
0x130: {  	v7 =	vld [tilespmem:$0x95B0]  }
0x131: {  	v8 =	vld [tilespmem:$0x99B0]  }
0x132: {  	v9 =	vld [tilespmem:$0x95C0]  }
0x133: {  	v10 =	vld [tilespmem:$0x99C0]  }
0x134: {  	v11 =	vld [tilespmem:$0x95D0]  }
0x135: {  	v12 =	vld [tilespmem:$0x99D0]  }
0x136: {  	v13 =	vld [tilespmem:$0x95E0]  }
0x137: {  	v14 =	vld [tilespmem:$0x99E0]  }
0x138: {  	v15 =	vld [tilespmem:$0x95F0]  }
0x139: {  	v16 =	vld [tilespmem:$0x99F0]  }
0x13a: {  	v17 =	vld [tilespmem:$0x9600]  }
0x13b: {  	v18 =	vld [tilespmem:$0x9A00]  }
0x13c: {  	v19 =	vld [tilespmem:$0x9610]  }
0x13d: {  	v20 =	vld [tilespmem:$0x9A10]  }
0x13e: {  	v21 =	vld [tilespmem:$0x9620]  }
0x13f: {  	v22 =	vld [tilespmem:$0x9A20]  }
0x140: {  	v23 =	vld [tilespmem:$0x9630]  }
0x141: {  	v24 =	vld [tilespmem:$0x9A30]  }
0x142: {  	v25 =	vld [tilespmem:$0x9640]  }
0x143: {  	v26 =	vld [tilespmem:$0x9A40]  }
0x144: {  	v27 =	vld [tilespmem:$0x9650]  }
0x145: {  	v28 =	vld [tilespmem:$0x9A50]  }
0x146: {  	v29 =	vld [tilespmem:$0x9660]  }
0x147: {  	v30 =	vld [tilespmem:$0x9A60]  }
0x148: {  	v31 =	vld [tilespmem:$0x9670]  }
0x149: {  	v32 =	vld [tilespmem:$0x9A70]  }
0x14a: {  	v33 =	vld [tilespmem:$0x9680]  }
0x14b: {  	v34 =	vld [tilespmem:$0x9A80]  }
0x14c: {  	v35 =	vld [tilespmem:$0x9690]  }
0x14d: {  	v36 =	vld [tilespmem:$0x9A90]  }
0x14e: {  	v37 =	vld [tilespmem:$0x96A0]  }
0x14f: {  	v38 =	vld [tilespmem:$0x9AA0]  }
0x150: {  	v39 =	vld [tilespmem:$0x96B0]  }
0x151: {  	v40 =	vld [tilespmem:$0x9AB0]  }
0x152: {  	v41 =	vld [tilespmem:$0x96C0]  }
0x153: {  	v42 =	vld [tilespmem:$0x9AC0]  }
0x154: {  	v43 =	vld [tilespmem:$0x96D0]  }
0x155: {  	v44 =	vld [tilespmem:$0x9AD0]  }
0x156: {  	v45 =	vld [tilespmem:$0x96E0]  }
0x157: {  	v46 =	vld [tilespmem:$0x9AE0]  }
0x158: {  	v47 =	vld [tilespmem:$0x96F0]  }
0x159: {  	v48 =	vld [tilespmem:$0x9AF0]  }
0x15a: {  	v49 =	vld [tilespmem:$0x9700]  }
0x15b: {  	v50 =	vld [tilespmem:$0x9B00]  }
0x15c: {  	v51 =	vld [tilespmem:$0x9710]  }
0x15d: {  	v52 =	vld [tilespmem:$0x9B10]  }
0x15e: {  	v53 =	vld [tilespmem:$0x9720]  }
0x15f: {  	v54 =	vld [tilespmem:$0x9B20]  }
0x160: {  	v55 =	vld [tilespmem:$0x9730]  }
0x161: {  	v61 =	vld [tilespmem:$0x9760]  }
0x162: {  	v56 =	vld [tilespmem:$0x9B30]  }
0x163: {  	v57 =	vld [tilespmem:$0x9740]  }
0x164: {  	v58 =	vld [tilespmem:$0x9B40]  }
0x165: {  	v59 =	vld [tilespmem:$0x9750];
	v1 =	vmul.f32 v2, v1  }
0x166: {  	[tilespmem:$0x1FF90] =	vst v61;
	v61 =	vld [tilespmem:$0x9770];
	v3 =	vmul.f32 v4, v3  }
0x167: {  	v60 =	vld [tilespmem:$0x9B50];
	[tilespmem:$0x9580] =	vst v1;
	v1 =	vmul.f32 v6, v5  }
0x168: {  	v62 =	vld [tilespmem:$0x9B60];
	[tilespmem:$0x9590] =	vst v3;
	v3 =	vmul.f32 v8, v7  }
0x169: {  	v63 =	vld [tilespmem:$0x9B70];
	[tilespmem:$0x95A0] =	vst v1  }
0x16a: {  	v2 =	vld [tilespmem:$0x9BA0];
	v1 =	vmul.f32 v10, v9;
	[tilespmem:$0x95B0] =	vst v3  }
0x16b: {  	v3 =	vmul.f32 v12, v11;
	[tilespmem:$0x1FFA0] =	vst v61;
	v61 =	vld [tilespmem:$0x9780]  }
0x16c: {  	v4 =	vld [tilespmem:$0x97B0];
	[tilespmem:$0x95C0] =	vst v1;
	v1 =	vmul.f32 v14, v13  }
0x16d: {  	v5 =	vld [tilespmem:$0x9BB0];
	[tilespmem:$0x95D0] =	vst v3;
	v3 =	vmul.f32 v16, v15  }
0x16e: {  	v6 =	vld [tilespmem:$0x97C0];
	[tilespmem:$0x95E0] =	vst v1  }
0x16f: {  	v7 =	vld [tilespmem:$0x9BC0];
	v1 =	vmul.f32 v18, v17;
	[tilespmem:$0x95F0] =	vst v3  }
0x170: {  	v8 =	vld [tilespmem:$0x97D0];
	v3 =	vmul.f32 v20, v19;
	[tilespmem:$0x1FFB0] =	vst v61  }
0x171: {  	v9 =	vld [tilespmem:$0x9BD0];
	[tilespmem:$0x9600] =	vst v1;
	v1 =	vmul.f32 v22, v21  }
0x172: {  	v61 =	vld [tilespmem:$0x9B80];
	[tilespmem:$0x9610] =	vst v3;
	v3 =	vmul.f32 v24, v23  }
0x173: {  	v10 =	vld [tilespmem:$0x97E0];
	[tilespmem:$0x9620] =	vst v1;
	v1 =	vmul.f32 v26, v25  }
0x174: {  	v11 =	vld [tilespmem:$0x9BE0];
	[tilespmem:$0x9630] =	vst v3;
	v3 =	vmul.f32 v28, v27  }
0x175: {  	v12 =	vld [tilespmem:$0x97F0];
	[tilespmem:$0x9640] =	vst v1  }
0x176: {  	v13 =	vld [tilespmem:$0x9BF0];
	v1 =	vmul.f32 v30, v29;
	[tilespmem:$0x9650] =	vst v3  }
0x177: {  	v14 =	vld [tilespmem:$0x9800];
	v3 =	vmul.f32 v32, v31;
	[tilespmem:$0x1FFC0] =	vst v61  }
0x178: {  	v61 =	vld [tilespmem:$0x9790];
	[tilespmem:$0x9660] =	vst v1;
	v1 =	vmul.f32 v34, v33  }
0x179: {  	v15 =	vld [tilespmem:$0x9C00];
	[tilespmem:$0x9670] =	vst v3;
	v3 =	vmul.f32 v36, v35  }
0x17a: {  	v16 =	vld [tilespmem:$0x9810];
	[tilespmem:$0x9680] =	vst v1;
	v1 =	vmul.f32 v38, v37  }
0x17b: {  	v17 =	vld [tilespmem:$0x9C10];
	[tilespmem:$0x9690] =	vst v3  }
0x17c: {  	v18 =	vld [tilespmem:$0x9820];
	[tilespmem:$0x96A0] =	vst v1;
	v1 =	vmul.f32 v42, v41  }
0x17d: {  	v19 =	vld [tilespmem:$0x9C20];
	v3 =	vmul.f32 v40, v39;
	[tilespmem:$0x1FFD0] =	vst v61  }
0x17e: {  	v20 =	vld [tilespmem:$0x9830];
	[tilespmem:$0x96C0] =	vst v1;
	v1 =	vmul.f32 v46, v45  }
0x17f: {  	v21 =	vld [tilespmem:$0x9C30];
	[tilespmem:$0x96B0] =	vst v3;
	v3 =	vmul.f32 v44, v43  }
0x180: {  	v22 =	vld [tilespmem:$0x9840];
	[tilespmem:$0x96E0] =	vst v1;
	v1 =	vmul.f32 v50, v49  }
0x181: {  	v23 =	vld [tilespmem:$0x9C40];
	[tilespmem:$0x96D0] =	vst v3;
	v3 =	vmul.f32 v48, v47  }
0x182: {  	v61 =	vld [tilespmem:$0x9B90];
	[tilespmem:$0x9700] =	vst v1;
	v1 =	vmul.f32 v54, v53  }
0x183: {  	v24 =	vld [tilespmem:$0x9850];
	[tilespmem:$0x96F0] =	vst v3;
	v3 =	vmul.f32 v52, v51  }
0x184: {  	v25 =	vld [tilespmem:$0x9C50];
	[tilespmem:$0x9720] =	vst v1;
	v1 =	vmul.f32 v58, v57  }
0x185: {  	v26 =	vld [tilespmem:$0x9860];
	[tilespmem:$0x9710] =	vst v3  }
0x186: {  	v3 =	vmul.f32 v56, v55;
	[tilespmem:$0x9740] =	vst v1;
	v1 =	vld [tilespmem:$0x1FF90]  }
0x187: {  	[tilespmem:$0x1FFE0] =	vst v61;
	v61 =	vld [tilespmem:$0x97A0]  }
0x188: {  	v27 =	vld [tilespmem:$0x9C60];
	[tilespmem:$0x9730] =	vst v3;
	v3 =	vmul.f32 v60, v59  }
0x189: {  	v28 =	vld [tilespmem:$0x9870]  }
0x18a: {  	[tilespmem:$0x9750] =	vst v3;
	v3 =	vld [tilespmem:$0x1FFA0]  }
0x18b: {  	v40 =	vld [tilespmem:$0x98B0];
	v1 =	vmul.f32 v62, v1  }
0x18c: {  	[tilespmem:$0x1FFF0] =	vst v61;
	v61 =	vld [tilespmem:$0x1FFC0]  }
0x18d: {  	[tilespmem:$0x9760] =	vst v1;
	v1 =	vld [tilespmem:$0x1FFB0]  }
0x18e: {  	v41 =	vld [tilespmem:$0x98C0]  }
0x18f: {  	v42 =	vld [tilespmem:$0x9CC0];
	v3 =	vmul.f32 v63, v3  }
0x190: {  	v63 =	vld [tilespmem:$0x1FFE0]  }
0x191: {  	[tilespmem:$0x9770] =	vst v3;
	v3 =	vld [tilespmem:$0x1FFD0]  }
0x192: {  	v43 =	vld [tilespmem:$0x98D0];
	v1 =	vmul.f32 v61, v1  }
0x193: {  	v44 =	vld [tilespmem:$0x9CD0]  }
0x194: {  	[tilespmem:$0x9780] =	vst v1;
	v1 =	vld [tilespmem:$0x1FFF0]  }
0x195: {  	v45 =	vld [tilespmem:$0x98E0]  }
0x196: {  	v46 =	vld [tilespmem:$0x9CE0];
	v3 =	vmul.f32 v63, v3  }
0x197: {  	v47 =	vld [tilespmem:$0x98F0]  }
0x198: {  	v48 =	vld [tilespmem:$0x9CF0];
	[tilespmem:$0x9790] =	vst v3;
	v3 =	vmul.f32 v5, v4  }
0x199: {  	v49 =	vld [tilespmem:$0x9900];
	v1 =	vmul.f32 v2, v1  }
0x19a: {  	v50 =	vld [tilespmem:$0x9D00];
	[tilespmem:$0x97B0] =	vst v3;
	v3 =	vmul.f32 v9, v8  }
0x19b: {  	v51 =	vld [tilespmem:$0x9910];
	[tilespmem:$0x97A0] =	vst v1;
	v1 =	vmul.f32 v7, v6  }
0x19c: {  	v52 =	vld [tilespmem:$0x9D10];
	[tilespmem:$0x97D0] =	vst v3;
	v3 =	vmul.f32 v13, v12  }
0x19d: {  	v54 =	vld [tilespmem:$0x9C70];
	[tilespmem:$0x97C0] =	vst v1;
	v1 =	vmul.f32 v11, v10  }
0x19e: {  	v56 =	vld [tilespmem:$0x9880];
	[tilespmem:$0x97F0] =	vst v3;
	v3 =	vmul.f32 v17, v16  }
0x19f: {  	v2 =	vld [tilespmem:$0x9CB0];
	[tilespmem:$0x97E0] =	vst v1;
	v1 =	vmul.f32 v15, v14  }
0x1a0: {  	v53 =	vld [tilespmem:$0x9920];
	[tilespmem:$0x9810] =	vst v3;
	v3 =	vmul.f32 v21, v20  }
0x1a1: {  	v57 =	vld [tilespmem:$0x9C80];
	[tilespmem:$0x9800] =	vst v1;
	v1 =	vmul.f32 v19, v18  }
0x1a2: {  	v58 =	vld [tilespmem:$0x9890];
	[tilespmem:$0x9830] =	vst v3;
	v3 =	vmul.f32 v25, v24  }
0x1a3: {  	v60 =	vld [tilespmem:$0x98A0];
	[tilespmem:$0x9820] =	vst v1;
	v1 =	vmul.f32 v23, v22  }
0x1a4: {  	v62 =	vld [tilespmem:$0x9CA0];
	v2 =	vmul.f32 v2, v40;
	[tilespmem:$0x9850] =	vst v3  }
0x1a5: {  	v59 =	vld [tilespmem:$0x9C90];
	[tilespmem:$0x9840] =	vst v1;
	v1 =	vmul.f32 v27, v26  }
0x1a6: {  	v55 =	vld [tilespmem:$0x9930];
	v3 =	vmul.f32 v54, v28;
	[tilespmem:$0x98B0] =	vst v2  }
0x1a7: {  	v61 =	vld [tilespmem:$0x9D60];
	[tilespmem:$0x9860] =	vst v1;
	v1 =	vmul.f32 v57, v56  }
0x1a8: {  	v63 =	vld [tilespmem:$0x9D70];
	v2 =	vmul.f32 v44, v43;
	[tilespmem:$0x9870] =	vst v3  }
0x1a9: {  	v54 =	vld [tilespmem:$0x9D20];
	[tilespmem:$0x9880] =	vst v1;
	v1 =	vmul.f32 v62, v60  }
0x1aa: {  	v3 =	vmul.f32 v59, v58;
	v58 =	vld [tilespmem:$0x9950];
	[tilespmem:$0x98D0] =	vst v2  }
0x1ab: {  	v56 =	vld [tilespmem:$0x9D30];
	[tilespmem:$0x98A0] =	vst v1;
	v1 =	vmul.f32 v42, v41  }
0x1ac: {  	v59 =	vld [tilespmem:$0x9D50];
	v2 =	vmul.f32 v48, v47;
	[tilespmem:$0x9890] =	vst v3  }
0x1ad: {  	v3 =	vld [tilespmem:$0x9940];
	[tilespmem:$0x98C0] =	vst v1;
	v1 =	vmul.f32 v46, v45  }
0x1ae: {  	[tilespmem:$0x98F0] =	vst v2;
	v2 =	vmul.f32 v52, v51;
	v57 =	vld [tilespmem:$0x9D40]  }
0x1af: {  	v62 =	vld [tilespmem:$0x9970];
	[tilespmem:$0x98E0] =	vst v1;
	v1 =	vmul.f32 v50, v49  }
0x1b0: {  	[tilespmem:$0x9910] =	vst v2;
	v60 =	vld [tilespmem:$0x9960];
	v2 =	vmul.f32 v56, v55  }
0x1b1: {  	[tilespmem:$0x9900] =	vst v1;
	v1 =	vmul.f32 v54, v53  }
0x1b2: {  	[tilespmem:$0x9930] =	vst v2;
	v2 =	vmul.f32 v59, v58  }
0x1b3: {  	[tilespmem:$0x9920] =	vst v1;
	v1 =	vmul.f32 v57, v3  }
0x1b4: {  	[tilespmem:$0x9950] =	vst v2;
	v2 =	vmul.f32 v63, v62  }
0x1b5: {  	[tilespmem:$0x9940] =	vst v1;
	v1 =	vmul.f32 v61, v60  }
0x1b6: {  	[tilespmem:$0x9970] =	vst v2  }
0x1b7: {  	[tilespmem:$0x9960] =	vst v1  }
0x1b8: {  	[spmem:s3] =	stream.indirect.scatter.add.f32 [tilespmem:s16], [sflag:$0x5], $0x80, s14, s15, $0xb8;
	[tilespmem:$0x1D980] =	vst v63  }
0x1b9: {  	_ =	swait.ge [sflag:s26], $0x400  }
0x1ba: {  	s23 =	stileid.u32;
	[sflag:s26] =	ssyncset.done $0x0  }
0x1bb: {  	s24 =	sshrl.u32 s10, $0x3;
	s17 =	sadd.s32 $0x1, s17;
	[sflag:s26] =	ssyncadd.s32 $0xFFFFFC00  }
0x1bc: {  	p0 =	sne.s32 s17, s25;
	s18 =	sshll.u32 s23, $0x6;
	[bflag:$0x0] =	sbarrier.arrive $0xFFFF  }
.Ltmp4:
0x1bd: {  	s18 =	sor.u32 $0x1C05, s18;
	s20 =	rddreg [dreg:$0x12];
	(pc) =	sbr.rel @p0 .LBB2_1-.Ltmp4, $4  }
0x1be: {  	[hbm:s20], [sflag:s18] =	dma.local [spmem:s24], $0x2780  }
0x1bf: {  	_ =	swait.ge [sflag:s26], $0x2780  }
0x1c0: {  	[sflag:s26] =	ssyncset.done $0x0  }
0x1c1: {  	[sflag:s26] =	ssyncadd.s32 $0xFFFFD880  }
0x1c2: {  	_ =	sfence.sel $0x180000  }
0x1c3: {  	[bflag:$0x0] =	sbarrier.arrive $0xFFFF  }
0x1c4: {  	_ =	strace $0x90000047  }
0x1c5: {  	s0 =	stileid.u32;
	[bflag:$0x2] =	sbarrier.arrive $0xFFFF  }
0x1c6: {  	p0 =	sne.s32 s0, $0x0;
	s0 =	rddreg [dreg:$0x3]  }
0x1c7: {  	s0 =	sadd.s32 @!p0 $0x100000, s0  }
0x1c8: {  	[sflag:s0] =	ssyncadd.tile.s32 @!p0 $0x1;
	_ =	shalt  }
.Lfunc_end2:
_tile_overlayer_lowered:
.L_overlay_start_2:
0x1c9: {  	(tag) =	ssettag $0x2  }
0x1ca: {  	s0 =	rddreg [dreg:$0x0];
	s2 =	stileid.u32  }
0x1cb: {  	s1 =	rddreg [dreg:$0x1];
	p0 =	sne.s32 s2, $0x0  }
0x1cc: {  	s3 =	rddreg [dreg:$0x2];
	[bflag:$0x3] =	sbarrier.arrive $0xFFFF;
	s2 =	simm.s32 @!p0 $0x1C05  }
0x1cd: {  	[timem:s3], [sflag:s2] =	dma.local @!p0 [hbm:s0], s1  }
0x1ce: {  	s0 =	simm.s32 @!p0 $0x5  }
0x1cf: {  	_ =	swait.ge @!p0 [sflag:s0], s1  }
0x1d0: {  	s1 =	ssub.s32 @!p0 $0x0, s1;
	[sflag:s0] =	ssyncset.done @!p0 $0x0  }
0x1d1: {  	[sflag:s0] =	ssyncadd.s32 @!p0 s1  }
0x1d2: {  	[bflag:$0x3] =	sbarrier.arrive $0xFFFF  }
0x1d3: {  	_ =	shalt  }

// kernel: kernel.8.cloned.1.call-start
scs
__scs_entry_jumppad:
0x0: {  	(pc) =	sbr.rel $0x88, $3  }
0x1: {  	(tag) =	ssettag $0x0;
	lr =	simm.s32 $0x1  }
0x2: {  	[smem:$0x3F98] =	sst lr;
	_ =	strace $0xD0000000  }
0x3: {  	_ = 	snop  }
0x4: {  	_ = 	snop  }
0x5: {  	_ = 	snop  }
0x6: {  	_ = 	snop  }
0x7: {  	_ = 	snop  }
__scs_overlays_trampoline_lowered:
0x8: {  	[smem:$0x3FA7] =	sst s0  }
0x9: {  	[smem:$0x3FA8] =	sst s1  }
0xa: {  	[smem:$0x3FA9] =	sst s2  }
0xb: {  	[smem:$0x3FAA] =	sst s3  }
0xc: {  	[smem:$0x3FAB] =	sst s4  }
0xd: {  	[smem:$0x3FAC] =	sst s5  }
0xe: {  	[smem:$0x3FAD] =	sst s6  }
0xf: {  	[smem:$0x3FAE] =	sst s7  }
0x10: {  	[smem:$0x3FAF] =	sst s8  }
0x11: {  	[smem:$0x3FB0] =	sst s9;
	s0 =	simm.s32 @!p0 $0x0  }
0x12: {  	s1 =	sld [smem:$0x3F96];
	s0 =	simm.s32 @p0 $0x1  }
0x13: {  	[smem:$0x3FB1] =	sst s0;
	s0 =	simm.s32 @!p1 $0x0  }
0x14: {  	s2 =	sld [smem:$0x3F95];
	s0 =	simm.s32 @p1 $0x1  }
0x15: {  	[smem:$0x3FB2] =	sst s0;
	s0 =	simm.s32 @!p2 $0x0  }
0x16: {  	s3 =	sld [smem:$0x3FDB];
	s0 =	simm.s32 @p2 $0x1  }
0x17: {  	s4 =	simm.s32 $0x1BF5;
	[smem:$0x3FB4] =	sst s0  }
0x18: {  	s0 =	sld [smem:$0x3F97];
	_ =	swait.ge [sflag:s4], $0x0  }
0x19: {  	s7 =	sld [smem:$0x3F98]  }
0x1a: {  	s8 =	sadd.s32 $0xFFFFE003, lr  }
0x1b: {  	s9 =	sadd.s32 $0xFFFFFEF7, lr;
	s5 =	simm.s32 $0xFFFFFFFF;
	p2 =	slt.u32 s8, $0xFFFFF086  }
0x1c: {  	p1 =	slt.u32 s9, $0xF7A;
	s5 =	simm.s32 @!p2 $0x0  }
0x1d: {  	s5 =	simm.s32 @p1 $0x1;
	p0 =	seq.s32 s7, s2  }
0x1e: {  	s7 =	smul.u32 @!p0 $0xF7A, s2;
	p2 =	seq.s32 @!p0 s5, $0x0  }
0x1f: {  	s9 =	smul.u32 $0xF7A, s1;
	s8 =	simm.s32 @!p0 $0x1BF5;
	p2 =	por !p2, p0  }
0x20: {  	[sflag:s8] =	ssyncset.s32 @!p0 $0xFFFFF086;
	s6 =	sadd.s32 @!p0 s3, s7;
	s7 =	simm.s32 @!p0 $0x108  }
0x21: {  	s3 =	sadd.s32 s3, s9;
	s6 =	sadd.s32 @!p0 $0x88, s6;
	s7 =	simm.s32 @p2 $0x1082  }
0x22: {  	[simem:s7], [sflag:s8] =	dma.local @!p0 [hbm:s6], $0xF7A  }
0x23: {  	s9 =	sor.u32 $0xD0000000, s2;
	s6 =	simm.s32 $0x108;
	_ =	swait.ge @!p0 [sflag:s8], $0x0  }
0x24: {  	s3 =	sadd.s32 $0x88, s3;
	s6 =	simm.s32 @!p1 $0x1082;
	[sflag:s4] =	ssyncset.s32 $0xFFFFF086  }
0x25: {  	[simem:s6], [sflag:s4] =	dma.local [hbm:s3], $0xF7A  }
0x26: {  	[smem:$0x3F98] =	sst s1;
	(tag) =	ssettag s2;
	_ =	strace s9  }
0x27: {  	s1 =	sld [smem:$0x3FA8]  }
0x28: {  	s2 =	sld [smem:$0x3FA9]  }
0x29: {  	s4 =	sld [smem:$0x3FAB]  }
0x2a: {  	p0 =	seq.s32 s5, $0x0;
	s5 =	sld [smem:$0x3FAC]  }
0x2b: {  	s6 =	sld [smem:$0x3FAD]  }
0x2c: {  	s7 =	sld [smem:$0x3FAE]  }
0x2d: {  	s3 =	simm.s32 $0x108;
	s8 =	sld [smem:$0x3FAF]  }
0x2e: {  	s3 =	simm.s32 @!p0 $0x1082;
	s9 =	sld [smem:$0x3FB0]  }
0x2f: {  	lr =	sadd.s32 s0, s3;
	s0 =	sld [smem:$0x3FA7]  }
0x30: {  	s3 =	sld [smem:$0x3FAA]  }
0x31: {  	[smem:$0x3FB3] =	sst s10  }
0x32: {  	s10 =	sld [smem:$0x3FB1];
	_ =	sdelay $0x3  }
0x33: {  	p0 =	seq.s32 s10, $0x1;
	s10 =	sld [smem:$0x3FB3];
	_ =	sdelay $0x3  }
0x34: {  	[smem:$0x3FB3] =	sst s10  }
0x35: {  	s10 =	sld [smem:$0x3FB2];
	_ =	sdelay $0x3  }
0x36: {  	p1 =	seq.s32 s10, $0x1;
	s10 =	sld [smem:$0x3FB3];
	_ =	sdelay $0x3  }
0x37: {  	[smem:$0x3FB3] =	sst s10  }
0x38: {  	s10 =	sld [smem:$0x3FB4]  }
0x39: {  	_ = 	snop;
	(pc) =	sbr.ind lr, $3  }
0x3a: {  	_ = 	snop  }
0x3b: {  	_ = 	snop  }
0x3c: {  	p2 =	seq.s32 s10, $0x1;
	s10 =	sld [smem:$0x3FB3]  }
0x3d: {  	_ =	shalt  }
0x3e: {  	_ =	shalt  }
0x3f: {  	_ =	shalt  }
0x40: {  	_ =	shalt  }
0x41: {  	_ =	shalt  }
0x42: {  	_ =	shalt  }
0x43: {  	_ =	shalt  }
0x44: {  	_ =	shalt  }
0x45: {  	_ =	shalt  }
0x46: {  	_ =	shalt  }
0x47: {  	_ =	shalt  }
0x48: {  	_ =	shalt  }
0x49: {  	_ =	shalt  }
0x4a: {  	_ =	shalt  }
0x4b: {  	_ =	shalt  }
0x4c: {  	_ =	shalt  }
0x4d: {  	_ =	shalt  }
0x4e: {  	_ =	shalt  }
0x4f: {  	_ =	shalt  }
0x50: {  	_ =	shalt  }
0x51: {  	_ =	shalt  }
0x52: {  	_ =	shalt  }
0x53: {  	_ =	shalt  }
0x54: {  	_ =	shalt  }
0x55: {  	_ =	shalt  }
0x56: {  	_ =	shalt  }
0x57: {  	_ =	shalt  }
0x58: {  	_ =	shalt  }
0x59: {  	_ =	shalt  }
0x5a: {  	_ =	shalt  }
0x5b: {  	_ =	shalt  }
0x5c: {  	_ =	shalt  }
0x5d: {  	_ =	shalt  }
0x5e: {  	_ =	shalt  }
0x5f: {  	_ =	shalt  }
0x60: {  	_ =	shalt  }
0x61: {  	_ =	shalt  }
0x62: {  	_ =	shalt  }
0x63: {  	_ =	shalt  }
0x64: {  	_ =	shalt  }
0x65: {  	_ =	shalt  }
0x66: {  	_ =	shalt  }
0x67: {  	_ =	shalt  }
0x68: {  	_ =	shalt  }
0x69: {  	_ =	shalt  }
0x6a: {  	_ =	shalt  }
0x6b: {  	_ =	shalt  }
0x6c: {  	_ =	shalt  }
0x6d: {  	_ =	shalt  }
0x6e: {  	_ =	shalt  }
0x6f: {  	_ =	shalt  }
0x70: {  	_ =	shalt  }
0x71: {  	_ =	shalt  }
0x72: {  	_ =	shalt  }
0x73: {  	_ =	shalt  }
0x74: {  	_ =	shalt  }
0x75: {  	_ =	shalt  }
0x76: {  	_ =	shalt  }
0x77: {  	_ =	shalt  }
0x78: {  	_ =	shalt  }
0x79: {  	_ =	shalt  }
0x7a: {  	_ =	shalt  }
0x7b: {  	_ =	shalt  }
0x7c: {  	_ =	shalt  }
0x7d: {  	_ =	shalt  }
0x7e: {  	_ =	shalt  }
0x7f: {  	_ =	shalt  }
0x80: {  	_ =	shalt  }
0x81: {  	_ =	shalt  }
0x82: {  	_ =	shalt  }
0x83: {  	_ =	shalt  }
0x84: {  	_ =	shalt  }
0x85: {  	_ =	shalt  }
0x86: {  	_ =	shalt  }
0x87: {  	_ =	shalt  }
.Lfunc_end0:
.L_simem_size_0:
called_computation_lowered:
.L_overlay_start_0:
0x88: {  	s2 =	sld [smem:$0x3FD9]  }
0x89: {  	s3 =	sld [smem:$0x3FFE];
	_ =	sdelay $0x1  }
0x8a: {  	s1 =	srdreg.scid  }
0x8b: {  	s0 =	sand.u32 $0x1, s1  }
0x8c: {  	s17 =	sshll.u32 s0, $0xA;
	s2 =	sadd.s32 s3, s2  }
0x8d: {  	s2 =	sadd.s32 s2, s17  }
0x8e: {  	[smem:$0x3FBF] =	sst s2  }
0x8f: {  	_ = 	snop  }
0x90: {  	s18 =	sld [smem:$0x3FD0];
	(tm) =	ssettm $0x1  }
0x91: {  	s19 =	sld [smem:$0x3FFB];
	_ =	sdelay $0x3  }
0x92: {  	_ =	strace s19  }
0x93: {  	s2 =	sld [smem:$0x3FFC];
	_ =	sdelay $0x3  }
0x94: {  	_ =	strace s2  }
0x95: {  	s2 =	sld [smem:$0x3FFD];
	_ =	sdelay $0x3  }
0x96: {  	_ =	strace s2  }
0x97: {  	_ =	strace $0x8FFFFFFF  }
0x98: {  	s20 =	sld [smem:$0x3FDB];
	_ =	sdelay $0x1  }
0x99: {  	s4 =	simm.s32 $_scs_section_size  }
0x9a: {  	s5 =	simm.s32 $_size__tile_overlayer_lowered;
	s6 =	simm.s32 $_tile_overlayer_lowered  }
0x9b: {  	s7 =	simm.s32 $0x1BFF;
	s21 =	sshll.u32 s6, $0x1;
	s4 =	sadd.s32 s4, s20  }
0x9c: {  	s22 =	simm.s32 $0x0;
	s5 =	sshll.u32 s5, $0x1;
	s6 =	sadd.s32 s21, s4  }
0x9d: {  	[timem:s22], [sflag:s7] =	dma.local [hbm:s6], s5  }
0x9e: {  	_ =	swait.ge [sflag:s7], s5  }
0x9f: {  	s5 =	ssub.s32 $0x0, s5;
	[sflag:s7] =	ssyncset.done $0x0  }
0xa0: {  	[sflag:s7] =	ssyncadd.s32 s5;
	_ =	sdelay $0x1  }
0xa1: {  	s23 =	simm.s32 $0x1B8B  }
0xa2: {  	_ =	swait.ge [sflag:s23], $0x1  }
0xa3: {  	[sflag:s23] =	ssyncset.done $0x0  }
0xa4: {  	[sflag:s23] =	ssyncadd.s32 $0xFFFFFFFF  }
0xa5: {  	s5 =	sld [smem:$0x0]  }
0xa6: {  	s6 =	sand.u32 $0xFFFFFFFE, s1  }
0xa7: {  	p0 =	sne.s32 s1, s6  }
0xa8: {  	s6 =	sshll.u32 @p0 s6, $0xE  }
0xa9: {  	s6 =	sadd.s32 @p0 $0x11B8D, s6;
	s7 =	sshll.u32 @p0 s5, $0x11  }
0xaa: {  	s6 =	sor.u32 @p0 s7, s6  }
0xab: {  	[sflag:s6] =	ssyncadd.remote.s32 @p0 $0x1;
	_ =	sdelay $0x1  }
0xac: {  	s6 =	simm.s32 @p0 $0x1B8D  }
0xad: {  	_ =	swait.eq @p0 [sflag:s6], $0x1  }
0xae: {  	[sflag:s6] =	ssyncadd.s32 @p0 $0xFFFFFFFF  }
0xaf: {  	s7 =	sshll.u32 @!p0 s1, $0xE  }
0xb0: {  	s7 =	sor.u32 @!p0 $0x4000, s7;
	s6 =	simm.s32 @!p0 $0x1B8D  }
0xb1: {  	s5 =	sshll.u32 @!p0 s5, $0x11;
	s7 =	sadd.s32 @!p0 $0x11B8D, s7;
	_ =	swait.eq @!p0 [sflag:s6], $0x1  }
0xb2: {  	s5 =	sor.u32 @!p0 s5, s7;
	[sflag:s6] =	ssyncadd.s32 @!p0 $0xFFFFFFFF  }
0xb3: {  	s25 =	simm.s32 $0x1B8E;
	s24 =	sld [smem:$0x3FFE];
	[sflag:s5] =	ssyncadd.remote.s32 @!p0 $0x1  }
0xb4: {  	s26 =	simm.s32 $execute0_lowered;
	[smem:$0x3FD2] =	sst s25  }
0xb5: {  	s6 =	sshll.u32 s26, $0x1;
	_ =	strace $0x80000049;
	[dreg:$0x1] =	wrdreg $0xFFFFFFFF  }
0xb6: {  	s28 =	simm.s32 $_size_execute0_lowered;
	s4 =	sadd.s32 s4, s6;
	[dreg:$0x0] =	wrdreg $0x0  }
0xb7: {  	s6 =	sshll.u32 s28, $0x1;
	[dreg:$0x2] =	wrdreg s4  }
0xb8: {  	[dreg:$0x3] =	wrdreg s6  }
0xb9: {  	[dreg:$0x4] =	wrdreg $0xC0  }
0xba: {  	_ =	task [dreg:s22], $0x5FFFF  }
0xbb: {  	[dreg:$0x1] =	wrdreg $0xFFFFFFFF  }
0xbc: {  	[dreg:$0x0] =	wrdreg $0x60  }
0xbd: {  	[dreg:$0x2] =	wrdreg s18  }
0xbe: {  	[dreg:$0x3] =	wrdreg s24  }
0xbf: {  	[dreg:$0x4] =	wrdreg $0x9D800  }
0xc0: {  	[dreg:$0x5] =	wrdreg $0x9  }
0xc1: {  	_ =	task.clear_ibuf [dreg:s22], $0x6FFFF;
	_ =	strace $0x90000049  }
0xc2: {  	s29 =	simm.s32 $0x9;
	_ =	strace $0x8000004B  }
0xc3: {  	_ =	swait.ge [sflag:s29], $0x1  }
0xc4: {  	[sflag:s29] =	ssyncadd.s32 $0xFFFFFFFF  }
0xc5: {  	_ =	strace $0x9000004B  }
0xc6: {  	_ =	sfence  }
0xc7: {  	s30 =	sld [smem:$0x0];
	_ =	sdelay $0x2  }
0xc8: {  	s31 =	sshll.u32 s1, $0xD;
	s1 =	sshrl.u32 s1, $0x2  }
0xc9: {  	s4 =	sand.u32 $0x4000, s31;
	s1 =	sadd.s32 s1, s30  }
0xca: {  	s0 =	sor.u32 s4, s0;
	s1 =	sshll.u32 s1, $0x11  }
0xcb: {  	s0 =	sor.u32 s1, s0  }
0xcc: {  	s0 =	sadd.s32 $0x8F2B, s0  }
0xcd: {  	[sflag:s0] =	ssyncadd.remote.s32 $0x1  }
0xce: {  	_ =	sfence.sel $0xFFFF  }
0xcf: {  	[dreg:$0x0] =	wrdreg $0xFFFFFFFF;
	(pc) =	sbr.abs _section_cstart, $3  }
0xd0: {  	[dreg:$0x1] =	wrdreg $0xFFFFFFFF  }
0xd1: {  	_ =	task.clear_ibuf [dreg:s22], $0x2FFFF;
	_ =	strace $0x9FFFFFFF  }
0xd2: {  	(tm) =	ssettm $0x7FFFFFFF  }
0xd3: {  	_ =	shalt  }
tec
execute0_lowered:
.L_overlay_start_1:
0x0: {  	(tag) =	ssettag $0x1  }
0x1: {  	s1 =	rddreg [dreg:$0x0]  }
0x2: {  	s0 =	srdreg.scid;
	s8 =	rddreg [dreg:$0x1]  }
0x3: {  	s6 =	stileid.u32;
	s3 =	rddreg [dreg:$0x2];
	s5 =	simm.s32 $0x0  }
0x4: {  	s28 =	simm.s32 $0x1400;
	s0 =	sand.u32 $0x1, s0;
	s9 =	smul.u32 $0x2780, s6  }
0x5: {  	s29 =	simm.s32 $0x40;
	s12 =	smul.u32 $0x4F000, s6;
	s2 =	sshll.u32 s0, $0x4  }
0x6: {  	s31 =	simm.s32 $0x1480;
	s10 =	smul.u32 $0x27800, s0;
	s2 =	sor.u32 s6, s2  }
0x7: {  	s30 =	simm.s32 $0x7500;
	[smem:$0x7FF] =	sst s5;
	s4 =	smul.u32 $0x1388, s2  }
0x8: {  	s7 =	sadd.s32 $0x1A00, s8;
	_ =	strace $0x8000004A;
	s2 =	smul.u32 $0x13880, s2  }
0x9: {  	s6 =	sadd.s32 $0x2D5600, s8;
	s25 =	sshrl.u32 s12, $0x2;
	s9 =	sadd.s32 s9, s10  }
0xa: {  	s9 =	sadd.s32 s9, s8;
	s11 =	sshrl.u32 s4, $0x3;
	s2 =	sadd.s32 s6, s2  }
0xb: {  	s13 =	sadd.s32 s11, s8;
	s11 =	sadd.s32 s7, s11;
	[dreg:$0xf] =	wrdreg s2  }
0xc: {  	s8 =	sadd.s32 s25, s3;
	s13 =	sadd.s32 $0xB800, s13;
	[dreg:$0xe] =	wrdreg s11  }
0xd: {  	s0 =	ssub.s32 $0x2, s0;
	s14 =	sadd.s32 $0x2000, s8;
	[dreg:$0x4] =	wrdreg s13  }
0xe: {  	s26 =	sshrl.u32 s0, $0x1;
	s15 =	sadd.s32 $0x4000, s8;
	[dreg:$0x5] =	wrdreg s14  }
0xf: {  	s12 =	simm.s32 $0x9500;
	s16 =	sadd.s32 $0x6000, s8;
	[dreg:$0x6] =	wrdreg s15  }
0x10: {  	s0 =	ssub.s32 s0, s26;
	s17 =	sadd.s32 $0x8000, s8;
	[dreg:$0x7] =	wrdreg s16  }
0x11: {  	s10 =	simm.s32 $0x3;
	s18 =	sadd.s32 $0xA000, s8;
	[dreg:$0x8] =	wrdreg s17  }
0x12: {  	s22 =	sadd.s32 $0x1380, s4;
	s19 =	sadd.s32 $0xC000, s8;
	[dreg:$0x9] =	wrdreg s18  }
0x13: {  	s24 =	sshrl.u32 s22, $0x3;
	s20 =	sadd.s32 $0xE000, s8;
	[dreg:$0xa] =	wrdreg s19  }
0x14: {  	s26 =	sshll.u32 s22, $0x4;
	s21 =	sadd.s32 $0x10000, s8;
	[dreg:$0xb] =	wrdreg s20  }
0x15: {  	s23 =	sadd.s32 $0x12000, s8;
	s25 =	sadd.s32 s7, s24;
	[dreg:$0xc] =	wrdreg s21  }
0x16: {  	s2 =	sadd.s32 s6, s26;
	s24 =	smax.u32 s0, $0x1;
	[dreg:$0xd] =	wrdreg s23  }
0x17: {  	s26 =	simm.s32 $0x1500;
	s0 =	simm.s32 $0x1;
	[dreg:$0x10] =	wrdreg s25  }
0x18: {  	s11 =	simm.s32 $0x4;
	[dreg:$0x11] =	wrdreg s2;
	s23 =	sadd.s32 $0x546600, s9  }
0x19: {  	s25 =	simm.s32 $0x5;
	s2 =	simm.s32 $0x3500;
	s9 =	simm.s32 $0x2  }
0x1a: {  	v0 =	vimm.f32 $0.0e+00;
	s13 =	simm.s32 $0x8;
	s14 =	simm.s32 $0x9580;
	s15 =	simm.s32 $0x0  }
.LBB2_1:
0x1b: {  	s16 =	rddreg [dreg:$0x4]  }
0x1c: {  	[tilespmem:s5], [sflag:$0x5] =	stream.linear.gather [hbm4b:s16+s5], $0x1388, $0x38;
	[tilespmem:$0x1D980] =	vst v63  }
0x1d: {  	_ =	swait.ge [sflag:s25], $0x1388  }
0x1e: {  	[sflag:s25] =	ssyncset.done $0x0  }
0x1f: {  	s17 =	simm.s32 $0x200;
	s16 =	simm.s32 $0x0;
	[sflag:s25] =	ssyncadd.s32 $0xFFFFEC78  }
.LBB2_2:
0x20: {  	p0 =	sne.s32 s17, $0x7E00;
	[tilespmem:s16+$0x1570] =	vst v0  }
0x21: {  	[tilespmem:s16+$0x1500] =	vst v0  }
0x22: {  	[tilespmem:s16+$0x1510] =	vst v0  }
.Ltmp0:
0x23: {  	[tilespmem:s16+$0x1520] =	vst v0;
	(pc) =	sbr.rel @p0 .LBB2_2-.Ltmp0, $4  }
0x24: {  	[tilespmem:s16+$0x1530] =	vst v0  }
0x25: {  	[tilespmem:s16+$0x1540] =	vst v0  }
0x26: {  	[tilespmem:s16+$0x1550] =	vst v0  }
0x27: {  	[tilespmem:s16+$0x1560] =	vst v0;
	s16 =	sshra.s32 s17, $0x2;
	s17 =	sadd.s32 $0x200, s17  }
0x28: {  	[tilespmem:s16+$0x1570] =	vst v0  }
0x29: {  	[tilespmem:s16+$0x1500] =	vst v0  }
0x2a: {  	[tilespmem:s16+$0x1510] =	vst v0  }
0x2b: {  	[tilespmem:s16+$0x1520] =	vst v0  }
0x2c: {  	[tilespmem:s16+$0x1530] =	vst v0  }
0x2d: {  	[tilespmem:s16+$0x1540] =	vst v0  }
0x2e: {  	[tilespmem:s16+$0x1550] =	vst v0  }
0x2f: {  	[tilespmem:s16+$0x1560] =	vst v0  }
0x30: {  	[spmem:s8] =	stream.linear.scatter [tilespmem:s26], [sflag:$0x5], $0x2000, $0x38;
	[tilespmem:$0x1D980] =	vst v63  }
0x31: {  	_ =	swait.ge [sflag:s25], $0x2000  }
0x32: {  	[sflag:s25] =	ssyncset.done $0x0  }
0x33: {  	s19 =	rddreg [dreg:$0x5];
	[sflag:s25] =	ssyncadd.s32 $0xFFFFE000  }
0x34: {  	[spmem:s19] =	stream.linear.scatter [tilespmem:s26], [sflag:$0x5], $0x2000, $0x38;
	[tilespmem:$0x1D980] =	vst v63  }
0x35: {  	_ =	swait.ge [sflag:s25], $0x2000  }
0x36: {  	[sflag:s25] =	ssyncset.done $0x0  }
0x37: {  	s20 =	rddreg [dreg:$0x6];
	[sflag:s25] =	ssyncadd.s32 $0xFFFFE000  }
0x38: {  	[spmem:s20] =	stream.linear.scatter [tilespmem:s26], [sflag:$0x5], $0x2000, $0x38;
	[tilespmem:$0x1D980] =	vst v63  }
0x39: {  	_ =	swait.ge [sflag:s25], $0x2000  }
0x3a: {  	[sflag:s25] =	ssyncset.done $0x0  }
0x3b: {  	s21 =	rddreg [dreg:$0x7];
	[sflag:s25] =	ssyncadd.s32 $0xFFFFE000  }
0x3c: {  	[spmem:s21] =	stream.linear.scatter [tilespmem:s26], [sflag:$0x5], $0x2000, $0x38;
	[tilespmem:$0x1D980] =	vst v63  }
0x3d: {  	_ =	swait.ge [sflag:s25], $0x2000  }
0x3e: {  	[sflag:s25] =	ssyncset.done $0x0  }
0x3f: {  	s22 =	rddreg [dreg:$0x8];
	[sflag:s25] =	ssyncadd.s32 $0xFFFFE000  }
0x40: {  	[spmem:s22] =	stream.linear.scatter [tilespmem:s26], [sflag:$0x5], $0x2000, $0x38;
	[tilespmem:$0x1D980] =	vst v63  }
0x41: {  	_ =	swait.ge [sflag:s25], $0x2000  }
0x42: {  	[sflag:s25] =	ssyncset.done $0x0  }
0x43: {  	s17 =	rddreg [dreg:$0x9];
	[sflag:s25] =	ssyncadd.s32 $0xFFFFE000  }
0x44: {  	[spmem:s17] =	stream.linear.scatter [tilespmem:s26], [sflag:$0x5], $0x2000, $0x38;
	[tilespmem:$0x1D980] =	vst v63  }
0x45: {  	_ =	swait.ge [sflag:s25], $0x2000  }
0x46: {  	[sflag:s25] =	ssyncset.done $0x0  }
0x47: {  	s18 =	rddreg [dreg:$0xa];
	[sflag:s25] =	ssyncadd.s32 $0xFFFFE000  }
0x48: {  	[spmem:s18] =	stream.linear.scatter [tilespmem:s26], [sflag:$0x5], $0x2000, $0x38;
	[tilespmem:$0x1D980] =	vst v63  }
0x49: {  	_ =	swait.ge [sflag:s25], $0x2000  }
0x4a: {  	[sflag:s25] =	ssyncset.done $0x0  }
0x4b: {  	s19 =	rddreg [dreg:$0xb];
	[sflag:s25] =	ssyncadd.s32 $0xFFFFE000  }
0x4c: {  	[spmem:s19] =	stream.linear.scatter [tilespmem:s26], [sflag:$0x5], $0x2000, $0x38;
	[tilespmem:$0x1D980] =	vst v63  }
0x4d: {  	_ =	swait.ge [sflag:s25], $0x2000  }
0x4e: {  	[sflag:s25] =	ssyncset.done $0x0  }
0x4f: {  	s20 =	rddreg [dreg:$0xc];
	[sflag:s25] =	ssyncadd.s32 $0xFFFFE000  }
0x50: {  	[spmem:s20] =	stream.linear.scatter [tilespmem:s26], [sflag:$0x5], $0x2000, $0x38;
	[tilespmem:$0x1D980] =	vst v63  }
0x51: {  	_ =	swait.ge [sflag:s25], $0x2000  }
0x52: {  	[sflag:s25] =	ssyncset.done $0x0  }
0x53: {  	s21 =	rddreg [dreg:$0xd];
	[sflag:s25] =	ssyncadd.s32 $0xFFFFE000  }
0x54: {  	[spmem:s21] =	stream.linear.scatter [tilespmem:s26], [sflag:$0x5], $0x1C00, $0x38;
	[tilespmem:$0x1D980] =	vst v63  }
0x55: {  	_ =	swait.ge [sflag:s25], $0x1C00  }
0x56: {  	[sflag:s25] =	ssyncset.done $0x0  }
0x57: {  	[sflag:s25] =	ssyncadd.s32 $0xFFFFE400  }
0x58: {  	[bflag:$0x0] =	sbarrier.arrive $0xFFFF  }
0x59: {  	s16 =	simm.s32 $0x0;
	s17 =	rddreg [dreg:$0xe]  }
0x5a: {  	[tilespmem:s28], [sflag:$0x1] =	stream.linear.gather [hbm4b:s17+s16], $0x40, $0x38;
	[tilespmem:$0x1D980] =	vst v63  }
0x5b: {  	_ = 	snop  }
0x5c: {  	[tilespmem:s26], [sflag:$0x1] =	stream.indirect.gather [hbm4b:s1+s29], $0x80, s16, s29, $0xb8;
	[tilespmem:$0x1D980] =	vst v63  }
0x5d: {  	s18 =	simm.s32 $0x5500;
	s22 =	rddreg [dreg:$0xf];
	s17 =	simm.s32 $0x0  }
0x5e: {  	[tilespmem:s18], [sflag:$0x1] =	stream.linear.gather [hbm4b:s22+s16], $0x2000, $0x38;
	[tilespmem:$0x1D980] =	vst v63  }
.LBB2_4:
0x5f: {  	s18 =	sshll.u32 s17, $0x7;
	p0 =	seq.s32 s17, $0x0  }
0x60: {  	s19 =	simm.s32 @!p0 $0x4;
	s20 =	sor.u32 $0x40, s18  }
0x61: {  	_ =	swait.ge @!p0 [sflag:s19], $0x2000;
	s21 =	sadd.s32 s4, s20  }
0x62: {  	[sflag:s19] =	ssyncset.done @!p0 $0x0;
	s22 =	sshrl.u32 s21, $0x3  }
0x63: {  	[sflag:s19] =	ssyncadd.s32 @!p0 $0xFFFFE000;
	s22 =	sadd.s32 s7, s22  }
0x64: {  	[tilespmem:s31], [sflag:$0x2] =	stream.linear.gather [hbm4b:s22+s16], $0x40, $0x38;
	[tilespmem:$0x1D980] =	vst v63  }
0x65: {  	s22 =	sshll.u32 s21, $0x4  }
0x66: {  	[tilespmem:s2], [sflag:$0x2] =	stream.indirect.gather [hbm4b:s1+s29], $0x80, s20, s29, $0xb8;
	[tilespmem:$0x1D980] =	vst v63  }
0x67: {  	s19 =	sadd.s32 s6, s22  }
0x68: {  	[tilespmem:s30], [sflag:$0x2] =	stream.linear.gather [hbm4b:s19+s16], $0x2000, $0x38;
	[tilespmem:$0x1D980] =	vst v63  }
0x69: {  	_ =	swait.ge [sflag:s0], $0x40  }
0x6a: {  	[sflag:s0] =	ssyncset.done $0x0  }
0x6b: {  	[sflag:s0] =	ssyncadd.s32 $0xFFFFFFC0  }
0x6c: {  	_ =	swait.ge [sflag:s0], $0x2000  }
0x6d: {  	[sflag:s0] =	ssyncset.done $0x0  }
0x6e: {  	[sflag:s0] =	ssyncadd.s32 $0xFFFFE000  }
0x6f: {  	_ =	swait.ge [sflag:s0], $0x2000  }
0x70: {  	[sflag:s0] =	ssyncset.done $0x0  }
0x71: {  	s19 =	simm.s32 $0x0;
	[sflag:s0] =	ssyncadd.s32 $0xFFFFE000  }
0x72: {  	v7 =	vld [tilespmem:s19+$0x5500]  }
0x73: {  	v8 =	vld [tilespmem:s19+$0x5510]  }
0x74: {  	v9 =	vld [tilespmem:s19+$0x5520]  }
0x75: {  	v10 =	vld [tilespmem:s19+$0x5530]  }
0x76: {  	v11 =	vld [tilespmem:s19+$0x5540]  }
0x77: {  	v12 =	vld [tilespmem:s19+$0x5550]  }
0x78: {  	v13 =	vld [tilespmem:s19+$0x5560]  }
0x79: {  	v14 =	vld [tilespmem:s19+$0x5570]  }
0x7a: {  	v15 =	vld [tilespmem:s19+$0x5580]  }
0x7b: {  	v16 =	vld [tilespmem:s19+$0x5590]  }
0x7c: {  	v6 =	vld [tilespmem:s19+$0x55A0]  }
0x7d: {  	v5 =	vld [tilespmem:s19+$0x55B0]  }
0x7e: {  	v4 =	vld [tilespmem:s19+$0x55C0]  }
0x7f: {  	v3 =	vld [tilespmem:s19+$0x55D0]  }
0x80: {  	v2 =	vld [tilespmem:s19+$0x55E0]  }
0x81: {  	v1 =	vld [tilespmem:s19+$0x55F0]  }
0x82: {  	v17 =	vld [tilespmem:s19+$0x1500]  }
0x83: {  	v18 =	vld [tilespmem:s19+$0x1510]  }
0x84: {  	v19 =	vld [tilespmem:s19+$0x1520]  }
0x85: {  	v20 =	vld [tilespmem:s19+$0x1530]  }
0x86: {  	v21 =	vld [tilespmem:s19+$0x1540]  }
0x87: {  	v60 =	vld [tilespmem:s19+$0x1550];
	v7 =	vmul.f32 v7, v17  }
0x88: {  	v22 =	vld [tilespmem:s19+$0x1560];
	v8 =	vmul.f32 v8, v18  }
0x89: {  	v61 =	vld [tilespmem:s19+$0x1570];
	[tilespmem:s19+$0x1500] =	vst v7;
	v7 =	vmul.f32 v9, v19  }
0x8a: {  	v62 =	vld [tilespmem:s19+$0x1580];
	[tilespmem:s19+$0x1510] =	vst v8;
	v8 =	vmul.f32 v10, v20  }
0x8b: {  	v63 =	vld [tilespmem:s19+$0x1590];
	[tilespmem:s19+$0x1520] =	vst v7;
	v7 =	vmul.f32 v11, v21  }
0x8c: {  	v9 =	vmul.f32 v12, v60;
	[tilespmem:s19+$0x1530] =	vst v8;
	v8 =	vld [tilespmem:s19+$0x15A0]  }
0x8d: {  	v10 =	vmul.f32 v13, v22;
	[tilespmem:s19+$0x1540] =	vst v7;
	v7 =	vld [tilespmem:s19+$0x15B0]  }
0x8e: {  	[tilespmem:s19+$0x1550] =	vst v9;
	v9 =	vld [tilespmem:s19+$0x15C0];
	v11 =	vmul.f32 v14, v61  }
0x8f: {  	v13 =	vmul.f32 v15, v62;
	[tilespmem:s19+$0x1560] =	vst v10;
	v10 =	vld [tilespmem:s19+$0x15D0]  }
0x90: {  	s20 =	simm.s32 $0x400;
	v12 =	vmul.f32 v16, v63;
	[tilespmem:s19+$0x1570] =	vst v11;
	v11 =	vld [tilespmem:s19+$0x15E0]  }
.LBB2_5:
0x91: {  	s21 =	sshra.s32 s20, $0x2;
	p0 =	sne.s32 s20, $0x7C00;
	[tilespmem:s19+$0x1580] =	vst v13;
	v6 =	vmul.f32 v6, v8;
	v8 =	vld [tilespmem:s19+$0x15F0]  }
0x92: {  	v13 =	vld [tilespmem:s21+$0x5500];
	[tilespmem:s19+$0x1590] =	vst v12;
	v5 =	vmul.f32 v5, v7  }
0x93: {  	v7 =	vld [tilespmem:s21+$0x5510];
	[tilespmem:s19+$0x15A0] =	vst v6;
	v4 =	vmul.f32 v4, v9  }
0x94: {  	v9 =	vld [tilespmem:s21+$0x5520];
	[tilespmem:s19+$0x15B0] =	vst v5;
	v3 =	vmul.f32 v3, v10  }
0x95: {  	v10 =	vld [tilespmem:s21+$0x5530];
	[tilespmem:s19+$0x15C0] =	vst v4;
	v2 =	vmul.f32 v2, v11  }
0x96: {  	v11 =	vld [tilespmem:s21+$0x5540];
	[tilespmem:s19+$0x15D0] =	vst v3;
	v1 =	vmul.f32 v1, v8  }
0x97: {  	v8 =	vld [tilespmem:s21+$0x5550];
	[tilespmem:s19+$0x15E0] =	vst v2  }
0x98: {  	v12 =	vld [tilespmem:s21+$0x5560];
	[tilespmem:s19+$0x15F0] =	vst v1;
	s19 =	smov.u32 s21  }
0x99: {  	v14 =	vld [tilespmem:s19+$0x5570]  }
0x9a: {  	v15 =	vld [tilespmem:s19+$0x5580]  }
0x9b: {  	v16 =	vld [tilespmem:s19+$0x5590]  }
0x9c: {  	v6 =	vld [tilespmem:s19+$0x55A0]  }
0x9d: {  	v5 =	vld [tilespmem:s19+$0x55B0]  }
0x9e: {  	v4 =	vld [tilespmem:s19+$0x55C0]  }
0x9f: {  	v3 =	vld [tilespmem:s19+$0x55D0]  }
0xa0: {  	v2 =	vld [tilespmem:s19+$0x55E0]  }
0xa1: {  	v1 =	vld [tilespmem:s19+$0x55F0]  }
0xa2: {  	v17 =	vld [tilespmem:s19+$0x1500]  }
0xa3: {  	v18 =	vld [tilespmem:s19+$0x1510]  }
0xa4: {  	v19 =	vld [tilespmem:s19+$0x1520]  }
0xa5: {  	v20 =	vld [tilespmem:s19+$0x1530]  }
0xa6: {  	v21 =	vld [tilespmem:s19+$0x1540]  }
0xa7: {  	v13 =	vmul.f32 v13, v17;
	v17 =	vld [tilespmem:s19+$0x1550]  }
0xa8: {  	v7 =	vmul.f32 v7, v18;
	v18 =	vld [tilespmem:s19+$0x1560]  }
0xa9: {  	[tilespmem:s19+$0x1500] =	vst v13;
	v9 =	vmul.f32 v9, v19;
	v13 =	vld [tilespmem:s19+$0x1570]  }
0xaa: {  	[tilespmem:s19+$0x1510] =	vst v7;
	v7 =	vmul.f32 v10, v20;
	v10 =	vld [tilespmem:s19+$0x1580]  }
0xab: {  	[tilespmem:s19+$0x1520] =	vst v9;
	v9 =	vmul.f32 v11, v21;
	v11 =	vld [tilespmem:s19+$0x1590]  }
.Ltmp1:
0xac: {  	[tilespmem:s19+$0x1530] =	vst v7;
	v17 =	vmul.f32 v8, v17;
	v8 =	vld [tilespmem:s19+$0x15A0];
	(pc) =	sbr.rel @p0 .LBB2_5-.Ltmp1, $4  }
0xad: {  	[tilespmem:s19+$0x1540] =	vst v9;
	v12 =	vmul.f32 v12, v18;
	v7 =	vld [tilespmem:s19+$0x15B0]  }
0xae: {  	[tilespmem:s19+$0x1550] =	vst v17;
	v14 =	vmul.f32 v14, v13;
	v9 =	vld [tilespmem:s19+$0x15C0]  }
0xaf: {  	[tilespmem:s19+$0x1560] =	vst v12;
	v13 =	vmul.f32 v15, v10;
	v10 =	vld [tilespmem:s19+$0x15D0]  }
0xb0: {  	s20 =	sadd.s32 $0x400, s20;
	[tilespmem:s19+$0x1570] =	vst v14;
	v12 =	vmul.f32 v16, v11;
	v11 =	vld [tilespmem:s19+$0x15E0]  }
0xb1: {  	[tilespmem:s19+$0x1580] =	vst v13;
	v6 =	vmul.f32 v6, v8;
	v8 =	vld [tilespmem:s19+$0x15F0]  }
0xb2: {  	[tilespmem:s19+$0x1590] =	vst v12;
	v5 =	vmul.f32 v5, v7  }
0xb3: {  	[tilespmem:s19+$0x15A0] =	vst v6;
	v4 =	vmul.f32 v4, v9  }
0xb4: {  	[tilespmem:s19+$0x15B0] =	vst v5;
	v3 =	vmul.f32 v3, v10  }
0xb5: {  	[tilespmem:s19+$0x15C0] =	vst v4;
	v2 =	vmul.f32 v2, v11  }
0xb6: {  	[tilespmem:s19+$0x15D0] =	vst v3;
	v1 =	vmul.f32 v1, v8  }
0xb7: {  	p0 =	seq.s32 s17, $0x26;
	[tilespmem:s19+$0x15E0] =	vst v2  }
0xb8: {  	[tilespmem:s19+$0x15F0] =	vst v1;
	s19 =	simm.s32 @!p0 $0x3  }
0xb9: {  	[spmem:s3] =	stream.indirect.scatter.add.f32 [tilespmem:s26], [sflag:$0x3], $0x80, s28, s29, $0xb8;
	[tilespmem:$0x1D980] =	vst v63  }
0xba: {  	s18 =	sadd.s32 @!p0 $0x80, s18;
	_ =	swait.ge @!p0 [sflag:s19], $0x2000  }
0xbb: {  	s20 =	sadd.s32 @!p0 s4, s18;
	[sflag:s19] =	ssyncset.done @!p0 $0x0  }
0xbc: {  	[sflag:s19] =	ssyncadd.s32 @!p0 $0xFFFFE000;
	s19 =	sshrl.u32 @!p0 s20, $0x3  }
0xbd: {  	s21 =	simm.s32 @!p0 $0x0;
	s22 =	simm.s32 @!p0 $0x1400;
	s19 =	sadd.s32 @!p0 s7, s19  }
0xbe: {  	[tilespmem:s22], [sflag:$0x1] =	stream.linear.gather @!p0 [hbm4b:s19+s21], $0x40, $0x38;
	[tilespmem:$0x1D980] =	vst v63  }
0xbf: {  	s19 =	simm.s32 @!p0 $0x40;
	s22 =	simm.s32 @!p0 $0x1500  }
0xc0: {  	[tilespmem:s22], [sflag:$0x1] =	stream.indirect.gather @!p0 [hbm4b:s1+s19], $0x80, s18, s19, $0xb8;
	[tilespmem:$0x1D980] =	vst v63  }
0xc1: {  	s18 =	sshll.u32 @!p0 s20, $0x4  }
0xc2: {  	s19 =	simm.s32 @!p0 $0x5500;
	s18 =	sadd.s32 @!p0 s6, s18  }
0xc3: {  	[tilespmem:s19], [sflag:$0x1] =	stream.linear.gather @!p0 [hbm4b:s18+s21], $0x2000, $0x38;
	[tilespmem:$0x1D980] =	vst v63  }
0xc4: {  	_ =	swait.ge [sflag:s9], $0x40  }
0xc5: {  	[sflag:s9] =	ssyncset.done $0x0  }
0xc6: {  	[sflag:s9] =	ssyncadd.s32 $0xFFFFFFC0  }
0xc7: {  	_ =	swait.ge [sflag:s9], $0x2000  }
0xc8: {  	[sflag:s9] =	ssyncset.done $0x0  }
0xc9: {  	[sflag:s9] =	ssyncadd.s32 $0xFFFFE000  }
0xca: {  	_ =	swait.ge [sflag:s9], $0x2000  }
0xcb: {  	[sflag:s9] =	ssyncset.done $0x0  }
0xcc: {  	s18 =	simm.s32 $0x0;
	[sflag:s9] =	ssyncadd.s32 $0xFFFFE000  }
0xcd: {  	v7 =	vld [tilespmem:s18+$0x7500]  }
0xce: {  	v8 =	vld [tilespmem:s18+$0x7510]  }
0xcf: {  	v9 =	vld [tilespmem:s18+$0x7520]  }
0xd0: {  	v10 =	vld [tilespmem:s18+$0x7530]  }
0xd1: {  	v11 =	vld [tilespmem:s18+$0x7540]  }
0xd2: {  	v12 =	vld [tilespmem:s18+$0x7550]  }
0xd3: {  	v13 =	vld [tilespmem:s18+$0x7560]  }
0xd4: {  	v14 =	vld [tilespmem:s18+$0x7570]  }
0xd5: {  	v15 =	vld [tilespmem:s18+$0x7580]  }
0xd6: {  	v16 =	vld [tilespmem:s18+$0x7590]  }
0xd7: {  	v6 =	vld [tilespmem:s18+$0x75A0]  }
0xd8: {  	v5 =	vld [tilespmem:s18+$0x75B0]  }
0xd9: {  	v4 =	vld [tilespmem:s18+$0x75C0]  }
0xda: {  	v3 =	vld [tilespmem:s18+$0x75D0]  }
0xdb: {  	v2 =	vld [tilespmem:s18+$0x75E0]  }
0xdc: {  	v1 =	vld [tilespmem:s18+$0x75F0]  }
0xdd: {  	v17 =	vld [tilespmem:s18+$0x3500]  }
0xde: {  	v18 =	vld [tilespmem:s18+$0x3510]  }
0xdf: {  	v19 =	vld [tilespmem:s18+$0x3520]  }
0xe0: {  	v20 =	vld [tilespmem:s18+$0x3530]  }
0xe1: {  	v21 =	vld [tilespmem:s18+$0x3540]  }
0xe2: {  	v60 =	vld [tilespmem:s18+$0x3550];
	v7 =	vmul.f32 v7, v17  }
0xe3: {  	v22 =	vld [tilespmem:s18+$0x3560];
	v8 =	vmul.f32 v8, v18  }
0xe4: {  	v61 =	vld [tilespmem:s18+$0x3570];
	[tilespmem:s18+$0x3500] =	vst v7;
	v7 =	vmul.f32 v9, v19  }
0xe5: {  	v62 =	vld [tilespmem:s18+$0x3580];
	[tilespmem:s18+$0x3510] =	vst v8;
	v8 =	vmul.f32 v10, v20  }
0xe6: {  	v63 =	vld [tilespmem:s18+$0x3590];
	[tilespmem:s18+$0x3520] =	vst v7;
	v7 =	vmul.f32 v11, v21  }
0xe7: {  	v9 =	vmul.f32 v12, v60;
	[tilespmem:s18+$0x3530] =	vst v8;
	v8 =	vld [tilespmem:s18+$0x35A0]  }
0xe8: {  	v10 =	vmul.f32 v13, v22;
	[tilespmem:s18+$0x3540] =	vst v7;
	v7 =	vld [tilespmem:s18+$0x35B0]  }
0xe9: {  	[tilespmem:s18+$0x3550] =	vst v9;
	v9 =	vld [tilespmem:s18+$0x35C0];
	v11 =	vmul.f32 v14, v61  }
0xea: {  	v13 =	vmul.f32 v15, v62;
	[tilespmem:s18+$0x3560] =	vst v10;
	v10 =	vld [tilespmem:s18+$0x35D0]  }
0xeb: {  	s19 =	simm.s32 $0x400;
	v12 =	vmul.f32 v16, v63;
	[tilespmem:s18+$0x3570] =	vst v11;
	v11 =	vld [tilespmem:s18+$0x35E0]  }
.LBB2_7:
0xec: {  	s20 =	sshra.s32 s19, $0x2;
	p0 =	sne.s32 s19, $0x7C00;
	[tilespmem:s18+$0x3580] =	vst v13;
	v6 =	vmul.f32 v6, v8;
	v8 =	vld [tilespmem:s18+$0x35F0]  }
0xed: {  	v13 =	vld [tilespmem:s20+$0x7500];
	[tilespmem:s18+$0x3590] =	vst v12;
	v5 =	vmul.f32 v5, v7  }
0xee: {  	v7 =	vld [tilespmem:s20+$0x7510];
	[tilespmem:s18+$0x35A0] =	vst v6;
	v4 =	vmul.f32 v4, v9  }
0xef: {  	v9 =	vld [tilespmem:s20+$0x7520];
	[tilespmem:s18+$0x35B0] =	vst v5;
	v3 =	vmul.f32 v3, v10  }
0xf0: {  	v10 =	vld [tilespmem:s20+$0x7530];
	[tilespmem:s18+$0x35C0] =	vst v4;
	v2 =	vmul.f32 v2, v11  }
0xf1: {  	v11 =	vld [tilespmem:s20+$0x7540];
	[tilespmem:s18+$0x35D0] =	vst v3;
	v1 =	vmul.f32 v1, v8  }
0xf2: {  	v8 =	vld [tilespmem:s20+$0x7550];
	[tilespmem:s18+$0x35E0] =	vst v2  }
0xf3: {  	v12 =	vld [tilespmem:s20+$0x7560];
	[tilespmem:s18+$0x35F0] =	vst v1;
	s18 =	smov.u32 s20  }
0xf4: {  	v14 =	vld [tilespmem:s18+$0x7570]  }
0xf5: {  	v15 =	vld [tilespmem:s18+$0x7580]  }
0xf6: {  	v16 =	vld [tilespmem:s18+$0x7590]  }
0xf7: {  	v6 =	vld [tilespmem:s18+$0x75A0]  }
0xf8: {  	v5 =	vld [tilespmem:s18+$0x75B0]  }
0xf9: {  	v4 =	vld [tilespmem:s18+$0x75C0]  }
0xfa: {  	v3 =	vld [tilespmem:s18+$0x75D0]  }
0xfb: {  	v2 =	vld [tilespmem:s18+$0x75E0]  }
0xfc: {  	v1 =	vld [tilespmem:s18+$0x75F0]  }
0xfd: {  	v17 =	vld [tilespmem:s18+$0x3500]  }
0xfe: {  	v18 =	vld [tilespmem:s18+$0x3510]  }
0xff: {  	v19 =	vld [tilespmem:s18+$0x3520]  }
0x100: {  	v20 =	vld [tilespmem:s18+$0x3530]  }
0x101: {  	v21 =	vld [tilespmem:s18+$0x3540]  }
0x102: {  	v13 =	vmul.f32 v13, v17;
	v17 =	vld [tilespmem:s18+$0x3550]  }
0x103: {  	v7 =	vmul.f32 v7, v18;
	v18 =	vld [tilespmem:s18+$0x3560]  }
0x104: {  	[tilespmem:s18+$0x3500] =	vst v13;
	v9 =	vmul.f32 v9, v19;
	v13 =	vld [tilespmem:s18+$0x3570]  }
0x105: {  	[tilespmem:s18+$0x3510] =	vst v7;
	v7 =	vmul.f32 v10, v20;
	v10 =	vld [tilespmem:s18+$0x3580]  }
0x106: {  	[tilespmem:s18+$0x3520] =	vst v9;
	v9 =	vmul.f32 v11, v21;
	v11 =	vld [tilespmem:s18+$0x3590]  }
.Ltmp2:
0x107: {  	[tilespmem:s18+$0x3530] =	vst v7;
	v17 =	vmul.f32 v8, v17;
	v8 =	vld [tilespmem:s18+$0x35A0];
	(pc) =	sbr.rel @p0 .LBB2_7-.Ltmp2, $4  }
0x108: {  	[tilespmem:s18+$0x3540] =	vst v9;
	v12 =	vmul.f32 v12, v18;
	v7 =	vld [tilespmem:s18+$0x35B0]  }
0x109: {  	[tilespmem:s18+$0x3550] =	vst v17;
	v14 =	vmul.f32 v14, v13;
	v9 =	vld [tilespmem:s18+$0x35C0]  }
0x10a: {  	[tilespmem:s18+$0x3560] =	vst v12;
	v13 =	vmul.f32 v15, v10;
	v10 =	vld [tilespmem:s18+$0x35D0]  }
0x10b: {  	s19 =	sadd.s32 $0x400, s19;
	[tilespmem:s18+$0x3570] =	vst v14;
	v12 =	vmul.f32 v16, v11;
	v11 =	vld [tilespmem:s18+$0x35E0]  }
0x10c: {  	[tilespmem:s18+$0x3580] =	vst v13;
	v6 =	vmul.f32 v6, v8;
	v63 =	vld [tilespmem:s18+$0x35F0]  }
0x10d: {  	[tilespmem:s18+$0x3590] =	vst v12;
	v5 =	vmul.f32 v5, v7  }
0x10e: {  	s17 =	sadd.s32 $0x1, s17;
	[tilespmem:s18+$0x35A0] =	vst v6;
	v4 =	vmul.f32 v4, v9  }
0x10f: {  	p0 =	sne.s32 s17, $0x27;
	[tilespmem:s18+$0x35B0] =	vst v5;
	v3 =	vmul.f32 v3, v10  }
.Ltmp3:
0x110: {  	[tilespmem:s18+$0x35C0] =	vst v4;
	v2 =	vmul.f32 v2, v11;
	(pc) =	sbr.rel @p0 .LBB2_4-.Ltmp3, $4  }
0x111: {  	[tilespmem:s18+$0x35D0] =	vst v3;
	v1 =	vmul.f32 v1, v63  }
0x112: {  	[tilespmem:s18+$0x35E0] =	vst v2  }
0x113: {  	[tilespmem:s18+$0x35F0] =	vst v1  }
0x114: {  	[spmem:s3] =	stream.indirect.scatter.add.f32 [tilespmem:s2], [sflag:$0x4], $0x80, s31, s29, $0xb8;
	[tilespmem:$0x1D980] =	vst v63  }
0x115: {  	_ =	swait.ge [sflag:s10], $0x2000  }
0x116: {  	[sflag:s10] =	ssyncset.done $0x0  }
0x117: {  	[sflag:s10] =	ssyncadd.s32 $0xFFFFE000  }
0x118: {  	_ =	swait.ge [sflag:s11], $0x2000  }
0x119: {  	[sflag:s11] =	ssyncset.done $0x0  }
0x11a: {  	s16 =	rddreg [dreg:$0x10];
	[sflag:s11] =	ssyncadd.s32 $0xFFFFE000  }
0x11b: {  	[tilespmem:s12], [sflag:$0x5] =	stream.linear.gather [hbm4b:s16+s5], $0x8, $0x38;
	[tilespmem:$0x1D980] =	vst v63  }
0x11c: {  	_ =	swait.ge [sflag:s25], $0x8  }
0x11d: {  	[sflag:s25] =	ssyncset.done $0x0  }
0x11e: {  	s19 =	simm.s32 $0x1380;
	[sflag:s25] =	ssyncadd.s32 $0xFFFFFFF8  }
0x11f: {  	[tilespmem:s14], [sflag:$0x5] =	stream.indirect.gather [hbm4b:s1+s13], $0x80, s19, s13, $0xb8;
	[tilespmem:$0x1D980] =	vst v63  }
0x120: {  	_ =	swait.ge [sflag:s25], $0x400  }
0x121: {  	[sflag:s25] =	ssyncset.done $0x0  }
0x122: {  	s17 =	simm.s32 $0x9980;
	s20 =	rddreg [dreg:$0x11];
	[sflag:s25] =	ssyncadd.s32 $0xFFFFFC00  }
0x123: {  	[tilespmem:s17], [sflag:$0x5] =	stream.linear.gather [hbm4b:s20+s5], $0x400, $0x38;
	[tilespmem:$0x1D980] =	vst v63  }
0x124: {  	_ =	swait.ge [sflag:s25], $0x400  }
0x125: {  	[sflag:s25] =	ssyncset.done $0x0  }
0x126: {  	[sflag:s25] =	ssyncadd.s32 $0xFFFFFC00  }
0x127: {  	v1 =	vld [tilespmem:$0x9580]  }
0x128: {  	v2 =	vld [tilespmem:$0x9980]  }
0x129: {  	v3 =	vld [tilespmem:$0x9590]  }
0x12a: {  	v4 =	vld [tilespmem:$0x9990]  }
0x12b: {  	v5 =	vld [tilespmem:$0x95A0]  }
0x12c: {  	v6 =	vld [tilespmem:$0x99A0]  }
0x12d: {  	v7 =	vld [tilespmem:$0x95B0]  }
0x12e: {  	v8 =	vld [tilespmem:$0x99B0]  }
0x12f: {  	v9 =	vld [tilespmem:$0x95C0]  }
0x130: {  	v10 =	vld [tilespmem:$0x99C0]  }
0x131: {  	v11 =	vld [tilespmem:$0x95D0]  }
0x132: {  	v12 =	vld [tilespmem:$0x99D0]  }
0x133: {  	v13 =	vld [tilespmem:$0x95E0]  }
0x134: {  	v14 =	vld [tilespmem:$0x99E0]  }
0x135: {  	v15 =	vld [tilespmem:$0x95F0]  }
0x136: {  	v16 =	vld [tilespmem:$0x99F0]  }
0x137: {  	v17 =	vld [tilespmem:$0x9600]  }
0x138: {  	v18 =	vld [tilespmem:$0x9A00]  }
0x139: {  	v19 =	vld [tilespmem:$0x9610]  }
0x13a: {  	v20 =	vld [tilespmem:$0x9A10]  }
0x13b: {  	v21 =	vld [tilespmem:$0x9620]  }
0x13c: {  	v22 =	vld [tilespmem:$0x9A20]  }
0x13d: {  	v23 =	vld [tilespmem:$0x9630]  }
0x13e: {  	v24 =	vld [tilespmem:$0x9A30]  }
0x13f: {  	v25 =	vld [tilespmem:$0x9640]  }
0x140: {  	v26 =	vld [tilespmem:$0x9A40]  }
0x141: {  	v27 =	vld [tilespmem:$0x9650]  }
0x142: {  	v28 =	vld [tilespmem:$0x9A50]  }
0x143: {  	v29 =	vld [tilespmem:$0x9660]  }
0x144: {  	v30 =	vld [tilespmem:$0x9A60]  }
0x145: {  	v31 =	vld [tilespmem:$0x9670]  }
0x146: {  	v32 =	vld [tilespmem:$0x9A70]  }
0x147: {  	v33 =	vld [tilespmem:$0x9680]  }
0x148: {  	v34 =	vld [tilespmem:$0x9A80]  }
0x149: {  	v35 =	vld [tilespmem:$0x9690]  }
0x14a: {  	v36 =	vld [tilespmem:$0x9A90]  }
0x14b: {  	v37 =	vld [tilespmem:$0x96A0]  }
0x14c: {  	v38 =	vld [tilespmem:$0x9AA0]  }
0x14d: {  	v39 =	vld [tilespmem:$0x96B0]  }
0x14e: {  	v40 =	vld [tilespmem:$0x9AB0]  }
0x14f: {  	v41 =	vld [tilespmem:$0x96C0]  }
0x150: {  	v42 =	vld [tilespmem:$0x9AC0]  }
0x151: {  	v43 =	vld [tilespmem:$0x96D0]  }
0x152: {  	v44 =	vld [tilespmem:$0x9AD0]  }
0x153: {  	v45 =	vld [tilespmem:$0x96E0]  }
0x154: {  	v46 =	vld [tilespmem:$0x9AE0]  }
0x155: {  	v47 =	vld [tilespmem:$0x96F0]  }
0x156: {  	v48 =	vld [tilespmem:$0x9AF0]  }
0x157: {  	v49 =	vld [tilespmem:$0x9700]  }
0x158: {  	v50 =	vld [tilespmem:$0x9B00]  }
0x159: {  	v51 =	vld [tilespmem:$0x9710]  }
0x15a: {  	v52 =	vld [tilespmem:$0x9B10]  }
0x15b: {  	v53 =	vld [tilespmem:$0x9720]  }
0x15c: {  	v54 =	vld [tilespmem:$0x9B20]  }
0x15d: {  	v55 =	vld [tilespmem:$0x9730]  }
0x15e: {  	v61 =	vld [tilespmem:$0x9760]  }
0x15f: {  	v56 =	vld [tilespmem:$0x9B30]  }
0x160: {  	v57 =	vld [tilespmem:$0x9740]  }
0x161: {  	v58 =	vld [tilespmem:$0x9B40]  }
0x162: {  	v59 =	vld [tilespmem:$0x9750];
	v1 =	vmul.f32 v2, v1  }
0x163: {  	[tilespmem:$0x1FF90] =	vst v61;
	v61 =	vld [tilespmem:$0x9770];
	v3 =	vmul.f32 v4, v3  }
0x164: {  	v60 =	vld [tilespmem:$0x9B50];
	[tilespmem:$0x9580] =	vst v1;
	v1 =	vmul.f32 v6, v5  }
0x165: {  	v62 =	vld [tilespmem:$0x9B60];
	[tilespmem:$0x9590] =	vst v3;
	v3 =	vmul.f32 v8, v7  }
0x166: {  	v63 =	vld [tilespmem:$0x9B70];
	[tilespmem:$0x95A0] =	vst v1  }
0x167: {  	v2 =	vld [tilespmem:$0x9BA0];
	v1 =	vmul.f32 v10, v9;
	[tilespmem:$0x95B0] =	vst v3  }
0x168: {  	v3 =	vmul.f32 v12, v11;
	[tilespmem:$0x1FFA0] =	vst v61;
	v61 =	vld [tilespmem:$0x9780]  }
0x169: {  	v4 =	vld [tilespmem:$0x97B0];
	[tilespmem:$0x95C0] =	vst v1;
	v1 =	vmul.f32 v14, v13  }
0x16a: {  	v5 =	vld [tilespmem:$0x9BB0];
	[tilespmem:$0x95D0] =	vst v3;
	v3 =	vmul.f32 v16, v15  }
0x16b: {  	v6 =	vld [tilespmem:$0x97C0];
	[tilespmem:$0x95E0] =	vst v1  }
0x16c: {  	v7 =	vld [tilespmem:$0x9BC0];
	v1 =	vmul.f32 v18, v17;
	[tilespmem:$0x95F0] =	vst v3  }
0x16d: {  	v8 =	vld [tilespmem:$0x97D0];
	v3 =	vmul.f32 v20, v19;
	[tilespmem:$0x1FFB0] =	vst v61  }
0x16e: {  	v9 =	vld [tilespmem:$0x9BD0];
	[tilespmem:$0x9600] =	vst v1;
	v1 =	vmul.f32 v22, v21  }
0x16f: {  	v61 =	vld [tilespmem:$0x9B80];
	[tilespmem:$0x9610] =	vst v3;
	v3 =	vmul.f32 v24, v23  }
0x170: {  	v10 =	vld [tilespmem:$0x97E0];
	[tilespmem:$0x9620] =	vst v1;
	v1 =	vmul.f32 v26, v25  }
0x171: {  	v11 =	vld [tilespmem:$0x9BE0];
	[tilespmem:$0x9630] =	vst v3;
	v3 =	vmul.f32 v28, v27  }
0x172: {  	v12 =	vld [tilespmem:$0x97F0];
	[tilespmem:$0x9640] =	vst v1  }
0x173: {  	v13 =	vld [tilespmem:$0x9BF0];
	v1 =	vmul.f32 v30, v29;
	[tilespmem:$0x9650] =	vst v3  }
0x174: {  	v14 =	vld [tilespmem:$0x9800];
	v3 =	vmul.f32 v32, v31;
	[tilespmem:$0x1FFC0] =	vst v61  }
0x175: {  	v61 =	vld [tilespmem:$0x9790];
	[tilespmem:$0x9660] =	vst v1;
	v1 =	vmul.f32 v34, v33  }
0x176: {  	v15 =	vld [tilespmem:$0x9C00];
	[tilespmem:$0x9670] =	vst v3;
	v3 =	vmul.f32 v36, v35  }
0x177: {  	v16 =	vld [tilespmem:$0x9810];
	[tilespmem:$0x9680] =	vst v1;
	v1 =	vmul.f32 v38, v37  }
0x178: {  	v17 =	vld [tilespmem:$0x9C10];
	[tilespmem:$0x9690] =	vst v3  }
0x179: {  	v18 =	vld [tilespmem:$0x9820];
	[tilespmem:$0x96A0] =	vst v1;
	v1 =	vmul.f32 v42, v41  }
0x17a: {  	v19 =	vld [tilespmem:$0x9C20];
	v3 =	vmul.f32 v40, v39;
	[tilespmem:$0x1FFD0] =	vst v61  }
0x17b: {  	v20 =	vld [tilespmem:$0x9830];
	[tilespmem:$0x96C0] =	vst v1;
	v1 =	vmul.f32 v46, v45  }
0x17c: {  	v21 =	vld [tilespmem:$0x9C30];
	[tilespmem:$0x96B0] =	vst v3;
	v3 =	vmul.f32 v44, v43  }
0x17d: {  	v22 =	vld [tilespmem:$0x9840];
	[tilespmem:$0x96E0] =	vst v1;
	v1 =	vmul.f32 v50, v49  }
0x17e: {  	v23 =	vld [tilespmem:$0x9C40];
	[tilespmem:$0x96D0] =	vst v3;
	v3 =	vmul.f32 v48, v47  }
0x17f: {  	v61 =	vld [tilespmem:$0x9B90];
	[tilespmem:$0x9700] =	vst v1;
	v1 =	vmul.f32 v54, v53  }
0x180: {  	v24 =	vld [tilespmem:$0x9850];
	[tilespmem:$0x96F0] =	vst v3;
	v3 =	vmul.f32 v52, v51  }
0x181: {  	v25 =	vld [tilespmem:$0x9C50];
	[tilespmem:$0x9720] =	vst v1;
	v1 =	vmul.f32 v58, v57  }
0x182: {  	v26 =	vld [tilespmem:$0x9860];
	[tilespmem:$0x9710] =	vst v3  }
0x183: {  	v3 =	vmul.f32 v56, v55;
	[tilespmem:$0x9740] =	vst v1;
	v1 =	vld [tilespmem:$0x1FF90]  }
0x184: {  	[tilespmem:$0x1FFE0] =	vst v61;
	v61 =	vld [tilespmem:$0x97A0]  }
0x185: {  	v27 =	vld [tilespmem:$0x9C60];
	[tilespmem:$0x9730] =	vst v3;
	v3 =	vmul.f32 v60, v59  }
0x186: {  	v28 =	vld [tilespmem:$0x9870]  }
0x187: {  	[tilespmem:$0x9750] =	vst v3;
	v3 =	vld [tilespmem:$0x1FFA0]  }
0x188: {  	v40 =	vld [tilespmem:$0x98B0];
	v1 =	vmul.f32 v62, v1  }
0x189: {  	[tilespmem:$0x1FFF0] =	vst v61;
	v61 =	vld [tilespmem:$0x1FFC0]  }
0x18a: {  	[tilespmem:$0x9760] =	vst v1;
	v1 =	vld [tilespmem:$0x1FFB0]  }
0x18b: {  	v41 =	vld [tilespmem:$0x98C0]  }
0x18c: {  	v42 =	vld [tilespmem:$0x9CC0];
	v3 =	vmul.f32 v63, v3  }
0x18d: {  	v63 =	vld [tilespmem:$0x1FFE0]  }
0x18e: {  	[tilespmem:$0x9770] =	vst v3;
	v3 =	vld [tilespmem:$0x1FFD0]  }
0x18f: {  	v43 =	vld [tilespmem:$0x98D0];
	v1 =	vmul.f32 v61, v1  }
0x190: {  	v44 =	vld [tilespmem:$0x9CD0]  }
0x191: {  	[tilespmem:$0x9780] =	vst v1;
	v1 =	vld [tilespmem:$0x1FFF0]  }
0x192: {  	v45 =	vld [tilespmem:$0x98E0]  }
0x193: {  	v46 =	vld [tilespmem:$0x9CE0];
	v3 =	vmul.f32 v63, v3  }
0x194: {  	v47 =	vld [tilespmem:$0x98F0]  }
0x195: {  	v48 =	vld [tilespmem:$0x9CF0];
	[tilespmem:$0x9790] =	vst v3;
	v3 =	vmul.f32 v5, v4  }
0x196: {  	v49 =	vld [tilespmem:$0x9900];
	v1 =	vmul.f32 v2, v1  }
0x197: {  	v50 =	vld [tilespmem:$0x9D00];
	[tilespmem:$0x97B0] =	vst v3;
	v3 =	vmul.f32 v9, v8  }
0x198: {  	v51 =	vld [tilespmem:$0x9910];
	[tilespmem:$0x97A0] =	vst v1;
	v1 =	vmul.f32 v7, v6  }
0x199: {  	v52 =	vld [tilespmem:$0x9D10];
	[tilespmem:$0x97D0] =	vst v3;
	v3 =	vmul.f32 v13, v12  }
0x19a: {  	v54 =	vld [tilespmem:$0x9C70];
	[tilespmem:$0x97C0] =	vst v1;
	v1 =	vmul.f32 v11, v10  }
0x19b: {  	v56 =	vld [tilespmem:$0x9880];
	[tilespmem:$0x97F0] =	vst v3;
	v3 =	vmul.f32 v17, v16  }
0x19c: {  	v2 =	vld [tilespmem:$0x9CB0];
	[tilespmem:$0x97E0] =	vst v1;
	v1 =	vmul.f32 v15, v14  }
0x19d: {  	v53 =	vld [tilespmem:$0x9920];
	[tilespmem:$0x9810] =	vst v3;
	v3 =	vmul.f32 v21, v20  }
0x19e: {  	v57 =	vld [tilespmem:$0x9C80];
	[tilespmem:$0x9800] =	vst v1;
	v1 =	vmul.f32 v19, v18  }
0x19f: {  	v58 =	vld [tilespmem:$0x9890];
	[tilespmem:$0x9830] =	vst v3;
	v3 =	vmul.f32 v25, v24  }
0x1a0: {  	v60 =	vld [tilespmem:$0x98A0];
	[tilespmem:$0x9820] =	vst v1;
	v1 =	vmul.f32 v23, v22  }
0x1a1: {  	v62 =	vld [tilespmem:$0x9CA0];
	v2 =	vmul.f32 v2, v40;
	[tilespmem:$0x9850] =	vst v3  }
0x1a2: {  	v59 =	vld [tilespmem:$0x9C90];
	[tilespmem:$0x9840] =	vst v1;
	v1 =	vmul.f32 v27, v26  }
0x1a3: {  	v55 =	vld [tilespmem:$0x9930];
	v3 =	vmul.f32 v54, v28;
	[tilespmem:$0x98B0] =	vst v2  }
0x1a4: {  	v61 =	vld [tilespmem:$0x9D60];
	[tilespmem:$0x9860] =	vst v1;
	v1 =	vmul.f32 v57, v56  }
0x1a5: {  	v63 =	vld [tilespmem:$0x9D70];
	v2 =	vmul.f32 v44, v43;
	[tilespmem:$0x9870] =	vst v3  }
0x1a6: {  	v54 =	vld [tilespmem:$0x9D20];
	[tilespmem:$0x9880] =	vst v1;
	v1 =	vmul.f32 v62, v60  }
0x1a7: {  	v3 =	vmul.f32 v59, v58;
	v58 =	vld [tilespmem:$0x9950];
	[tilespmem:$0x98D0] =	vst v2  }
0x1a8: {  	v56 =	vld [tilespmem:$0x9D30];
	[tilespmem:$0x98A0] =	vst v1;
	v1 =	vmul.f32 v42, v41  }
0x1a9: {  	v59 =	vld [tilespmem:$0x9D50];
	v2 =	vmul.f32 v48, v47;
	[tilespmem:$0x9890] =	vst v3  }
0x1aa: {  	v3 =	vld [tilespmem:$0x9940];
	[tilespmem:$0x98C0] =	vst v1;
	v1 =	vmul.f32 v46, v45  }
0x1ab: {  	[tilespmem:$0x98F0] =	vst v2;
	v2 =	vmul.f32 v52, v51;
	v57 =	vld [tilespmem:$0x9D40]  }
0x1ac: {  	v62 =	vld [tilespmem:$0x9970];
	[tilespmem:$0x98E0] =	vst v1;
	v1 =	vmul.f32 v50, v49  }
0x1ad: {  	[tilespmem:$0x9910] =	vst v2;
	v60 =	vld [tilespmem:$0x9960];
	v2 =	vmul.f32 v56, v55  }
0x1ae: {  	[tilespmem:$0x9900] =	vst v1;
	v1 =	vmul.f32 v54, v53  }
0x1af: {  	[tilespmem:$0x9930] =	vst v2;
	v2 =	vmul.f32 v59, v58  }
0x1b0: {  	[tilespmem:$0x9920] =	vst v1;
	v1 =	vmul.f32 v57, v3  }
0x1b1: {  	[tilespmem:$0x9950] =	vst v2;
	v2 =	vmul.f32 v63, v62  }
0x1b2: {  	[tilespmem:$0x9940] =	vst v1;
	v1 =	vmul.f32 v61, v60  }
0x1b3: {  	[tilespmem:$0x9970] =	vst v2  }
0x1b4: {  	[tilespmem:$0x9960] =	vst v1  }
0x1b5: {  	[spmem:s3] =	stream.indirect.scatter.add.f32 [tilespmem:s14], [sflag:$0x5], $0x80, s12, s13, $0xb8;
	[tilespmem:$0x1D980] =	vst v63  }
0x1b6: {  	s21 =	stileid.u32;
	_ =	swait.ge [sflag:s25], $0x400  }
0x1b7: {  	s22 =	sshrl.u32 s8, $0x3;
	s15 =	sadd.s32 $0x1, s15;
	[sflag:s25] =	ssyncset.done $0x0  }
0x1b8: {  	p0 =	sne.s32 s15, s24;
	s16 =	sshll.u32 s21, $0x6;
	[sflag:s25] =	ssyncadd.s32 $0xFFFFFC00  }
.Ltmp4:
0x1b9: {  	s16 =	sor.u32 $0x1C05, s16;
	[bflag:$0x0] =	sbarrier.arrive $0xFFFF;
	(pc) =	sbr.rel @p0 .LBB2_1-.Ltmp4, $4  }
0x1ba: {  	[hbm:s23], [sflag:s16] =	dma.local [spmem:s22], $0x2780  }
0x1bb: {  	_ =	swait.ge [sflag:s25], $0x2780  }
0x1bc: {  	[sflag:s25] =	ssyncset.done $0x0  }
0x1bd: {  	[sflag:s25] =	ssyncadd.s32 $0xFFFFD880  }
0x1be: {  	_ =	sfence.sel $0x180000  }
0x1bf: {  	[bflag:$0x0] =	sbarrier.arrive $0xFFFF  }
0x1c0: {  	_ =	strace $0x9000004A  }
0x1c1: {  	s0 =	stileid.u32;
	[bflag:$0x2] =	sbarrier.arrive $0xFFFF  }
0x1c2: {  	p0 =	sne.s32 s0, $0x0;
	s0 =	rddreg [dreg:$0x3]  }
0x1c3: {  	s0 =	sadd.s32 @!p0 $0x100000, s0  }
0x1c4: {  	[sflag:s0] =	ssyncadd.tile.s32 @!p0 $0x1;
	_ =	shalt  }
.Lfunc_end2:
_tile_overlayer_lowered:
.L_overlay_start_2:
0x1c5: {  	(tag) =	ssettag $0x2  }
0x1c6: {  	s0 =	rddreg [dreg:$0x0];
	s2 =	stileid.u32  }
0x1c7: {  	s1 =	rddreg [dreg:$0x1];
	p0 =	sne.s32 s2, $0x0  }
0x1c8: {  	s3 =	rddreg [dreg:$0x2];
	[bflag:$0x3] =	sbarrier.arrive $0xFFFF;
	s2 =	simm.s32 @!p0 $0x1C05  }
0x1c9: {  	[timem:s3], [sflag:s2] =	dma.local @!p0 [hbm:s0], s1  }
0x1ca: {  	s0 =	simm.s32 @!p0 $0x5  }
0x1cb: {  	_ =	swait.ge @!p0 [sflag:s0], s1  }
0x1cc: {  	s1 =	ssub.s32 @!p0 $0x0, s1;
	[sflag:s0] =	ssyncset.done @!p0 $0x0  }
0x1cd: {  	[sflag:s0] =	ssyncadd.s32 @!p0 s1  }
0x1ce: {  	[bflag:$0x3] =	sbarrier.arrive $0xFFFF  }
0x1cf: {  	_ =	shalt  }

</sc_bundles>
